<compile_context>
chip_gen: v7x
topology: tpu7x:2x2x1
jax: 0.10.2.dev20260603
libtpu: 0.0.44.dev20260713+nightly
codegen_flags: <defaults>
</compile_context>

<pallas_src>
import functools

import jax
import jax.numpy as jnp
from jax import lax
from jax.experimental import pallas as pl
from jax.experimental.pallas import tpu as pltpu
from jax.experimental.pallas import tpu_sc as plsc

N = 10000
E = 320000
D = 128
R = 8
NUM_LAYERS = 4
SLOPE = 0.2

NC = 2
NS = 16
NW = NC * NS
CB = 128
EP = 323584
PAD = EP - E


HALF = N // 2
AGGR = 5120
MCH = EP // (NS * CB)
NAT = AGGR // NS


@functools.cache
def _mesh():
    return plsc.VectorSubcoreMesh(core_axis_name="c", subcore_axis_name="s",
                                  num_cores=NC, num_subcores=NS)


ZR = 80


def _deg_body(dst_hbm, out_hbm, ones_v, zer_v, dst_v, deg_sh,
              ds0, ds1, ds2, ds3):
    c = lax.axis_index("c")
    s = lax.axis_index("s")
    dsem = [ds0, ds1, ds2, ds3]

    def fill_zeros(i, carry):
        for k in range(D // 16):
            zer_v[i, pl.ds(16 * k, 16)] = jnp.zeros((16,), jnp.float32)
        return carry

    lax.fori_loop(0, ZR, fill_zeros, 0)

    def fill_ones(i, carry):
        for k in range(D // 16):
            ones_v[i, pl.ds(16 * k, 16)] = jnp.ones((16,), jnp.float32)
        return carry

    lax.fori_loop(0, CB, fill_ones, 0)

    for t in range(NAT // ZR):
        pltpu.sync_copy(zer_v, deg_sh.at[pl.ds(s * NAT + t * ZR, ZR)])
    plsc.subcore_barrier()

    pltpu.sync_copy(dst_hbm.at[c, s], dst_v)

    def chunk(j, carry):
        for b in range(4):

            @pl.when(j % 4 == b)
            def _():
                @pl.when(j >= 4)
                def _():
                    pltpu.make_async_copy(ones_v, deg_sh.at[dst_v.at[j - 4]],
                                          dsem[b]).wait()

                pltpu.async_copy(ones_v, deg_sh.at[dst_v.at[j]], dsem[b],
                                 add=True)

        return carry

    lax.fori_loop(0, MCH, chunk, 0)
    for k in range(4):
        j = MCH - 4 + k
        pltpu.make_async_copy(ones_v, deg_sh.at[dst_v.at[j]],
                              dsem[j % 4]).wait()

    plsc.subcore_barrier()
    pltpu.sync_copy(deg_sh.at[pl.ds(s * NAT, NAT)], out_hbm.at[c, s])


@functools.cache
def _deg_call():
    return pl.kernel(
        _deg_body,
        out_type=jax.ShapeDtypeStruct((NC, NS, NAT, D), jnp.float32),
        mesh=_mesh(),
        scratch_types=[
            pltpu.VMEM((CB, D), jnp.float32),
            pltpu.VMEM((ZR, D), jnp.float32),
            pltpu.VMEM((MCH, CB), jnp.int32),
            pltpu.VMEM_SHARED((AGGR, D), jnp.float32),
        ] + [pltpu.SemaphoreType.DMA] * 4,
    )


CBH = CB // 2


NRB = 3


def _msg_body(hrel_hbm, gidx_hbm, dstc_hbm, out_hbm,
              gidx_v, dst_v, rows_v, agg_sh,
              g00, g01, g10, g11, g20, g21, ss0, ss1, ss2):
    c = lax.axis_index("c")
    s = lax.axis_index("s")
    gsem = [[g00, g01], [g10, g11], [g20, g21]]
    ssem = [ss0, ss1, ss2]

    def fill_zeros(i, carry):
        for k in range(D // 16):
            rows_v[0, i, pl.ds(16 * k, 16)] = jnp.zeros((16,), jnp.float32)
        return carry

    lax.fori_loop(0, CB, fill_zeros, 0)
    for t in range(NAT // CB):
        pltpu.sync_copy(rows_v.at[0], agg_sh.at[pl.ds(s * NAT + t * CB, CB)])
    pltpu.sync_copy(rows_v.at[0, pl.ds(0, NAT % CB)],
                    agg_sh.at[pl.ds(s * NAT + (NAT // CB) * CB, NAT % CB)])
    plsc.subcore_barrier()

    pltpu.sync_copy(gidx_hbm.at[s], gidx_v)
    pltpu.sync_copy(dstc_hbm.at[c, s], dst_v)

    def gpair(j, b, issue):
        for p in range(2):
            desc = (hrel_hbm.at[gidx_v.at[j, pl.ds(CBH * p, CBH)]],
                    rows_v.at[b, pl.ds(CBH * p, CBH)], gsem[b][p])
            if issue:
                pltpu.async_copy(*desc)
            else:
                pltpu.make_async_copy(*desc).wait()

    gpair(0, 0, True)
    gpair(1, 1, True)

    def chunk(j, carry):
        for b in range(NRB):

            @pl.when(j % NRB == b)
            def _():
                bn = (b + 2) % NRB

                @pl.when(j + 2 < MCH)
                def _():
                    @pl.when(j >= 1)
                    def _():
                        pltpu.make_async_copy(rows_v.at[bn],
                                              agg_sh.at[dst_v.at[j - 1]],
                                              ssem[bn]).wait()

                    gpair(j + 2, bn, True)

                gpair(j, b, False)
                pltpu.async_copy(rows_v.at[b], agg_sh.at[dst_v.at[j]],
                                 ssem[b], add=True)

        return carry

    lax.fori_loop(0, MCH, chunk, 0)

    for k in range(NRB):
        j = MCH - NRB + k
        pltpu.make_async_copy(rows_v.at[j % NRB], agg_sh.at[dst_v.at[j]],
                              ssem[j % NRB]).wait()

    plsc.subcore_barrier()
    pltpu.sync_copy(agg_sh.at[pl.ds(s * NAT, NAT)], out_hbm.at[c, s])


@functools.cache
def _msg_call():
    return pl.kernel(
        _msg_body,
        out_type=jax.ShapeDtypeStruct((NC, NS, NAT, D), jnp.float32),
        mesh=_mesh(),
        scratch_types=[
            pltpu.VMEM((MCH, CB), jnp.int32),
            pltpu.VMEM((MCH, CB), jnp.int32),
            pltpu.VMEM((NRB, CB, D), jnp.float32),
            pltpu.VMEM_SHARED((AGGR, D), jnp.float32),
        ] + [pltpu.SemaphoreType.DMA] * 9,
    )



NP = NC * AGGR
BN = 640


def _tf_body(h_ref, wrel_ref, wself_ref, bias_ref, hrel_ref, selfp_ref):
    h = h_ref[...]
    for r in range(R):
        hrel_ref[:, r, :] = jnp.dot(h, wrel_ref[r],
                                    preferred_element_type=jnp.float32)
    selfp_ref[...] = (jnp.dot(h, wself_ref[...],
                              preferred_element_type=jnp.float32)
                      + bias_ref[...])


def _tf_call(h, wrel, wself, bias2d):
    return pl.pallas_call(
        _tf_body,
        grid=(NP // BN,),
        in_specs=[
            pl.BlockSpec((BN, D), lambda i: (i, 0)),
            pl.BlockSpec((R, D, D), lambda i: (0, 0, 0)),
            pl.BlockSpec((D, D), lambda i: (0, 0)),
            pl.BlockSpec((1, D), lambda i: (0, 0)),
        ],
        out_specs=[
            pl.BlockSpec((BN, R, D), lambda i: (i, 0, 0)),
            pl.BlockSpec((BN, D), lambda i: (i, 0)),
        ],
        out_shape=[
            jax.ShapeDtypeStruct((NP, R, D), jnp.float32),
            jax.ShapeDtypeStruct((NP, D), jnp.float32),
        ],
    )(h, wrel, wself, bias2d)


def _comb_body(add_x, agg_ref, selfp_ref, deg_ref, x_ref, out_ref):
    inv = 1.0 / jnp.maximum(deg_ref[:, 0:1], 1.0)
    z = agg_ref[...] * inv + selfp_ref[...]
    h = jnp.where(z >= 0, z, SLOPE * z)
    if add_x:
        h = h + x_ref[...]
    out_ref[...] = h


def _comb_call(agg, selfp, deg, x, add_x):
    return pl.pallas_call(
        functools.partial(_comb_body, add_x),
        grid=(NP // BN,),
        in_specs=[
            pl.BlockSpec((BN, D), lambda i: (i, 0)),
            pl.BlockSpec((BN, D), lambda i: (i, 0)),
            pl.BlockSpec((BN, D), lambda i: (i, 0)),
            pl.BlockSpec((BN, D), lambda i: (i, 0)),
        ],
        out_specs=pl.BlockSpec((BN, D), lambda i: (i, 0)),
        out_shape=jax.ShapeDtypeStruct((NP, D), jnp.float32),
    )(agg, selfp, deg, x)


@jax.jit
def kernel(x, edge_index, edge_type, Wrel, Wself, bias):
    src = edge_index[0].astype(jnp.int32)
    dst = edge_index[1].astype(jnp.int32)
    et = edge_type.astype(jnp.int32)

    pad_i = jnp.zeros((PAD,), jnp.int32)
    srow = jnp.where(src < HALF, src, src + (AGGR - HALF))
    gidxf = jnp.concatenate([srow * R + et, pad_i])
    dstp = jnp.concatenate([dst, pad_i + N])
    gidx = gidxf.reshape(NS, MCH, CB)
    trash = HALF + jnp.arange(EP, dtype=jnp.int32) % (AGGR - HALF)
    dst_a = jnp.where(dstp < HALF, dstp, trash)
    dst_b = jnp.where((dstp >= HALF) & (dstp < N), dstp - HALF, trash)
    dstc = jnp.stack([dst_a, dst_b]).reshape(NC, NS, MCH, CB)

    deg = _deg_call()(dstc).reshape(NP, D)

    xp = jnp.concatenate(
        [x[:HALF], jnp.zeros((AGGR - HALF, D), jnp.float32),
         x[HALF:], jnp.zeros((AGGR - HALF, D), jnp.float32)], axis=0)

    h = xp
    for l in range(NUM_LAYERS):
        hrel, selfp = _tf_call(h, Wrel[l], Wself[l], bias[l].reshape(1, D))
        agg = _msg_call()(hrel.reshape(NP * R, D), gidx, dstc).reshape(NP, D)
        h = _comb_call(agg, selfp, deg, xp, add_x=(l == NUM_LAYERS - 1))
    return jnp.concatenate([h[:HALF], h[AGGR:AGGR + HALF]], axis=0)

# --- scband reference (transcript-rebuilt; emitter-appended) ---
"""Pipeline reference for scband-rgcn-model-47236050322031 (READ-ONLY COPY).

The authoritative reference and input builder live on the scoring server;
editing this copy changes nothing except your own understanding.
"""

import jax, jax.numpy as jnp
import numpy as np

N_NODES = 10000
N_EDGES = 320000
D = 128
NUM_RELS = 8
NUM_LAYERS = 4
NEG_SLOPE = 0.2


def setup_inputs(seed: int = 0) -> dict:
    key = jax.random.key(seed)
    k_x, k_src, k_dst, k_et, k_wr, k_ws, k_b = jax.random.split(key, 7)
    x = jax.random.normal(k_x, (N_NODES, D), dtype=jnp.float32)
    src = jax.random.randint(k_src, (N_EDGES,), 0, N_NODES, dtype=jnp.int64)
    dst = jax.random.randint(k_dst, (N_EDGES,), 0, N_NODES, dtype=jnp.int64)
    edge_index = jnp.stack([src, dst], axis=0)
    edge_type = jax.random.randint(k_et, (N_EDGES,), 0, NUM_RELS, dtype=jnp.int64)
    # Learned parameters: 4 RGCN layers (in=h=out=128, num_bases=-1 -> full per-rel weights)
    scale = 1.0 / np.sqrt(D)
    Wrel = jax.random.normal(k_wr, (NUM_LAYERS, NUM_RELS, D, D), dtype=jnp.float32) * scale
    Wself = jax.random.normal(k_ws, (NUM_LAYERS, D, D), dtype=jnp.float32) * scale
    bias = jax.random.normal(k_b, (NUM_LAYERS, D), dtype=jnp.float32) * 0.01
    return {"x": x, "edge_index": edge_index, "edge_type": edge_type,
            "Wrel": Wrel, "Wself": Wself, "bias": bias}


def reference(x, edge_index, edge_type, Wrel, Wself, bias):
    src = edge_index[0]
    dst = edge_index[1]
    n = x.shape[0]
    # per-destination in-degree normalization (standard RGCN mean aggregation)
    deg = jax.ops.segment_sum(jnp.ones(src.shape[0], dtype=x.dtype), dst, num_segments=n)
    norm = (1.0 / jnp.clip(deg, 1.0, None))[dst]  # [E]
    h = x
    for l in range(NUM_LAYERS):
        # transform every node under every relation, then gather per edge
        h_rel = jnp.einsum('nd,rdo->nro', h, Wrel[l])        # [N, R, D]
        msg = h_rel[src, edge_type] * norm[:, None]           # gather [E, D]
        agg = jax.ops.segment_sum(msg, dst, num_segments=n)   # scatter-add [N, D]
        h = jax.nn.leaky_relu(agg + h @ Wself[l] + bias[l][None, :],
                              negative_slope=NEG_SLOPE)
    # residual path: in_dim == h_dim so res_fc is Identity (forward_once semantics,
    # applied to all node embeddings)
    embed = h + x
    return embed

if __name__ == "__main__":
    import jax
    _d = setup_inputs()
    print(jax.jit(kernel)(*tuple(_d.values())))

</pallas_src>

<mosaic_0001>
#map = affine_map<(d0, d1) -> (0, 0)>
#map1 = affine_map<(d0, d1) -> (0, 0, 0)>
#map2 = affine_map<(d0, d1) -> (0, 0, 0, 0)>
module attributes {stable_mosaic.version = 14 : i64} {
  func.func @_msg_body(%arg0: i32, %arg1: i32, %arg2: memref<81920x128xf32, #tpu.memory_space<hbm>>, %arg3: memref<16x158x128xi32, #tpu.memory_space<hbm>>, %arg4: memref<2x16x158x128xi32, #tpu.memory_space<hbm>>, %arg5: memref<2x16x320x128xf32, #tpu.memory_space<hbm>>, %arg6: memref<158x128xi32, #tpu.memory_space<vmem>>, %arg7: memref<158x128xi32, #tpu.memory_space<vmem>>, %arg8: memref<3x128x128xf32, #tpu.memory_space<vmem>>, %arg9: memref<5120x128xf32, #tpu.memory_space<vmem_shared>>, %arg10: memref<!tpu.dma_semaphore, #tpu.memory_space<semaphore_mem>>, %arg11: memref<!tpu.dma_semaphore, #tpu.memory_space<semaphore_mem>>, %arg12: memref<!tpu.dma_semaphore, #tpu.memory_space<semaphore_mem>>, %arg13: memref<!tpu.dma_semaphore, #tpu.memory_space<semaphore_mem>>, %arg14: memref<!tpu.dma_semaphore, #tpu.memory_space<semaphore_mem>>, %arg15: memref<!tpu.dma_semaphore, #tpu.memory_space<semaphore_mem>>, %arg16: memref<!tpu.dma_semaphore, #tpu.memory_space<semaphore_mem>>, %arg17: memref<!tpu.dma_semaphore, #tpu.memory_space<semaphore_mem>>, %arg18: memref<!tpu.dma_semaphore, #tpu.memory_space<semaphore_mem>>) attributes {dimension_semantics = [#tpu.dimension_semantics<core_parallel>, #tpu.dimension_semantics<subcore_parallel>], iteration_bounds = array<i64: 2, 16>, scalar_prefetch = 0 : i64, scratch_operands = 13 : i64, tpu.core_type = #tpu.core_type<sc_vector_subcore>, window_params = [{transform_indices = #map}, {transform_indices = #map1}, {transform_indices = #map2}, {transform_indices = #map2}]} {
    %scan3A = arith.constant 0 : i32
    %scan3A_0 = arith.constant 0 : i32
    %scan3A_1 = arith.constant 128 : i32
    %scan3A_2 = arith.addi %scan3A_0, %scan3A_1 : i32
    %scan3A_3 = arith.constant 1 : i32
    scf.for %scan3A_108 = %scan3A_0 to %scan3A_2 step %scan3A_3  : i32 {
      %broadcast_in_dim3A = arith.constant 0.000000e+00 : f32
      %broadcast_in_dim3A_109 = vector.broadcast %broadcast_in_dim3A : f32 to vector<16xf32>
      %swap3A = arith.constant 0 : i32
      %swap3A_110 = arith.index_cast %swap3A : i32 to index
      %swap3A_111 = arith.index_cast %scan3A_108 : i32 to index
      %swap3A_112 = arith.constant 0 : index
      %swap3A_113 = tpu.vector_load %arg8[%swap3A_110, %swap3A_111, %swap3A_112] {strides = array<i32>} : memref<3x128x128xf32, #tpu.memory_space<vmem>>, vector<1x1x16xf32>,
      %swap3A_114 = vector.shape_cast %swap3A_113 : vector<1x1x16xf32> to vector<16xf32>
      %swap3A_115 = vector.shape_cast %broadcast_in_dim3A_109 : vector<16xf32> to vector<1x1x16xf32>
      tpu.vector_store %arg8[%swap3A_110, %swap3A_111, %swap3A_112], %swap3A_115 {strides = array<i32>} : memref<3x128x128xf32, #tpu.memory_space<vmem>>, vector<1x1x16xf32>,
      %broadcast_in_dim3A_116 = arith.constant 0.000000e+00 : f32
      %broadcast_in_dim3A_117 = vector.broadcast %broadcast_in_dim3A_116 : f32 to vector<16xf32>
      %swap3A_118 = arith.constant 0 : i32
      %swap3A_119 = arith.index_cast %swap3A_118 : i32 to index
      %swap3A_120 = arith.index_cast %scan3A_108 : i32 to index
      %swap3A_121 = arith.constant 16 : index
      %swap3A_122 = tpu.vector_load %arg8[%swap3A_119, %swap3A_120, %swap3A_121] {strides = array<i32>} : memref<3x128x128xf32, #tpu.memory_space<vmem>>, vector<1x1x16xf32>,
      %swap3A_123 = vector.shape_cast %swap3A_122 : vector<1x1x16xf32> to vector<16xf32>
      %swap3A_124 = vector.shape_cast %broadcast_in_dim3A_117 : vector<16xf32> to vector<1x1x16xf32>
      tpu.vector_store %arg8[%swap3A_119, %swap3A_120, %swap3A_121], %swap3A_124 {strides = array<i32>} : memref<3x128x128xf32, #tpu.memory_space<vmem>>, vector<1x1x16xf32>,
      %broadcast_in_dim3A_125 = arith.constant 0.000000e+00 : f32
      %broadcast_in_dim3A_126 = vector.broadcast %broadcast_in_dim3A_125 : f32 to vector<16xf32>
      %swap3A_127 = arith.constant 0 : i32
      %swap3A_128 = arith.index_cast %swap3A_127 : i32 to index
      %swap3A_129 = arith.index_cast %scan3A_108 : i32 to index
      %swap3A_130 = arith.constant 32 : index
      %swap3A_131 = tpu.vector_load %arg8[%swap3A_128, %swap3A_129, %swap3A_130] {strides = array<i32>} : memref<3x128x128xf32, #tpu.memory_space<vmem>>, vector<1x1x16xf32>,
      %swap3A_132 = vector.shape_cast %swap3A_131 : vector<1x1x16xf32> to vector<16xf32>
      %swap3A_133 = vector.shape_cast %broadcast_in_dim3A_126 : vector<16xf32> to vector<1x1x16xf32>
      tpu.vector_store %arg8[%swap3A_128, %swap3A_129, %swap3A_130], %swap3A_133 {strides = array<i32>} : memref<3x128x128xf32, #tpu.memory_space<vmem>>, vector<1x1x16xf32>,
      %broadcast_in_dim3A_134 = arith.constant 0.000000e+00 : f32
      %broadcast_in_dim3A_135 = vector.broadcast %broadcast_in_dim3A_134 : f32 to vector<16xf32>
      %swap3A_136 = arith.constant 0 : i32
      %swap3A_137 = arith.index_cast %swap3A_136 : i32 to index
      %swap3A_138 = arith.index_cast %scan3A_108 : i32 to index
      %swap3A_139 = arith.constant 48 : index
      %swap3A_140 = tpu.vector_load %arg8[%swap3A_137, %swap3A_138, %swap3A_139] {strides = array<i32>} : memref<3x128x128xf32, #tpu.memory_space<vmem>>, vector<1x1x16xf32>,
      %swap3A_141 = vector.shape_cast %swap3A_140 : vector<1x1x16xf32> to vector<16xf32>
      %swap3A_142 = vector.shape_cast %broadcast_in_dim3A_135 : vector<16xf32> to vector<1x1x16xf32>
      tpu.vector_store %arg8[%swap3A_137, %swap3A_138, %swap3A_139], %swap3A_142 {strides = array<i32>} : memref<3x128x128xf32, #tpu.memory_space<vmem>>, vector<1x1x16xf32>,
      %broadcast_in_dim3A_143 = arith.constant 0.000000e+00 : f32
      %broadcast_in_dim3A_144 = vector.broadcast %broadcast_in_dim3A_143 : f32 to vector<16xf32>
      %swap3A_145 = arith.constant 0 : i32
      %swap3A_146 = arith.index_cast %swap3A_145 : i32 to index
      %swap3A_147 = arith.index_cast %scan3A_108 : i32 to index
      %swap3A_148 = arith.constant 64 : index
      %swap3A_149 = tpu.vector_load %arg8[%swap3A_146, %swap3A_147, %swap3A_148] {strides = array<i32>} : memref<3x128x128xf32, #tpu.memory_space<vmem>>, vector<1x1x16xf32>,
      %swap3A_150 = vector.shape_cast %swap3A_149 : vector<1x1x16xf32> to vector<16xf32>
      %swap3A_151 = vector.shape_cast %broadcast_in_dim3A_144 : vector<16xf32> to vector<1x1x16xf32>
      tpu.vector_store %arg8[%swap3A_146, %swap3A_147, %swap3A_148], %swap3A_151 {strides = array<i32>} : memref<3x128x128xf32, #tpu.memory_space<vmem>>, vector<1x1x16xf32>,
      %broadcast_in_dim3A_152 = arith.constant 0.000000e+00 : f32
      %broadcast_in_dim3A_153 = vector.broadcast %broadcast_in_dim3A_152 : f32 to vector<16xf32>
      %swap3A_154 = arith.constant 0 : i32
      %swap3A_155 = arith.index_cast %swap3A_154 : i32 to index
      %swap3A_156 = arith.index_cast %scan3A_108 : i32 to index
      %swap3A_157 = arith.constant 80 : index
      %swap3A_158 = tpu.vector_load %arg8[%swap3A_155, %swap3A_156, %swap3A_157] {strides = array<i32>} : memref<3x128x128xf32, #tpu.memory_space<vmem>>, vector<1x1x16xf32>,
      %swap3A_159 = vector.shape_cast %swap3A_158 : vector<1x1x16xf32> to vector<16xf32>
      %swap3A_160 = vector.shape_cast %broadcast_in_dim3A_153 : vector<16xf32> to vector<1x1x16xf32>
      tpu.vector_store %arg8[%swap3A_155, %swap3A_156, %swap3A_157], %swap3A_160 {strides = array<i32>} : memref<3x128x128xf32, #tpu.memory_space<vmem>>, vector<1x1x16xf32>,
      %broadcast_in_dim3A_161 = arith.constant 0.000000e+00 : f32
      %broadcast_in_dim3A_162 = vector.broadcast %broadcast_in_dim3A_161 : f32 to vector<16xf32>
      %swap3A_163 = arith.constant 0 : i32
      %swap3A_164 = arith.index_cast %swap3A_163 : i32 to index
      %swap3A_165 = arith.index_cast %scan3A_108 : i32 to index
      %swap3A_166 = arith.constant 96 : index
      %swap3A_167 = tpu.vector_load %arg8[%swap3A_164, %swap3A_165, %swap3A_166] {strides = array<i32>} : memref<3x128x128xf32, #tpu.memory_space<vmem>>, vector<1x1x16xf32>,
      %swap3A_168 = vector.shape_cast %swap3A_167 : vector<1x1x16xf32> to vector<16xf32>
      %swap3A_169 = vector.shape_cast %broadcast_in_dim3A_162 : vector<16xf32> to vector<1x1x16xf32>
      tpu.vector_store %arg8[%swap3A_164, %swap3A_165, %swap3A_166], %swap3A_169 {strides = array<i32>} : memref<3x128x128xf32, #tpu.memory_space<vmem>>, vector<1x1x16xf32>,
      %broadcast_in_dim3A_170 = arith.constant 0.000000e+00 : f32
      %broadcast_in_dim3A_171 = vector.broadcast %broadcast_in_dim3A_170 : f32 to vector<16xf32>
      %swap3A_172 = arith.constant 0 : i32
      %swap3A_173 = arith.index_cast %swap3A_172 : i32 to index
      %swap3A_174 = arith.index_cast %scan3A_108 : i32 to index
      %swap3A_175 = arith.constant 112 : index
      %swap3A_176 = tpu.vector_load %arg8[%swap3A_173, %swap3A_174, %swap3A_175] {strides = array<i32>} : memref<3x128x128xf32, #tpu.memory_space<vmem>>, vector<1x1x16xf32>,
      %swap3A_177 = vector.shape_cast %swap3A_176 : vector<1x1x16xf32> to vector<16xf32>
      %swap3A_178 = vector.shape_cast %broadcast_in_dim3A_171 : vector<16xf32> to vector<1x1x16xf32>
      tpu.vector_store %arg8[%swap3A_173, %swap3A_174, %swap3A_175], %swap3A_178 {strides = array<i32>} : memref<3x128x128xf32, #tpu.memory_space<vmem>>, vector<1x1x16xf32>,
    }
    %scan3A_4 = arith.constant 128 : i32
    %mul3A = arith.constant 320 : i32
    %mul3A_5 = arith.muli %arg1, %mul3A : i32
    %add3A = arith.constant 0 : i32
    %add3A_6 = arith.addi %mul3A_5, %add3A : i32
    %run_scoped3A = arith.constant 0 : i32
    "tpu.region"() ({
      %run_scoped3A_108 = tpu.sem_alloc : memref<!tpu.dma_semaphore, #tpu.memory_space<semaphore_mem>>
      %dma_start3A_109 = arith.constant 0 : i32
      %dma_start3A_110 = arith.constant 0 : i32
      %dma_start3A_111 = tpu.memref_slice %arg8[%run_scoped3A, %dma_start3A_109, %dma_start3A_110] : memref<3x128x128xf32, #tpu.memory_space<vmem>> -> memref<1x128x128xf32, #tpu.memory_space<vmem>>
      %dma_start3A_112 = tpu.memref_squeeze %dma_start3A_111 : memref<1x128x128xf32, #tpu.memory_space<vmem>> -> memref<128x128xf32, #tpu.memory_space<vmem>>
      %dma_start3A_113 = arith.constant 0 : i32
      %dma_start3A_114 = tpu.memref_slice %arg9[%add3A_6, %dma_start3A_113] : memref<5120x128xf32, #tpu.memory_space<vmem_shared>> -> memref<128x128xf32, #tpu.memory_space<vmem_shared>>
      %dma_start3A_115 = arith.constant 0 : i32
      %dma_start3A_116 = tpu.memref_slice %arg9[%add3A_6, %dma_start3A_115] : memref<5120x128xf32, #tpu.memory_space<vmem_shared>> -> memref<128x128xf32, #tpu.memory_space<vmem_shared>>
      %dma_start3A_117 = arith.constant 0 : i32
      %dma_start3A_118 = arith.constant 0 : i32
      %dma_start3A_119 = tpu.memref_slice %arg8[%run_scoped3A, %dma_start3A_117, %dma_start3A_118] : memref<3x128x128xf32, #tpu.memory_space<vmem>> -> memref<1x128x128xf32, #tpu.memory_space<vmem>>
      %dma_start3A_120 = tpu.memref_squeeze %dma_start3A_119 : memref<1x128x128xf32, #tpu.memory_space<vmem>> -> memref<128x128xf32, #tpu.memory_space<vmem>>
      tpu.enqueue_dma source(%dma_start3A_120 : memref<128x128xf32, #tpu.memory_space<vmem>>) target(%dma_start3A_116 : memref<128x128xf32, #tpu.memory_space<vmem_shared>>) target_semaphore(%run_scoped3A_108 : memref<!tpu.dma_semaphore, #tpu.memory_space<semaphore_mem>>)
      %dma_wait3A_121 = arith.constant 0 : i32
      %dma_wait3A_122 = arith.constant 0 : i32
      %dma_wait3A_123 = tpu.memref_slice %arg8[%run_scoped3A, %dma_wait3A_121, %dma_wait3A_122] : memref<3x128x128xf32, #tpu.memory_space<vmem>> -> memref<1x128x128xf32, #tpu.memory_space<vmem>>
      %dma_wait3A_124 = tpu.memref_squeeze %dma_wait3A_123 : memref<1x128x128xf32, #tpu.memory_space<vmem>> -> memref<128x128xf32, #tpu.memory_space<vmem>>
      %dma_wait3A_125 = arith.constant 0 : i32
      %dma_wait3A_126 = tpu.memref_slice %arg9[%add3A_6, %dma_wait3A_125] : memref<5120x128xf32, #tpu.memory_space<vmem_shared>> -> memref<128x128xf32, #tpu.memory_space<vmem_shared>>
      %dma_wait3A_127 = arith.constant 0 : i32
      %dma_wait3A_128 = tpu.memref_slice %arg9[%add3A_6, %dma_wait3A_127] : memref<5120x128xf32, #tpu.memory_space<vmem_shared>> -> memref<128x128xf32, #tpu.memory_space<vmem_shared>>
      %dma_wait3A_129 = arith.constant 0 : i32
      %dma_wait3A_130 = arith.constant 0 : i32
      %dma_wait3A_131 = tpu.memref_slice %arg8[%run_scoped3A, %dma_wait3A_129, %dma_wait3A_130] : memref<3x128x128xf32, #tpu.memory_space<vmem>> -> memref<1x128x128xf32, #tpu.memory_space<vmem>>
      %dma_wait3A_132 = tpu.memref_squeeze %dma_wait3A_131 : memref<1x128x128xf32, #tpu.memory_space<vmem>> -> memref<128x128xf32, #tpu.memory_space<vmem>>
      tpu.wait_dma2 semaphore(%run_scoped3A_108 : memref<!tpu.dma_semaphore, #tpu.memory_space<semaphore_mem>>) src(%dma_wait3A_132 : memref<128x128xf32, #tpu.memory_space<vmem>>) dst(%dma_wait3A_128 : memref<128x128xf32, #tpu.memory_space<vmem_shared>>)
      tpu.yield
    }) : () -> ()
    %mul3A_7 = arith.constant 320 : i32
    %mul3A_8 = arith.muli %arg1, %mul3A_7 : i32
    %add3A_9 = arith.constant 128 : i32
    %add3A_10 = arith.addi %mul3A_8, %add3A_9 : i32
    %run_scoped3A_11 = arith.constant 0 : i32
    "tpu.region"() ({
      %run_scoped3A_108 = tpu.sem_alloc : memref<!tpu.dma_semaphore, #tpu.memory_space<semaphore_mem>>
      %dma_start3A_109 = arith.constant 0 : i32
      %dma_start3A_110 = arith.constant 0 : i32
      %dma_start3A_111 = tpu.memref_slice %arg8[%run_scoped3A_11, %dma_start3A_109, %dma_start3A_110] : memref<3x128x128xf32, #tpu.memory_space<vmem>> -> memref<1x128x128xf32, #tpu.memory_space<vmem>>
      %dma_start3A_112 = tpu.memref_squeeze %dma_start3A_111 : memref<1x128x128xf32, #tpu.memory_space<vmem>> -> memref<128x128xf32, #tpu.memory_space<vmem>>
      %dma_start3A_113 = arith.constant 0 : i32
      %dma_start3A_114 = tpu.memref_slice %arg9[%add3A_10, %dma_start3A_113] : memref<5120x128xf32, #tpu.memory_space<vmem_shared>> -> memref<128x128xf32, #tpu.memory_space<vmem_shared>>
      %dma_start3A_115 = arith.constant 0 : i32
      %dma_start3A_116 = tpu.memref_slice %arg9[%add3A_10, %dma_start3A_115] : memref<5120x128xf32, #tpu.memory_space<vmem_shared>> -> memref<128x128xf32, #tpu.memory_space<vmem_shared>>
      %dma_start3A_117 = arith.constant 0 : i32
      %dma_start3A_118 = arith.constant 0 : i32
      %dma_start3A_119 = tpu.memref_slice %arg8[%run_scoped3A_11, %dma_start3A_117, %dma_start3A_118] : memref<3x128x128xf32, #tpu.memory_space<vmem>> -> memref<1x128x128xf32, #tpu.memory_space<vmem>>
      %dma_start3A_120 = tpu.memref_squeeze %dma_start3A_119 : memref<1x128x128xf32, #tpu.memory_space<vmem>> -> memref<128x128xf32, #tpu.memory_space<vmem>>
      tpu.enqueue_dma source(%dma_start3A_120 : memref<128x128xf32, #tpu.memory_space<vmem>>) target(%dma_start3A_116 : memref<128x128xf32, #tpu.memory_space<vmem_shared>>) target_semaphore(%run_scoped3A_108 : memref<!tpu.dma_semaphore, #tpu.memory_space<semaphore_mem>>)
      %dma_wait3A_121 = arith.constant 0 : i32
      %dma_wait3A_122 = arith.constant 0 : i32
      %dma_wait3A_123 = tpu.memref_slice %arg8[%run_scoped3A_11, %dma_wait3A_121, %dma_wait3A_122] : memref<3x128x128xf32, #tpu.memory_space<vmem>> -> memref<1x128x128xf32, #tpu.memory_space<vmem>>
      %dma_wait3A_124 = tpu.memref_squeeze %dma_wait3A_123 : memref<1x128x128xf32, #tpu.memory_space<vmem>> -> memref<128x128xf32, #tpu.memory_space<vmem>>
      %dma_wait3A_125 = arith.constant 0 : i32
      %dma_wait3A_126 = tpu.memref_slice %arg9[%add3A_10, %dma_wait3A_125] : memref<5120x128xf32, #tpu.memory_space<vmem_shared>> -> memref<128x128xf32, #tpu.memory_space<vmem_shared>>
      %dma_wait3A_127 = arith.constant 0 : i32
      %dma_wait3A_128 = tpu.memref_slice %arg9[%add3A_10, %dma_wait3A_127] : memref<5120x128xf32, #tpu.memory_space<vmem_shared>> -> memref<128x128xf32, #tpu.memory_space<vmem_shared>>
      %dma_wait3A_129 = arith.constant 0 : i32
      %dma_wait3A_130 = arith.constant 0 : i32
      %dma_wait3A_131 = tpu.memref_slice %arg8[%run_scoped3A_11, %dma_wait3A_129, %dma_wait3A_130] : memref<3x128x128xf32, #tpu.memory_space<vmem>> -> memref<1x128x128xf32, #tpu.memory_space<vmem>>
      %dma_wait3A_132 = tpu.memref_squeeze %dma_wait3A_131 : memref<1x128x128xf32, #tpu.memory_space<vmem>> -> memref<128x128xf32, #tpu.memory_space<vmem>>
      tpu.wait_dma2 semaphore(%run_scoped3A_108 : memref<!tpu.dma_semaphore, #tpu.memory_space<semaphore_mem>>) src(%dma_wait3A_132 : memref<128x128xf32, #tpu.memory_space<vmem>>) dst(%dma_wait3A_128 : memref<128x128xf32, #tpu.memory_space<vmem_shared>>)
      tpu.yield
    }) : () -> ()
    %mul3A_12 = arith.constant 320 : i32
    %mul3A_13 = arith.muli %arg1, %mul3A_12 : i32
    %add3A_14 = arith.constant 256 : i32
    %add3A_15 = arith.addi %mul3A_13, %add3A_14 : i32
    %run_scoped3A_16 = arith.constant 0 : i32
    "tpu.region"() ({
      %run_scoped3A_108 = tpu.sem_alloc : memref<!tpu.dma_semaphore, #tpu.memory_space<semaphore_mem>>
      %dma_start3A_109 = arith.constant 0 : i32
      %dma_start3A_110 = arith.constant 0 : i32
      %dma_start3A_111 = tpu.memref_slice %arg8[%run_scoped3A_16, %dma_start3A_109, %dma_start3A_110] : memref<3x128x128xf32, #tpu.memory_space<vmem>> -> memref<1x64x128xf32, #tpu.memory_space<vmem>>
      %dma_start3A_112 = tpu.memref_squeeze %dma_start3A_111 : memref<1x64x128xf32, #tpu.memory_space<vmem>> -> memref<64x128xf32, #tpu.memory_space<vmem>>
      %dma_start3A_113 = arith.constant 0 : i32
      %dma_start3A_114 = tpu.memref_slice %arg9[%add3A_15, %dma_start3A_113] : memref<5120x128xf32, #tpu.memory_space<vmem_shared>> -> memref<64x128xf32, #tpu.memory_space<vmem_shared>>
      %dma_start3A_115 = arith.constant 0 : i32
      %dma_start3A_116 = tpu.memref_slice %arg9[%add3A_15, %dma_start3A_115] : memref<5120x128xf32, #tpu.memory_space<vmem_shared>> -> memref<64x128xf32, #tpu.memory_space<vmem_shared>>
      %dma_start3A_117 = arith.constant 0 : i32
      %dma_start3A_118 = arith.constant 0 : i32
      %dma_start3A_119 = tpu.memref_slice %arg8[%run_scoped3A_16, %dma_start3A_117, %dma_start3A_118] : memref<3x128x128xf32, #tpu.memory_space<vmem>> -> memref<1x64x128xf32, #tpu.memory_space<vmem>>
      %dma_start3A_120 = tpu.memref_squeeze %dma_start3A_119 : memref<1x64x128xf32, #tpu.memory_space<vmem>> -> memref<64x128xf32, #tpu.memory_space<vmem>>
      tpu.enqueue_dma source(%dma_start3A_120 : memref<64x128xf32, #tpu.memory_space<vmem>>) target(%dma_start3A_116 : memref<64x128xf32, #tpu.memory_space<vmem_shared>>) target_semaphore(%run_scoped3A_108 : memref<!tpu.dma_semaphore, #tpu.memory_space<semaphore_mem>>)
      %dma_wait3A_121 = arith.constant 0 : i32
      %dma_wait3A_122 = arith.constant 0 : i32
      %dma_wait3A_123 = tpu.memref_slice %arg8[%run_scoped3A_16, %dma_wait3A_121, %dma_wait3A_122] : memref<3x128x128xf32, #tpu.memory_space<vmem>> -> memref<1x64x128xf32, #tpu.memory_space<vmem>>
      %dma_wait3A_124 = tpu.memref_squeeze %dma_wait3A_123 : memref<1x64x128xf32, #tpu.memory_space<vmem>> -> memref<64x128xf32, #tpu.memory_space<vmem>>
      %dma_wait3A_125 = arith.constant 0 : i32
      %dma_wait3A_126 = tpu.memref_slice %arg9[%add3A_15, %dma_wait3A_125] : memref<5120x128xf32, #tpu.memory_space<vmem_shared>> -> memref<64x128xf32, #tpu.memory_space<vmem_shared>>
      %dma_wait3A_127 = arith.constant 0 : i32
      %dma_wait3A_128 = tpu.memref_slice %arg9[%add3A_15, %dma_wait3A_127] : memref<5120x128xf32, #tpu.memory_space<vmem_shared>> -> memref<64x128xf32, #tpu.memory_space<vmem_shared>>
      %dma_wait3A_129 = arith.constant 0 : i32
      %dma_wait3A_130 = arith.constant 0 : i32
      %dma_wait3A_131 = tpu.memref_slice %arg8[%run_scoped3A_16, %dma_wait3A_129, %dma_wait3A_130] : memref<3x128x128xf32, #tpu.memory_space<vmem>> -> memref<1x64x128xf32, #tpu.memory_space<vmem>>
      %dma_wait3A_132 = tpu.memref_squeeze %dma_wait3A_131 : memref<1x64x128xf32, #tpu.memory_space<vmem>> -> memref<64x128xf32, #tpu.memory_space<vmem>>
      tpu.wait_dma2 semaphore(%run_scoped3A_108 : memref<!tpu.dma_semaphore, #tpu.memory_space<semaphore_mem>>) src(%dma_wait3A_132 : memref<64x128xf32, #tpu.memory_space<vmem>>) dst(%dma_wait3A_128 : memref<64x128xf32, #tpu.memory_space<vmem_shared>>)
      tpu.yield
    }) : () -> ()
    %barrier3A = arith.constant 0 : index
    tpu.barrier barrier_id(%barrier3A)
    "tpu.region"() ({
      %run_scoped3A_108 = tpu.sem_alloc : memref<!tpu.dma_semaphore, #tpu.memory_space<semaphore_mem>>
      %dma_start3A_109 = arith.constant 0 : i32
      %dma_start3A_110 = arith.constant 0 : i32
      %dma_start3A_111 = tpu.memref_slice %arg3[%arg1, %dma_start3A_109, %dma_start3A_110] : memref<16x158x128xi32, #tpu.memory_space<hbm>> -> memref<1x158x128xi32, #tpu.memory_space<hbm>>
      %dma_start3A_112 = tpu.memref_squeeze %dma_start3A_111 : memref<1x158x128xi32, #tpu.memory_space<hbm>> -> memref<158x128xi32, #tpu.memory_space<hbm>>
      %dma_start3A_113 = arith.constant 0 : i32
      %dma_start3A_114 = arith.constant 0 : i32
      %dma_start3A_115 = tpu.memref_slice %arg3[%arg1, %dma_start3A_113, %dma_start3A_114] : memref<16x158x128xi32, #tpu.memory_space<hbm>> -> memref<1x158x128xi32, #tpu.memory_space<hbm>>
      %dma_start3A_116 = tpu.memref_squeeze %dma_start3A_115 : memref<1x158x128xi32, #tpu.memory_space<hbm>> -> memref<158x128xi32, #tpu.memory_space<hbm>>
      tpu.enqueue_dma source(%dma_start3A_116 : memref<158x128xi32, #tpu.memory_space<hbm>>) target(%arg6 : memref<158x128xi32, #tpu.memory_space<vmem>>) target_semaphore(%run_scoped3A_108 : memref<!tpu.dma_semaphore, #tpu.memory_space<semaphore_mem>>)
      %dma_wait3A_117 = arith.constant 0 : i32
      %dma_wait3A_118 = arith.constant 0 : i32
      %dma_wait3A_119 = tpu.memref_slice %arg3[%arg1, %dma_wait3A_117, %dma_wait3A_118] : memref<16x158x128xi32, #tpu.memory_space<hbm>> -> memref<1x158x128xi32, #tpu.memory_space<hbm>>
      %dma_wait3A_120 = tpu.memref_squeeze %dma_wait3A_119 : memref<1x158x128xi32, #tpu.memory_space<hbm>> -> memref<158x128xi32, #tpu.memory_space<hbm>>
      %dma_wait3A_121 = arith.constant 0 : i32
      %dma_wait3A_122 = arith.constant 0 : i32
      %dma_wait3A_123 = tpu.memref_slice %arg3[%arg1, %dma_wait3A_121, %dma_wait3A_122] : memref<16x158x128xi32, #tpu.memory_space<hbm>> -> memref<1x158x128xi32, #tpu.memory_space<hbm>>
      %dma_wait3A_124 = tpu.memref_squeeze %dma_wait3A_123 : memref<1x158x128xi32, #tpu.memory_space<hbm>> -> memref<158x128xi32, #tpu.memory_space<hbm>>
      tpu.wait_dma2 semaphore(%run_scoped3A_108 : memref<!tpu.dma_semaphore, #tpu.memory_space<semaphore_mem>>) src(%dma_wait3A_124 : memref<158x128xi32, #tpu.memory_space<hbm>>) dst(%arg6 : memref<158x128xi32, #tpu.memory_space<vmem>>)
      tpu.yield
    }) : () -> ()
    "tpu.region"() ({
      %run_scoped3A_108 = tpu.sem_alloc : memref<!tpu.dma_semaphore, #tpu.memory_space<semaphore_mem>>
      %dma_start3A_109 = arith.constant 0 : i32
      %dma_start3A_110 = arith.constant 0 : i32
      %dma_start3A_111 = tpu.memref_slice %arg4[%arg0, %arg1, %dma_start3A_109, %dma_start3A_110] : memref<2x16x158x128xi32, #tpu.memory_space<hbm>> -> memref<1x1x158x128xi32, #tpu.memory_space<hbm>>
      %dma_start3A_112 = tpu.memref_squeeze %dma_start3A_111 : memref<1x1x158x128xi32, #tpu.memory_space<hbm>> -> memref<158x128xi32, #tpu.memory_space<hbm>>
      %dma_start3A_113 = arith.constant 0 : i32
      %dma_start3A_114 = arith.constant 0 : i32
      %dma_start3A_115 = tpu.memref_slice %arg4[%arg0, %arg1, %dma_start3A_113, %dma_start3A_114] : memref<2x16x158x128xi32, #tpu.memory_space<hbm>> -> memref<1x1x158x128xi32, #tpu.memory_space<hbm>>
      %dma_start3A_116 = tpu.memref_squeeze %dma_start3A_115 : memref<1x1x158x128xi32, #tpu.memory_space<hbm>> -> memref<158x128xi32, #tpu.memory_space<hbm>>
      tpu.enqueue_dma source(%dma_start3A_116 : memref<158x128xi32, #tpu.memory_space<hbm>>) target(%arg7 : memref<158x128xi32, #tpu.memory_space<vmem>>) target_semaphore(%run_scoped3A_108 : memref<!tpu.dma_semaphore, #tpu.memory_space<semaphore_mem>>)
      %dma_wait3A_117 = arith.constant 0 : i32
      %dma_wait3A_118 = arith.constant 0 : i32
      %dma_wait3A_119 = tpu.memref_slice %arg4[%arg0, %arg1, %dma_wait3A_117, %dma_wait3A_118] : memref<2x16x158x128xi32, #tpu.memory_space<hbm>> -> memref<1x1x158x128xi32, #tpu.memory_space<hbm>>
      %dma_wait3A_120 = tpu.memref_squeeze %dma_wait3A_119 : memref<1x1x158x128xi32, #tpu.memory_space<hbm>> -> memref<158x128xi32, #tpu.memory_space<hbm>>
      %dma_wait3A_121 = arith.constant 0 : i32
      %dma_wait3A_122 = arith.constant 0 : i32
      %dma_wait3A_123 = tpu.memref_slice %arg4[%arg0, %arg1, %dma_wait3A_121, %dma_wait3A_122] : memref<2x16x158x128xi32, #tpu.memory_space<hbm>> -> memref<1x1x158x128xi32, #tpu.memory_space<hbm>>
      %dma_wait3A_124 = tpu.memref_squeeze %dma_wait3A_123 : memref<1x1x158x128xi32, #tpu.memory_space<hbm>> -> memref<158x128xi32, #tpu.memory_space<hbm>>
      tpu.wait_dma2 semaphore(%run_scoped3A_108 : memref<!tpu.dma_semaphore, #tpu.memory_space<semaphore_mem>>) src(%dma_wait3A_124 : memref<158x128xi32, #tpu.memory_space<hbm>>) dst(%arg7 : memref<158x128xi32, #tpu.memory_space<vmem>>)
      tpu.yield
    }) : () -> ()
    %dma_start3A = arith.constant 0 : i32
    %dma_start3A_17 = arith.constant 0 : i32
    %dma_start3A_18 = arith.constant 0 : i32
    %dma_start3A_19 = arith.constant 0 : i32
    %dma_start3A_20 = tpu.memref_slice %arg8[%dma_start3A_17, %dma_start3A_18, %dma_start3A_19] : memref<3x128x128xf32, #tpu.memory_space<vmem>> -> memref<1x64x128xf32, #tpu.memory_space<vmem>>
    %dma_start3A_21 = tpu.memref_squeeze %dma_start3A_20 : memref<1x64x128xf32, #tpu.memory_space<vmem>> -> memref<64x128xf32, #tpu.memory_space<vmem>>
    %dma_start3A_22 = arith.constant 0 : i32
    %dma_start3A_23 = tpu.memref_slice %arg6[%dma_start3A, %dma_start3A_22] : memref<158x128xi32, #tpu.memory_space<vmem>> -> memref<1x64xi32, #tpu.memory_space<vmem>>
    %dma_start3A_24 = tpu.memref_squeeze %dma_start3A_23 : memref<1x64xi32, #tpu.memory_space<vmem>> -> memref<64xi32, #tpu.memory_space<vmem>>
    %dma_start3A_25 = arith.constant 0 : i32
    %dma_start3A_26 = arith.constant 0 : i32
    %dma_start3A_27 = tpu.memref_slice %arg2[%dma_start3A_25, %dma_start3A_26] : memref<81920x128xf32, #tpu.memory_space<hbm>> -> memref<81920x128xf32, #tpu.memory_space<hbm>>
    tpu.enqueue_indirect_dma source(%dma_start3A_27 : memref<81920x128xf32, #tpu.memory_space<hbm>>) target(%dma_start3A_21 : memref<64x128xf32, #tpu.memory_space<vmem>>) offsets(%dma_start3A_24 : memref<64xi32, #tpu.memory_space<vmem>>) semaphore(%arg10 : memref<!tpu.dma_semaphore, #tpu.memory_space<semaphore_mem>>)
    %dma_start3A_28 = arith.constant 0 : i32
    %dma_start3A_29 = arith.constant 0 : i32
    %dma_start3A_30 = arith.constant 64 : i32
    %dma_start3A_31 = arith.constant 0 : i32
    %dma_start3A_32 = tpu.memref_slice %arg8[%dma_start3A_29, %dma_start3A_30, %dma_start3A_31] : memref<3x128x128xf32, #tpu.memory_space<vmem>> -> memref<1x64x128xf32, #tpu.memory_space<vmem>>
    %dma_start3A_33 = tpu.memref_squeeze %dma_start3A_32 : memref<1x64x128xf32, #tpu.memory_space<vmem>> -> memref<64x128xf32, #tpu.memory_space<vmem>>
    %dma_start3A_34 = arith.constant 64 : i32
    %dma_start3A_35 = tpu.memref_slice %arg6[%dma_start3A_28, %dma_start3A_34] : memref<158x128xi32, #tpu.memory_space<vmem>> -> memref<1x64xi32, #tpu.memory_space<vmem>>
    %dma_start3A_36 = tpu.memref_squeeze %dma_start3A_35 : memref<1x64xi32, #tpu.memory_space<vmem>> -> memref<64xi32, #tpu.memory_space<vmem>>
    %dma_start3A_37 = arith.constant 0 : i32
    %dma_start3A_38 = arith.constant 0 : i32
    %dma_start3A_39 = tpu.memref_slice %arg2[%dma_start3A_37, %dma_start3A_38] : memref<81920x128xf32, #tpu.memory_space<hbm>> -> memref<81920x128xf32, #tpu.memory_space<hbm>>
    tpu.enqueue_indirect_dma source(%dma_start3A_39 : memref<81920x128xf32, #tpu.memory_space<hbm>>) target(%dma_start3A_33 : memref<64x128xf32, #tpu.memory_space<vmem>>) offsets(%dma_start3A_36 : memref<64xi32, #tpu.memory_space<vmem>>) semaphore(%arg11 : memref<!tpu.dma_semaphore, #tpu.memory_space<semaphore_mem>>)
    %dma_start3A_40 = arith.constant 1 : i32
    %dma_start3A_41 = arith.constant 1 : i32
    %dma_start3A_42 = arith.constant 0 : i32
    %dma_start3A_43 = arith.constant 0 : i32
    %dma_start3A_44 = tpu.memref_slice %arg8[%dma_start3A_41, %dma_start3A_42, %dma_start3A_43] : memref<3x128x128xf32, #tpu.memory_space<vmem>> -> memref<1x64x128xf32, #tpu.memory_space<vmem>>
    %dma_start3A_45 = tpu.memref_squeeze %dma_start3A_44 : memref<1x64x128xf32, #tpu.memory_space<vmem>> -> memref<64x128xf32, #tpu.memory_space<vmem>>
    %dma_start3A_46 = arith.constant 0 : i32
    %dma_start3A_47 = tpu.memref_slice %arg6[%dma_start3A_40, %dma_start3A_46] : memref<158x128xi32, #tpu.memory_space<vmem>> -> memref<1x64xi32, #tpu.memory_space<vmem>>
    %dma_start3A_48 = tpu.memref_squeeze %dma_start3A_47 : memref<1x64xi32, #tpu.memory_space<vmem>> -> memref<64xi32, #tpu.memory_space<vmem>>
    %dma_start3A_49 = arith.constant 0 : i32
    %dma_start3A_50 = arith.constant 0 : i32
    %dma_start3A_51 = tpu.memref_slice %arg2[%dma_start3A_49, %dma_start3A_50] : memref<81920x128xf32, #tpu.memory_space<hbm>> -> memref<81920x128xf32, #tpu.memory_space<hbm>>
    tpu.enqueue_indirect_dma source(%dma_start3A_51 : memref<81920x128xf32, #tpu.memory_space<hbm>>) target(%dma_start3A_45 : memref<64x128xf32, #tpu.memory_space<vmem>>) offsets(%dma_start3A_48 : memref<64xi32, #tpu.memory_space<vmem>>) semaphore(%arg12 : memref<!tpu.dma_semaphore, #tpu.memory_space<semaphore_mem>>)
    %dma_start3A_52 = arith.constant 1 : i32
    %dma_start3A_53 = arith.constant 1 : i32
    %dma_start3A_54 = arith.constant 64 : i32
    %dma_start3A_55 = arith.constant 0 : i32
    %dma_start3A_56 = tpu.memref_slice %arg8[%dma_start3A_53, %dma_start3A_54, %dma_start3A_55] : memref<3x128x128xf32, #tpu.memory_space<vmem>> -> memref<1x64x128xf32, #tpu.memory_space<vmem>>
    %dma_start3A_57 = tpu.memref_squeeze %dma_start3A_56 : memref<1x64x128xf32, #tpu.memory_space<vmem>> -> memref<64x128xf32, #tpu.memory_space<vmem>>
    %dma_start3A_58 = arith.constant 64 : i32
    %dma_start3A_59 = tpu.memref_slice %arg6[%dma_start3A_52, %dma_start3A_58] : memref<158x128xi32, #tpu.memory_space<vmem>> -> memref<1x64xi32, #tpu.memory_space<vmem>>
    %dma_start3A_60 = tpu.memref_squeeze %dma_start3A_59 : memref<1x64xi32, #tpu.memory_space<vmem>> -> memref<64xi32, #tpu.memory_space<vmem>>
    %dma_start3A_61 = arith.constant 0 : i32
    %dma_start3A_62 = arith.constant 0 : i32
    %dma_start3A_63 = tpu.memref_slice %arg2[%dma_start3A_61, %dma_start3A_62] : memref<81920x128xf32, #tpu.memory_space<hbm>> -> memref<81920x128xf32, #tpu.memory_space<hbm>>
    tpu.enqueue_indirect_dma source(%dma_start3A_63 : memref<81920x128xf32, #tpu.memory_space<hbm>>) target(%dma_start3A_57 : memref<64x128xf32, #tpu.memory_space<vmem>>) offsets(%dma_start3A_60 : memref<64xi32, #tpu.memory_space<vmem>>) semaphore(%arg13 : memref<!tpu.dma_semaphore, #tpu.memory_space<semaphore_mem>>)
    %scan3A_64 = arith.constant 0 : i32
    %scan3A_65 = arith.constant 0 : i32
    %scan3A_66 = arith.constant 158 : i32
    %scan3A_67 = arith.addi %scan3A_65, %scan3A_66 : i32
    %scan3A_68 = arith.constant 1 : i32
    scf.for %scan3A_108 = %scan3A_65 to %scan3A_67 step %scan3A_68  : i32 {
      %jit3A = arith.constant 3 : i32
      %eq3A = arith.constant 0 : i32
      %eq3A_109 = arith.cmpi eq, %jit3A, %eq3A : i32
      %jit3A_110 = arith.constant 1 : i32
      %select_n3A = arith.select %eq3A_109, %jit3A_110, %jit3A : i32
      %rem3A = arith.remsi %scan3A_108, %select_n3A : i32
      %ne3A = arith.constant 0 : i32
      %ne3A_111 = arith.cmpi ne, %rem3A, %ne3A : i32
      %lt3A = arith.constant 0 : i32
      %lt3A_112 = arith.cmpi slt, %rem3A, %lt3A : i32
      %lt3A_113 = arith.constant 0 : i32
      %lt3A_114 = arith.cmpi slt, %select_n3A, %lt3A_113 : i32
      %ne3A_115 = arith.xori %lt3A_112, %lt3A_114 : i1
      %and3A = arith.andi %ne3A_115, %ne3A_111 : i1
      %add3A_116 = arith.addi %rem3A, %select_n3A : i32
      %select_n3A_117 = arith.select %and3A, %add3A_116, %rem3A : i32
      %eq3A_118 = arith.constant 0 : i32
      %eq3A_119 = arith.cmpi eq, %select_n3A_117, %eq3A_118 : i32
      %convert_element_type3A = arith.extui %eq3A_119 : i1 to i32
      %cond3A = arith.constant 0 : i32
      %cond3A_120 = arith.cmpi ne, %convert_element_type3A, %cond3A : i32
      scf.if %cond3A_120 {
        %add3A_163 = arith.constant 2 : i32
        %add3A_164 = arith.addi %scan3A_108, %add3A_163 : i32
        %lt3A_165 = arith.constant 158 : i32
        %lt3A_166 = arith.cmpi slt, %add3A_164, %lt3A_165 : i32
        %convert_element_type3A_167 = arith.extui %lt3A_166 : i1 to i32
        %cond3A_168 = arith.constant 0 : i32
        %cond3A_169 = arith.cmpi ne, %convert_element_type3A_167, %cond3A_168 : i32
        scf.if %cond3A_169 {
          %ge3A = arith.constant 1 : i32
          %ge3A_203 = arith.cmpi sge, %scan3A_108, %ge3A : i32
          %convert_element_type3A_204 = arith.extui %ge3A_203 : i1 to i32
          %cond3A_205 = arith.constant 0 : i32
          %cond3A_206 = arith.cmpi ne, %convert_element_type3A_204, %cond3A_205 : i32
          scf.if %cond3A_206 {
            %sub3A = arith.constant 1 : i32
            %sub3A_231 = arith.subi %scan3A_108, %sub3A : i32
            %dma_wait3A_232 = arith.constant 2 : i32
            %dma_wait3A_233 = arith.constant 0 : i32
            %dma_wait3A_234 = arith.constant 0 : i32
            %dma_wait3A_235 = tpu.memref_slice %arg8[%dma_wait3A_232, %dma_wait3A_233, %dma_wait3A_234] : memref<3x128x128xf32, #tpu.memory_space<vmem>> -> memref<1x128x128xf32, #tpu.memory_space<vmem>>
            %dma_wait3A_236 = tpu.memref_squeeze %dma_wait3A_235 : memref<1x128x128xf32, #tpu.memory_space<vmem>> -> memref<128x128xf32, #tpu.memory_space<vmem>>
            %dma_wait3A_237 = arith.constant 0 : i32
            %dma_wait3A_238 = tpu.memref_slice %arg7[%sub3A_231, %dma_wait3A_237] : memref<158x128xi32, #tpu.memory_space<vmem>> -> memref<1x128xi32, #tpu.memory_space<vmem>>
            %dma_wait3A_239 = tpu.memref_squeeze %dma_wait3A_238 : memref<1x128xi32, #tpu.memory_space<vmem>> -> memref<128xi32, #tpu.memory_space<vmem>>
            %dma_wait3A_240 = arith.constant 0 : i32
            %dma_wait3A_241 = arith.constant 0 : i32
            %dma_wait3A_242 = tpu.memref_slice %arg9[%dma_wait3A_240, %dma_wait3A_241] : memref<5120x128xf32, #tpu.memory_space<vmem_shared>> -> memref<5120x128xf32, #tpu.memory_space<vmem_shared>>
            tpu.wait_indirect_dma semaphore(%arg18 : memref<!tpu.dma_semaphore, #tpu.memory_space<semaphore_mem>>) src(%dma_wait3A_236 : memref<128x128xf32, #tpu.memory_space<vmem>>) dst(%dma_wait3A_242 : memref<5120x128xf32, #tpu.memory_space<vmem_shared>>)
          } else {
          }
          %add3A_207 = arith.constant 2 : i32
          %add3A_208 = arith.addi %scan3A_108, %add3A_207 : i32
          %dma_start3A_209 = arith.constant 2 : i32
          %dma_start3A_210 = arith.constant 0 : i32
          %dma_start3A_211 = arith.constant 0 : i32
          %dma_start3A_212 = tpu.memref_slice %arg8[%dma_start3A_209, %dma_start3A_210, %dma_start3A_211] : memref<3x128x128xf32, #tpu.memory_space<vmem>> -> memref<1x64x128xf32, #tpu.memory_space<vmem>>
          %dma_start3A_213 = tpu.memref_squeeze %dma_start3A_212 : memref<1x64x128xf32, #tpu.memory_space<vmem>> -> memref<64x128xf32, #tpu.memory_space<vmem>>
          %dma_start3A_214 = arith.constant 0 : i32
          %dma_start3A_215 = tpu.memref_slice %arg6[%add3A_208, %dma_start3A_214] : memref<158x128xi32, #tpu.memory_space<vmem>> -> memref<1x64xi32, #tpu.memory_space<vmem>>
          %dma_start3A_216 = tpu.memref_squeeze %dma_start3A_215 : memref<1x64xi32, #tpu.memory_space<vmem>> -> memref<64xi32, #tpu.memory_space<vmem>>
          %dma_start3A_217 = arith.constant 0 : i32
          %dma_start3A_218 = arith.constant 0 : i32
          %dma_start3A_219 = tpu.memref_slice %arg2[%dma_start3A_217, %dma_start3A_218] : memref<81920x128xf32, #tpu.memory_space<hbm>> -> memref<81920x128xf32, #tpu.memory_space<hbm>>
          tpu.enqueue_indirect_dma source(%dma_start3A_219 : memref<81920x128xf32, #tpu.memory_space<hbm>>) target(%dma_start3A_213 : memref<64x128xf32, #tpu.memory_space<vmem>>) offsets(%dma_start3A_216 : memref<64xi32, #tpu.memory_space<vmem>>) semaphore(%arg14 : memref<!tpu.dma_semaphore, #tpu.memory_space<semaphore_mem>>)
          %dma_start3A_220 = arith.constant 2 : i32
          %dma_start3A_221 = arith.constant 64 : i32
          %dma_start3A_222 = arith.constant 0 : i32
          %dma_start3A_223 = tpu.memref_slice %arg8[%dma_start3A_220, %dma_start3A_221, %dma_start3A_222] : memref<3x128x128xf32, #tpu.memory_space<vmem>> -> memref<1x64x128xf32, #tpu.memory_space<vmem>>
          %dma_start3A_224 = tpu.memref_squeeze %dma_start3A_223 : memref<1x64x128xf32, #tpu.memory_space<vmem>> -> memref<64x128xf32, #tpu.memory_space<vmem>>
          %dma_start3A_225 = arith.constant 64 : i32
          %dma_start3A_226 = tpu.memref_slice %arg6[%add3A_208, %dma_start3A_225] : memref<158x128xi32, #tpu.memory_space<vmem>> -> memref<1x64xi32, #tpu.memory_space<vmem>>
          %dma_start3A_227 = tpu.memref_squeeze %dma_start3A_226 : memref<1x64xi32, #tpu.memory_space<vmem>> -> memref<64xi32, #tpu.memory_space<vmem>>
          %dma_start3A_228 = arith.constant 0 : i32
          %dma_start3A_229 = arith.constant 0 : i32
          %dma_start3A_230 = tpu.memref_slice %arg2[%dma_start3A_228, %dma_start3A_229] : memref<81920x128xf32, #tpu.memory_space<hbm>> -> memref<81920x128xf32, #tpu.memory_space<hbm>>
          tpu.enqueue_indirect_dma source(%dma_start3A_230 : memref<81920x128xf32, #tpu.memory_space<hbm>>) target(%dma_start3A_224 : memref<64x128xf32, #tpu.memory_space<vmem>>) offsets(%dma_start3A_227 : memref<64xi32, #tpu.memory_space<vmem>>) semaphore(%arg15 : memref<!tpu.dma_semaphore, #tpu.memory_space<semaphore_mem>>)
        } else {
        }
        %dma_wait3A_170 = arith.constant 0 : i32
        %dma_wait3A_171 = arith.constant 0 : i32
        %dma_wait3A_172 = arith.constant 0 : i32
        %dma_wait3A_173 = tpu.memref_slice %arg8[%dma_wait3A_170, %dma_wait3A_171, %dma_wait3A_172] : memref<3x128x128xf32, #tpu.memory_space<vmem>> -> memref<1x64x128xf32, #tpu.memory_space<vmem>>
        %dma_wait3A_174 = tpu.memref_squeeze %dma_wait3A_173 : memref<1x64x128xf32, #tpu.memory_space<vmem>> -> memref<64x128xf32, #tpu.memory_space<vmem>>
        %dma_wait3A_175 = arith.constant 0 : i32
        %dma_wait3A_176 = tpu.memref_slice %arg6[%scan3A_108, %dma_wait3A_175] : memref<158x128xi32, #tpu.memory_space<vmem>> -> memref<1x64xi32, #tpu.memory_space<vmem>>
        %dma_wait3A_177 = tpu.memref_squeeze %dma_wait3A_176 : memref<1x64xi32, #tpu.memory_space<vmem>> -> memref<64xi32, #tpu.memory_space<vmem>>
        %dma_wait3A_178 = arith.constant 0 : i32
        %dma_wait3A_179 = arith.constant 0 : i32
        %dma_wait3A_180 = tpu.memref_slice %arg2[%dma_wait3A_178, %dma_wait3A_179] : memref<81920x128xf32, #tpu.memory_space<hbm>> -> memref<81920x128xf32, #tpu.memory_space<hbm>>
        tpu.wait_indirect_dma semaphore(%arg10 : memref<!tpu.dma_semaphore, #tpu.memory_space<semaphore_mem>>) src(%dma_wait3A_180 : memref<81920x128xf32, #tpu.memory_space<hbm>>) dst(%dma_wait3A_174 : memref<64x128xf32, #tpu.memory_space<vmem>>)
        %dma_wait3A_181 = arith.constant 0 : i32
        %dma_wait3A_182 = arith.constant 64 : i32
        %dma_wait3A_183 = arith.constant 0 : i32
        %dma_wait3A_184 = tpu.memref_slice %arg8[%dma_wait3A_181, %dma_wait3A_182, %dma_wait3A_183] : memref<3x128x128xf32, #tpu.memory_space<vmem>> -> memref<1x64x128xf32, #tpu.memory_space<vmem>>
        %dma_wait3A_185 = tpu.memref_squeeze %dma_wait3A_184 : memref<1x64x128xf32, #tpu.memory_space<vmem>> -> memref<64x128xf32, #tpu.memory_space<vmem>>
        %dma_wait3A_186 = arith.constant 64 : i32
        %dma_wait3A_187 = tpu.memref_slice %arg6[%scan3A_108, %dma_wait3A_186] : memref<158x128xi32, #tpu.memory_space<vmem>> -> memref<1x64xi32, #tpu.memory_space<vmem>>
        %dma_wait3A_188 = tpu.memref_squeeze %dma_wait3A_187 : memref<1x64xi32, #tpu.memory_space<vmem>> -> memref<64xi32, #tpu.memory_space<vmem>>
        %dma_wait3A_189 = arith.constant 0 : i32
        %dma_wait3A_190 = arith.constant 0 : i32
        %dma_wait3A_191 = tpu.memref_slice %arg2[%dma_wait3A_189, %dma_wait3A_190] : memref<81920x128xf32, #tpu.memory_space<hbm>> -> memref<81920x128xf32, #tpu.memory_space<hbm>>
        tpu.wait_indirect_dma semaphore(%arg11 : memref<!tpu.dma_semaphore, #tpu.memory_space<semaphore_mem>>) src(%dma_wait3A_191 : memref<81920x128xf32, #tpu.memory_space<hbm>>) dst(%dma_wait3A_185 : memref<64x128xf32, #tpu.memory_space<vmem>>)
        %dma_start3A_192 = arith.constant 0 : i32
        %dma_start3A_193 = arith.constant 0 : i32
        %dma_start3A_194 = arith.constant 0 : i32
        %dma_start3A_195 = tpu.memref_slice %arg8[%dma_start3A_192, %dma_start3A_193, %dma_start3A_194] : memref<3x128x128xf32, #tpu.memory_space<vmem>> -> memref<1x128x128xf32, #tpu.memory_space<vmem>>
        %dma_start3A_196 = tpu.memref_squeeze %dma_start3A_195 : memref<1x128x128xf32, #tpu.memory_space<vmem>> -> memref<128x128xf32, #tpu.memory_space<vmem>>
        %dma_start3A_197 = arith.constant 0 : i32
        %dma_start3A_198 = tpu.memref_slice %arg7[%scan3A_108, %dma_start3A_197] : memref<158x128xi32, #tpu.memory_space<vmem>> -> memref<1x128xi32, #tpu.memory_space<vmem>>
        %dma_start3A_199 = tpu.memref_squeeze %dma_start3A_198 : memref<1x128xi32, #tpu.memory_space<vmem>> -> memref<128xi32, #tpu.memory_space<vmem>>
        %dma_start3A_200 = arith.constant 0 : i32
        %dma_start3A_201 = arith.constant 0 : i32
        %dma_start3A_202 = tpu.memref_slice %arg9[%dma_start3A_200, %dma_start3A_201] : memref<5120x128xf32, #tpu.memory_space<vmem_shared>> -> memref<5120x128xf32, #tpu.memory_space<vmem_shared>>
        tpu.enqueue_indirect_dma source(%dma_start3A_196 : memref<128x128xf32, #tpu.memory_space<vmem>>) target(%dma_start3A_202 : memref<5120x128xf32, #tpu.memory_space<vmem_shared>>) offsets(%dma_start3A_199 : memref<128xi32, #tpu.memory_space<vmem>>) semaphore(%arg16 : memref<!tpu.dma_semaphore, #tpu.memory_space<semaphore_mem>>) {add = true}
      } else {
      }
      %jit3A_121 = arith.constant 3 : i32
      %eq3A_122 = arith.constant 0 : i32
      %eq3A_123 = arith.cmpi eq, %jit3A_121, %eq3A_122 : i32
      %jit3A_124 = arith.constant 1 : i32
      %select_n3A_125 = arith.select %eq3A_123, %jit3A_124, %jit3A_121 : i32
      %rem3A_126 = arith.remsi %scan3A_108, %select_n3A_125 : i32
      %ne3A_127 = arith.constant 0 : i32
      %ne3A_128 = arith.cmpi ne, %rem3A_126, %ne3A_127 : i32
      %lt3A_129 = arith.constant 0 : i32
      %lt3A_130 = arith.cmpi slt, %rem3A_126, %lt3A_129 : i32
      %lt3A_131 = arith.constant 0 : i32
      %lt3A_132 = arith.cmpi slt, %select_n3A_125, %lt3A_131 : i32
      %ne3A_133 = arith.xori %lt3A_130, %lt3A_132 : i1
      %and3A_134 = arith.andi %ne3A_133, %ne3A_128 : i1
      %add3A_135 = arith.addi %rem3A_126, %select_n3A_125 : i32
      %select_n3A_136 = arith.select %and3A_134, %add3A_135, %rem3A_126 : i32
      %eq3A_137 = arith.constant 1 : i32
      %eq3A_138 = arith.cmpi eq, %select_n3A_136, %eq3A_137 : i32
      %convert_element_type3A_139 = arith.extui %eq3A_138 : i1 to i32
      %cond3A_140 = arith.constant 0 : i32
      %cond3A_141 = arith.cmpi ne, %convert_element_type3A_139, %cond3A_140 : i32
      scf.if %cond3A_141 {
        %add3A_163 = arith.constant 2 : i32
        %add3A_164 = arith.addi %scan3A_108, %add3A_163 : i32
        %lt3A_165 = arith.constant 158 : i32
        %lt3A_166 = arith.cmpi slt, %add3A_164, %lt3A_165 : i32
        %convert_element_type3A_167 = arith.extui %lt3A_166 : i1 to i32
        %cond3A_168 = arith.constant 0 : i32
        %cond3A_169 = arith.cmpi ne, %convert_element_type3A_167, %cond3A_168 : i32
        scf.if %cond3A_169 {
          %ge3A = arith.constant 1 : i32
          %ge3A_203 = arith.cmpi sge, %scan3A_108, %ge3A : i32
          %convert_element_type3A_204 = arith.extui %ge3A_203 : i1 to i32
          %cond3A_205 = arith.constant 0 : i32
          %cond3A_206 = arith.cmpi ne, %convert_element_type3A_204, %cond3A_205 : i32
          scf.if %cond3A_206 {
            %sub3A = arith.constant 1 : i32
            %sub3A_231 = arith.subi %scan3A_108, %sub3A : i32
            %dma_wait3A_232 = arith.constant 0 : i32
            %dma_wait3A_233 = arith.constant 0 : i32
            %dma_wait3A_234 = arith.constant 0 : i32
            %dma_wait3A_235 = tpu.memref_slice %arg8[%dma_wait3A_232, %dma_wait3A_233, %dma_wait3A_234] : memref<3x128x128xf32, #tpu.memory_space<vmem>> -> memref<1x128x128xf32, #tpu.memory_space<vmem>>
            %dma_wait3A_236 = tpu.memref_squeeze %dma_wait3A_235 : memref<1x128x128xf32, #tpu.memory_space<vmem>> -> memref<128x128xf32, #tpu.memory_space<vmem>>
            %dma_wait3A_237 = arith.constant 0 : i32
            %dma_wait3A_238 = tpu.memref_slice %arg7[%sub3A_231, %dma_wait3A_237] : memref<158x128xi32, #tpu.memory_space<vmem>> -> memref<1x128xi32, #tpu.memory_space<vmem>>
            %dma_wait3A_239 = tpu.memref_squeeze %dma_wait3A_238 : memref<1x128xi32, #tpu.memory_space<vmem>> -> memref<128xi32, #tpu.memory_space<vmem>>
            %dma_wait3A_240 = arith.constant 0 : i32
            %dma_wait3A_241 = arith.constant 0 : i32
            %dma_wait3A_242 = tpu.memref_slice %arg9[%dma_wait3A_240, %dma_wait3A_241] : memref<5120x128xf32, #tpu.memory_space<vmem_shared>> -> memref<5120x128xf32, #tpu.memory_space<vmem_shared>>
            tpu.wait_indirect_dma semaphore(%arg16 : memref<!tpu.dma_semaphore, #tpu.memory_space<semaphore_mem>>) src(%dma_wait3A_236 : memref<128x128xf32, #tpu.memory_space<vmem>>) dst(%dma_wait3A_242 : memref<5120x128xf32, #tpu.memory_space<vmem_shared>>)
          } else {
          }
          %add3A_207 = arith.constant 2 : i32
          %add3A_208 = arith.addi %scan3A_108, %add3A_207 : i32
          %dma_start3A_209 = arith.constant 0 : i32
          %dma_start3A_210 = arith.constant 0 : i32
          %dma_start3A_211 = arith.constant 0 : i32
          %dma_start3A_212 = tpu.memref_slice %arg8[%dma_start3A_209, %dma_start3A_210, %dma_start3A_211] : memref<3x128x128xf32, #tpu.memory_space<vmem>> -> memref<1x64x128xf32, #tpu.memory_space<vmem>>
          %dma_start3A_213 = tpu.memref_squeeze %dma_start3A_212 : memref<1x64x128xf32, #tpu.memory_space<vmem>> -> memref<64x128xf32, #tpu.memory_space<vmem>>
          %dma_start3A_214 = arith.constant 0 : i32
          %dma_start3A_215 = tpu.memref_slice %arg6[%add3A_208, %dma_start3A_214] : memref<158x128xi32, #tpu.memory_space<vmem>> -> memref<1x64xi32, #tpu.memory_space<vmem>>
          %dma_start3A_216 = tpu.memref_squeeze %dma_start3A_215 : memref<1x64xi32, #tpu.memory_space<vmem>> -> memref<64xi32, #tpu.memory_space<vmem>>
          %dma_start3A_217 = arith.constant 0 : i32
          %dma_start3A_218 = arith.constant 0 : i32
          %dma_start3A_219 = tpu.memref_slice %arg2[%dma_start3A_217, %dma_start3A_218] : memref<81920x128xf32, #tpu.memory_space<hbm>> -> memref<81920x128xf32, #tpu.memory_space<hbm>>
          tpu.enqueue_indirect_dma source(%dma_start3A_219 : memref<81920x128xf32, #tpu.memory_space<hbm>>) target(%dma_start3A_213 : memref<64x128xf32, #tpu.memory_space<vmem>>) offsets(%dma_start3A_216 : memref<64xi32, #tpu.memory_space<vmem>>) semaphore(%arg10 : memref<!tpu.dma_semaphore, #tpu.memory_space<semaphore_mem>>)
          %dma_start3A_220 = arith.constant 0 : i32
          %dma_start3A_221 = arith.constant 64 : i32
          %dma_start3A_222 = arith.constant 0 : i32
          %dma_start3A_223 = tpu.memref_slice %arg8[%dma_start3A_220, %dma_start3A_221, %dma_start3A_222] : memref<3x128x128xf32, #tpu.memory_space<vmem>> -> memref<1x64x128xf32, #tpu.memory_space<vmem>>
          %dma_start3A_224 = tpu.memref_squeeze %dma_start3A_223 : memref<1x64x128xf32, #tpu.memory_space<vmem>> -> memref<64x128xf32, #tpu.memory_space<vmem>>
          %dma_start3A_225 = arith.constant 64 : i32
          %dma_start3A_226 = tpu.memref_slice %arg6[%add3A_208, %dma_start3A_225] : memref<158x128xi32, #tpu.memory_space<vmem>> -> memref<1x64xi32, #tpu.memory_space<vmem>>
          %dma_start3A_227 = tpu.memref_squeeze %dma_start3A_226 : memref<1x64xi32, #tpu.memory_space<vmem>> -> memref<64xi32, #tpu.memory_space<vmem>>
          %dma_start3A_228 = arith.constant 0 : i32
          %dma_start3A_229 = arith.constant 0 : i32
          %dma_start3A_230 = tpu.memref_slice %arg2[%dma_start3A_228, %dma_start3A_229] : memref<81920x128xf32, #tpu.memory_space<hbm>> -> memref<81920x128xf32, #tpu.memory_space<hbm>>
          tpu.enqueue_indirect_dma source(%dma_start3A_230 : memref<81920x128xf32, #tpu.memory_space<hbm>>) target(%dma_start3A_224 : memref<64x128xf32, #tpu.memory_space<vmem>>) offsets(%dma_start3A_227 : memref<64xi32, #tpu.memory_space<vmem>>) semaphore(%arg11 : memref<!tpu.dma_semaphore, #tpu.memory_space<semaphore_mem>>)
        } else {
        }
        %dma_wait3A_170 = arith.constant 1 : i32
        %dma_wait3A_171 = arith.constant 0 : i32
        %dma_wait3A_172 = arith.constant 0 : i32
        %dma_wait3A_173 = tpu.memref_slice %arg8[%dma_wait3A_170, %dma_wait3A_171, %dma_wait3A_172] : memref<3x128x128xf32, #tpu.memory_space<vmem>> -> memref<1x64x128xf32, #tpu.memory_space<vmem>>
        %dma_wait3A_174 = tpu.memref_squeeze %dma_wait3A_173 : memref<1x64x128xf32, #tpu.memory_space<vmem>> -> memref<64x128xf32, #tpu.memory_space<vmem>>
        %dma_wait3A_175 = arith.constant 0 : i32
        %dma_wait3A_176 = tpu.memref_slice %arg6[%scan3A_108, %dma_wait3A_175] : memref<158x128xi32, #tpu.memory_space<vmem>> -> memref<1x64xi32, #tpu.memory_space<vmem>>
        %dma_wait3A_177 = tpu.memref_squeeze %dma_wait3A_176 : memref<1x64xi32, #tpu.memory_space<vmem>> -> memref<64xi32, #tpu.memory_space<vmem>>
        %dma_wait3A_178 = arith.constant 0 : i32
        %dma_wait3A_179 = arith.constant 0 : i32
        %dma_wait3A_180 = tpu.memref_slice %arg2[%dma_wait3A_178, %dma_wait3A_179] : memref<81920x128xf32, #tpu.memory_space<hbm>> -> memref<81920x128xf32, #tpu.memory_space<hbm>>
        tpu.wait_indirect_dma semaphore(%arg12 : memref<!tpu.dma_semaphore, #tpu.memory_space<semaphore_mem>>) src(%dma_wait3A_180 : memref<81920x128xf32, #tpu.memory_space<hbm>>) dst(%dma_wait3A_174 : memref<64x128xf32, #tpu.memory_space<vmem>>)
        %dma_wait3A_181 = arith.constant 1 : i32
        %dma_wait3A_182 = arith.constant 64 : i32
        %dma_wait3A_183 = arith.constant 0 : i32
        %dma_wait3A_184 = tpu.memref_slice %arg8[%dma_wait3A_181, %dma_wait3A_182, %dma_wait3A_183] : memref<3x128x128xf32, #tpu.memory_space<vmem>> -> memref<1x64x128xf32, #tpu.memory_space<vmem>>
        %dma_wait3A_185 = tpu.memref_squeeze %dma_wait3A_184 : memref<1x64x128xf32, #tpu.memory_space<vmem>> -> memref<64x128xf32, #tpu.memory_space<vmem>>
        %dma_wait3A_186 = arith.constant 64 : i32
        %dma_wait3A_187 = tpu.memref_slice %arg6[%scan3A_108, %dma_wait3A_186] : memref<158x128xi32, #tpu.memory_space<vmem>> -> memref<1x64xi32, #tpu.memory_space<vmem>>
        %dma_wait3A_188 = tpu.memref_squeeze %dma_wait3A_187 : memref<1x64xi32, #tpu.memory_space<vmem>> -> memref<64xi32, #tpu.memory_space<vmem>>
        %dma_wait3A_189 = arith.constant 0 : i32
        %dma_wait3A_190 = arith.constant 0 : i32
        %dma_wait3A_191 = tpu.memref_slice %arg2[%dma_wait3A_189, %dma_wait3A_190] : memref<81920x128xf32, #tpu.memory_space<hbm>> -> memref<81920x128xf32, #tpu.memory_space<hbm>>
        tpu.wait_indirect_dma semaphore(%arg13 : memref<!tpu.dma_semaphore, #tpu.memory_space<semaphore_mem>>) src(%dma_wait3A_191 : memref<81920x128xf32, #tpu.memory_space<hbm>>) dst(%dma_wait3A_185 : memref<64x128xf32, #tpu.memory_space<vmem>>)
        %dma_start3A_192 = arith.constant 1 : i32
        %dma_start3A_193 = arith.constant 0 : i32
        %dma_start3A_194 = arith.constant 0 : i32
        %dma_start3A_195 = tpu.memref_slice %arg8[%dma_start3A_192, %dma_start3A_193, %dma_start3A_194] : memref<3x128x128xf32, #tpu.memory_space<vmem>> -> memref<1x128x128xf32, #tpu.memory_space<vmem>>
        %dma_start3A_196 = tpu.memref_squeeze %dma_start3A_195 : memref<1x128x128xf32, #tpu.memory_space<vmem>> -> memref<128x128xf32, #tpu.memory_space<vmem>>
        %dma_start3A_197 = arith.constant 0 : i32
        %dma_start3A_198 = tpu.memref_slice %arg7[%scan3A_108, %dma_start3A_197] : memref<158x128xi32, #tpu.memory_space<vmem>> -> memref<1x128xi32, #tpu.memory_space<vmem>>
        %dma_start3A_199 = tpu.memref_squeeze %dma_start3A_198 : memref<1x128xi32, #tpu.memory_space<vmem>> -> memref<128xi32, #tpu.memory_space<vmem>>
        %dma_start3A_200 = arith.constant 0 : i32
        %dma_start3A_201 = arith.constant 0 : i32
        %dma_start3A_202 = tpu.memref_slice %arg9[%dma_start3A_200, %dma_start3A_201] : memref<5120x128xf32, #tpu.memory_space<vmem_shared>> -> memref<5120x128xf32, #tpu.memory_space<vmem_shared>>
        tpu.enqueue_indirect_dma source(%dma_start3A_196 : memref<128x128xf32, #tpu.memory_space<vmem>>) target(%dma_start3A_202 : memref<5120x128xf32, #tpu.memory_space<vmem_shared>>) offsets(%dma_start3A_199 : memref<128xi32, #tpu.memory_space<vmem>>) semaphore(%arg17 : memref<!tpu.dma_semaphore, #tpu.memory_space<semaphore_mem>>) {add = true}
      } else {
      }
      %jit3A_142 = arith.constant 3 : i32
      %eq3A_143 = arith.constant 0 : i32
      %eq3A_144 = arith.cmpi eq, %jit3A_142, %eq3A_143 : i32
      %jit3A_145 = arith.constant 1 : i32
      %select_n3A_146 = arith.select %eq3A_144, %jit3A_145, %jit3A_142 : i32
      %rem3A_147 = arith.remsi %scan3A_108, %select_n3A_146 : i32
      %ne3A_148 = arith.constant 0 : i32
      %ne3A_149 = arith.cmpi ne, %rem3A_147, %ne3A_148 : i32
      %lt3A_150 = arith.constant 0 : i32
      %lt3A_151 = arith.cmpi slt, %rem3A_147, %lt3A_150 : i32
      %lt3A_152 = arith.constant 0 : i32
      %lt3A_153 = arith.cmpi slt, %select_n3A_146, %lt3A_152 : i32
      %ne3A_154 = arith.xori %lt3A_151, %lt3A_153 : i1
      %and3A_155 = arith.andi %ne3A_154, %ne3A_149 : i1
      %add3A_156 = arith.addi %rem3A_147, %select_n3A_146 : i32
      %select_n3A_157 = arith.select %and3A_155, %add3A_156, %rem3A_147 : i32
      %eq3A_158 = arith.constant 2 : i32
      %eq3A_159 = arith.cmpi eq, %select_n3A_157, %eq3A_158 : i32
      %convert_element_type3A_160 = arith.extui %eq3A_159 : i1 to i32
      %cond3A_161 = arith.constant 0 : i32
      %cond3A_162 = arith.cmpi ne, %convert_element_type3A_160, %cond3A_161 : i32
      scf.if %cond3A_162 {
        %add3A_163 = arith.constant 2 : i32
        %add3A_164 = arith.addi %scan3A_108, %add3A_163 : i32
        %lt3A_165 = arith.constant 158 : i32
        %lt3A_166 = arith.cmpi slt, %add3A_164, %lt3A_165 : i32
        %convert_element_type3A_167 = arith.extui %lt3A_166 : i1 to i32
        %cond3A_168 = arith.constant 0 : i32
        %cond3A_169 = arith.cmpi ne, %convert_element_type3A_167, %cond3A_168 : i32
        scf.if %cond3A_169 {
          %ge3A = arith.constant 1 : i32
          %ge3A_203 = arith.cmpi sge, %scan3A_108, %ge3A : i32
          %convert_element_type3A_204 = arith.extui %ge3A_203 : i1 to i32
          %cond3A_205 = arith.constant 0 : i32
          %cond3A_206 = arith.cmpi ne, %convert_element_type3A_204, %cond3A_205 : i32
          scf.if %cond3A_206 {
            %sub3A = arith.constant 1 : i32
            %sub3A_231 = arith.subi %scan3A_108, %sub3A : i32
            %dma_wait3A_232 = arith.constant 1 : i32
            %dma_wait3A_233 = arith.constant 0 : i32
            %dma_wait3A_234 = arith.constant 0 : i32
            %dma_wait3A_235 = tpu.memref_slice %arg8[%dma_wait3A_232, %dma_wait3A_233, %dma_wait3A_234] : memref<3x128x128xf32, #tpu.memory_space<vmem>> -> memref<1x128x128xf32, #tpu.memory_space<vmem>>
            %dma_wait3A_236 = tpu.memref_squeeze %dma_wait3A_235 : memref<1x128x128xf32, #tpu.memory_space<vmem>> -> memref<128x128xf32, #tpu.memory_space<vmem>>
            %dma_wait3A_237 = arith.constant 0 : i32
            %dma_wait3A_238 = tpu.memref_slice %arg7[%sub3A_231, %dma_wait3A_237] : memref<158x128xi32, #tpu.memory_space<vmem>> -> memref<1x128xi32, #tpu.memory_space<vmem>>
            %dma_wait3A_239 = tpu.memref_squeeze %dma_wait3A_238 : memref<1x128xi32, #tpu.memory_space<vmem>> -> memref<128xi32, #tpu.memory_space<vmem>>
            %dma_wait3A_240 = arith.constant 0 : i32
            %dma_wait3A_241 = arith.constant 0 : i32
            %dma_wait3A_242 = tpu.memref_slice %arg9[%dma_wait3A_240, %dma_wait3A_241] : memref<5120x128xf32, #tpu.memory_space<vmem_shared>> -> memref<5120x128xf32, #tpu.memory_space<vmem_shared>>
            tpu.wait_indirect_dma semaphore(%arg17 : memref<!tpu.dma_semaphore, #tpu.memory_space<semaphore_mem>>) src(%dma_wait3A_236 : memref<128x128xf32, #tpu.memory_space<vmem>>) dst(%dma_wait3A_242 : memref<5120x128xf32, #tpu.memory_space<vmem_shared>>)
          } else {
          }
          %add3A_207 = arith.constant 2 : i32
          %add3A_208 = arith.addi %scan3A_108, %add3A_207 : i32
          %dma_start3A_209 = arith.constant 1 : i32
          %dma_start3A_210 = arith.constant 0 : i32
          %dma_start3A_211 = arith.constant 0 : i32
          %dma_start3A_212 = tpu.memref_slice %arg8[%dma_start3A_209, %dma_start3A_210, %dma_start3A_211] : memref<3x128x128xf32, #tpu.memory_space<vmem>> -> memref<1x64x128xf32, #tpu.memory_space<vmem>>
          %dma_start3A_213 = tpu.memref_squeeze %dma_start3A_212 : memref<1x64x128xf32, #tpu.memory_space<vmem>> -> memref<64x128xf32, #tpu.memory_space<vmem>>
          %dma_start3A_214 = arith.constant 0 : i32
          %dma_start3A_215 = tpu.memref_slice %arg6[%add3A_208, %dma_start3A_214] : memref<158x128xi32, #tpu.memory_space<vmem>> -> memref<1x64xi32, #tpu.memory_space<vmem>>
          %dma_start3A_216 = tpu.memref_squeeze %dma_start3A_215 : memref<1x64xi32, #tpu.memory_space<vmem>> -> memref<64xi32, #tpu.memory_space<vmem>>
          %dma_start3A_217 = arith.constant 0 : i32
          %dma_start3A_218 = arith.constant 0 : i32
          %dma_start3A_219 = tpu.memref_slice %arg2[%dma_start3A_217, %dma_start3A_218] : memref<81920x128xf32, #tpu.memory_space<hbm>> -> memref<81920x128xf32, #tpu.memory_space<hbm>>
          tpu.enqueue_indirect_dma source(%dma_start3A_219 : memref<81920x128xf32, #tpu.memory_space<hbm>>) target(%dma_start3A_213 : memref<64x128xf32, #tpu.memory_space<vmem>>) offsets(%dma_start3A_216 : memref<64xi32, #tpu.memory_space<vmem>>) semaphore(%arg12 : memref<!tpu.dma_semaphore, #tpu.memory_space<semaphore_mem>>)
          %dma_start3A_220 = arith.constant 1 : i32
          %dma_start3A_221 = arith.constant 64 : i32
          %dma_start3A_222 = arith.constant 0 : i32
          %dma_start3A_223 = tpu.memref_slice %arg8[%dma_start3A_220, %dma_start3A_221, %dma_start3A_222] : memref<3x128x128xf32, #tpu.memory_space<vmem>> -> memref<1x64x128xf32, #tpu.memory_space<vmem>>
          %dma_start3A_224 = tpu.memref_squeeze %dma_start3A_223 : memref<1x64x128xf32, #tpu.memory_space<vmem>> -> memref<64x128xf32, #tpu.memory_space<vmem>>
          %dma_start3A_225 = arith.constant 64 : i32
          %dma_start3A_226 = tpu.memref_slice %arg6[%add3A_208, %dma_start3A_225] : memref<158x128xi32, #tpu.memory_space<vmem>> -> memref<1x64xi32, #tpu.memory_space<vmem>>
          %dma_start3A_227 = tpu.memref_squeeze %dma_start3A_226 : memref<1x64xi32, #tpu.memory_space<vmem>> -> memref<64xi32, #tpu.memory_space<vmem>>
          %dma_start3A_228 = arith.constant 0 : i32
          %dma_start3A_229 = arith.constant 0 : i32
          %dma_start3A_230 = tpu.memref_slice %arg2[%dma_start3A_228, %dma_start3A_229] : memref<81920x128xf32, #tpu.memory_space<hbm>> -> memref<81920x128xf32, #tpu.memory_space<hbm>>
          tpu.enqueue_indirect_dma source(%dma_start3A_230 : memref<81920x128xf32, #tpu.memory_space<hbm>>) target(%dma_start3A_224 : memref<64x128xf32, #tpu.memory_space<vmem>>) offsets(%dma_start3A_227 : memref<64xi32, #tpu.memory_space<vmem>>) semaphore(%arg13 : memref<!tpu.dma_semaphore, #tpu.memory_space<semaphore_mem>>)
        } else {
        }
        %dma_wait3A_170 = arith.constant 2 : i32
        %dma_wait3A_171 = arith.constant 0 : i32
        %dma_wait3A_172 = arith.constant 0 : i32
        %dma_wait3A_173 = tpu.memref_slice %arg8[%dma_wait3A_170, %dma_wait3A_171, %dma_wait3A_172] : memref<3x128x128xf32, #tpu.memory_space<vmem>> -> memref<1x64x128xf32, #tpu.memory_space<vmem>>
        %dma_wait3A_174 = tpu.memref_squeeze %dma_wait3A_173 : memref<1x64x128xf32, #tpu.memory_space<vmem>> -> memref<64x128xf32, #tpu.memory_space<vmem>>
        %dma_wait3A_175 = arith.constant 0 : i32
        %dma_wait3A_176 = tpu.memref_slice %arg6[%scan3A_108, %dma_wait3A_175] : memref<158x128xi32, #tpu.memory_space<vmem>> -> memref<1x64xi32, #tpu.memory_space<vmem>>
        %dma_wait3A_177 = tpu.memref_squeeze %dma_wait3A_176 : memref<1x64xi32, #tpu.memory_space<vmem>> -> memref<64xi32, #tpu.memory_space<vmem>>
        %dma_wait3A_178 = arith.constant 0 : i32
        %dma_wait3A_179 = arith.constant 0 : i32
        %dma_wait3A_180 = tpu.memref_slice %arg2[%dma_wait3A_178, %dma_wait3A_179] : memref<81920x128xf32, #tpu.memory_space<hbm>> -> memref<81920x128xf32, #tpu.memory_space<hbm>>
        tpu.wait_indirect_dma semaphore(%arg14 : memref<!tpu.dma_semaphore, #tpu.memory_space<semaphore_mem>>) src(%dma_wait3A_180 : memref<81920x128xf32, #tpu.memory_space<hbm>>) dst(%dma_wait3A_174 : memref<64x128xf32, #tpu.memory_space<vmem>>)
        %dma_wait3A_181 = arith.constant 2 : i32
        %dma_wait3A_182 = arith.constant 64 : i32
        %dma_wait3A_183 = arith.constant 0 : i32
        %dma_wait3A_184 = tpu.memref_slice %arg8[%dma_wait3A_181, %dma_wait3A_182, %dma_wait3A_183] : memref<3x128x128xf32, #tpu.memory_space<vmem>> -> memref<1x64x128xf32, #tpu.memory_space<vmem>>
        %dma_wait3A_185 = tpu.memref_squeeze %dma_wait3A_184 : memref<1x64x128xf32, #tpu.memory_space<vmem>> -> memref<64x128xf32, #tpu.memory_space<vmem>>
        %dma_wait3A_186 = arith.constant 64 : i32
        %dma_wait3A_187 = tpu.memref_slice %arg6[%scan3A_108, %dma_wait3A_186] : memref<158x128xi32, #tpu.memory_space<vmem>> -> memref<1x64xi32, #tpu.memory_space<vmem>>
        %dma_wait3A_188 = tpu.memref_squeeze %dma_wait3A_187 : memref<1x64xi32, #tpu.memory_space<vmem>> -> memref<64xi32, #tpu.memory_space<vmem>>
        %dma_wait3A_189 = arith.constant 0 : i32
        %dma_wait3A_190 = arith.constant 0 : i32
        %dma_wait3A_191 = tpu.memref_slice %arg2[%dma_wait3A_189, %dma_wait3A_190] : memref<81920x128xf32, #tpu.memory_space<hbm>> -> memref<81920x128xf32, #tpu.memory_space<hbm>>
        tpu.wait_indirect_dma semaphore(%arg15 : memref<!tpu.dma_semaphore, #tpu.memory_space<semaphore_mem>>) src(%dma_wait3A_191 : memref<81920x128xf32, #tpu.memory_space<hbm>>) dst(%dma_wait3A_185 : memref<64x128xf32, #tpu.memory_space<vmem>>)
        %dma_start3A_192 = arith.constant 2 : i32
        %dma_start3A_193 = arith.constant 0 : i32
        %dma_start3A_194 = arith.constant 0 : i32
        %dma_start3A_195 = tpu.memref_slice %arg8[%dma_start3A_192, %dma_start3A_193, %dma_start3A_194] : memref<3x128x128xf32, #tpu.memory_space<vmem>> -> memref<1x128x128xf32, #tpu.memory_space<vmem>>
        %dma_start3A_196 = tpu.memref_squeeze %dma_start3A_195 : memref<1x128x128xf32, #tpu.memory_space<vmem>> -> memref<128x128xf32, #tpu.memory_space<vmem>>
        %dma_start3A_197 = arith.constant 0 : i32
        %dma_start3A_198 = tpu.memref_slice %arg7[%scan3A_108, %dma_start3A_197] : memref<158x128xi32, #tpu.memory_space<vmem>> -> memref<1x128xi32, #tpu.memory_space<vmem>>
        %dma_start3A_199 = tpu.memref_squeeze %dma_start3A_198 : memref<1x128xi32, #tpu.memory_space<vmem>> -> memref<128xi32, #tpu.memory_space<vmem>>
        %dma_start3A_200 = arith.constant 0 : i32
        %dma_start3A_201 = arith.constant 0 : i32
        %dma_start3A_202 = tpu.memref_slice %arg9[%dma_start3A_200, %dma_start3A_201] : memref<5120x128xf32, #tpu.memory_space<vmem_shared>> -> memref<5120x128xf32, #tpu.memory_space<vmem_shared>>
        tpu.enqueue_indirect_dma source(%dma_start3A_196 : memref<128x128xf32, #tpu.memory_space<vmem>>) target(%dma_start3A_202 : memref<5120x128xf32, #tpu.memory_space<vmem_shared>>) offsets(%dma_start3A_199 : memref<128xi32, #tpu.memory_space<vmem>>) semaphore(%arg18 : memref<!tpu.dma_semaphore, #tpu.memory_space<semaphore_mem>>) {add = true}
      } else {
      }
    }
    %scan3A_69 = arith.constant 158 : i32
    %dma_wait3A = arith.constant 2 : i32
    %dma_wait3A_70 = arith.constant 155 : i32
    %dma_wait3A_71 = arith.constant 0 : i32
    %dma_wait3A_72 = arith.constant 0 : i32
    %dma_wait3A_73 = tpu.memref_slice %arg8[%dma_wait3A, %dma_wait3A_71, %dma_wait3A_72] : memref<3x128x128xf32, #tpu.memory_space<vmem>> -> memref<1x128x128xf32, #tpu.memory_space<vmem>>
    %dma_wait3A_74 = tpu.memref_squeeze %dma_wait3A_73 : memref<1x128x128xf32, #tpu.memory_space<vmem>> -> memref<128x128xf32, #tpu.memory_space<vmem>>
    %dma_wait3A_75 = arith.constant 0 : i32
    %dma_wait3A_76 = tpu.memref_slice %arg7[%dma_wait3A_70, %dma_wait3A_75] : memref<158x128xi32, #tpu.memory_space<vmem>> -> memref<1x128xi32, #tpu.memory_space<vmem>>
    %dma_wait3A_77 = tpu.memref_squeeze %dma_wait3A_76 : memref<1x128xi32, #tpu.memory_space<vmem>> -> memref<128xi32, #tpu.memory_space<vmem>>
    %dma_wait3A_78 = arith.constant 0 : i32
    %dma_wait3A_79 = arith.constant 0 : i32
    %dma_wait3A_80 = tpu.memref_slice %arg9[%dma_wait3A_78, %dma_wait3A_79] : memref<5120x128xf32, #tpu.memory_space<vmem_shared>> -> memref<5120x128xf32, #tpu.memory_space<vmem_shared>>
    tpu.wait_indirect_dma semaphore(%arg18 : memref<!tpu.dma_semaphore, #tpu.memory_space<semaphore_mem>>) src(%dma_wait3A_74 : memref<128x128xf32, #tpu.memory_space<vmem>>) dst(%dma_wait3A_80 : memref<5120x128xf32, #tpu.memory_space<vmem_shared>>)
    %dma_wait3A_81 = arith.constant 0 : i32
    %dma_wait3A_82 = arith.constant 156 : i32
    %dma_wait3A_83 = arith.constant 0 : i32
    %dma_wait3A_84 = arith.constant 0 : i32
    %dma_wait3A_85 = tpu.memref_slice %arg8[%dma_wait3A_81, %dma_wait3A_83, %dma_wait3A_84] : memref<3x128x128xf32, #tpu.memory_space<vmem>> -> memref<1x128x128xf32, #tpu.memory_space<vmem>>
    %dma_wait3A_86 = tpu.memref_squeeze %dma_wait3A_85 : memref<1x128x128xf32, #tpu.memory_space<vmem>> -> memref<128x128xf32, #tpu.memory_space<vmem>>
    %dma_wait3A_87 = arith.constant 0 : i32
    %dma_wait3A_88 = tpu.memref_slice %arg7[%dma_wait3A_82, %dma_wait3A_87] : memref<158x128xi32, #tpu.memory_space<vmem>> -> memref<1x128xi32, #tpu.memory_space<vmem>>
    %dma_wait3A_89 = tpu.memref_squeeze %dma_wait3A_88 : memref<1x128xi32, #tpu.memory_space<vmem>> -> memref<128xi32, #tpu.memory_space<vmem>>
    %dma_wait3A_90 = arith.constant 0 : i32
    %dma_wait3A_91 = arith.constant 0 : i32
    %dma_wait3A_92 = tpu.memref_slice %arg9[%dma_wait3A_90, %dma_wait3A_91] : memref<5120x128xf32, #tpu.memory_space<vmem_shared>> -> memref<5120x128xf32, #tpu.memory_space<vmem_shared>>
    tpu.wait_indirect_dma semaphore(%arg16 : memref<!tpu.dma_semaphore, #tpu.memory_space<semaphore_mem>>) src(%dma_wait3A_86 : memref<128x128xf32, #tpu.memory_space<vmem>>) dst(%dma_wait3A_92 : memref<5120x128xf32, #tpu.memory_space<vmem_shared>>)
    %dma_wait3A_93 = arith.constant 1 : i32
    %dma_wait3A_94 = arith.constant 157 : i32
    %dma_wait3A_95 = arith.constant 0 : i32
    %dma_wait3A_96 = arith.constant 0 : i32
    %dma_wait3A_97 = tpu.memref_slice %arg8[%dma_wait3A_93, %dma_wait3A_95, %dma_wait3A_96] : memref<3x128x128xf32, #tpu.memory_space<vmem>> -> memref<1x128x128xf32, #tpu.memory_space<vmem>>
    %dma_wait3A_98 = tpu.memref_squeeze %dma_wait3A_97 : memref<1x128x128xf32, #tpu.memory_space<vmem>> -> memref<128x128xf32, #tpu.memory_space<vmem>>
    %dma_wait3A_99 = arith.constant 0 : i32
    %dma_wait3A_100 = tpu.memref_slice %arg7[%dma_wait3A_94, %dma_wait3A_99] : memref<158x128xi32, #tpu.memory_space<vmem>> -> memref<1x128xi32, #tpu.memory_space<vmem>>
    %dma_wait3A_101 = tpu.memref_squeeze %dma_wait3A_100 : memref<1x128xi32, #tpu.memory_space<vmem>> -> memref<128xi32, #tpu.memory_space<vmem>>
    %dma_wait3A_102 = arith.constant 0 : i32
    %dma_wait3A_103 = arith.constant 0 : i32
    %dma_wait3A_104 = tpu.memref_slice %arg9[%dma_wait3A_102, %dma_wait3A_103] : memref<5120x128xf32, #tpu.memory_space<vmem_shared>> -> memref<5120x128xf32, #tpu.memory_space<vmem_shared>>
    tpu.wait_indirect_dma semaphore(%arg17 : memref<!tpu.dma_semaphore, #tpu.memory_space<semaphore_mem>>) src(%dma_wait3A_98 : memref<128x128xf32, #tpu.memory_space<vmem>>) dst(%dma_wait3A_104 : memref<5120x128xf32, #tpu.memory_space<vmem_shared>>)
    %barrier3A_105 = arith.constant 0 : index
    tpu.barrier barrier_id(%barrier3A_105)
    %mul3A_106 = arith.constant 320 : i32
    %mul3A_107 = arith.muli %arg1, %mul3A_106 : i32
    "tpu.region"() ({
      %run_scoped3A_108 = tpu.sem_alloc : memref<!tpu.dma_semaphore, #tpu.memory_space<semaphore_mem>>
      %dma_start3A_109 = arith.constant 0 : i32
      %dma_start3A_110 = arith.constant 0 : i32
      %dma_start3A_111 = tpu.memref_slice %arg5[%arg0, %arg1, %dma_start3A_109, %dma_start3A_110] : memref<2x16x320x128xf32, #tpu.memory_space<hbm>> -> memref<1x1x320x128xf32, #tpu.memory_space<hbm>>
      %dma_start3A_112 = tpu.memref_squeeze %dma_start3A_111 : memref<1x1x320x128xf32, #tpu.memory_space<hbm>> -> memref<320x128xf32, #tpu.memory_space<hbm>>
      %dma_start3A_113 = arith.constant 0 : i32
      %dma_start3A_114 = tpu.memref_slice %arg9[%mul3A_107, %dma_start3A_113] : memref<5120x128xf32, #tpu.memory_space<vmem_shared>> -> memref<320x128xf32, #tpu.memory_space<vmem_shared>>
      tpu.enqueue_dma source(%dma_start3A_114 : memref<320x128xf32, #tpu.memory_space<vmem_shared>>) target(%dma_start3A_112 : memref<320x128xf32, #tpu.memory_space<hbm>>) target_semaphore(%run_scoped3A_108 : memref<!tpu.dma_semaphore, #tpu.memory_space<semaphore_mem>>)
      %dma_wait3A_115 = arith.constant 0 : i32
      %dma_wait3A_116 = arith.constant 0 : i32
      %dma_wait3A_117 = tpu.memref_slice %arg5[%arg0, %arg1, %dma_wait3A_115, %dma_wait3A_116] : memref<2x16x320x128xf32, #tpu.memory_space<hbm>> -> memref<1x1x320x128xf32, #tpu.memory_space<hbm>>
      %dma_wait3A_118 = tpu.memref_squeeze %dma_wait3A_117 : memref<1x1x320x128xf32, #tpu.memory_space<hbm>> -> memref<320x128xf32, #tpu.memory_space<hbm>>
      %dma_wait3A_119 = arith.constant 0 : i32
      %dma_wait3A_120 = tpu.memref_slice %arg9[%mul3A_107, %dma_wait3A_119] : memref<5120x128xf32, #tpu.memory_space<vmem_shared>> -> memref<320x128xf32, #tpu.memory_space<vmem_shared>>
      tpu.wait_dma2 semaphore(%run_scoped3A_108 : memref<!tpu.dma_semaphore, #tpu.memory_space<semaphore_mem>>) src(%dma_wait3A_120 : memref<320x128xf32, #tpu.memory_space<vmem_shared>>) dst(%dma_wait3A_118 : memref<320x128xf32, #tpu.memory_space<hbm>>)
      tpu.yield
    }) : () -> ()
    return
  }
}

#map = affine_map<(d0, d1) -> (0, 0)>
#map1 = affine_map<(d0, d1) -> (0, 0, 0)>
#map2 = affine_map<(d0, d1) -> (0, 0, 0, 0)>
module attributes {stable_mosaic.version = 14 : i64} {
  func.func @_msg_body(%arg0: i32, %arg1: i32, %arg2: memref<81920x128xf32, #tpu.memory_space<hbm>>, %arg3: memref<16x158x128xi32, #tpu.memory_space<hbm>>, %arg4: memref<2x16x158x128xi32, #tpu.memory_space<hbm>>, %arg5: memref<2x16x320x128xf32, #tpu.memory_space<hbm>>, %arg6: memref<158x128xi32, #tpu.memory_space<vmem>>, %arg7: memref<158x128xi32, #tpu.memory_space<vmem>>, %arg8: memref<3x128x128xf32, #tpu.memory_space<vmem>>, %arg9: memref<5120x128xf32, #tpu.memory_space<vmem_shared>>, %arg10: memref<!tpu.dma_semaphore, #tpu.memory_space<semaphore_mem>>, %arg11: memref<!tpu.dma_semaphore, #tpu.memory_space<semaphore_mem>>, %arg12: memref<!tpu.dma_semaphore, #tpu.memory_space<semaphore_mem>>, %arg13: memref<!tpu.dma_semaphore, #tpu.memory_space<semaphore_mem>>, %arg14: memref<!tpu.dma_semaphore, #tpu.memory_space<semaphore_mem>>, %arg15: memref<!tpu.dma_semaphore, #tpu.memory_space<semaphore_mem>>, %arg16: memref<!tpu.dma_semaphore, #tpu.memory_space<semaphore_mem>>, %arg17: memref<!tpu.dma_semaphore, #tpu.memory_space<semaphore_mem>>, %arg18: memref<!tpu.dma_semaphore, #tpu.memory_space<semaphore_mem>>) attributes {dimension_semantics = [#tpu.dimension_semantics<core_parallel>, #tpu.dimension_semantics<subcore_parallel>], iteration_bounds = array<i64: 2, 16>, scalar_prefetch = 0 : i64, scratch_operands = 13 : i64, tpu.core_type = #tpu.core_type<sc_vector_subcore>, window_params = [{transform_indices = #map}, {transform_indices = #map1}, {transform_indices = #map2}, {transform_indices = #map2}]} {
    %scan3A = arith.constant 0 : i32
    %scan3A_0 = arith.constant 0 : i32
    %scan3A_1 = arith.constant 128 : i32
    %scan3A_2 = arith.addi %scan3A_0, %scan3A_1 : i32
    %scan3A_3 = arith.constant 1 : i32
    scf.for %scan3A_108 = %scan3A_0 to %scan3A_2 step %scan3A_3  : i32 {
      %broadcast_in_dim3A = arith.constant 0.000000e+00 : f32
      %broadcast_in_dim3A_109 = vector.broadcast %broadcast_in_dim3A : f32 to vector<16xf32>
      %swap3A = arith.constant 0 : i32
      %swap3A_110 = arith.index_cast %swap3A : i32 to index
      %swap3A_111 = arith.index_cast %scan3A_108 : i32 to index
      %swap3A_112 = arith.constant 0 : index
      %swap3A_113 = tpu.vector_load %arg8[%swap3A_110, %swap3A_111, %swap3A_112] {strides = array<i32>} : memref<3x128x128xf32, #tpu.memory_space<vmem>>, vector<1x1x16xf32>,
      %swap3A_114 = vector.shape_cast %swap3A_113 : vector<1x1x16xf32> to vector<16xf32>
      %swap3A_115 = vector.shape_cast %broadcast_in_dim3A_109 : vector<16xf32> to vector<1x1x16xf32>
      tpu.vector_store %arg8[%swap3A_110, %swap3A_111, %swap3A_112], %swap3A_115 {strides = array<i32>} : memref<3x128x128xf32, #tpu.memory_space<vmem>>, vector<1x1x16xf32>,
      %broadcast_in_dim3A_116 = arith.constant 0.000000e+00 : f32
      %broadcast_in_dim3A_117 = vector.broadcast %broadcast_in_dim3A_116 : f32 to vector<16xf32>
      %swap3A_118 = arith.constant 0 : i32
      %swap3A_119 = arith.index_cast %swap3A_118 : i32 to index
      %swap3A_120 = arith.index_cast %scan3A_108 : i32 to index
      %swap3A_121 = arith.constant 16 : index
      %swap3A_122 = tpu.vector_load %arg8[%swap3A_119, %swap3A_120, %swap3A_121] {strides = array<i32>} : memref<3x128x128xf32, #tpu.memory_space<vmem>>, vector<1x1x16xf32>,
      %swap3A_123 = vector.shape_cast %swap3A_122 : vector<1x1x16xf32> to vector<16xf32>
      %swap3A_124 = vector.shape_cast %broadcast_in_dim3A_117 : vector<16xf32> to vector<1x1x16xf32>
      tpu.vector_store %arg8[%swap3A_119, %swap3A_120, %swap3A_121], %swap3A_124 {strides = array<i32>} : memref<3x128x128xf32, #tpu.memory_space<vmem>>, vector<1x1x16xf32>,
      %broadcast_in_dim3A_125 = arith.constant 0.000000e+00 : f32
      %broadcast_in_dim3A_126 = vector.broadcast %broadcast_in_dim3A_125 : f32 to vector<16xf32>
      %swap3A_127 = arith.constant 0 : i32
      %swap3A_128 = arith.index_cast %swap3A_127 : i32 to index
      %swap3A_129 = arith.index_cast %scan3A_108 : i32 to index
      %swap3A_130 = arith.constant 32 : index
      %swap3A_131 = tpu.vector_load %arg8[%swap3A_128, %swap3A_129, %swap3A_130] {strides = array<i32>} : memref<3x128x128xf32, #tpu.memory_space<vmem>>, vector<1x1x16xf32>,
      %swap3A_132 = vector.shape_cast %swap3A_131 : vector<1x1x16xf32> to vector<16xf32>
      %swap3A_133 = vector.shape_cast %broadcast_in_dim3A_126 : vector<16xf32> to vector<1x1x16xf32>
      tpu.vector_store %arg8[%swap3A_128, %swap3A_129, %swap3A_130], %swap3A_133 {strides = array<i32>} : memref<3x128x128xf32, #tpu.memory_space<vmem>>, vector<1x1x16xf32>,
      %broadcast_in_dim3A_134 = arith.constant 0.000000e+00 : f32
      %broadcast_in_dim3A_135 = vector.broadcast %broadcast_in_dim3A_134 : f32 to vector<16xf32>
      %swap3A_136 = arith.constant 0 : i32
      %swap3A_137 = arith.index_cast %swap3A_136 : i32 to index
      %swap3A_138 = arith.index_cast %scan3A_108 : i32 to index
      %swap3A_139 = arith.constant 48 : index
      %swap3A_140 = tpu.vector_load %arg8[%swap3A_137, %swap3A_138, %swap3A_139] {strides = array<i32>} : memref<3x128x128xf32, #tpu.memory_space<vmem>>, vector<1x1x16xf32>,
      %swap3A_141 = vector.shape_cast %swap3A_140 : vector<1x1x16xf32> to vector<16xf32>
      %swap3A_142 = vector.shape_cast %broadcast_in_dim3A_135 : vector<16xf32> to vector<1x1x16xf32>
      tpu.vector_store %arg8[%swap3A_137, %swap3A_138, %swap3A_139], %swap3A_142 {strides = array<i32>} : memref<3x128x128xf32, #tpu.memory_space<vmem>>, vector<1x1x16xf32>,
      %broadcast_in_dim3A_143 = arith.constant 0.000000e+00 : f32
      %broadcast_in_dim3A_144 = vector.broadcast %broadcast_in_dim3A_143 : f32 to vector<16xf32>
      %swap3A_145 = arith.constant 0 : i32
      %swap3A_146 = arith.index_cast %swap3A_145 : i32 to index
      %swap3A_147 = arith.index_cast %scan3A_108 : i32 to index
      %swap3A_148 = arith.constant 64 : index
      %swap3A_149 = tpu.vector_load %arg8[%swap3A_146, %swap3A_147, %swap3A_148] {strides = array<i32>} : memref<3x128x128xf32, #tpu.memory_space<vmem>>, vector<1x1x16xf32>,
      %swap3A_150 = vector.shape_cast %swap3A_149 : vector<1x1x16xf32> to vector<16xf32>
      %swap3A_151 = vector.shape_cast %broadcast_in_dim3A_144 : vector<16xf32> to vector<1x1x16xf32>
      tpu.vector_store %arg8[%swap3A_146, %swap3A_147, %swap3A_148], %swap3A_151 {strides = array<i32>} : memref<3x128x128xf32, #tpu.memory_space<vmem>>, vector<1x1x16xf32>,
      %broadcast_in_dim3A_152 = arith.constant 0.000000e+00 : f32
      %broadcast_in_dim3A_153 = vector.broadcast %broadcast_in_dim3A_152 : f32 to vector<16xf32>
      %swap3A_154 = arith.constant 0 : i32
      %swap3A_155 = arith.index_cast %swap3A_154 : i32 to index
      %swap3A_156 = arith.index_cast %scan3A_108 : i32 to index
      %swap3A_157 = arith.constant 80 : index
      %swap3A_158 = tpu.vector_load %arg8[%swap3A_155, %swap3A_156, %swap3A_157] {strides = array<i32>} : memref<3x128x128xf32, #tpu.memory_space<vmem>>, vector<1x1x16xf32>,
      %swap3A_159 = vector.shape_cast %swap3A_158 : vector<1x1x16xf32> to vector<16xf32>
      %swap3A_160 = vector.shape_cast %broadcast_in_dim3A_153 : vector<16xf32> to vector<1x1x16xf32>
      tpu.vector_store %arg8[%swap3A_155, %swap3A_156, %swap3A_157], %swap3A_160 {strides = array<i32>} : memref<3x128x128xf32, #tpu.memory_space<vmem>>, vector<1x1x16xf32>,
      %broadcast_in_dim3A_161 = arith.constant 0.000000e+00 : f32
      %broadcast_in_dim3A_162 = vector.broadcast %broadcast_in_dim3A_161 : f32 to vector<16xf32>
      %swap3A_163 = arith.constant 0 : i32
      %swap3A_164 = arith.index_cast %swap3A_163 : i32 to index
      %swap3A_165 = arith.index_cast %scan3A_108 : i32 to index
      %swap3A_166 = arith.constant 96 : index
      %swap3A_167 = tpu.vector_load %arg8[%swap3A_164, %swap3A_165, %swap3A_166] {strides = array<i32>} : memref<3x128x128xf32, #tpu.memory_space<vmem>>, vector<1x1x16xf32>,
      %swap3A_168 = vector.shape_cast %swap3A_167 : vector<1x1x16xf32> to vector<16xf32>
      %swap3A_169 = vector.shape_cast %broadcast_in_dim3A_162 : vector<16xf32> to vector<1x1x16xf32>
      tpu.vector_store %arg8[%swap3A_164, %swap3A_165, %swap3A_166], %swap3A_169 {strides = array<i32>} : memref<3x128x128xf32, #tpu.memory_space<vmem>>, vector<1x1x16xf32>,
      %broadcast_in_dim3A_170 = arith.constant 0.000000e+00 : f32
      %broadcast_in_dim3A_171 = vector.broadcast %broadcast_in_dim3A_170 : f32 to vector<16xf32>
      %swap3A_172 = arith.constant 0 : i32
      %swap3A_173 = arith.index_cast %swap3A_172 : i32 to index
      %swap3A_174 = arith.index_cast %scan3A_108 : i32 to index
      %swap3A_175 = arith.constant 112 : index
      %swap3A_176 = tpu.vector_load %arg8[%swap3A_173, %swap3A_174, %swap3A_175] {strides = array<i32>} : memref<3x128x128xf32, #tpu.memory_space<vmem>>, vector<1x1x16xf32>,
      %swap3A_177 = vector.shape_cast %swap3A_176 : vector<1x1x16xf32> to vector<16xf32>
      %swap3A_178 = vector.shape_cast %broadcast_in_dim3A_171 : vector<16xf32> to vector<1x1x16xf32>
      tpu.vector_store %arg8[%swap3A_173, %swap3A_174, %swap3A_175], %swap3A_178 {strides = array<i32>} : memref<3x128x128xf32, #tpu.memory_space<vmem>>, vector<1x1x16xf32>,
    }
    %scan3A_4 = arith.constant 128 : i32
    %mul3A = arith.constant 320 : i32
    %mul3A_5 = arith.muli %arg1, %mul3A : i32
    %add3A = arith.constant 0 : i32
    %add3A_6 = arith.addi %mul3A_5, %add3A : i32
    %run_scoped3A = arith.constant 0 : i32
    "tpu.region"() ({
      %run_scoped3A_108 = tpu.sem_alloc : memref<!tpu.dma_semaphore, #tpu.memory_space<semaphore_mem>>
      %dma_start3A_109 = arith.constant 0 : i32
      %dma_start3A_110 = arith.constant 0 : i32
      %dma_start3A_111 = tpu.memref_slice %arg8[%run_scoped3A, %dma_start3A_109, %dma_start3A_110] : memref<3x128x128xf32, #tpu.memory_space<vmem>> -> memref<1x128x128xf32, #tpu.memory_space<vmem>>
      %dma_start3A_112 = tpu.memref_squeeze %dma_start3A_111 : memref<1x128x128xf32, #tpu.memory_space<vmem>> -> memref<128x128xf32, #tpu.memory_space<vmem>>
      %dma_start3A_113 = arith.constant 0 : i32
      %dma_start3A_114 = tpu.memref_slice %arg9[%add3A_6, %dma_start3A_113] : memref<5120x128xf32, #tpu.memory_space<vmem_shared>> -> memref<128x128xf32, #tpu.memory_space<vmem_shared>>
      %dma_start3A_115 = arith.constant 0 : i32
      %dma_start3A_116 = tpu.memref_slice %arg9[%add3A_6, %dma_start3A_115] : memref<5120x128xf32, #tpu.memory_space<vmem_shared>> -> memref<128x128xf32, #tpu.memory_space<vmem_shared>>
      %dma_start3A_117 = arith.constant 0 : i32
      %dma_start3A_118 = arith.constant 0 : i32
      %dma_start3A_119 = tpu.memref_slice %arg8[%run_scoped3A, %dma_start3A_117, %dma_start3A_118] : memref<3x128x128xf32, #tpu.memory_space<vmem>> -> memref<1x128x128xf32, #tpu.memory_space<vmem>>
      %dma_start3A_120 = tpu.memref_squeeze %dma_start3A_119 : memref<1x128x128xf32, #tpu.memory_space<vmem>> -> memref<128x128xf32, #tpu.memory_space<vmem>>
      tpu.enqueue_dma source(%dma_start3A_120 : memref<128x128xf32, #tpu.memory_space<vmem>>) target(%dma_start3A_116 : memref<128x128xf32, #tpu.memory_space<vmem_shared>>) target_semaphore(%run_scoped3A_108 : memref<!tpu.dma_semaphore, #tpu.memory_space<semaphore_mem>>)
      %dma_wait3A_121 = arith.constant 0 : i32
      %dma_wait3A_122 = arith.constant 0 : i32
      %dma_wait3A_123 = tpu.memref_slice %arg8[%run_scoped3A, %dma_wait3A_121, %dma_wait3A_122] : memref<3x128x128xf32, #tpu.memory_space<vmem>> -> memref<1x128x128xf32, #tpu.memory_space<vmem>>
      %dma_wait3A_124 = tpu.memref_squeeze %dma_wait3A_123 : memref<1x128x128xf32, #tpu.memory_space<vmem>> -> memref<128x128xf32, #tpu.memory_space<vmem>>
      %dma_wait3A_125 = arith.constant 0 : i32
      %dma_wait3A_126 = tpu.memref_slice %arg9[%add3A_6, %dma_wait3A_125] : memref<5120x128xf32, #tpu.memory_space<vmem_shared>> -> memref<128x128xf32, #tpu.memory_space<vmem_shared>>
      %dma_wait3A_127 = arith.constant 0 : i32
      %dma_wait3A_128 = tpu.memref_slice %arg9[%add3A_6, %dma_wait3A_127] : memref<5120x128xf32, #tpu.memory_space<vmem_shared>> -> memref<128x128xf32, #tpu.memory_space<vmem_shared>>
      %dma_wait3A_129 = arith.constant 0 : i32
      %dma_wait3A_130 = arith.constant 0 : i32
      %dma_wait3A_131 = tpu.memref_slice %arg8[%run_scoped3A, %dma_wait3A_129, %dma_wait3A_130] : memref<3x128x128xf32, #tpu.memory_space<vmem>> -> memref<1x128x128xf32, #tpu.memory_space<vmem>>
      %dma_wait3A_132 = tpu.memref_squeeze %dma_wait3A_131 : memref<1x128x128xf32, #tpu.memory_space<vmem>> -> memref<128x128xf32, #tpu.memory_space<vmem>>
      tpu.wait_dma2 semaphore(%run_scoped3A_108 : memref<!tpu.dma_semaphore, #tpu.memory_space<semaphore_mem>>) src(%dma_wait3A_132 : memref<128x128xf32, #tpu.memory_space<vmem>>) dst(%dma_wait3A_128 : memref<128x128xf32, #tpu.memory_space<vmem_shared>>)
      tpu.yield
    }) : () -> ()
    %mul3A_7 = arith.constant 320 : i32
    %mul3A_8 = arith.muli %arg1, %mul3A_7 : i32
    %add3A_9 = arith.constant 128 : i32
    %add3A_10 = arith.addi %mul3A_8, %add3A_9 : i32
    %run_scoped3A_11 = arith.constant 0 : i32
    "tpu.region"() ({
      %run_scoped3A_108 = tpu.sem_alloc : memref<!tpu.dma_semaphore, #tpu.memory_space<semaphore_mem>>
      %dma_start3A_109 = arith.constant 0 : i32
      %dma_start3A_110 = arith.constant 0 : i32
      %dma_start3A_111 = tpu.memref_slice %arg8[%run_scoped3A_11, %dma_start3A_109, %dma_start3A_110] : memref<3x128x128xf32, #tpu.memory_space<vmem>> -> memref<1x128x128xf32, #tpu.memory_space<vmem>>
      %dma_start3A_112 = tpu.memref_squeeze %dma_start3A_111 : memref<1x128x128xf32, #tpu.memory_space<vmem>> -> memref<128x128xf32, #tpu.memory_space<vmem>>
      %dma_start3A_113 = arith.constant 0 : i32
      %dma_start3A_114 = tpu.memref_slice %arg9[%add3A_10, %dma_start3A_113] : memref<5120x128xf32, #tpu.memory_space<vmem_shared>> -> memref<128x128xf32, #tpu.memory_space<vmem_shared>>
      %dma_start3A_115 = arith.constant 0 : i32
      %dma_start3A_116 = tpu.memref_slice %arg9[%add3A_10, %dma_start3A_115] : memref<5120x128xf32, #tpu.memory_space<vmem_shared>> -> memref<128x128xf32, #tpu.memory_space<vmem_shared>>
      %dma_start3A_117 = arith.constant 0 : i32
      %dma_start3A_118 = arith.constant 0 : i32
      %dma_start3A_119 = tpu.memref_slice %arg8[%run_scoped3A_11, %dma_start3A_117, %dma_start3A_118] : memref<3x128x128xf32, #tpu.memory_space<vmem>> -> memref<1x128x128xf32, #tpu.memory_space<vmem>>
      %dma_start3A_120 = tpu.memref_squeeze %dma_start3A_119 : memref<1x128x128xf32, #tpu.memory_space<vmem>> -> memref<128x128xf32, #tpu.memory_space<vmem>>
      tpu.enqueue_dma source(%dma_start3A_120 : memref<128x128xf32, #tpu.memory_space<vmem>>) target(%dma_start3A_116 : memref<128x128xf32, #tpu.memory_space<vmem_shared>>) target_semaphore(%run_scoped3A_108 : memref<!tpu.dma_semaphore, #tpu.memory_space<semaphore_mem>>)
      %dma_wait3A_121 = arith.constant 0 : i32
      %dma_wait3A_122 = arith.constant 0 : i32
      %dma_wait3A_123 = tpu.memref_slice %arg8[%run_scoped3A_11, %dma_wait3A_121, %dma_wait3A_122] : memref<3x128x128xf32, #tpu.memory_space<vmem>> -> memref<1x128x128xf32, #tpu.memory_space<vmem>>
      %dma_wait3A_124 = tpu.memref_squeeze %dma_wait3A_123 : memref<1x128x128xf32, #tpu.memory_space<vmem>> -> memref<128x128xf32, #tpu.memory_space<vmem>>
      %dma_wait3A_125 = arith.constant 0 : i32
      %dma_wait3A_126 = tpu.memref_slice %arg9[%add3A_10, %dma_wait3A_125] : memref<5120x128xf32, #tpu.memory_space<vmem_shared>> -> memref<128x128xf32, #tpu.memory_space<vmem_shared>>
      %dma_wait3A_127 = arith.constant 0 : i32
      %dma_wait3A_128 = tpu.memref_slice %arg9[%add3A_10, %dma_wait3A_127] : memref<5120x128xf32, #tpu.memory_space<vmem_shared>> -> memref<128x128xf32, #tpu.memory_space<vmem_shared>>
      %dma_wait3A_129 = arith.constant 0 : i32
      %dma_wait3A_130 = arith.constant 0 : i32
      %dma_wait3A_131 = tpu.memref_slice %arg8[%run_scoped3A_11, %dma_wait3A_129, %dma_wait3A_130] : memref<3x128x128xf32, #tpu.memory_space<vmem>> -> memref<1x128x128xf32, #tpu.memory_space<vmem>>
      %dma_wait3A_132 = tpu.memref_squeeze %dma_wait3A_131 : memref<1x128x128xf32, #tpu.memory_space<vmem>> -> memref<128x128xf32, #tpu.memory_space<vmem>>
      tpu.wait_dma2 semaphore(%run_scoped3A_108 : memref<!tpu.dma_semaphore, #tpu.memory_space<semaphore_mem>>) src(%dma_wait3A_132 : memref<128x128xf32, #tpu.memory_space<vmem>>) dst(%dma_wait3A_128 : memref<128x128xf32, #tpu.memory_space<vmem_shared>>)
      tpu.yield
    }) : () -> ()
    %mul3A_12 = arith.constant 320 : i32
    %mul3A_13 = arith.muli %arg1, %mul3A_12 : i32
    %add3A_14 = arith.constant 256 : i32
    %add3A_15 = arith.addi %mul3A_13, %add3A_14 : i32
    %run_scoped3A_16 = arith.constant 0 : i32
    "tpu.region"() ({
      %run_scoped3A_108 = tpu.sem_alloc : memref<!tpu.dma_semaphore, #tpu.memory_space<semaphore_mem>>
      %dma_start3A_109 = arith.constant 0 : i32
      %dma_start3A_110 = arith.constant 0 : i32
      %dma_start3A_111 = tpu.memref_slice %arg8[%run_scoped3A_16, %dma_start3A_109, %dma_start3A_110] : memref<3x128x128xf32, #tpu.memory_space<vmem>> -> memref<1x64x128xf32, #tpu.memory_space<vmem>>
      %dma_start3A_112 = tpu.memref_squeeze %dma_start3A_111 : memref<1x64x128xf32, #tpu.memory_space<vmem>> -> memref<64x128xf32, #tpu.memory_space<vmem>>
      %dma_start3A_113 = arith.constant 0 : i32
      %dma_start3A_114 = tpu.memref_slice %arg9[%add3A_15, %dma_start3A_113] : memref<5120x128xf32, #tpu.memory_space<vmem_shared>> -> memref<64x128xf32, #tpu.memory_space<vmem_shared>>
      %dma_start3A_115 = arith.constant 0 : i32
      %dma_start3A_116 = tpu.memref_slice %arg9[%add3A_15, %dma_start3A_115] : memref<5120x128xf32, #tpu.memory_space<vmem_shared>> -> memref<64x128xf32, #tpu.memory_space<vmem_shared>>
      %dma_start3A_117 = arith.constant 0 : i32
      %dma_start3A_118 = arith.constant 0 : i32
      %dma_start3A_119 = tpu.memref_slice %arg8[%run_scoped3A_16, %dma_start3A_117, %dma_start3A_118] : memref<3x128x128xf32, #tpu.memory_space<vmem>> -> memref<1x64x128xf32, #tpu.memory_space<vmem>>
      %dma_start3A_120 = tpu.memref_squeeze %dma_start3A_119 : memref<1x64x128xf32, #tpu.memory_space<vmem>> -> memref<64x128xf32, #tpu.memory_space<vmem>>
      tpu.enqueue_dma source(%dma_start3A_120 : memref<64x128xf32, #tpu.memory_space<vmem>>) target(%dma_start3A_116 : memref<64x128xf32, #tpu.memory_space<vmem_shared>>) target_semaphore(%run_scoped3A_108 : memref<!tpu.dma_semaphore, #tpu.memory_space<semaphore_mem>>)
      %dma_wait3A_121 = arith.constant 0 : i32
      %dma_wait3A_122 = arith.constant 0 : i32
      %dma_wait3A_123 = tpu.memref_slice %arg8[%run_scoped3A_16, %dma_wait3A_121, %dma_wait3A_122] : memref<3x128x128xf32, #tpu.memory_space<vmem>> -> memref<1x64x128xf32, #tpu.memory_space<vmem>>
      %dma_wait3A_124 = tpu.memref_squeeze %dma_wait3A_123 : memref<1x64x128xf32, #tpu.memory_space<vmem>> -> memref<64x128xf32, #tpu.memory_space<vmem>>
      %dma_wait3A_125 = arith.constant 0 : i32
      %dma_wait3A_126 = tpu.memref_slice %arg9[%add3A_15, %dma_wait3A_125] : memref<5120x128xf32, #tpu.memory_space<vmem_shared>> -> memref<64x128xf32, #tpu.memory_space<vmem_shared>>
      %dma_wait3A_127 = arith.constant 0 : i32
      %dma_wait3A_128 = tpu.memref_slice %arg9[%add3A_15, %dma_wait3A_127] : memref<5120x128xf32, #tpu.memory_space<vmem_shared>> -> memref<64x128xf32, #tpu.memory_space<vmem_shared>>
      %dma_wait3A_129 = arith.constant 0 : i32
      %dma_wait3A_130 = arith.constant 0 : i32
      %dma_wait3A_131 = tpu.memref_slice %arg8[%run_scoped3A_16, %dma_wait3A_129, %dma_wait3A_130] : memref<3x128x128xf32, #tpu.memory_space<vmem>> -> memref<1x64x128xf32, #tpu.memory_space<vmem>>
      %dma_wait3A_132 = tpu.memref_squeeze %dma_wait3A_131 : memref<1x64x128xf32, #tpu.memory_space<vmem>> -> memref<64x128xf32, #tpu.memory_space<vmem>>
      tpu.wait_dma2 semaphore(%run_scoped3A_108 : memref<!tpu.dma_semaphore, #tpu.memory_space<semaphore_mem>>) src(%dma_wait3A_132 : memref<64x128xf32, #tpu.memory_space<vmem>>) dst(%dma_wait3A_128 : memref<64x128xf32, #tpu.memory_space<vmem_shared>>)
      tpu.yield
    }) : () -> ()
    %barrier3A = arith.constant 0 : index
    tpu.barrier barrier_id(%barrier3A)
    "tpu.region"() ({
      %run_scoped3A_108 = tpu.sem_alloc : memref<!tpu.dma_semaphore, #tpu.memory_space<semaphore_mem>>
      %dma_start3A_109 = arith.constant 0 : i32
      %dma_start3A_110 = arith.constant 0 : i32
      %dma_start3A_111 = tpu.memref_slice %arg3[%arg1, %dma_start3A_109, %dma_start3A_110] : memref<16x158x128xi32, #tpu.memory_space<hbm>> -> memref<1x158x128xi32, #tpu.memory_space<hbm>>
      %dma_start3A_112 = tpu.memref_squeeze %dma_start3A_111 : memref<1x158x128xi32, #tpu.memory_space<hbm>> -> memref<158x128xi32, #tpu.memory_space<hbm>>
      %dma_start3A_113 = arith.constant 0 : i32
      %dma_start3A_114 = arith.constant 0 : i32
      %dma_start3A_115 = tpu.memref_slice %arg3[%arg1, %dma_start3A_113, %dma_start3A_114] : memref<16x158x128xi32, #tpu.memory_space<hbm>> -> memref<1x158x128xi32, #tpu.memory_space<hbm>>
      %dma_start3A_116 = tpu.memref_squeeze %dma_start3A_115 : memref<1x158x128xi32, #tpu.memory_space<hbm>> -> memref<158x128xi32, #tpu.memory_space<hbm>>
      tpu.enqueue_dma source(%dma_start3A_116 : memref<158x128xi32, #tpu.memory_space<hbm>>) target(%arg6 : memref<158x128xi32, #tpu.memory_space<vmem>>) target_semaphore(%run_scoped3A_108 : memref<!tpu.dma_semaphore, #tpu.memory_space<semaphore_mem>>)
      %dma_wait3A_117 = arith.constant 0 : i32
      %dma_wait3A_118 = arith.constant 0 : i32
      %dma_wait3A_119 = tpu.memref_slice %arg3[%arg1, %dma_wait3A_117, %dma_wait3A_118] : memref<16x158x128xi32, #tpu.memory_space<hbm>> -> memref<1x158x128xi32, #tpu.memory_space<hbm>>
      %dma_wait3A_120 = tpu.memref_squeeze %dma_wait3A_119 : memref<1x158x128xi32, #tpu.memory_space<hbm>> -> memref<158x128xi32, #tpu.memory_space<hbm>>
      %dma_wait3A_121 = arith.constant 0 : i32
      %dma_wait3A_122 = arith.constant 0 : i32
      %dma_wait3A_123 = tpu.memref_slice %arg3[%arg1, %dma_wait3A_121, %dma_wait3A_122] : memref<16x158x128xi32, #tpu.memory_space<hbm>> -> memref<1x158x128xi32, #tpu.memory_space<hbm>>
      %dma_wait3A_124 = tpu.memref_squeeze %dma_wait3A_123 : memref<1x158x128xi32, #tpu.memory_space<hbm>> -> memref<158x128xi32, #tpu.memory_space<hbm>>
      tpu.wait_dma2 semaphore(%run_scoped3A_108 : memref<!tpu.dma_semaphore, #tpu.memory_space<semaphore_mem>>) src(%dma_wait3A_124 : memref<158x128xi32, #tpu.memory_space<hbm>>) dst(%arg6 : memref<158x128xi32, #tpu.memory_space<vmem>>)
      tpu.yield
    }) : () -> ()
    "tpu.region"() ({
      %run_scoped3A_108 = tpu.sem_alloc : memref<!tpu.dma_semaphore, #tpu.memory_space<semaphore_mem>>
      %dma_start3A_109 = arith.constant 0 : i32
      %dma_start3A_110 = arith.constant 0 : i32
      %dma_start3A_111 = tpu.memref_slice %arg4[%arg0, %arg1, %dma_start3A_109, %dma_start3A_110] : memref<2x16x158x128xi32, #tpu.memory_space<hbm>> -> memref<1x1x158x128xi32, #tpu.memory_space<hbm>>
      %dma_start3A_112 = tpu.memref_squeeze %dma_start3A_111 : memref<1x1x158x128xi32, #tpu.memory_space<hbm>> -> memref<158x128xi32, #tpu.memory_space<hbm>>
      %dma_start3A_113 = arith.constant 0 : i32
      %dma_start3A_114 = arith.constant 0 : i32
      %dma_start3A_115 = tpu.memref_slice %arg4[%arg0, %arg1, %dma_start3A_113, %dma_start3A_114] : memref<2x16x158x128xi32, #tpu.memory_space<hbm>> -> memref<1x1x158x128xi32, #tpu.memory_space<hbm>>
      %dma_start3A_116 = tpu.memref_squeeze %dma_start3A_115 : memref<1x1x158x128xi32, #tpu.memory_space<hbm>> -> memref<158x128xi32, #tpu.memory_space<hbm>>
      tpu.enqueue_dma source(%dma_start3A_116 : memref<158x128xi32, #tpu.memory_space<hbm>>) target(%arg7 : memref<158x128xi32, #tpu.memory_space<vmem>>) target_semaphore(%run_scoped3A_108 : memref<!tpu.dma_semaphore, #tpu.memory_space<semaphore_mem>>)
      %dma_wait3A_117 = arith.constant 0 : i32
      %dma_wait3A_118 = arith.constant 0 : i32
      %dma_wait3A_119 = tpu.memref_slice %arg4[%arg0, %arg1, %dma_wait3A_117, %dma_wait3A_118] : memref<2x16x158x128xi32, #tpu.memory_space<hbm>> -> memref<1x1x158x128xi32, #tpu.memory_space<hbm>>
      %dma_wait3A_120 = tpu.memref_squeeze %dma_wait3A_119 : memref<1x1x158x128xi32, #tpu.memory_space<hbm>> -> memref<158x128xi32, #tpu.memory_space<hbm>>
      %dma_wait3A_121 = arith.constant 0 : i32
      %dma_wait3A_122 = arith.constant 0 : i32
      %dma_wait3A_123 = tpu.memref_slice %arg4[%arg0, %arg1, %dma_wait3A_121, %dma_wait3A_122] : memref<2x16x158x128xi32, #tpu.memory_space<hbm>> -> memref<1x1x158x128xi32, #tpu.memory_space<hbm>>
      %dma_wait3A_124 = tpu.memref_squeeze %dma_wait3A_123 : memref<1x1x158x128xi32, #tpu.memory_space<hbm>> -> memref<158x128xi32, #tpu.memory_space<hbm>>
      tpu.wait_dma2 semaphore(%run_scoped3A_108 : memref<!tpu.dma_semaphore, #tpu.memory_space<semaphore_mem>>) src(%dma_wait3A_124 : memref<158x128xi32, #tpu.memory_space<hbm>>) dst(%arg7 : memref<158x128xi32, #tpu.memory_space<vmem>>)
      tpu.yield
    }) : () -> ()
    %dma_start3A = arith.constant 0 : i32
    %dma_start3A_17 = arith.constant 0 : i32
    %dma_start3A_18 = arith.constant 0 : i32
    %dma_start3A_19 = arith.constant 0 : i32
    %dma_start3A_20 = tpu.memref_slice %arg8[%dma_start3A_17, %dma_start3A_18, %dma_start3A_19] : memref<3x128x128xf32, #tpu.memory_space<vmem>> -> memref<1x64x128xf32, #tpu.memory_space<vmem>>
    %dma_start3A_21 = tpu.memref_squeeze %dma_start3A_20 : memref<1x64x128xf32, #tpu.memory_space<vmem>> -> memref<64x128xf32, #tpu.memory_space<vmem>>
    %dma_start3A_22 = arith.constant 0 : i32
    %dma_start3A_23 = tpu.memref_slice %arg6[%dma_start3A, %dma_start3A_22] : memref<158x128xi32, #tpu.memory_space<vmem>> -> memref<1x64xi32, #tpu.memory_space<vmem>>
    %dma_start3A_24 = tpu.memref_squeeze %dma_start3A_23 : memref<1x64xi32, #tpu.memory_space<vmem>> -> memref<64xi32, #tpu.memory_space<vmem>>
    %dma_start3A_25 = arith.constant 0 : i32
    %dma_start3A_26 = arith.constant 0 : i32
    %dma_start3A_27 = tpu.memref_slice %arg2[%dma_start3A_25, %dma_start3A_26] : memref<81920x128xf32, #tpu.memory_space<hbm>> -> memref<81920x128xf32, #tpu.memory_space<hbm>>
    tpu.enqueue_indirect_dma source(%dma_start3A_27 : memref<81920x128xf32, #tpu.memory_space<hbm>>) target(%dma_start3A_21 : memref<64x128xf32, #tpu.memory_space<vmem>>) offsets(%dma_start3A_24 : memref<64xi32, #tpu.memory_space<vmem>>) semaphore(%arg10 : memref<!tpu.dma_semaphore, #tpu.memory_space<semaphore_mem>>)
    %dma_start3A_28 = arith.constant 0 : i32
    %dma_start3A_29 = arith.constant 0 : i32
    %dma_start3A_30 = arith.constant 64 : i32
    %dma_start3A_31 = arith.constant 0 : i32
    %dma_start3A_32 = tpu.memref_slice %arg8[%dma_start3A_29, %dma_start3A_30, %dma_start3A_31] : memref<3x128x128xf32, #tpu.memory_space<vmem>> -> memref<1x64x128xf32, #tpu.memory_space<vmem>>
    %dma_start3A_33 = tpu.memref_squeeze %dma_start3A_32 : memref<1x64x128xf32, #tpu.memory_space<vmem>> -> memref<64x128xf32, #tpu.memory_space<vmem>>
    %dma_start3A_34 = arith.constant 64 : i32
    %dma_start3A_35 = tpu.memref_slice %arg6[%dma_start3A_28, %dma_start3A_34] : memref<158x128xi32, #tpu.memory_space<vmem>> -> memref<1x64xi32, #tpu.memory_space<vmem>>
    %dma_start3A_36 = tpu.memref_squeeze %dma_start3A_35 : memref<1x64xi32, #tpu.memory_space<vmem>> -> memref<64xi32, #tpu.memory_space<vmem>>
    %dma_start3A_37 = arith.constant 0 : i32
    %dma_start3A_38 = arith.constant 0 : i32
    %dma_start3A_39 = tpu.memref_slice %arg2[%dma_start3A_37, %dma_start3A_38] : memref<81920x128xf32, #tpu.memory_space<hbm>> -> memref<81920x128xf32, #tpu.memory_space<hbm>>
    tpu.enqueue_indirect_dma source(%dma_start3A_39 : memref<81920x128xf32, #tpu.memory_space<hbm>>) target(%dma_start3A_33 : memref<64x128xf32, #tpu.memory_space<vmem>>) offsets(%dma_start3A_36 : memref<64xi32, #tpu.memory_space<vmem>>) semaphore(%arg11 : memref<!tpu.dma_semaphore, #tpu.memory_space<semaphore_mem>>)
    %dma_start3A_40 = arith.constant 1 : i32
    %dma_start3A_41 = arith.constant 1 : i32
    %dma_start3A_42 = arith.constant 0 : i32
    %dma_start3A_43 = arith.constant 0 : i32
    %dma_start3A_44 = tpu.memref_slice %arg8[%dma_start3A_41, %dma_start3A_42, %dma_start3A_43] : memref<3x128x128xf32, #tpu.memory_space<vmem>> -> memref<1x64x128xf32, #tpu.memory_space<vmem>>
    %dma_start3A_45 = tpu.memref_squeeze %dma_start3A_44 : memref<1x64x128xf32, #tpu.memory_space<vmem>> -> memref<64x128xf32, #tpu.memory_space<vmem>>
    %dma_start3A_46 = arith.constant 0 : i32
    %dma_start3A_47 = tpu.memref_slice %arg6[%dma_start3A_40, %dma_start3A_46] : memref<158x128xi32, #tpu.memory_space<vmem>> -> memref<1x64xi32, #tpu.memory_space<vmem>>
    %dma_start3A_48 = tpu.memref_squeeze %dma_start3A_47 : memref<1x64xi32, #tpu.memory_space<vmem>> -> memref<64xi32, #tpu.memory_space<vmem>>
    %dma_start3A_49 = arith.constant 0 : i32
    %dma_start3A_50 = arith.constant 0 : i32
    %dma_start3A_51 = tpu.memref_slice %arg2[%dma_start3A_49, %dma_start3A_50] : memref<81920x128xf32, #tpu.memory_space<hbm>> -> memref<81920x128xf32, #tpu.memory_space<hbm>>
    tpu.enqueue_indirect_dma source(%dma_start3A_51 : memref<81920x128xf32, #tpu.memory_space<hbm>>) target(%dma_start3A_45 : memref<64x128xf32, #tpu.memory_space<vmem>>) offsets(%dma_start3A_48 : memref<64xi32, #tpu.memory_space<vmem>>) semaphore(%arg12 : memref<!tpu.dma_semaphore, #tpu.memory_space<semaphore_mem>>)
    %dma_start3A_52 = arith.constant 1 : i32
    %dma_start3A_53 = arith.constant 1 : i32
    %dma_start3A_54 = arith.constant 64 : i32
    %dma_start3A_55 = arith.constant 0 : i32
    %dma_start3A_56 = tpu.memref_slice %arg8[%dma_start3A_53, %dma_start3A_54, %dma_start3A_55] : memref<3x128x128xf32, #tpu.memory_space<vmem>> -> memref<1x64x128xf32, #tpu.memory_space<vmem>>
    %dma_start3A_57 = tpu.memref_squeeze %dma_start3A_56 : memref<1x64x128xf32, #tpu.memory_space<vmem>> -> memref<64x128xf32, #tpu.memory_space<vmem>>
    %dma_start3A_58 = arith.constant 64 : i32
    %dma_start3A_59 = tpu.memref_slice %arg6[%dma_start3A_52, %dma_start3A_58] : memref<158x128xi32, #tpu.memory_space<vmem>> -> memref<1x64xi32, #tpu.memory_space<vmem>>
    %dma_start3A_60 = tpu.memref_squeeze %dma_start3A_59 : memref<1x64xi32, #tpu.memory_space<vmem>> -> memref<64xi32, #tpu.memory_space<vmem>>
    %dma_start3A_61 = arith.constant 0 : i32
    %dma_start3A_62 = arith.constant 0 : i32
    %dma_start3A_63 = tpu.memref_slice %arg2[%dma_start3A_61, %dma_start3A_62] : memref<81920x128xf32, #tpu.memory_space<hbm>> -> memref<81920x128xf32, #tpu.memory_space<hbm>>
    tpu.enqueue_indirect_dma source(%dma_start3A_63 : memref<81920x128xf32, #tpu.memory_space<hbm>>) target(%dma_start3A_57 : memref<64x128xf32, #tpu.memory_space<vmem>>) offsets(%dma_start3A_60 : memref<64xi32, #tpu.memory_space<vmem>>) semaphore(%arg13 : memref<!tpu.dma_semaphore, #tpu.memory_space<semaphore_mem>>)
    %scan3A_64 = arith.constant 0 : i32
    %scan3A_65 = arith.constant 0 : i32
    %scan3A_66 = arith.constant 158 : i32
    %scan3A_67 = arith.addi %scan3A_65, %scan3A_66 : i32
    %scan3A_68 = arith.constant 1 : i32
    scf.for %scan3A_108 = %scan3A_65 to %scan3A_67 step %scan3A_68  : i32 {
      %jit3A = arith.constant 3 : i32
      %eq3A = arith.constant 0 : i32
      %eq3A_109 = arith.cmpi eq, %jit3A, %eq3A : i32
      %jit3A_110 = arith.constant 1 : i32
      %select_n3A = arith.select %eq3A_109, %jit3A_110, %jit3A : i32
      %rem3A = arith.remsi %scan3A_108, %select_n3A : i32
      %ne3A = arith.constant 0 : i32
      %ne3A_111 = arith.cmpi ne, %rem3A, %ne3A : i32
      %lt3A = arith.constant 0 : i32
      %lt3A_112 = arith.cmpi slt, %rem3A, %lt3A : i32
      %lt3A_113 = arith.constant 0 : i32
      %lt3A_114 = arith.cmpi slt, %select_n3A, %lt3A_113 : i32
      %ne3A_115 = arith.xori %lt3A_112, %lt3A_114 : i1
      %and3A = arith.andi %ne3A_115, %ne3A_111 : i1
      %add3A_116 = arith.addi %rem3A, %select_n3A : i32
      %select_n3A_117 = arith.select %and3A, %add3A_116, %rem3A : i32
      %eq3A_118 = arith.constant 0 : i32
      %eq3A_119 = arith.cmpi eq, %select_n3A_117, %eq3A_118 : i32
      %convert_element_type3A = arith.extui %eq3A_119 : i1 to i32
      %cond3A = arith.constant 0 : i32
      %cond3A_120 = arith.cmpi ne, %convert_element_type3A, %cond3A : i32
      scf.if %cond3A_120 {
        %add3A_163 = arith.constant 2 : i32
        %add3A_164 = arith.addi %scan3A_108, %add3A_163 : i32
        %lt3A_165 = arith.constant 158 : i32
        %lt3A_166 = arith.cmpi slt, %add3A_164, %lt3A_165 : i32
        %convert_element_type3A_167 = arith.extui %lt3A_166 : i1 to i32
        %cond3A_168 = arith.constant 0 : i32
        %cond3A_169 = arith.cmpi ne, %convert_element_type3A_167, %cond3A_168 : i32
        scf.if %cond3A_169 {
          %ge3A = arith.constant 1 : i32
          %ge3A_203 = arith.cmpi sge, %scan3A_108, %ge3A : i32
          %convert_element_type3A_204 = arith.extui %ge3A_203 : i1 to i32
          %cond3A_205 = arith.constant 0 : i32
          %cond3A_206 = arith.cmpi ne, %convert_element_type3A_204, %cond3A_205 : i32
          scf.if %cond3A_206 {
            %sub3A = arith.constant 1 : i32
            %sub3A_231 = arith.subi %scan3A_108, %sub3A : i32
            %dma_wait3A_232 = arith.constant 2 : i32
            %dma_wait3A_233 = arith.constant 0 : i32
            %dma_wait3A_234 = arith.constant 0 : i32
            %dma_wait3A_235 = tpu.memref_slice %arg8[%dma_wait3A_232, %dma_wait3A_233, %dma_wait3A_234] : memref<3x128x128xf32, #tpu.memory_space<vmem>> -> memref<1x128x128xf32, #tpu.memory_space<vmem>>
            %dma_wait3A_236 = tpu.memref_squeeze %dma_wait3A_235 : memref<1x128x128xf32, #tpu.memory_space<vmem>> -> memref<128x128xf32, #tpu.memory_space<vmem>>
            %dma_wait3A_237 = arith.constant 0 : i32
            %dma_wait3A_238 = tpu.memref_slice %arg7[%sub3A_231, %dma_wait3A_237] : memref<158x128xi32, #tpu.memory_space<vmem>> -> memref<1x128xi32, #tpu.memory_space<vmem>>
            %dma_wait3A_239 = tpu.memref_squeeze %dma_wait3A_238 : memref<1x128xi32, #tpu.memory_space<vmem>> -> memref<128xi32, #tpu.memory_space<vmem>>
            %dma_wait3A_240 = arith.constant 0 : i32
            %dma_wait3A_241 = arith.constant 0 : i32
            %dma_wait3A_242 = tpu.memref_slice %arg9[%dma_wait3A_240, %dma_wait3A_241] : memref<5120x128xf32, #tpu.memory_space<vmem_shared>> -> memref<5120x128xf32, #tpu.memory_space<vmem_shared>>
            tpu.wait_indirect_dma semaphore(%arg18 : memref<!tpu.dma_semaphore, #tpu.memory_space<semaphore_mem>>) src(%dma_wait3A_236 : memref<128x128xf32, #tpu.memory_space<vmem>>) dst(%dma_wait3A_242 : memref<5120x128xf32, #tpu.memory_space<vmem_shared>>)
          } else {
          }
          %add3A_207 = arith.constant 2 : i32
          %add3A_208 = arith.addi %scan3A_108, %add3A_207 : i32
          %dma_start3A_209 = arith.constant 2 : i32
          %dma_start3A_210 = arith.constant 0 : i32
          %dma_start3A_211 = arith.constant 0 : i32
          %dma_start3A_212 = tpu.memref_slice %arg8[%dma_start3A_209, %dma_start3A_210, %dma_start3A_211] : memref<3x128x128xf32, #tpu.memory_space<vmem>> -> memref<1x64x128xf32, #tpu.memory_space<vmem>>
          %dma_start3A_213 = tpu.memref_squeeze %dma_start3A_212 : memref<1x64x128xf32, #tpu.memory_space<vmem>> -> memref<64x128xf32, #tpu.memory_space<vmem>>
          %dma_start3A_214 = arith.constant 0 : i32
          %dma_start3A_215 = tpu.memref_slice %arg6[%add3A_208, %dma_start3A_214] : memref<158x128xi32, #tpu.memory_space<vmem>> -> memref<1x64xi32, #tpu.memory_space<vmem>>
          %dma_start3A_216 = tpu.memref_squeeze %dma_start3A_215 : memref<1x64xi32, #tpu.memory_space<vmem>> -> memref<64xi32, #tpu.memory_space<vmem>>
          %dma_start3A_217 = arith.constant 0 : i32
          %dma_start3A_218 = arith.constant 0 : i32
          %dma_start3A_219 = tpu.memref_slice %arg2[%dma_start3A_217, %dma_start3A_218] : memref<81920x128xf32, #tpu.memory_space<hbm>> -> memref<81920x128xf32, #tpu.memory_space<hbm>>
          tpu.enqueue_indirect_dma source(%dma_start3A_219 : memref<81920x128xf32, #tpu.memory_space<hbm>>) target(%dma_start3A_213 : memref<64x128xf32, #tpu.memory_space<vmem>>) offsets(%dma_start3A_216 : memref<64xi32, #tpu.memory_space<vmem>>) semaphore(%arg14 : memref<!tpu.dma_semaphore, #tpu.memory_space<semaphore_mem>>)
          %dma_start3A_220 = arith.constant 2 : i32
          %dma_start3A_221 = arith.constant 64 : i32
          %dma_start3A_222 = arith.constant 0 : i32
          %dma_start3A_223 = tpu.memref_slice %arg8[%dma_start3A_220, %dma_start3A_221, %dma_start3A_222] : memref<3x128x128xf32, #tpu.memory_space<vmem>> -> memref<1x64x128xf32, #tpu.memory_space<vmem>>
          %dma_start3A_224 = tpu.memref_squeeze %dma_start3A_223 : memref<1x64x128xf32, #tpu.memory_space<vmem>> -> memref<64x128xf32, #tpu.memory_space<vmem>>
          %dma_start3A_225 = arith.constant 64 : i32
          %dma_start3A_226 = tpu.memref_slice %arg6[%add3A_208, %dma_start3A_225] : memref<158x128xi32, #tpu.memory_space<vmem>> -> memref<1x64xi32, #tpu.memory_space<vmem>>
          %dma_start3A_227 = tpu.memref_squeeze %dma_start3A_226 : memref<1x64xi32, #tpu.memory_space<vmem>> -> memref<64xi32, #tpu.memory_space<vmem>>
          %dma_start3A_228 = arith.constant 0 : i32
          %dma_start3A_229 = arith.constant 0 : i32
          %dma_start3A_230 = tpu.memref_slice %arg2[%dma_start3A_228, %dma_start3A_229] : memref<81920x128xf32, #tpu.memory_space<hbm>> -> memref<81920x128xf32, #tpu.memory_space<hbm>>
          tpu.enqueue_indirect_dma source(%dma_start3A_230 : memref<81920x128xf32, #tpu.memory_space<hbm>>) target(%dma_start3A_224 : memref<64x128xf32, #tpu.memory_space<vmem>>) offsets(%dma_start3A_227 : memref<64xi32, #tpu.memory_space<vmem>>) semaphore(%arg15 : memref<!tpu.dma_semaphore, #tpu.memory_space<semaphore_mem>>)
        } else {
        }
        %dma_wait3A_170 = arith.constant 0 : i32
        %dma_wait3A_171 = arith.constant 0 : i32
        %dma_wait3A_172 = arith.constant 0 : i32
        %dma_wait3A_173 = tpu.memref_slice %arg8[%dma_wait3A_170, %dma_wait3A_171, %dma_wait3A_172] : memref<3x128x128xf32, #tpu.memory_space<vmem>> -> memref<1x64x128xf32, #tpu.memory_space<vmem>>
        %dma_wait3A_174 = tpu.memref_squeeze %dma_wait3A_173 : memref<1x64x128xf32, #tpu.memory_space<vmem>> -> memref<64x128xf32, #tpu.memory_space<vmem>>
        %dma_wait3A_175 = arith.constant 0 : i32
        %dma_wait3A_176 = tpu.memref_slice %arg6[%scan3A_108, %dma_wait3A_175] : memref<158x128xi32, #tpu.memory_space<vmem>> -> memref<1x64xi32, #tpu.memory_space<vmem>>
        %dma_wait3A_177 = tpu.memref_squeeze %dma_wait3A_176 : memref<1x64xi32, #tpu.memory_space<vmem>> -> memref<64xi32, #tpu.memory_space<vmem>>
        %dma_wait3A_178 = arith.constant 0 : i32
        %dma_wait3A_179 = arith.constant 0 : i32
        %dma_wait3A_180 = tpu.memref_slice %arg2[%dma_wait3A_178, %dma_wait3A_179] : memref<81920x128xf32, #tpu.memory_space<hbm>> -> memref<81920x128xf32, #tpu.memory_space<hbm>>
        tpu.wait_indirect_dma semaphore(%arg10 : memref<!tpu.dma_semaphore, #tpu.memory_space<semaphore_mem>>) src(%dma_wait3A_180 : memref<81920x128xf32, #tpu.memory_space<hbm>>) dst(%dma_wait3A_174 : memref<64x128xf32, #tpu.memory_space<vmem>>)
        %dma_wait3A_181 = arith.constant 0 : i32
        %dma_wait3A_182 = arith.constant 64 : i32
        %dma_wait3A_183 = arith.constant 0 : i32
        %dma_wait3A_184 = tpu.memref_slice %arg8[%dma_wait3A_181, %dma_wait3A_182, %dma_wait3A_183] : memref<3x128x128xf32, #tpu.memory_space<vmem>> -> memref<1x64x128xf32, #tpu.memory_space<vmem>>
        %dma_wait3A_185 = tpu.memref_squeeze %dma_wait3A_184 : memref<1x64x128xf32, #tpu.memory_space<vmem>> -> memref<64x128xf32, #tpu.memory_space<vmem>>
        %dma_wait3A_186 = arith.constant 64 : i32
        %dma_wait3A_187 = tpu.memref_slice %arg6[%scan3A_108, %dma_wait3A_186] : memref<158x128xi32, #tpu.memory_space<vmem>> -> memref<1x64xi32, #tpu.memory_space<vmem>>
        %dma_wait3A_188 = tpu.memref_squeeze %dma_wait3A_187 : memref<1x64xi32, #tpu.memory_space<vmem>> -> memref<64xi32, #tpu.memory_space<vmem>>
        %dma_wait3A_189 = arith.constant 0 : i32
        %dma_wait3A_190 = arith.constant 0 : i32
        %dma_wait3A_191 = tpu.memref_slice %arg2[%dma_wait3A_189, %dma_wait3A_190] : memref<81920x128xf32, #tpu.memory_space<hbm>> -> memref<81920x128xf32, #tpu.memory_space<hbm>>
        tpu.wait_indirect_dma semaphore(%arg11 : memref<!tpu.dma_semaphore, #tpu.memory_space<semaphore_mem>>) src(%dma_wait3A_191 : memref<81920x128xf32, #tpu.memory_space<hbm>>) dst(%dma_wait3A_185 : memref<64x128xf32, #tpu.memory_space<vmem>>)
        %dma_start3A_192 = arith.constant 0 : i32
        %dma_start3A_193 = arith.constant 0 : i32
        %dma_start3A_194 = arith.constant 0 : i32
        %dma_start3A_195 = tpu.memref_slice %arg8[%dma_start3A_192, %dma_start3A_193, %dma_start3A_194] : memref<3x128x128xf32, #tpu.memory_space<vmem>> -> memref<1x128x128xf32, #tpu.memory_space<vmem>>
        %dma_start3A_196 = tpu.memref_squeeze %dma_start3A_195 : memref<1x128x128xf32, #tpu.memory_space<vmem>> -> memref<128x128xf32, #tpu.memory_space<vmem>>
        %dma_start3A_197 = arith.constant 0 : i32
        %dma_start3A_198 = tpu.memref_slice %arg7[%scan3A_108, %dma_start3A_197] : memref<158x128xi32, #tpu.memory_space<vmem>> -> memref<1x128xi32, #tpu.memory_space<vmem>>
        %dma_start3A_199 = tpu.memref_squeeze %dma_start3A_198 : memref<1x128xi32, #tpu.memory_space<vmem>> -> memref<128xi32, #tpu.memory_space<vmem>>
        %dma_start3A_200 = arith.constant 0 : i32
        %dma_start3A_201 = arith.constant 0 : i32
        %dma_start3A_202 = tpu.memref_slice %arg9[%dma_start3A_200, %dma_start3A_201] : memref<5120x128xf32, #tpu.memory_space<vmem_shared>> -> memref<5120x128xf32, #tpu.memory_space<vmem_shared>>
        tpu.enqueue_indirect_dma source(%dma_start3A_196 : memref<128x128xf32, #tpu.memory_space<vmem>>) target(%dma_start3A_202 : memref<5120x128xf32, #tpu.memory_space<vmem_shared>>) offsets(%dma_start3A_199 : memref<128xi32, #tpu.memory_space<vmem>>) semaphore(%arg16 : memref<!tpu.dma_semaphore, #tpu.memory_space<semaphore_mem>>) {add = true}
      } else {
      }
      %jit3A_121 = arith.constant 3 : i32
      %eq3A_122 = arith.constant 0 : i32
      %eq3A_123 = arith.cmpi eq, %jit3A_121, %eq3A_122 : i32
      %jit3A_124 = arith.constant 1 : i32
      %select_n3A_125 = arith.select %eq3A_123, %jit3A_124, %jit3A_121 : i32
      %rem3A_126 = arith.remsi %scan3A_108, %select_n3A_125 : i32
      %ne3A_127 = arith.constant 0 : i32
      %ne3A_128 = arith.cmpi ne, %rem3A_126, %ne3A_127 : i32
      %lt3A_129 = arith.constant 0 : i32
      %lt3A_130 = arith.cmpi slt, %rem3A_126, %lt3A_129 : i32
      %lt3A_131 = arith.constant 0 : i32
      %lt3A_132 = arith.cmpi slt, %select_n3A_125, %lt3A_131 : i32
      %ne3A_133 = arith.xori %lt3A_130, %lt3A_132 : i1
      %and3A_134 = arith.andi %ne3A_133, %ne3A_128 : i1
      %add3A_135 = arith.addi %rem3A_126, %select_n3A_125 : i32
      %select_n3A_136 = arith.select %and3A_134, %add3A_135, %rem3A_126 : i32
      %eq3A_137 = arith.constant 1 : i32
      %eq3A_138 = arith.cmpi eq, %select_n3A_136, %eq3A_137 : i32
      %convert_element_type3A_139 = arith.extui %eq3A_138 : i1 to i32
      %cond3A_140 = arith.constant 0 : i32
      %cond3A_141 = arith.cmpi ne, %convert_element_type3A_139, %cond3A_140 : i32
      scf.if %cond3A_141 {
        %add3A_163 = arith.constant 2 : i32
        %add3A_164 = arith.addi %scan3A_108, %add3A_163 : i32
        %lt3A_165 = arith.constant 158 : i32
        %lt3A_166 = arith.cmpi slt, %add3A_164, %lt3A_165 : i32
        %convert_element_type3A_167 = arith.extui %lt3A_166 : i1 to i32
        %cond3A_168 = arith.constant 0 : i32
        %cond3A_169 = arith.cmpi ne, %convert_element_type3A_167, %cond3A_168 : i32
        scf.if %cond3A_169 {
          %ge3A = arith.constant 1 : i32
          %ge3A_203 = arith.cmpi sge, %scan3A_108, %ge3A : i32
          %convert_element_type3A_204 = arith.extui %ge3A_203 : i1 to i32
          %cond3A_205 = arith.constant 0 : i32
          %cond3A_206 = arith.cmpi ne, %convert_element_type3A_204, %cond3A_205 : i32
          scf.if %cond3A_206 {
            %sub3A = arith.constant 1 : i32
            %sub3A_231 = arith.subi %scan3A_108, %sub3A : i32
            %dma_wait3A_232 = arith.constant 0 : i32
            %dma_wait3A_233 = arith.constant 0 : i32
            %dma_wait3A_234 = arith.constant 0 : i32
            %dma_wait3A_235 = tpu.memref_slice %arg8[%dma_wait3A_232, %dma_wait3A_233, %dma_wait3A_234] : memref<3x128x128xf32, #tpu.memory_space<vmem>> -> memref<1x128x128xf32, #tpu.memory_space<vmem>>
            %dma_wait3A_236 = tpu.memref_squeeze %dma_wait3A_235 : memref<1x128x128xf32, #tpu.memory_space<vmem>> -> memref<128x128xf32, #tpu.memory_space<vmem>>
            %dma_wait3A_237 = arith.constant 0 : i32
            %dma_wait3A_238 = tpu.memref_slice %arg7[%sub3A_231, %dma_wait3A_237] : memref<158x128xi32, #tpu.memory_space<vmem>> -> memref<1x128xi32, #tpu.memory_space<vmem>>
            %dma_wait3A_239 = tpu.memref_squeeze %dma_wait3A_238 : memref<1x128xi32, #tpu.memory_space<vmem>> -> memref<128xi32, #tpu.memory_space<vmem>>
            %dma_wait3A_240 = arith.constant 0 : i32
            %dma_wait3A_241 = arith.constant 0 : i32
            %dma_wait3A_242 = tpu.memref_slice %arg9[%dma_wait3A_240, %dma_wait3A_241] : memref<5120x128xf32, #tpu.memory_space<vmem_shared>> -> memref<5120x128xf32, #tpu.memory_space<vmem_shared>>
            tpu.wait_indirect_dma semaphore(%arg16 : memref<!tpu.dma_semaphore, #tpu.memory_space<semaphore_mem>>) src(%dma_wait3A_236 : memref<128x128xf32, #tpu.memory_space<vmem>>) dst(%dma_wait3A_242 : memref<5120x128xf32, #tpu.memory_space<vmem_shared>>)
          } else {
          }
          %add3A_207 = arith.constant 2 : i32
          %add3A_208 = arith.addi %scan3A_108, %add3A_207 : i32
          %dma_start3A_209 = arith.constant 0 : i32
          %dma_start3A_210 = arith.constant 0 : i32
          %dma_start3A_211 = arith.constant 0 : i32
          %dma_start3A_212 = tpu.memref_slice %arg8[%dma_start3A_209, %dma_start3A_210, %dma_start3A_211] : memref<3x128x128xf32, #tpu.memory_space<vmem>> -> memref<1x64x128xf32, #tpu.memory_space<vmem>>
          %dma_start3A_213 = tpu.memref_squeeze %dma_start3A_212 : memref<1x64x128xf32, #tpu.memory_space<vmem>> -> memref<64x128xf32, #tpu.memory_space<vmem>>
          %dma_start3A_214 = arith.constant 0 : i32
          %dma_start3A_215 = tpu.memref_slice %arg6[%add3A_208, %dma_start3A_214] : memref<158x128xi32, #tpu.memory_space<vmem>> -> memref<1x64xi32, #tpu.memory_space<vmem>>
          %dma_start3A_216 = tpu.memref_squeeze %dma_start3A_215 : memref<1x64xi32, #tpu.memory_space<vmem>> -> memref<64xi32, #tpu.memory_space<vmem>>
          %dma_start3A_217 = arith.constant 0 : i32
          %dma_start3A_218 = arith.constant 0 : i32
          %dma_start3A_219 = tpu.memref_slice %arg2[%dma_start3A_217, %dma_start3A_218] : memref<81920x128xf32, #tpu.memory_space<hbm>> -> memref<81920x128xf32, #tpu.memory_space<hbm>>
          tpu.enqueue_indirect_dma source(%dma_start3A_219 : memref<81920x128xf32, #tpu.memory_space<hbm>>) target(%dma_start3A_213 : memref<64x128xf32, #tpu.memory_space<vmem>>) offsets(%dma_start3A_216 : memref<64xi32, #tpu.memory_space<vmem>>) semaphore(%arg10 : memref<!tpu.dma_semaphore, #tpu.memory_space<semaphore_mem>>)
          %dma_start3A_220 = arith.constant 0 : i32
          %dma_start3A_221 = arith.constant 64 : i32
          %dma_start3A_222 = arith.constant 0 : i32
          %dma_start3A_223 = tpu.memref_slice %arg8[%dma_start3A_220, %dma_start3A_221, %dma_start3A_222] : memref<3x128x128xf32, #tpu.memory_space<vmem>> -> memref<1x64x128xf32, #tpu.memory_space<vmem>>
          %dma_start3A_224 = tpu.memref_squeeze %dma_start3A_223 : memref<1x64x128xf32, #tpu.memory_space<vmem>> -> memref<64x128xf32, #tpu.memory_space<vmem>>
          %dma_start3A_225 = arith.constant 64 : i32
          %dma_start3A_226 = tpu.memref_slice %arg6[%add3A_208, %dma_start3A_225] : memref<158x128xi32, #tpu.memory_space<vmem>> -> memref<1x64xi32, #tpu.memory_space<vmem>>
          %dma_start3A_227 = tpu.memref_squeeze %dma_start3A_226 : memref<1x64xi32, #tpu.memory_space<vmem>> -> memref<64xi32, #tpu.memory_space<vmem>>
          %dma_start3A_228 = arith.constant 0 : i32
          %dma_start3A_229 = arith.constant 0 : i32
          %dma_start3A_230 = tpu.memref_slice %arg2[%dma_start3A_228, %dma_start3A_229] : memref<81920x128xf32, #tpu.memory_space<hbm>> -> memref<81920x128xf32, #tpu.memory_space<hbm>>
          tpu.enqueue_indirect_dma source(%dma_start3A_230 : memref<81920x128xf32, #tpu.memory_space<hbm>>) target(%dma_start3A_224 : memref<64x128xf32, #tpu.memory_space<vmem>>) offsets(%dma_start3A_227 : memref<64xi32, #tpu.memory_space<vmem>>) semaphore(%arg11 : memref<!tpu.dma_semaphore, #tpu.memory_space<semaphore_mem>>)
        } else {
        }
        %dma_wait3A_170 = arith.constant 1 : i32
        %dma_wait3A_171 = arith.constant 0 : i32
        %dma_wait3A_172 = arith.constant 0 : i32
        %dma_wait3A_173 = tpu.memref_slice %arg8[%dma_wait3A_170, %dma_wait3A_171, %dma_wait3A_172] : memref<3x128x128xf32, #tpu.memory_space<vmem>> -> memref<1x64x128xf32, #tpu.memory_space<vmem>>
        %dma_wait3A_174 = tpu.memref_squeeze %dma_wait3A_173 : memref<1x64x128xf32, #tpu.memory_space<vmem>> -> memref<64x128xf32, #tpu.memory_space<vmem>>
        %dma_wait3A_175 = arith.constant 0 : i32
        %dma_wait3A_176 = tpu.memref_slice %arg6[%scan3A_108, %dma_wait3A_175] : memref<158x128xi32, #tpu.memory_space<vmem>> -> memref<1x64xi32, #tpu.memory_space<vmem>>
        %dma_wait3A_177 = tpu.memref_squeeze %dma_wait3A_176 : memref<1x64xi32, #tpu.memory_space<vmem>> -> memref<64xi32, #tpu.memory_space<vmem>>
        %dma_wait3A_178 = arith.constant 0 : i32
        %dma_wait3A_179 = arith.constant 0 : i32
        %dma_wait3A_180 = tpu.memref_slice %arg2[%dma_wait3A_178, %dma_wait3A_179] : memref<81920x128xf32, #tpu.memory_space<hbm>> -> memref<81920x128xf32, #tpu.memory_space<hbm>>
        tpu.wait_indirect_dma semaphore(%arg12 : memref<!tpu.dma_semaphore, #tpu.memory_space<semaphore_mem>>) src(%dma_wait3A_180 : memref<81920x128xf32, #tpu.memory_space<hbm>>) dst(%dma_wait3A_174 : memref<64x128xf32, #tpu.memory_space<vmem>>)
        %dma_wait3A_181 = arith.constant 1 : i32
        %dma_wait3A_182 = arith.constant 64 : i32
        %dma_wait3A_183 = arith.constant 0 : i32
        %dma_wait3A_184 = tpu.memref_slice %arg8[%dma_wait3A_181, %dma_wait3A_182, %dma_wait3A_183] : memref<3x128x128xf32, #tpu.memory_space<vmem>> -> memref<1x64x128xf32, #tpu.memory_space<vmem>>
        %dma_wait3A_185 = tpu.memref_squeeze %dma_wait3A_184 : memref<1x64x128xf32, #tpu.memory_space<vmem>> -> memref<64x128xf32, #tpu.memory_space<vmem>>
        %dma_wait3A_186 = arith.constant 64 : i32
        %dma_wait3A_187 = tpu.memref_slice %arg6[%scan3A_108, %dma_wait3A_186] : memref<158x128xi32, #tpu.memory_space<vmem>> -> memref<1x64xi32, #tpu.memory_space<vmem>>
        %dma_wait3A_188 = tpu.memref_squeeze %dma_wait3A_187 : memref<1x64xi32, #tpu.memory_space<vmem>> -> memref<64xi32, #tpu.memory_space<vmem>>
        %dma_wait3A_189 = arith.constant 0 : i32
        %dma_wait3A_190 = arith.constant 0 : i32
        %dma_wait3A_191 = tpu.memref_slice %arg2[%dma_wait3A_189, %dma_wait3A_190] : memref<81920x128xf32, #tpu.memory_space<hbm>> -> memref<81920x128xf32, #tpu.memory_space<hbm>>
        tpu.wait_indirect_dma semaphore(%arg13 : memref<!tpu.dma_semaphore, #tpu.memory_space<semaphore_mem>>) src(%dma_wait3A_191 : memref<81920x128xf32, #tpu.memory_space<hbm>>) dst(%dma_wait3A_185 : memref<64x128xf32, #tpu.memory_space<vmem>>)
        %dma_start3A_192 = arith.constant 1 : i32
        %dma_start3A_193 = arith.constant 0 : i32
        %dma_start3A_194 = arith.constant 0 : i32
        %dma_start3A_195 = tpu.memref_slice %arg8[%dma_start3A_192, %dma_start3A_193, %dma_start3A_194] : memref<3x128x128xf32, #tpu.memory_space<vmem>> -> memref<1x128x128xf32, #tpu.memory_space<vmem>>
        %dma_start3A_196 = tpu.memref_squeeze %dma_start3A_195 : memref<1x128x128xf32, #tpu.memory_space<vmem>> -> memref<128x128xf32, #tpu.memory_space<vmem>>
        %dma_start3A_197 = arith.constant 0 : i32
        %dma_start3A_198 = tpu.memref_slice %arg7[%scan3A_108, %dma_start3A_197] : memref<158x128xi32, #tpu.memory_space<vmem>> -> memref<1x128xi32, #tpu.memory_space<vmem>>
        %dma_start3A_199 = tpu.memref_squeeze %dma_start3A_198 : memref<1x128xi32, #tpu.memory_space<vmem>> -> memref<128xi32, #tpu.memory_space<vmem>>
        %dma_start3A_200 = arith.constant 0 : i32
        %dma_start3A_201 = arith.constant 0 : i32
        %dma_start3A_202 = tpu.memref_slice %arg9[%dma_start3A_200, %dma_start3A_201] : memref<5120x128xf32, #tpu.memory_space<vmem_shared>> -> memref<5120x128xf32, #tpu.memory_space<vmem_shared>>
        tpu.enqueue_indirect_dma source(%dma_start3A_196 : memref<128x128xf32, #tpu.memory_space<vmem>>) target(%dma_start3A_202 : memref<5120x128xf32, #tpu.memory_space<vmem_shared>>) offsets(%dma_start3A_199 : memref<128xi32, #tpu.memory_space<vmem>>) semaphore(%arg17 : memref<!tpu.dma_semaphore, #tpu.memory_space<semaphore_mem>>) {add = true}
      } else {
      }
      %jit3A_142 = arith.constant 3 : i32
      %eq3A_143 = arith.constant 0 : i32
      %eq3A_144 = arith.cmpi eq, %jit3A_142, %eq3A_143 : i32
      %jit3A_145 = arith.constant 1 : i32
      %select_n3A_146 = arith.select %eq3A_144, %jit3A_145, %jit3A_142 : i32
      %rem3A_147 = arith.remsi %scan3A_108, %select_n3A_146 : i32
      %ne3A_148 = arith.constant 0 : i32
      %ne3A_149 = arith.cmpi ne, %rem3A_147, %ne3A_148 : i32
      %lt3A_150 = arith.constant 0 : i32
      %lt3A_151 = arith.cmpi slt, %rem3A_147, %lt3A_150 : i32
      %lt3A_152 = arith.constant 0 : i32
      %lt3A_153 = arith.cmpi slt, %select_n3A_146, %lt3A_152 : i32
      %ne3A_154 = arith.xori %lt3A_151, %lt3A_153 : i1
      %and3A_155 = arith.andi %ne3A_154, %ne3A_149 : i1
      %add3A_156 = arith.addi %rem3A_147, %select_n3A_146 : i32
      %select_n3A_157 = arith.select %and3A_155, %add3A_156, %rem3A_147 : i32
      %eq3A_158 = arith.constant 2 : i32
      %eq3A_159 = arith.cmpi eq, %select_n3A_157, %eq3A_158 : i32
      %convert_element_type3A_160 = arith.extui %eq3A_159 : i1 to i32
      %cond3A_161 = arith.constant 0 : i32
      %cond3A_162 = arith.cmpi ne, %convert_element_type3A_160, %cond3A_161 : i32
      scf.if %cond3A_162 {
        %add3A_163 = arith.constant 2 : i32
        %add3A_164 = arith.addi %scan3A_108, %add3A_163 : i32
        %lt3A_165 = arith.constant 158 : i32
        %lt3A_166 = arith.cmpi slt, %add3A_164, %lt3A_165 : i32
        %convert_element_type3A_167 = arith.extui %lt3A_166 : i1 to i32
        %cond3A_168 = arith.constant 0 : i32
        %cond3A_169 = arith.cmpi ne, %convert_element_type3A_167, %cond3A_168 : i32
        scf.if %cond3A_169 {
          %ge3A = arith.constant 1 : i32
          %ge3A_203 = arith.cmpi sge, %scan3A_108, %ge3A : i32
          %convert_element_type3A_204 = arith.extui %ge3A_203 : i1 to i32
          %cond3A_205 = arith.constant 0 : i32
          %cond3A_206 = arith.cmpi ne, %convert_element_type3A_204, %cond3A_205 : i32
          scf.if %cond3A_206 {
            %sub3A = arith.constant 1 : i32
            %sub3A_231 = arith.subi %scan3A_108, %sub3A : i32
            %dma_wait3A_232 = arith.constant 1 : i32
            %dma_wait3A_233 = arith.constant 0 : i32
            %dma_wait3A_234 = arith.constant 0 : i32
            %dma_wait3A_235 = tpu.memref_slice %arg8[%dma_wait3A_232, %dma_wait3A_233, %dma_wait3A_234] : memref<3x128x128xf32, #tpu.memory_space<vmem>> -> memref<1x128x128xf32, #tpu.memory_space<vmem>>
            %dma_wait3A_236 = tpu.memref_squeeze %dma_wait3A_235 : memref<1x128x128xf32, #tpu.memory_space<vmem>> -> memref<128x128xf32, #tpu.memory_space<vmem>>
            %dma_wait3A_237 = arith.constant 0 : i32
            %dma_wait3A_238 = tpu.memref_slice %arg7[%sub3A_231, %dma_wait3A_237] : memref<158x128xi32, #tpu.memory_space<vmem>> -> memref<1x128xi32, #tpu.memory_space<vmem>>
            %dma_wait3A_239 = tpu.memref_squeeze %dma_wait3A_238 : memref<1x128xi32, #tpu.memory_space<vmem>> -> memref<128xi32, #tpu.memory_space<vmem>>
            %dma_wait3A_240 = arith.constant 0 : i32
            %dma_wait3A_241 = arith.constant 0 : i32
            %dma_wait3A_242 = tpu.memref_slice %arg9[%dma_wait3A_240, %dma_wait3A_241] : memref<5120x128xf32, #tpu.memory_space<vmem_shared>> -> memref<5120x128xf32, #tpu.memory_space<vmem_shared>>
            tpu.wait_indirect_dma semaphore(%arg17 : memref<!tpu.dma_semaphore, #tpu.memory_space<semaphore_mem>>) src(%dma_wait3A_236 : memref<128x128xf32, #tpu.memory_space<vmem>>) dst(%dma_wait3A_242 : memref<5120x128xf32, #tpu.memory_space<vmem_shared>>)
          } else {
          }
          %add3A_207 = arith.constant 2 : i32
          %add3A_208 = arith.addi %scan3A_108, %add3A_207 : i32
          %dma_start3A_209 = arith.constant 1 : i32
          %dma_start3A_210 = arith.constant 0 : i32
          %dma_start3A_211 = arith.constant 0 : i32
          %dma_start3A_212 = tpu.memref_slice %arg8[%dma_start3A_209, %dma_start3A_210, %dma_start3A_211] : memref<3x128x128xf32, #tpu.memory_space<vmem>> -> memref<1x64x128xf32, #tpu.memory_space<vmem>>
          %dma_start3A_213 = tpu.memref_squeeze %dma_start3A_212 : memref<1x64x128xf32, #tpu.memory_space<vmem>> -> memref<64x128xf32, #tpu.memory_space<vmem>>
          %dma_start3A_214 = arith.constant 0 : i32
          %dma_start3A_215 = tpu.memref_slice %arg6[%add3A_208, %dma_start3A_214] : memref<158x128xi32, #tpu.memory_space<vmem>> -> memref<1x64xi32, #tpu.memory_space<vmem>>
          %dma_start3A_216 = tpu.memref_squeeze %dma_start3A_215 : memref<1x64xi32, #tpu.memory_space<vmem>> -> memref<64xi32, #tpu.memory_space<vmem>>
          %dma_start3A_217 = arith.constant 0 : i32
          %dma_start3A_218 = arith.constant 0 : i32
          %dma_start3A_219 = tpu.memref_slice %arg2[%dma_start3A_217, %dma_start3A_218] : memref<81920x128xf32, #tpu.memory_space<hbm>> -> memref<81920x128xf32, #tpu.memory_space<hbm>>
          tpu.enqueue_indirect_dma source(%dma_start3A_219 : memref<81920x128xf32, #tpu.memory_space<hbm>>) target(%dma_start3A_213 : memref<64x128xf32, #tpu.memory_space<vmem>>) offsets(%dma_start3A_216 : memref<64xi32, #tpu.memory_space<vmem>>) semaphore(%arg12 : memref<!tpu.dma_semaphore, #tpu.memory_space<semaphore_mem>>)
          %dma_start3A_220 = arith.constant 1 : i32
          %dma_start3A_221 = arith.constant 64 : i32
          %dma_start3A_222 = arith.constant 0 : i32
          %dma_start3A_223 = tpu.memref_slice %arg8[%dma_start3A_220, %dma_start3A_221, %dma_start3A_222] : memref<3x128x128xf32, #tpu.memory_space<vmem>> -> memref<1x64x128xf32, #tpu.memory_space<vmem>>
          %dma_start3A_224 = tpu.memref_squeeze %dma_start3A_223 : memref<1x64x128xf32, #tpu.memory_space<vmem>> -> memref<64x128xf32, #tpu.memory_space<vmem>>
          %dma_start3A_225 = arith.constant 64 : i32
          %dma_start3A_226 = tpu.memref_slice %arg6[%add3A_208, %dma_start3A_225] : memref<158x128xi32, #tpu.memory_space<vmem>> -> memref<1x64xi32, #tpu.memory_space<vmem>>
          %dma_start3A_227 = tpu.memref_squeeze %dma_start3A_226 : memref<1x64xi32, #tpu.memory_space<vmem>> -> memref<64xi32, #tpu.memory_space<vmem>>
          %dma_start3A_228 = arith.constant 0 : i32
          %dma_start3A_229 = arith.constant 0 : i32
          %dma_start3A_230 = tpu.memref_slice %arg2[%dma_start3A_228, %dma_start3A_229] : memref<81920x128xf32, #tpu.memory_space<hbm>> -> memref<81920x128xf32, #tpu.memory_space<hbm>>
          tpu.enqueue_indirect_dma source(%dma_start3A_230 : memref<81920x128xf32, #tpu.memory_space<hbm>>) target(%dma_start3A_224 : memref<64x128xf32, #tpu.memory_space<vmem>>) offsets(%dma_start3A_227 : memref<64xi32, #tpu.memory_space<vmem>>) semaphore(%arg13 : memref<!tpu.dma_semaphore, #tpu.memory_space<semaphore_mem>>)
        } else {
        }
        %dma_wait3A_170 = arith.constant 2 : i32
        %dma_wait3A_171 = arith.constant 0 : i32
        %dma_wait3A_172 = arith.constant 0 : i32
        %dma_wait3A_173 = tpu.memref_slice %arg8[%dma_wait3A_170, %dma_wait3A_171, %dma_wait3A_172] : memref<3x128x128xf32, #tpu.memory_space<vmem>> -> memref<1x64x128xf32, #tpu.memory_space<vmem>>
        %dma_wait3A_174 = tpu.memref_squeeze %dma_wait3A_173 : memref<1x64x128xf32, #tpu.memory_space<vmem>> -> memref<64x128xf32, #tpu.memory_space<vmem>>
        %dma_wait3A_175 = arith.constant 0 : i32
        %dma_wait3A_176 = tpu.memref_slice %arg6[%scan3A_108, %dma_wait3A_175] : memref<158x128xi32, #tpu.memory_space<vmem>> -> memref<1x64xi32, #tpu.memory_space<vmem>>
        %dma_wait3A_177 = tpu.memref_squeeze %dma_wait3A_176 : memref<1x64xi32, #tpu.memory_space<vmem>> -> memref<64xi32, #tpu.memory_space<vmem>>
        %dma_wait3A_178 = arith.constant 0 : i32
        %dma_wait3A_179 = arith.constant 0 : i32
        %dma_wait3A_180 = tpu.memref_slice %arg2[%dma_wait3A_178, %dma_wait3A_179] : memref<81920x128xf32, #tpu.memory_space<hbm>> -> memref<81920x128xf32, #tpu.memory_space<hbm>>
        tpu.wait_indirect_dma semaphore(%arg14 : memref<!tpu.dma_semaphore, #tpu.memory_space<semaphore_mem>>) src(%dma_wait3A_180 : memref<81920x128xf32, #tpu.memory_space<hbm>>) dst(%dma_wait3A_174 : memref<64x128xf32, #tpu.memory_space<vmem>>)
        %dma_wait3A_181 = arith.constant 2 : i32
        %dma_wait3A_182 = arith.constant 64 : i32
        %dma_wait3A_183 = arith.constant 0 : i32
        %dma_wait3A_184 = tpu.memref_slice %arg8[%dma_wait3A_181, %dma_wait3A_182, %dma_wait3A_183] : memref<3x128x128xf32, #tpu.memory_space<vmem>> -> memref<1x64x128xf32, #tpu.memory_space<vmem>>
        %dma_wait3A_185 = tpu.memref_squeeze %dma_wait3A_184 : memref<1x64x128xf32, #tpu.memory_space<vmem>> -> memref<64x128xf32, #tpu.memory_space<vmem>>
        %dma_wait3A_186 = arith.constant 64 : i32
        %dma_wait3A_187 = tpu.memref_slice %arg6[%scan3A_108, %dma_wait3A_186] : memref<158x128xi32, #tpu.memory_space<vmem>> -> memref<1x64xi32, #tpu.memory_space<vmem>>
        %dma_wait3A_188 = tpu.memref_squeeze %dma_wait3A_187 : memref<1x64xi32, #tpu.memory_space<vmem>> -> memref<64xi32, #tpu.memory_space<vmem>>
        %dma_wait3A_189 = arith.constant 0 : i32
        %dma_wait3A_190 = arith.constant 0 : i32
        %dma_wait3A_191 = tpu.memref_slice %arg2[%dma_wait3A_189, %dma_wait3A_190] : memref<81920x128xf32, #tpu.memory_space<hbm>> -> memref<81920x128xf32, #tpu.memory_space<hbm>>
        tpu.wait_indirect_dma semaphore(%arg15 : memref<!tpu.dma_semaphore, #tpu.memory_space<semaphore_mem>>) src(%dma_wait3A_191 : memref<81920x128xf32, #tpu.memory_space<hbm>>) dst(%dma_wait3A_185 : memref<64x128xf32, #tpu.memory_space<vmem>>)
        %dma_start3A_192 = arith.constant 2 : i32
        %dma_start3A_193 = arith.constant 0 : i32
        %dma_start3A_194 = arith.constant 0 : i32
        %dma_start3A_195 = tpu.memref_slice %arg8[%dma_start3A_192, %dma_start3A_193, %dma_start3A_194] : memref<3x128x128xf32, #tpu.memory_space<vmem>> -> memref<1x128x128xf32, #tpu.memory_space<vmem>>
        %dma_start3A_196 = tpu.memref_squeeze %dma_start3A_195 : memref<1x128x128xf32, #tpu.memory_space<vmem>> -> memref<128x128xf32, #tpu.memory_space<vmem>>
        %dma_start3A_197 = arith.constant 0 : i32
        %dma_start3A_198 = tpu.memref_slice %arg7[%scan3A_108, %dma_start3A_197] : memref<158x128xi32, #tpu.memory_space<vmem>> -> memref<1x128xi32, #tpu.memory_space<vmem>>
        %dma_start3A_199 = tpu.memref_squeeze %dma_start3A_198 : memref<1x128xi32, #tpu.memory_space<vmem>> -> memref<128xi32, #tpu.memory_space<vmem>>
        %dma_start3A_200 = arith.constant 0 : i32
        %dma_start3A_201 = arith.constant 0 : i32
        %dma_start3A_202 = tpu.memref_slice %arg9[%dma_start3A_200, %dma_start3A_201] : memref<5120x128xf32, #tpu.memory_space<vmem_shared>> -> memref<5120x128xf32, #tpu.memory_space<vmem_shared>>
        tpu.enqueue_indirect_dma source(%dma_start3A_196 : memref<128x128xf32, #tpu.memory_space<vmem>>) target(%dma_start3A_202 : memref<5120x128xf32, #tpu.memory_space<vmem_shared>>) offsets(%dma_start3A_199 : memref<128xi32, #tpu.memory_space<vmem>>) semaphore(%arg18 : memref<!tpu.dma_semaphore, #tpu.memory_space<semaphore_mem>>) {add = true}
      } else {
      }
    }
    %scan3A_69 = arith.constant 158 : i32
    %dma_wait3A = arith.constant 2 : i32
    %dma_wait3A_70 = arith.constant 155 : i32
    %dma_wait3A_71 = arith.constant 0 : i32
    %dma_wait3A_72 = arith.constant 0 : i32
    %dma_wait3A_73 = tpu.memref_slice %arg8[%dma_wait3A, %dma_wait3A_71, %dma_wait3A_72] : memref<3x128x128xf32, #tpu.memory_space<vmem>> -> memref<1x128x128xf32, #tpu.memory_space<vmem>>
    %dma_wait3A_74 = tpu.memref_squeeze %dma_wait3A_73 : memref<1x128x128xf32, #tpu.memory_space<vmem>> -> memref<128x128xf32, #tpu.memory_space<vmem>>
    %dma_wait3A_75 = arith.constant 0 : i32
    %dma_wait3A_76 = tpu.memref_slice %arg7[%dma_wait3A_70, %dma_wait3A_75] : memref<158x128xi32, #tpu.memory_space<vmem>> -> memref<1x128xi32, #tpu.memory_space<vmem>>
    %dma_wait3A_77 = tpu.memref_squeeze %dma_wait3A_76 : memref<1x128xi32, #tpu.memory_space<vmem>> -> memref<128xi32, #tpu.memory_space<vmem>>
    %dma_wait3A_78 = arith.constant 0 : i32
    %dma_wait3A_79 = arith.constant 0 : i32
    %dma_wait3A_80 = tpu.memref_slice %arg9[%dma_wait3A_78, %dma_wait3A_79] : memref<5120x128xf32, #tpu.memory_space<vmem_shared>> -> memref<5120x128xf32, #tpu.memory_space<vmem_shared>>
    tpu.wait_indirect_dma semaphore(%arg18 : memref<!tpu.dma_semaphore, #tpu.memory_space<semaphore_mem>>) src(%dma_wait3A_74 : memref<128x128xf32, #tpu.memory_space<vmem>>) dst(%dma_wait3A_80 : memref<5120x128xf32, #tpu.memory_space<vmem_shared>>)
    %dma_wait3A_81 = arith.constant 0 : i32
    %dma_wait3A_82 = arith.constant 156 : i32
    %dma_wait3A_83 = arith.constant 0 : i32
    %dma_wait3A_84 = arith.constant 0 : i32
    %dma_wait3A_85 = tpu.memref_slice %arg8[%dma_wait3A_81, %dma_wait3A_83, %dma_wait3A_84] : memref<3x128x128xf32, #tpu.memory_space<vmem>> -> memref<1x128x128xf32, #tpu.memory_space<vmem>>
    %dma_wait3A_86 = tpu.memref_squeeze %dma_wait3A_85 : memref<1x128x128xf32, #tpu.memory_space<vmem>> -> memref<128x128xf32, #tpu.memory_space<vmem>>
    %dma_wait3A_87 = arith.constant 0 : i32
    %dma_wait3A_88 = tpu.memref_slice %arg7[%dma_wait3A_82, %dma_wait3A_87] : memref<158x128xi32, #tpu.memory_space<vmem>> -> memref<1x128xi32, #tpu.memory_space<vmem>>
    %dma_wait3A_89 = tpu.memref_squeeze %dma_wait3A_88 : memref<1x128xi32, #tpu.memory_space<vmem>> -> memref<128xi32, #tpu.memory_space<vmem>>
    %dma_wait3A_90 = arith.constant 0 : i32
    %dma_wait3A_91 = arith.constant 0 : i32
    %dma_wait3A_92 = tpu.memref_slice %arg9[%dma_wait3A_90, %dma_wait3A_91] : memref<5120x128xf32, #tpu.memory_space<vmem_shared>> -> memref<5120x128xf32, #tpu.memory_space<vmem_shared>>
    tpu.wait_indirect_dma semaphore(%arg16 : memref<!tpu.dma_semaphore, #tpu.memory_space<semaphore_mem>>) src(%dma_wait3A_86 : memref<128x128xf32, #tpu.memory_space<vmem>>) dst(%dma_wait3A_92 : memref<5120x128xf32, #tpu.memory_space<vmem_shared>>)
    %dma_wait3A_93 = arith.constant 1 : i32
    %dma_wait3A_94 = arith.constant 157 : i32
    %dma_wait3A_95 = arith.constant 0 : i32
    %dma_wait3A_96 = arith.constant 0 : i32
    %dma_wait3A_97 = tpu.memref_slice %arg8[%dma_wait3A_93, %dma_wait3A_95, %dma_wait3A_96] : memref<3x128x128xf32, #tpu.memory_space<vmem>> -> memref<1x128x128xf32, #tpu.memory_space<vmem>>
    %dma_wait3A_98 = tpu.memref_squeeze %dma_wait3A_97 : memref<1x128x128xf32, #tpu.memory_space<vmem>> -> memref<128x128xf32, #tpu.memory_space<vmem>>
    %dma_wait3A_99 = arith.constant 0 : i32
    %dma_wait3A_100 = tpu.memref_slice %arg7[%dma_wait3A_94, %dma_wait3A_99] : memref<158x128xi32, #tpu.memory_space<vmem>> -> memref<1x128xi32, #tpu.memory_space<vmem>>
    %dma_wait3A_101 = tpu.memref_squeeze %dma_wait3A_100 : memref<1x128xi32, #tpu.memory_space<vmem>> -> memref<128xi32, #tpu.memory_space<vmem>>
    %dma_wait3A_102 = arith.constant 0 : i32
    %dma_wait3A_103 = arith.constant 0 : i32
    %dma_wait3A_104 = tpu.memref_slice %arg9[%dma_wait3A_102, %dma_wait3A_103] : memref<5120x128xf32, #tpu.memory_space<vmem_shared>> -> memref<5120x128xf32, #tpu.memory_space<vmem_shared>>
    tpu.wait_indirect_dma semaphore(%arg17 : memref<!tpu.dma_semaphore, #tpu.memory_space<semaphore_mem>>) src(%dma_wait3A_98 : memref<128x128xf32, #tpu.memory_space<vmem>>) dst(%dma_wait3A_104 : memref<5120x128xf32, #tpu.memory_space<vmem_shared>>)
    %barrier3A_105 = arith.constant 0 : index
    tpu.barrier barrier_id(%barrier3A_105)
    %mul3A_106 = arith.constant 320 : i32
    %mul3A_107 = arith.muli %arg1, %mul3A_106 : i32
    "tpu.region"() ({
      %run_scoped3A_108 = tpu.sem_alloc : memref<!tpu.dma_semaphore, #tpu.memory_space<semaphore_mem>>
      %dma_start3A_109 = arith.constant 0 : i32
      %dma_start3A_110 = arith.constant 0 : i32
      %dma_start3A_111 = tpu.memref_slice %arg5[%arg0, %arg1, %dma_start3A_109, %dma_start3A_110] : memref<2x16x320x128xf32, #tpu.memory_space<hbm>> -> memref<1x1x320x128xf32, #tpu.memory_space<hbm>>
      %dma_start3A_112 = tpu.memref_squeeze %dma_start3A_111 : memref<1x1x320x128xf32, #tpu.memory_space<hbm>> -> memref<320x128xf32, #tpu.memory_space<hbm>>
      %dma_start3A_113 = arith.constant 0 : i32
      %dma_start3A_114 = tpu.memref_slice %arg9[%mul3A_107, %dma_start3A_113] : memref<5120x128xf32, #tpu.memory_space<vmem_shared>> -> memref<320x128xf32, #tpu.memory_space<vmem_shared>>
      tpu.enqueue_dma source(%dma_start3A_114 : memref<320x128xf32, #tpu.memory_space<vmem_shared>>) target(%dma_start3A_112 : memref<320x128xf32, #tpu.memory_space<hbm>>) target_semaphore(%run_scoped3A_108 : memref<!tpu.dma_semaphore, #tpu.memory_space<semaphore_mem>>)
      %dma_wait3A_115 = arith.constant 0 : i32
      %dma_wait3A_116 = arith.constant 0 : i32
      %dma_wait3A_117 = tpu.memref_slice %arg5[%arg0, %arg1, %dma_wait3A_115, %dma_wait3A_116] : memref<2x16x320x128xf32, #tpu.memory_space<hbm>> -> memref<1x1x320x128xf32, #tpu.memory_space<hbm>>
      %dma_wait3A_118 = tpu.memref_squeeze %dma_wait3A_117 : memref<1x1x320x128xf32, #tpu.memory_space<hbm>> -> memref<320x128xf32, #tpu.memory_space<hbm>>
      %dma_wait3A_119 = arith.constant 0 : i32
      %dma_wait3A_120 = tpu.memref_slice %arg9[%mul3A_107, %dma_wait3A_119] : memref<5120x128xf32, #tpu.memory_space<vmem_shared>> -> memref<320x128xf32, #tpu.memory_space<vmem_shared>>
      tpu.wait_dma2 semaphore(%run_scoped3A_108 : memref<!tpu.dma_semaphore, #tpu.memory_space<semaphore_mem>>) src(%dma_wait3A_120 : memref<320x128xf32, #tpu.memory_space<vmem_shared>>) dst(%dma_wait3A_118 : memref<320x128xf32, #tpu.memory_space<hbm>>)
      tpu.yield
    }) : () -> ()
    return
  }
}

#map = affine_map<(d0, d1) -> (0, 0)>
#map1 = affine_map<(d0, d1) -> (0, 0, 0)>
#map2 = affine_map<(d0, d1) -> (0, 0, 0, 0)>
module attributes {stable_mosaic.version = 14 : i64} {
  func.func @_msg_body(%arg0: i32, %arg1: i32, %arg2: memref<81920x128xf32, #tpu.memory_space<hbm>>, %arg3: memref<16x158x128xi32, #tpu.memory_space<hbm>>, %arg4: memref<2x16x158x128xi32, #tpu.memory_space<hbm>>, %arg5: memref<2x16x320x128xf32, #tpu.memory_space<hbm>>, %arg6: memref<158x128xi32, #tpu.memory_space<vmem>>, %arg7: memref<158x128xi32, #tpu.memory_space<vmem>>, %arg8: memref<3x128x128xf32, #tpu.memory_space<vmem>>, %arg9: memref<5120x128xf32, #tpu.memory_space<vmem_shared>>, %arg10: memref<!tpu.dma_semaphore, #tpu.memory_space<semaphore_mem>>, %arg11: memref<!tpu.dma_semaphore, #tpu.memory_space<semaphore_mem>>, %arg12: memref<!tpu.dma_semaphore, #tpu.memory_space<semaphore_mem>>, %arg13: memref<!tpu.dma_semaphore, #tpu.memory_space<semaphore_mem>>, %arg14: memref<!tpu.dma_semaphore, #tpu.memory_space<semaphore_mem>>, %arg15: memref<!tpu.dma_semaphore, #tpu.memory_space<semaphore_mem>>, %arg16: memref<!tpu.dma_semaphore, #tpu.memory_space<semaphore_mem>>, %arg17: memref<!tpu.dma_semaphore, #tpu.memory_space<semaphore_mem>>, %arg18: memref<!tpu.dma_semaphore, #tpu.memory_space<semaphore_mem>>) attributes {dimension_semantics = [#tpu.dimension_semantics<core_parallel>, #tpu.dimension_semantics<subcore_parallel>], iteration_bounds = array<i64: 2, 16>, scalar_prefetch = 0 : i64, scratch_operands = 13 : i64, tpu.core_type = #tpu.core_type<sc_vector_subcore>, window_params = [{transform_indices = #map}, {transform_indices = #map1}, {transform_indices = #map2}, {transform_indices = #map2}]} {
    %scan3A = arith.constant 0 : i32
    %scan3A_0 = arith.constant 0 : i32
    %scan3A_1 = arith.constant 128 : i32
    %scan3A_2 = arith.addi %scan3A_0, %scan3A_1 : i32
    %scan3A_3 = arith.constant 1 : i32
    scf.for %scan3A_108 = %scan3A_0 to %scan3A_2 step %scan3A_3  : i32 {
      %broadcast_in_dim3A = arith.constant 0.000000e+00 : f32
      %broadcast_in_dim3A_109 = vector.broadcast %broadcast_in_dim3A : f32 to vector<16xf32>
      %swap3A = arith.constant 0 : i32
      %swap3A_110 = arith.index_cast %swap3A : i32 to index
      %swap3A_111 = arith.index_cast %scan3A_108 : i32 to index
      %swap3A_112 = arith.constant 0 : index
      %swap3A_113 = tpu.vector_load %arg8[%swap3A_110, %swap3A_111, %swap3A_112] {strides = array<i32>} : memref<3x128x128xf32, #tpu.memory_space<vmem>>, vector<1x1x16xf32>,
      %swap3A_114 = vector.shape_cast %swap3A_113 : vector<1x1x16xf32> to vector<16xf32>
      %swap3A_115 = vector.shape_cast %broadcast_in_dim3A_109 : vector<16xf32> to vector<1x1x16xf32>
      tpu.vector_store %arg8[%swap3A_110, %swap3A_111, %swap3A_112], %swap3A_115 {strides = array<i32>} : memref<3x128x128xf32, #tpu.memory_space<vmem>>, vector<1x1x16xf32>,
      %broadcast_in_dim3A_116 = arith.constant 0.000000e+00 : f32
      %broadcast_in_dim3A_117 = vector.broadcast %broadcast_in_dim3A_116 : f32 to vector<16xf32>
      %swap3A_118 = arith.constant 0 : i32
      %swap3A_119 = arith.index_cast %swap3A_118 : i32 to index
      %swap3A_120 = arith.index_cast %scan3A_108 : i32 to index
      %swap3A_121 = arith.constant 16 : index
      %swap3A_122 = tpu.vector_load %arg8[%swap3A_119, %swap3A_120, %swap3A_121] {strides = array<i32>} : memref<3x128x128xf32, #tpu.memory_space<vmem>>, vector<1x1x16xf32>,
      %swap3A_123 = vector.shape_cast %swap3A_122 : vector<1x1x16xf32> to vector<16xf32>
      %swap3A_124 = vector.shape_cast %broadcast_in_dim3A_117 : vector<16xf32> to vector<1x1x16xf32>
      tpu.vector_store %arg8[%swap3A_119, %swap3A_120, %swap3A_121], %swap3A_124 {strides = array<i32>} : memref<3x128x128xf32, #tpu.memory_space<vmem>>, vector<1x1x16xf32>,
      %broadcast_in_dim3A_125 = arith.constant 0.000000e+00 : f32
      %broadcast_in_dim3A_126 = vector.broadcast %broadcast_in_dim3A_125 : f32 to vector<16xf32>
      %swap3A_127 = arith.constant 0 : i32
      %swap3A_128 = arith.index_cast %swap3A_127 : i32 to index
      %swap3A_129 = arith.index_cast %scan3A_108 : i32 to index
      %swap3A_130 = arith.constant 32 : index
      %swap3A_131 = tpu.vector_load %arg8[%swap3A_128, %swap3A_129, %swap3A_130] {strides = array<i32>} : memref<3x128x128xf32, #tpu.memory_space<vmem>>, vector<1x1x16xf32>,
      %swap3A_132 = vector.shape_cast %swap3A_131 : vector<1x1x16xf32> to vector<16xf32>
      %swap3A_133 = vector.shape_cast %broadcast_in_dim3A_126 : vector<16xf32> to vector<1x1x16xf32>
      tpu.vector_store %arg8[%swap3A_128, %swap3A_129, %swap3A_130], %swap3A_133 {strides = array<i32>} : memref<3x128x128xf32, #tpu.memory_space<vmem>>, vector<1x1x16xf32>,
      %broadcast_in_dim3A_134 = arith.constant 0.000000e+00 : f32
      %broadcast_in_dim3A_135 = vector.broadcast %broadcast_in_dim3A_134 : f32 to vector<16xf32>
      %swap3A_136 = arith.constant 0 : i32
      %swap3A_137 = arith.index_cast %swap3A_136 : i32 to index
      %swap3A_138 = arith.index_cast %scan3A_108 : i32 to index
      %swap3A_139 = arith.constant 48 : index
      %swap3A_140 = tpu.vector_load %arg8[%swap3A_137, %swap3A_138, %swap3A_139] {strides = array<i32>} : memref<3x128x128xf32, #tpu.memory_space<vmem>>, vector<1x1x16xf32>,
      %swap3A_141 = vector.shape_cast %swap3A_140 : vector<1x1x16xf32> to vector<16xf32>
      %swap3A_142 = vector.shape_cast %broadcast_in_dim3A_135 : vector<16xf32> to vector<1x1x16xf32>
      tpu.vector_store %arg8[%swap3A_137, %swap3A_138, %swap3A_139], %swap3A_142 {strides = array<i32>} : memref<3x128x128xf32, #tpu.memory_space<vmem>>, vector<1x1x16xf32>,
      %broadcast_in_dim3A_143 = arith.constant 0.000000e+00 : f32
      %broadcast_in_dim3A_144 = vector.broadcast %broadcast_in_dim3A_143 : f32 to vector<16xf32>
      %swap3A_145 = arith.constant 0 : i32
      %swap3A_146 = arith.index_cast %swap3A_145 : i32 to index
      %swap3A_147 = arith.index_cast %scan3A_108 : i32 to index
      %swap3A_148 = arith.constant 64 : index
      %swap3A_149 = tpu.vector_load %arg8[%swap3A_146, %swap3A_147, %swap3A_148] {strides = array<i32>} : memref<3x128x128xf32, #tpu.memory_space<vmem>>, vector<1x1x16xf32>,
      %swap3A_150 = vector.shape_cast %swap3A_149 : vector<1x1x16xf32> to vector<16xf32>
      %swap3A_151 = vector.shape_cast %broadcast_in_dim3A_144 : vector<16xf32> to vector<1x1x16xf32>
      tpu.vector_store %arg8[%swap3A_146, %swap3A_147, %swap3A_148], %swap3A_151 {strides = array<i32>} : memref<3x128x128xf32, #tpu.memory_space<vmem>>, vector<1x1x16xf32>,
      %broadcast_in_dim3A_152 = arith.constant 0.000000e+00 : f32
      %broadcast_in_dim3A_153 = vector.broadcast %broadcast_in_dim3A_152 : f32 to vector<16xf32>
      %swap3A_154 = arith.constant 0 : i32
      %swap3A_155 = arith.index_cast %swap3A_154 : i32 to index
      %swap3A_156 = arith.index_cast %scan3A_108 : i32 to index
      %swap3A_157 = arith.constant 80 : index
      %swap3A_158 = tpu.vector_load %arg8[%swap3A_155, %swap3A_156, %swap3A_157] {strides = array<i32>} : memref<3x128x128xf32, #tpu.memory_space<vmem>>, vector<1x1x16xf32>,
      %swap3A_159 = vector.shape_cast %swap3A_158 : vector<1x1x16xf32> to vector<16xf32>
      %swap3A_160 = vector.shape_cast %broadcast_in_dim3A_153 : vector<16xf32> to vector<1x1x16xf32>
      tpu.vector_store %arg8[%swap3A_155, %swap3A_156, %swap3A_157], %swap3A_160 {strides = array<i32>} : memref<3x128x128xf32, #tpu.memory_space<vmem>>, vector<1x1x16xf32>,
      %broadcast_in_dim3A_161 = arith.constant 0.000000e+00 : f32
      %broadcast_in_dim3A_162 = vector.broadcast %broadcast_in_dim3A_161 : f32 to vector<16xf32>
      %swap3A_163 = arith.constant 0 : i32
      %swap3A_164 = arith.index_cast %swap3A_163 : i32 to index
      %swap3A_165 = arith.index_cast %scan3A_108 : i32 to index
      %swap3A_166 = arith.constant 96 : index
      %swap3A_167 = tpu.vector_load %arg8[%swap3A_164, %swap3A_165, %swap3A_166] {strides = array<i32>} : memref<3x128x128xf32, #tpu.memory_space<vmem>>, vector<1x1x16xf32>,
      %swap3A_168 = vector.shape_cast %swap3A_167 : vector<1x1x16xf32> to vector<16xf32>
      %swap3A_169 = vector.shape_cast %broadcast_in_dim3A_162 : vector<16xf32> to vector<1x1x16xf32>
      tpu.vector_store %arg8[%swap3A_164, %swap3A_165, %swap3A_166], %swap3A_169 {strides = array<i32>} : memref<3x128x128xf32, #tpu.memory_space<vmem>>, vector<1x1x16xf32>,
      %broadcast_in_dim3A_170 = arith.constant 0.000000e+00 : f32
      %broadcast_in_dim3A_171 = vector.broadcast %broadcast_in_dim3A_170 : f32 to vector<16xf32>
      %swap3A_172 = arith.constant 0 : i32
      %swap3A_173 = arith.index_cast %swap3A_172 : i32 to index
      %swap3A_174 = arith.index_cast %scan3A_108 : i32 to index
      %swap3A_175 = arith.constant 112 : index
      %swap3A_176 = tpu.vector_load %arg8[%swap3A_173, %swap3A_174, %swap3A_175] {strides = array<i32>} : memref<3x128x128xf32, #tpu.memory_space<vmem>>, vector<1x1x16xf32>,
      %swap3A_177 = vector.shape_cast %swap3A_176 : vector<1x1x16xf32> to vector<16xf32>
      %swap3A_178 = vector.shape_cast %broadcast_in_dim3A_171 : vector<16xf32> to vector<1x1x16xf32>
      tpu.vector_store %arg8[%swap3A_173, %swap3A_174, %swap3A_175], %swap3A_178 {strides = array<i32>} : memref<3x128x128xf32, #tpu.memory_space<vmem>>, vector<1x1x16xf32>,
    }
    %scan3A_4 = arith.constant 128 : i32
    %mul3A = arith.constant 320 : i32
    %mul3A_5 = arith.muli %arg1, %mul3A : i32
    %add3A = arith.constant 0 : i32
    %add3A_6 = arith.addi %mul3A_5, %add3A : i32
    %run_scoped3A = arith.constant 0 : i32
    "tpu.region"() ({
      %run_scoped3A_108 = tpu.sem_alloc : memref<!tpu.dma_semaphore, #tpu.memory_space<semaphore_mem>>
      %dma_start3A_109 = arith.constant 0 : i32
      %dma_start3A_110 = arith.constant 0 : i32
      %dma_start3A_111 = tpu.memref_slice %arg8[%run_scoped3A, %dma_start3A_109, %dma_start3A_110] : memref<3x128x128xf32, #tpu.memory_space<vmem>> -> memref<1x128x128xf32, #tpu.memory_space<vmem>>
      %dma_start3A_112 = tpu.memref_squeeze %dma_start3A_111 : memref<1x128x128xf32, #tpu.memory_space<vmem>> -> memref<128x128xf32, #tpu.memory_space<vmem>>
      %dma_start3A_113 = arith.constant 0 : i32
      %dma_start3A_114 = tpu.memref_slice %arg9[%add3A_6, %dma_start3A_113] : memref<5120x128xf32, #tpu.memory_space<vmem_shared>> -> memref<128x128xf32, #tpu.memory_space<vmem_shared>>
      %dma_start3A_115 = arith.constant 0 : i32
      %dma_start3A_116 = tpu.memref_slice %arg9[%add3A_6, %dma_start3A_115] : memref<5120x128xf32, #tpu.memory_space<vmem_shared>> -> memref<128x128xf32, #tpu.memory_space<vmem_shared>>
      %dma_start3A_117 = arith.constant 0 : i32
      %dma_start3A_118 = arith.constant 0 : i32
      %dma_start3A_119 = tpu.memref_slice %arg8[%run_scoped3A, %dma_start3A_117, %dma_start3A_118] : memref<3x128x128xf32, #tpu.memory_space<vmem>> -> memref<1x128x128xf32, #tpu.memory_space<vmem>>
      %dma_start3A_120 = tpu.memref_squeeze %dma_start3A_119 : memref<1x128x128xf32, #tpu.memory_space<vmem>> -> memref<128x128xf32, #tpu.memory_space<vmem>>
      tpu.enqueue_dma source(%dma_start3A_120 : memref<128x128xf32, #tpu.memory_space<vmem>>) target(%dma_start3A_116 : memref<128x128xf32, #tpu.memory_space<vmem_shared>>) target_semaphore(%run_scoped3A_108 : memref<!tpu.dma_semaphore, #tpu.memory_space<semaphore_mem>>)
      %dma_wait3A_121 = arith.constant 0 : i32
      %dma_wait3A_122 = arith.constant 0 : i32
      %dma_wait3A_123 = tpu.memref_slice %arg8[%run_scoped3A, %dma_wait3A_121, %dma_wait3A_122] : memref<3x128x128xf32, #tpu.memory_space<vmem>> -> memref<1x128x128xf32, #tpu.memory_space<vmem>>
      %dma_wait3A_124 = tpu.memref_squeeze %dma_wait3A_123 : memref<1x128x128xf32, #tpu.memory_space<vmem>> -> memref<128x128xf32, #tpu.memory_space<vmem>>
      %dma_wait3A_125 = arith.constant 0 : i32
      %dma_wait3A_126 = tpu.memref_slice %arg9[%add3A_6, %dma_wait3A_125] : memref<5120x128xf32, #tpu.memory_space<vmem_shared>> -> memref<128x128xf32, #tpu.memory_space<vmem_shared>>
      %dma_wait3A_127 = arith.constant 0 : i32
      %dma_wait3A_128 = tpu.memref_slice %arg9[%add3A_6, %dma_wait3A_127] : memref<5120x128xf32, #tpu.memory_space<vmem_shared>> -> memref<128x128xf32, #tpu.memory_space<vmem_shared>>
      %dma_wait3A_129 = arith.constant 0 : i32
      %dma_wait3A_130 = arith.constant 0 : i32
      %dma_wait3A_131 = tpu.memref_slice %arg8[%run_scoped3A, %dma_wait3A_129, %dma_wait3A_130] : memref<3x128x128xf32, #tpu.memory_space<vmem>> -> memref<1x128x128xf32, #tpu.memory_space<vmem>>
      %dma_wait3A_132 = tpu.memref_squeeze %dma_wait3A_131 : memref<1x128x128xf32, #tpu.memory_space<vmem>> -> memref<128x128xf32, #tpu.memory_space<vmem>>
      tpu.wait_dma2 semaphore(%run_scoped3A_108 : memref<!tpu.dma_semaphore, #tpu.memory_space<semaphore_mem>>) src(%dma_wait3A_132 : memref<128x128xf32, #tpu.memory_space<vmem>>) dst(%dma_wait3A_128 : memref<128x128xf32, #tpu.memory_space<vmem_shared>>)
      tpu.yield
    }) : () -> ()
    %mul3A_7 = arith.constant 320 : i32
    %mul3A_8 = arith.muli %arg1, %mul3A_7 : i32
    %add3A_9 = arith.constant 128 : i32
    %add3A_10 = arith.addi %mul3A_8, %add3A_9 : i32
    %run_scoped3A_11 = arith.constant 0 : i32
    "tpu.region"() ({
      %run_scoped3A_108 = tpu.sem_alloc : memref<!tpu.dma_semaphore, #tpu.memory_space<semaphore_mem>>
      %dma_start3A_109 = arith.constant 0 : i32
      %dma_start3A_110 = arith.constant 0 : i32
      %dma_start3A_111 = tpu.memref_slice %arg8[%run_scoped3A_11, %dma_start3A_109, %dma_start3A_110] : memref<3x128x128xf32, #tpu.memory_space<vmem>> -> memref<1x128x128xf32, #tpu.memory_space<vmem>>
      %dma_start3A_112 = tpu.memref_squeeze %dma_start3A_111 : memref<1x128x128xf32, #tpu.memory_space<vmem>> -> memref<128x128xf32, #tpu.memory_space<vmem>>
      %dma_start3A_113 = arith.constant 0 : i32
      %dma_start3A_114 = tpu.memref_slice %arg9[%add3A_10, %dma_start3A_113] : memref<5120x128xf32, #tpu.memory_space<vmem_shared>> -> memref<128x128xf32, #tpu.memory_space<vmem_shared>>
      %dma_start3A_115 = arith.constant 0 : i32
      %dma_start3A_116 = tpu.memref_slice %arg9[%add3A_10, %dma_start3A_115] : memref<5120x128xf32, #tpu.memory_space<vmem_shared>> -> memref<128x128xf32, #tpu.memory_space<vmem_shared>>
      %dma_start3A_117 = arith.constant 0 : i32
      %dma_start3A_118 = arith.constant 0 : i32
      %dma_start3A_119 = tpu.memref_slice %arg8[%run_scoped3A_11, %dma_start3A_117, %dma_start3A_118] : memref<3x128x128xf32, #tpu.memory_space<vmem>> -> memref<1x128x128xf32, #tpu.memory_space<vmem>>
      %dma_start3A_120 = tpu.memref_squeeze %dma_start3A_119 : memref<1x128x128xf32, #tpu.memory_space<vmem>> -> memref<128x128xf32, #tpu.memory_space<vmem>>
      tpu.enqueue_dma source(%dma_start3A_120 : memref<128x128xf32, #tpu.memory_space<vmem>>) target(%dma_start3A_116 : memref<128x128xf32, #tpu.memory_space<vmem_shared>>) target_semaphore(%run_scoped3A_108 : memref<!tpu.dma_semaphore, #tpu.memory_space<semaphore_mem>>)
      %dma_wait3A_121 = arith.constant 0 : i32
      %dma_wait3A_122 = arith.constant 0 : i32
      %dma_wait3A_123 = tpu.memref_slice %arg8[%run_scoped3A_11, %dma_wait3A_121, %dma_wait3A_122] : memref<3x128x128xf32, #tpu.memory_space<vmem>> -> memref<1x128x128xf32, #tpu.memory_space<vmem>>
      %dma_wait3A_124 = tpu.memref_squeeze %dma_wait3A_123 : memref<1x128x128xf32, #tpu.memory_space<vmem>> -> memref<128x128xf32, #tpu.memory_space<vmem>>
      %dma_wait3A_125 = arith.constant 0 : i32
      %dma_wait3A_126 = tpu.memref_slice %arg9[%add3A_10, %dma_wait3A_125] : memref<5120x128xf32, #tpu.memory_space<vmem_shared>> -> memref<128x128xf32, #tpu.memory_space<vmem_shared>>
      %dma_wait3A_127 = arith.constant 0 : i32
      %dma_wait3A_128 = tpu.memref_slice %arg9[%add3A_10, %dma_wait3A_127] : memref<5120x128xf32, #tpu.memory_space<vmem_shared>> -> memref<128x128xf32, #tpu.memory_space<vmem_shared>>
      %dma_wait3A_129 = arith.constant 0 : i32
      %dma_wait3A_130 = arith.constant 0 : i32
      %dma_wait3A_131 = tpu.memref_slice %arg8[%run_scoped3A_11, %dma_wait3A_129, %dma_wait3A_130] : memref<3x128x128xf32, #tpu.memory_space<vmem>> -> memref<1x128x128xf32, #tpu.memory_space<vmem>>
      %dma_wait3A_132 = tpu.memref_squeeze %dma_wait3A_131 : memref<1x128x128xf32, #tpu.memory_space<vmem>> -> memref<128x128xf32, #tpu.memory_space<vmem>>
      tpu.wait_dma2 semaphore(%run_scoped3A_108 : memref<!tpu.dma_semaphore, #tpu.memory_space<semaphore_mem>>) src(%dma_wait3A_132 : memref<128x128xf32, #tpu.memory_space<vmem>>) dst(%dma_wait3A_128 : memref<128x128xf32, #tpu.memory_space<vmem_shared>>)
      tpu.yield
    }) : () -> ()
    %mul3A_12 = arith.constant 320 : i32
    %mul3A_13 = arith.muli %arg1, %mul3A_12 : i32
    %add3A_14 = arith.constant 256 : i32
    %add3A_15 = arith.addi %mul3A_13, %add3A_14 : i32
    %run_scoped3A_16 = arith.constant 0 : i32
    "tpu.region"() ({
      %run_scoped3A_108 = tpu.sem_alloc : memref<!tpu.dma_semaphore, #tpu.memory_space<semaphore_mem>>
      %dma_start3A_109 = arith.constant 0 : i32
      %dma_start3A_110 = arith.constant 0 : i32
      %dma_start3A_111 = tpu.memref_slice %arg8[%run_scoped3A_16, %dma_start3A_109, %dma_start3A_110] : memref<3x128x128xf32, #tpu.memory_space<vmem>> -> memref<1x64x128xf32, #tpu.memory_space<vmem>>
      %dma_start3A_112 = tpu.memref_squeeze %dma_start3A_111 : memref<1x64x128xf32, #tpu.memory_space<vmem>> -> memref<64x128xf32, #tpu.memory_space<vmem>>
      %dma_start3A_113 = arith.constant 0 : i32
      %dma_start3A_114 = tpu.memref_slice %arg9[%add3A_15, %dma_start3A_113] : memref<5120x128xf32, #tpu.memory_space<vmem_shared>> -> memref<64x128xf32, #tpu.memory_space<vmem_shared>>
      %dma_start3A_115 = arith.constant 0 : i32
      %dma_start3A_116 = tpu.memref_slice %arg9[%add3A_15, %dma_start3A_115] : memref<5120x128xf32, #tpu.memory_space<vmem_shared>> -> memref<64x128xf32, #tpu.memory_space<vmem_shared>>
      %dma_start3A_117 = arith.constant 0 : i32
      %dma_start3A_118 = arith.constant 0 : i32
      %dma_start3A_119 = tpu.memref_slice %arg8[%run_scoped3A_16, %dma_start3A_117, %dma_start3A_118] : memref<3x128x128xf32, #tpu.memory_space<vmem>> -> memref<1x64x128xf32, #tpu.memory_space<vmem>>
      %dma_start3A_120 = tpu.memref_squeeze %dma_start3A_119 : memref<1x64x128xf32, #tpu.memory_space<vmem>> -> memref<64x128xf32, #tpu.memory_space<vmem>>
      tpu.enqueue_dma source(%dma_start3A_120 : memref<64x128xf32, #tpu.memory_space<vmem>>) target(%dma_start3A_116 : memref<64x128xf32, #tpu.memory_space<vmem_shared>>) target_semaphore(%run_scoped3A_108 : memref<!tpu.dma_semaphore, #tpu.memory_space<semaphore_mem>>)
      %dma_wait3A_121 = arith.constant 0 : i32
      %dma_wait3A_122 = arith.constant 0 : i32
      %dma_wait3A_123 = tpu.memref_slice %arg8[%run_scoped3A_16, %dma_wait3A_121, %dma_wait3A_122] : memref<3x128x128xf32, #tpu.memory_space<vmem>> -> memref<1x64x128xf32, #tpu.memory_space<vmem>>
      %dma_wait3A_124 = tpu.memref_squeeze %dma_wait3A_123 : memref<1x64x128xf32, #tpu.memory_space<vmem>> -> memref<64x128xf32, #tpu.memory_space<vmem>>
      %dma_wait3A_125 = arith.constant 0 : i32
      %dma_wait3A_126 = tpu.memref_slice %arg9[%add3A_15, %dma_wait3A_125] : memref<5120x128xf32, #tpu.memory_space<vmem_shared>> -> memref<64x128xf32, #tpu.memory_space<vmem_shared>>
      %dma_wait3A_127 = arith.constant 0 : i32
      %dma_wait3A_128 = tpu.memref_slice %arg9[%add3A_15, %dma_wait3A_127] : memref<5120x128xf32, #tpu.memory_space<vmem_shared>> -> memref<64x128xf32, #tpu.memory_space<vmem_shared>>
      %dma_wait3A_129 = arith.constant 0 : i32
      %dma_wait3A_130 = arith.constant 0 : i32
      %dma_wait3A_131 = tpu.memref_slice %arg8[%run_scoped3A_16, %dma_wait3A_129, %dma_wait3A_130] : memref<3x128x128xf32, #tpu.memory_space<vmem>> -> memref<1x64x128xf32, #tpu.memory_space<vmem>>
      %dma_wait3A_132 = tpu.memref_squeeze %dma_wait3A_131 : memref<1x64x128xf32, #tpu.memory_space<vmem>> -> memref<64x128xf32, #tpu.memory_space<vmem>>
      tpu.wait_dma2 semaphore(%run_scoped3A_108 : memref<!tpu.dma_semaphore, #tpu.memory_space<semaphore_mem>>) src(%dma_wait3A_132 : memref<64x128xf32, #tpu.memory_space<vmem>>) dst(%dma_wait3A_128 : memref<64x128xf32, #tpu.memory_space<vmem_shared>>)
      tpu.yield
    }) : () -> ()
    %barrier3A = arith.constant 0 : index
    tpu.barrier barrier_id(%barrier3A)
    "tpu.region"() ({
      %run_scoped3A_108 = tpu.sem_alloc : memref<!tpu.dma_semaphore, #tpu.memory_space<semaphore_mem>>
      %dma_start3A_109 = arith.constant 0 : i32
      %dma_start3A_110 = arith.constant 0 : i32
      %dma_start3A_111 = tpu.memref_slice %arg3[%arg1, %dma_start3A_109, %dma_start3A_110] : memref<16x158x128xi32, #tpu.memory_space<hbm>> -> memref<1x158x128xi32, #tpu.memory_space<hbm>>
      %dma_start3A_112 = tpu.memref_squeeze %dma_start3A_111 : memref<1x158x128xi32, #tpu.memory_space<hbm>> -> memref<158x128xi32, #tpu.memory_space<hbm>>
      %dma_start3A_113 = arith.constant 0 : i32
      %dma_start3A_114 = arith.constant 0 : i32
      %dma_start3A_115 = tpu.memref_slice %arg3[%arg1, %dma_start3A_113, %dma_start3A_114] : memref<16x158x128xi32, #tpu.memory_space<hbm>> -> memref<1x158x128xi32, #tpu.memory_space<hbm>>
      %dma_start3A_116 = tpu.memref_squeeze %dma_start3A_115 : memref<1x158x128xi32, #tpu.memory_space<hbm>> -> memref<158x128xi32, #tpu.memory_space<hbm>>
      tpu.enqueue_dma source(%dma_start3A_116 : memref<158x128xi32, #tpu.memory_space<hbm>>) target(%arg6 : memref<158x128xi32, #tpu.memory_space<vmem>>) target_semaphore(%run_scoped3A_108 : memref<!tpu.dma_semaphore, #tpu.memory_space<semaphore_mem>>)
      %dma_wait3A_117 = arith.constant 0 : i32
      %dma_wait3A_118 = arith.constant 0 : i32
      %dma_wait3A_119 = tpu.memref_slice %arg3[%arg1, %dma_wait3A_117, %dma_wait3A_118] : memref<16x158x128xi32, #tpu.memory_space<hbm>> -> memref<1x158x128xi32, #tpu.memory_space<hbm>>
      %dma_wait3A_120 = tpu.memref_squeeze %dma_wait3A_119 : memref<1x158x128xi32, #tpu.memory_space<hbm>> -> memref<158x128xi32, #tpu.memory_space<hbm>>
      %dma_wait3A_121 = arith.constant 0 : i32
      %dma_wait3A_122 = arith.constant 0 : i32
      %dma_wait3A_123 = tpu.memref_slice %arg3[%arg1, %dma_wait3A_121, %dma_wait3A_122] : memref<16x158x128xi32, #tpu.memory_space<hbm>> -> memref<1x158x128xi32, #tpu.memory_space<hbm>>
      %dma_wait3A_124 = tpu.memref_squeeze %dma_wait3A_123 : memref<1x158x128xi32, #tpu.memory_space<hbm>> -> memref<158x128xi32, #tpu.memory_space<hbm>>
      tpu.wait_dma2 semaphore(%run_scoped3A_108 : memref<!tpu.dma_semaphore, #tpu.memory_space<semaphore_mem>>) src(%dma_wait3A_124 : memref<158x128xi32, #tpu.memory_space<hbm>>) dst(%arg6 : memref<158x128xi32, #tpu.memory_space<vmem>>)
      tpu.yield
    }) : () -> ()
    "tpu.region"() ({
      %run_scoped3A_108 = tpu.sem_alloc : memref<!tpu.dma_semaphore, #tpu.memory_space<semaphore_mem>>
      %dma_start3A_109 = arith.constant 0 : i32
      %dma_start3A_110 = arith.constant 0 : i32
      %dma_start3A_111 = tpu.memref_slice %arg4[%arg0, %arg1, %dma_start3A_109, %dma_start3A_110] : memref<2x16x158x128xi32, #tpu.memory_space<hbm>> -> memref<1x1x158x128xi32, #tpu.memory_space<hbm>>
      %dma_start3A_112 = tpu.memref_squeeze %dma_start3A_111 : memref<1x1x158x128xi32, #tpu.memory_space<hbm>> -> memref<158x128xi32, #tpu.memory_space<hbm>>
      %dma_start3A_113 = arith.constant 0 : i32
      %dma_start3A_114 = arith.constant 0 : i32
      %dma_start3A_115 = tpu.memref_slice %arg4[%arg0, %arg1, %dma_start3A_113, %dma_start3A_114] : memref<2x16x158x128xi32, #tpu.memory_space<hbm>> -> memref<1x1x158x128xi32, #tpu.memory_space<hbm>>
      %dma_start3A_116 = tpu.memref_squeeze %dma_start3A_115 : memref<1x1x158x128xi32, #tpu.memory_space<hbm>> -> memref<158x128xi32, #tpu.memory_space<hbm>>
      tpu.enqueue_dma source(%dma_start3A_116 : memref<158x128xi32, #tpu.memory_space<hbm>>) target(%arg7 : memref<158x128xi32, #tpu.memory_space<vmem>>) target_semaphore(%run_scoped3A_108 : memref<!tpu.dma_semaphore, #tpu.memory_space<semaphore_mem>>)
      %dma_wait3A_117 = arith.constant 0 : i32
      %dma_wait3A_118 = arith.constant 0 : i32
      %dma_wait3A_119 = tpu.memref_slice %arg4[%arg0, %arg1, %dma_wait3A_117, %dma_wait3A_118] : memref<2x16x158x128xi32, #tpu.memory_space<hbm>> -> memref<1x1x158x128xi32, #tpu.memory_space<hbm>>
      %dma_wait3A_120 = tpu.memref_squeeze %dma_wait3A_119 : memref<1x1x158x128xi32, #tpu.memory_space<hbm>> -> memref<158x128xi32, #tpu.memory_space<hbm>>
      %dma_wait3A_121 = arith.constant 0 : i32
      %dma_wait3A_122 = arith.constant 0 : i32
      %dma_wait3A_123 = tpu.memref_slice %arg4[%arg0, %arg1, %dma_wait3A_121, %dma_wait3A_122] : memref<2x16x158x128xi32, #tpu.memory_space<hbm>> -> memref<1x1x158x128xi32, #tpu.memory_space<hbm>>
      %dma_wait3A_124 = tpu.memref_squeeze %dma_wait3A_123 : memref<1x1x158x128xi32, #tpu.memory_space<hbm>> -> memref<158x128xi32, #tpu.memory_space<hbm>>
      tpu.wait_dma2 semaphore(%run_scoped3A_108 : memref<!tpu.dma_semaphore, #tpu.memory_space<semaphore_mem>>) src(%dma_wait3A_124 : memref<158x128xi32, #tpu.memory_space<hbm>>) dst(%arg7 : memref<158x128xi32, #tpu.memory_space<vmem>>)
      tpu.yield
    }) : () -> ()
    %dma_start3A = arith.constant 0 : i32
    %dma_start3A_17 = arith.constant 0 : i32
    %dma_start3A_18 = arith.constant 0 : i32
    %dma_start3A_19 = arith.constant 0 : i32
    %dma_start3A_20 = tpu.memref_slice %arg8[%dma_start3A_17, %dma_start3A_18, %dma_start3A_19] : memref<3x128x128xf32, #tpu.memory_space<vmem>> -> memref<1x64x128xf32, #tpu.memory_space<vmem>>
    %dma_start3A_21 = tpu.memref_squeeze %dma_start3A_20 : memref<1x64x128xf32, #tpu.memory_space<vmem>> -> memref<64x128xf32, #tpu.memory_space<vmem>>
    %dma_start3A_22 = arith.constant 0 : i32
    %dma_start3A_23 = tpu.memref_slice %arg6[%dma_start3A, %dma_start3A_22] : memref<158x128xi32, #tpu.memory_space<vmem>> -> memref<1x64xi32, #tpu.memory_space<vmem>>
    %dma_start3A_24 = tpu.memref_squeeze %dma_start3A_23 : memref<1x64xi32, #tpu.memory_space<vmem>> -> memref<64xi32, #tpu.memory_space<vmem>>
    %dma_start3A_25 = arith.constant 0 : i32
    %dma_start3A_26 = arith.constant 0 : i32
    %dma_start3A_27 = tpu.memref_slice %arg2[%dma_start3A_25, %dma_start3A_26] : memref<81920x128xf32, #tpu.memory_space<hbm>> -> memref<81920x128xf32, #tpu.memory_space<hbm>>
    tpu.enqueue_indirect_dma source(%dma_start3A_27 : memref<81920x128xf32, #tpu.memory_space<hbm>>) target(%dma_start3A_21 : memref<64x128xf32, #tpu.memory_space<vmem>>) offsets(%dma_start3A_24 : memref<64xi32, #tpu.memory_space<vmem>>) semaphore(%arg10 : memref<!tpu.dma_semaphore, #tpu.memory_space<semaphore_mem>>)
    %dma_start3A_28 = arith.constant 0 : i32
    %dma_start3A_29 = arith.constant 0 : i32
    %dma_start3A_30 = arith.constant 64 : i32
    %dma_start3A_31 = arith.constant 0 : i32
    %dma_start3A_32 = tpu.memref_slice %arg8[%dma_start3A_29, %dma_start3A_30, %dma_start3A_31] : memref<3x128x128xf32, #tpu.memory_space<vmem>> -> memref<1x64x128xf32, #tpu.memory_space<vmem>>
    %dma_start3A_33 = tpu.memref_squeeze %dma_start3A_32 : memref<1x64x128xf32, #tpu.memory_space<vmem>> -> memref<64x128xf32, #tpu.memory_space<vmem>>
    %dma_start3A_34 = arith.constant 64 : i32
    %dma_start3A_35 = tpu.memref_slice %arg6[%dma_start3A_28, %dma_start3A_34] : memref<158x128xi32, #tpu.memory_space<vmem>> -> memref<1x64xi32, #tpu.memory_space<vmem>>
    %dma_start3A_36 = tpu.memref_squeeze %dma_start3A_35 : memref<1x64xi32, #tpu.memory_space<vmem>> -> memref<64xi32, #tpu.memory_space<vmem>>
    %dma_start3A_37 = arith.constant 0 : i32
    %dma_start3A_38 = arith.constant 0 : i32
    %dma_start3A_39 = tpu.memref_slice %arg2[%dma_start3A_37, %dma_start3A_38] : memref<81920x128xf32, #tpu.memory_space<hbm>> -> memref<81920x128xf32, #tpu.memory_space<hbm>>
    tpu.enqueue_indirect_dma source(%dma_start3A_39 : memref<81920x128xf32, #tpu.memory_space<hbm>>) target(%dma_start3A_33 : memref<64x128xf32, #tpu.memory_space<vmem>>) offsets(%dma_start3A_36 : memref<64xi32, #tpu.memory_space<vmem>>) semaphore(%arg11 : memref<!tpu.dma_semaphore, #tpu.memory_space<semaphore_mem>>)
    %dma_start3A_40 = arith.constant 1 : i32
    %dma_start3A_41 = arith.constant 1 : i32
    %dma_start3A_42 = arith.constant 0 : i32
    %dma_start3A_43 = arith.constant 0 : i32
    %dma_start3A_44 = tpu.memref_slice %arg8[%dma_start3A_41, %dma_start3A_42, %dma_start3A_43] : memref<3x128x128xf32, #tpu.memory_space<vmem>> -> memref<1x64x128xf32, #tpu.memory_space<vmem>>
    %dma_start3A_45 = tpu.memref_squeeze %dma_start3A_44 : memref<1x64x128xf32, #tpu.memory_space<vmem>> -> memref<64x128xf32, #tpu.memory_space<vmem>>
    %dma_start3A_46 = arith.constant 0 : i32
    %dma_start3A_47 = tpu.memref_slice %arg6[%dma_start3A_40, %dma_start3A_46] : memref<158x128xi32, #tpu.memory_space<vmem>> -> memref<1x64xi32, #tpu.memory_space<vmem>>
    %dma_start3A_48 = tpu.memref_squeeze %dma_start3A_47 : memref<1x64xi32, #tpu.memory_space<vmem>> -> memref<64xi32, #tpu.memory_space<vmem>>
    %dma_start3A_49 = arith.constant 0 : i32
    %dma_start3A_50 = arith.constant 0 : i32
    %dma_start3A_51 = tpu.memref_slice %arg2[%dma_start3A_49, %dma_start3A_50] : memref<81920x128xf32, #tpu.memory_space<hbm>> -> memref<81920x128xf32, #tpu.memory_space<hbm>>
    tpu.enqueue_indirect_dma source(%dma_start3A_51 : memref<81920x128xf32, #tpu.memory_space<hbm>>) target(%dma_start3A_45 : memref<64x128xf32, #tpu.memory_space<vmem>>) offsets(%dma_start3A_48 : memref<64xi32, #tpu.memory_space<vmem>>) semaphore(%arg12 : memref<!tpu.dma_semaphore, #tpu.memory_space<semaphore_mem>>)
    %dma_start3A_52 = arith.constant 1 : i32
    %dma_start3A_53 = arith.constant 1 : i32
    %dma_start3A_54 = arith.constant 64 : i32
    %dma_start3A_55 = arith.constant 0 : i32
    %dma_start3A_56 = tpu.memref_slice %arg8[%dma_start3A_53, %dma_start3A_54, %dma_start3A_55] : memref<3x128x128xf32, #tpu.memory_space<vmem>> -> memref<1x64x128xf32, #tpu.memory_space<vmem>>
    %dma_start3A_57 = tpu.memref_squeeze %dma_start3A_56 : memref<1x64x128xf32, #tpu.memory_space<vmem>> -> memref<64x128xf32, #tpu.memory_space<vmem>>
    %dma_start3A_58 = arith.constant 64 : i32
    %dma_start3A_59 = tpu.memref_slice %arg6[%dma_start3A_52, %dma_start3A_58] : memref<158x128xi32, #tpu.memory_space<vmem>> -> memref<1x64xi32, #tpu.memory_space<vmem>>
    %dma_start3A_60 = tpu.memref_squeeze %dma_start3A_59 : memref<1x64xi32, #tpu.memory_space<vmem>> -> memref<64xi32, #tpu.memory_space<vmem>>
    %dma_start3A_61 = arith.constant 0 : i32
    %dma_start3A_62 = arith.constant 0 : i32
    %dma_start3A_63 = tpu.memref_slice %arg2[%dma_start3A_61, %dma_start3A_62] : memref<81920x128xf32, #tpu.memory_space<hbm>> -> memref<81920x128xf32, #tpu.memory_space<hbm>>
    tpu.enqueue_indirect_dma source(%dma_start3A_63 : memref<81920x128xf32, #tpu.memory_space<hbm>>) target(%dma_start3A_57 : memref<64x128xf32, #tpu.memory_space<vmem>>) offsets(%dma_start3A_60 : memref<64xi32, #tpu.memory_space<vmem>>) semaphore(%arg13 : memref<!tpu.dma_semaphore, #tpu.memory_space<semaphore_mem>>)
    %scan3A_64 = arith.constant 0 : i32
    %scan3A_65 = arith.constant 0 : i32
    %scan3A_66 = arith.constant 158 : i32
    %scan3A_67 = arith.addi %scan3A_65, %scan3A_66 : i32
    %scan3A_68 = arith.constant 1 : i32
    scf.for %scan3A_108 = %scan3A_65 to %scan3A_67 step %scan3A_68  : i32 {
      %jit3A = arith.constant 3 : i32
      %eq3A = arith.constant 0 : i32
      %eq3A_109 = arith.cmpi eq, %jit3A, %eq3A : i32
      %jit3A_110 = arith.constant 1 : i32
      %select_n3A = arith.select %eq3A_109, %jit3A_110, %jit3A : i32
      %rem3A = arith.remsi %scan3A_108, %select_n3A : i32
      %ne3A = arith.constant 0 : i32
      %ne3A_111 = arith.cmpi ne, %rem3A, %ne3A : i32
      %lt3A = arith.constant 0 : i32
      %lt3A_112 = arith.cmpi slt, %rem3A, %lt3A : i32
      %lt3A_113 = arith.constant 0 : i32
      %lt3A_114 = arith.cmpi slt, %select_n3A, %lt3A_113 : i32
      %ne3A_115 = arith.xori %lt3A_112, %lt3A_114 : i1
      %and3A = arith.andi %ne3A_115, %ne3A_111 : i1
      %add3A_116 = arith.addi %rem3A, %select_n3A : i32
      %select_n3A_117 = arith.select %and3A, %add3A_116, %rem3A : i32
      %eq3A_118 = arith.constant 0 : i32
      %eq3A_119 = arith.cmpi eq, %select_n3A_117, %eq3A_118 : i32
      %convert_element_type3A = arith.extui %eq3A_119 : i1 to i32
      %cond3A = arith.constant 0 : i32
      %cond3A_120 = arith.cmpi ne, %convert_element_type3A, %cond3A : i32
      scf.if %cond3A_120 {
        %add3A_163 = arith.constant 2 : i32
        %add3A_164 = arith.addi %scan3A_108, %add3A_163 : i32
        %lt3A_165 = arith.constant 158 : i32
        %lt3A_166 = arith.cmpi slt, %add3A_164, %lt3A_165 : i32
        %convert_element_type3A_167 = arith.extui %lt3A_166 : i1 to i32
        %cond3A_168 = arith.constant 0 : i32
        %cond3A_169 = arith.cmpi ne, %convert_element_type3A_167, %cond3A_168 : i32
        scf.if %cond3A_169 {
          %ge3A = arith.constant 1 : i32
          %ge3A_203 = arith.cmpi sge, %scan3A_108, %ge3A : i32
          %convert_element_type3A_204 = arith.extui %ge3A_203 : i1 to i32
          %cond3A_205 = arith.constant 0 : i32
          %cond3A_206 = arith.cmpi ne, %convert_element_type3A_204, %cond3A_205 : i32
          scf.if %cond3A_206 {
            %sub3A = arith.constant 1 : i32
            %sub3A_231 = arith.subi %scan3A_108, %sub3A : i32
            %dma_wait3A_232 = arith.constant 2 : i32
            %dma_wait3A_233 = arith.constant 0 : i32
            %dma_wait3A_234 = arith.constant 0 : i32
            %dma_wait3A_235 = tpu.memref_slice %arg8[%dma_wait3A_232, %dma_wait3A_233, %dma_wait3A_234] : memref<3x128x128xf32, #tpu.memory_space<vmem>> -> memref<1x128x128xf32, #tpu.memory_space<vmem>>
            %dma_wait3A_236 = tpu.memref_squeeze %dma_wait3A_235 : memref<1x128x128xf32, #tpu.memory_space<vmem>> -> memref<128x128xf32, #tpu.memory_space<vmem>>
            %dma_wait3A_237 = arith.constant 0 : i32
            %dma_wait3A_238 = tpu.memref_slice %arg7[%sub3A_231, %dma_wait3A_237] : memref<158x128xi32, #tpu.memory_space<vmem>> -> memref<1x128xi32, #tpu.memory_space<vmem>>
            %dma_wait3A_239 = tpu.memref_squeeze %dma_wait3A_238 : memref<1x128xi32, #tpu.memory_space<vmem>> -> memref<128xi32, #tpu.memory_space<vmem>>
            %dma_wait3A_240 = arith.constant 0 : i32
            %dma_wait3A_241 = arith.constant 0 : i32
            %dma_wait3A_242 = tpu.memref_slice %arg9[%dma_wait3A_240, %dma_wait3A_241] : memref<5120x128xf32, #tpu.memory_space<vmem_shared>> -> memref<5120x128xf32, #tpu.memory_space<vmem_shared>>
            tpu.wait_indirect_dma semaphore(%arg18 : memref<!tpu.dma_semaphore, #tpu.memory_space<semaphore_mem>>) src(%dma_wait3A_236 : memref<128x128xf32, #tpu.memory_space<vmem>>) dst(%dma_wait3A_242 : memref<5120x128xf32, #tpu.memory_space<vmem_shared>>)
          } else {
          }
          %add3A_207 = arith.constant 2 : i32
          %add3A_208 = arith.addi %scan3A_108, %add3A_207 : i32
          %dma_start3A_209 = arith.constant 2 : i32
          %dma_start3A_210 = arith.constant 0 : i32
          %dma_start3A_211 = arith.constant 0 : i32
          %dma_start3A_212 = tpu.memref_slice %arg8[%dma_start3A_209, %dma_start3A_210, %dma_start3A_211] : memref<3x128x128xf32, #tpu.memory_space<vmem>> -> memref<1x64x128xf32, #tpu.memory_space<vmem>>
          %dma_start3A_213 = tpu.memref_squeeze %dma_start3A_212 : memref<1x64x128xf32, #tpu.memory_space<vmem>> -> memref<64x128xf32, #tpu.memory_space<vmem>>
          %dma_start3A_214 = arith.constant 0 : i32
          %dma_start3A_215 = tpu.memref_slice %arg6[%add3A_208, %dma_start3A_214] : memref<158x128xi32, #tpu.memory_space<vmem>> -> memref<1x64xi32, #tpu.memory_space<vmem>>
          %dma_start3A_216 = tpu.memref_squeeze %dma_start3A_215 : memref<1x64xi32, #tpu.memory_space<vmem>> -> memref<64xi32, #tpu.memory_space<vmem>>
          %dma_start3A_217 = arith.constant 0 : i32
          %dma_start3A_218 = arith.constant 0 : i32
          %dma_start3A_219 = tpu.memref_slice %arg2[%dma_start3A_217, %dma_start3A_218] : memref<81920x128xf32, #tpu.memory_space<hbm>> -> memref<81920x128xf32, #tpu.memory_space<hbm>>
          tpu.enqueue_indirect_dma source(%dma_start3A_219 : memref<81920x128xf32, #tpu.memory_space<hbm>>) target(%dma_start3A_213 : memref<64x128xf32, #tpu.memory_space<vmem>>) offsets(%dma_start3A_216 : memref<64xi32, #tpu.memory_space<vmem>>) semaphore(%arg14 : memref<!tpu.dma_semaphore, #tpu.memory_space<semaphore_mem>>)
          %dma_start3A_220 = arith.constant 2 : i32
          %dma_start3A_221 = arith.constant 64 : i32
          %dma_start3A_222 = arith.constant 0 : i32
          %dma_start3A_223 = tpu.memref_slice %arg8[%dma_start3A_220, %dma_start3A_221, %dma_start3A_222] : memref<3x128x128xf32, #tpu.memory_space<vmem>> -> memref<1x64x128xf32, #tpu.memory_space<vmem>>
          %dma_start3A_224 = tpu.memref_squeeze %dma_start3A_223 : memref<1x64x128xf32, #tpu.memory_space<vmem>> -> memref<64x128xf32, #tpu.memory_space<vmem>>
          %dma_start3A_225 = arith.constant 64 : i32
          %dma_start3A_226 = tpu.memref_slice %arg6[%add3A_208, %dma_start3A_225] : memref<158x128xi32, #tpu.memory_space<vmem>> -> memref<1x64xi32, #tpu.memory_space<vmem>>
          %dma_start3A_227 = tpu.memref_squeeze %dma_start3A_226 : memref<1x64xi32, #tpu.memory_space<vmem>> -> memref<64xi32, #tpu.memory_space<vmem>>
          %dma_start3A_228 = arith.constant 0 : i32
          %dma_start3A_229 = arith.constant 0 : i32
          %dma_start3A_230 = tpu.memref_slice %arg2[%dma_start3A_228, %dma_start3A_229] : memref<81920x128xf32, #tpu.memory_space<hbm>> -> memref<81920x128xf32, #tpu.memory_space<hbm>>
          tpu.enqueue_indirect_dma source(%dma_start3A_230 : memref<81920x128xf32, #tpu.memory_space<hbm>>) target(%dma_start3A_224 : memref<64x128xf32, #tpu.memory_space<vmem>>) offsets(%dma_start3A_227 : memref<64xi32, #tpu.memory_space<vmem>>) semaphore(%arg15 : memref<!tpu.dma_semaphore, #tpu.memory_space<semaphore_mem>>)
        } else {
        }
        %dma_wait3A_170 = arith.constant 0 : i32
        %dma_wait3A_171 = arith.constant 0 : i32
        %dma_wait3A_172 = arith.constant 0 : i32
        %dma_wait3A_173 = tpu.memref_slice %arg8[%dma_wait3A_170, %dma_wait3A_171, %dma_wait3A_172] : memref<3x128x128xf32, #tpu.memory_space<vmem>> -> memref<1x64x128xf32, #tpu.memory_space<vmem>>
        %dma_wait3A_174 = tpu.memref_squeeze %dma_wait3A_173 : memref<1x64x128xf32, #tpu.memory_space<vmem>> -> memref<64x128xf32, #tpu.memory_space<vmem>>
        %dma_wait3A_175 = arith.constant 0 : i32
        %dma_wait3A_176 = tpu.memref_slice %arg6[%scan3A_108, %dma_wait3A_175] : memref<158x128xi32, #tpu.memory_space<vmem>> -> memref<1x64xi32, #tpu.memory_space<vmem>>
        %dma_wait3A_177 = tpu.memref_squeeze %dma_wait3A_176 : memref<1x64xi32, #tpu.memory_space<vmem>> -> memref<64xi32, #tpu.memory_space<vmem>>
        %dma_wait3A_178 = arith.constant 0 : i32
        %dma_wait3A_179 = arith.constant 0 : i32
        %dma_wait3A_180 = tpu.memref_slice %arg2[%dma_wait3A_178, %dma_wait3A_179] : memref<81920x128xf32, #tpu.memory_space<hbm>> -> memref<81920x128xf32, #tpu.memory_space<hbm>>
        tpu.wait_indirect_dma semaphore(%arg10 : memref<!tpu.dma_semaphore, #tpu.memory_space<semaphore_mem>>) src(%dma_wait3A_180 : memref<81920x128xf32, #tpu.memory_space<hbm>>) dst(%dma_wait3A_174 : memref<64x128xf32, #tpu.memory_space<vmem>>)
        %dma_wait3A_181 = arith.constant 0 : i32
        %dma_wait3A_182 = arith.constant 64 : i32
        %dma_wait3A_183 = arith.constant 0 : i32
        %dma_wait3A_184 = tpu.memref_slice %arg8[%dma_wait3A_181, %dma_wait3A_182, %dma_wait3A_183] : memref<3x128x128xf32, #tpu.memory_space<vmem>> -> memref<1x64x128xf32, #tpu.memory_space<vmem>>
        %dma_wait3A_185 = tpu.memref_squeeze %dma_wait3A_184 : memref<1x64x128xf32, #tpu.memory_space<vmem>> -> memref<64x128xf32, #tpu.memory_space<vmem>>
        %dma_wait3A_186 = arith.constant 64 : i32
        %dma_wait3A_187 = tpu.memref_slice %arg6[%scan3A_108, %dma_wait3A_186] : memref<158x128xi32, #tpu.memory_space<vmem>> -> memref<1x64xi32, #tpu.memory_space<vmem>>
        %dma_wait3A_188 = tpu.memref_squeeze %dma_wait3A_187 : memref<1x64xi32, #tpu.memory_space<vmem>> -> memref<64xi32, #tpu.memory_space<vmem>>
        %dma_wait3A_189 = arith.constant 0 : i32
        %dma_wait3A_190 = arith.constant 0 : i32
        %dma_wait3A_191 = tpu.memref_slice %arg2[%dma_wait3A_189, %dma_wait3A_190] : memref<81920x128xf32, #tpu.memory_space<hbm>> -> memref<81920x128xf32, #tpu.memory_space<hbm>>
        tpu.wait_indirect_dma semaphore(%arg11 : memref<!tpu.dma_semaphore, #tpu.memory_space<semaphore_mem>>) src(%dma_wait3A_191 : memref<81920x128xf32, #tpu.memory_space<hbm>>) dst(%dma_wait3A_185 : memref<64x128xf32, #tpu.memory_space<vmem>>)
        %dma_start3A_192 = arith.constant 0 : i32
        %dma_start3A_193 = arith.constant 0 : i32
        %dma_start3A_194 = arith.constant 0 : i32
        %dma_start3A_195 = tpu.memref_slice %arg8[%dma_start3A_192, %dma_start3A_193, %dma_start3A_194] : memref<3x128x128xf32, #tpu.memory_space<vmem>> -> memref<1x128x128xf32, #tpu.memory_space<vmem>>
        %dma_start3A_196 = tpu.memref_squeeze %dma_start3A_195 : memref<1x128x128xf32, #tpu.memory_space<vmem>> -> memref<128x128xf32, #tpu.memory_space<vmem>>
        %dma_start3A_197 = arith.constant 0 : i32
        %dma_start3A_198 = tpu.memref_slice %arg7[%scan3A_108, %dma_start3A_197] : memref<158x128xi32, #tpu.memory_space<vmem>> -> memref<1x128xi32, #tpu.memory_space<vmem>>
        %dma_start3A_199 = tpu.memref_squeeze %dma_start3A_198 : memref<1x128xi32, #tpu.memory_space<vmem>> -> memref<128xi32, #tpu.memory_space<vmem>>
        %dma_start3A_200 = arith.constant 0 : i32
        %dma_start3A_201 = arith.constant 0 : i32
        %dma_start3A_202 = tpu.memref_slice %arg9[%dma_start3A_200, %dma_start3A_201] : memref<5120x128xf32, #tpu.memory_space<vmem_shared>> -> memref<5120x128xf32, #tpu.memory_space<vmem_shared>>
        tpu.enqueue_indirect_dma source(%dma_start3A_196 : memref<128x128xf32, #tpu.memory_space<vmem>>) target(%dma_start3A_202 : memref<5120x128xf32, #tpu.memory_space<vmem_shared>>) offsets(%dma_start3A_199 : memref<128xi32, #tpu.memory_space<vmem>>) semaphore(%arg16 : memref<!tpu.dma_semaphore, #tpu.memory_space<semaphore_mem>>) {add = true}
      } else {
      }
      %jit3A_121 = arith.constant 3 : i32
      %eq3A_122 = arith.constant 0 : i32
      %eq3A_123 = arith.cmpi eq, %jit3A_121, %eq3A_122 : i32
      %jit3A_124 = arith.constant 1 : i32
      %select_n3A_125 = arith.select %eq3A_123, %jit3A_124, %jit3A_121 : i32
      %rem3A_126 = arith.remsi %scan3A_108, %select_n3A_125 : i32
      %ne3A_127 = arith.constant 0 : i32
      %ne3A_128 = arith.cmpi ne, %rem3A_126, %ne3A_127 : i32
      %lt3A_129 = arith.constant 0 : i32
      %lt3A_130 = arith.cmpi slt, %rem3A_126, %lt3A_129 : i32
      %lt3A_131 = arith.constant 0 : i32
      %lt3A_132 = arith.cmpi slt, %select_n3A_125, %lt3A_131 : i32
      %ne3A_133 = arith.xori %lt3A_130, %lt3A_132 : i1
      %and3A_134 = arith.andi %ne3A_133, %ne3A_128 : i1
      %add3A_135 = arith.addi %rem3A_126, %select_n3A_125 : i32
      %select_n3A_136 = arith.select %and3A_134, %add3A_135, %rem3A_126 : i32
      %eq3A_137 = arith.constant 1 : i32
      %eq3A_138 = arith.cmpi eq, %select_n3A_136, %eq3A_137 : i32
      %convert_element_type3A_139 = arith.extui %eq3A_138 : i1 to i32
      %cond3A_140 = arith.constant 0 : i32
      %cond3A_141 = arith.cmpi ne, %convert_element_type3A_139, %cond3A_140 : i32
      scf.if %cond3A_141 {
        %add3A_163 = arith.constant 2 : i32
        %add3A_164 = arith.addi %scan3A_108, %add3A_163 : i32
        %lt3A_165 = arith.constant 158 : i32
        %lt3A_166 = arith.cmpi slt, %add3A_164, %lt3A_165 : i32
        %convert_element_type3A_167 = arith.extui %lt3A_166 : i1 to i32
        %cond3A_168 = arith.constant 0 : i32
        %cond3A_169 = arith.cmpi ne, %convert_element_type3A_167, %cond3A_168 : i32
        scf.if %cond3A_169 {
          %ge3A = arith.constant 1 : i32
          %ge3A_203 = arith.cmpi sge, %scan3A_108, %ge3A : i32
          %convert_element_type3A_204 = arith.extui %ge3A_203 : i1 to i32
          %cond3A_205 = arith.constant 0 : i32
          %cond3A_206 = arith.cmpi ne, %convert_element_type3A_204, %cond3A_205 : i32
          scf.if %cond3A_206 {
            %sub3A = arith.constant 1 : i32
            %sub3A_231 = arith.subi %scan3A_108, %sub3A : i32
            %dma_wait3A_232 = arith.constant 0 : i32
            %dma_wait3A_233 = arith.constant 0 : i32
            %dma_wait3A_234 = arith.constant 0 : i32
            %dma_wait3A_235 = tpu.memref_slice %arg8[%dma_wait3A_232, %dma_wait3A_233, %dma_wait3A_234] : memref<3x128x128xf32, #tpu.memory_space<vmem>> -> memref<1x128x128xf32, #tpu.memory_space<vmem>>
            %dma_wait3A_236 = tpu.memref_squeeze %dma_wait3A_235 : memref<1x128x128xf32, #tpu.memory_space<vmem>> -> memref<128x128xf32, #tpu.memory_space<vmem>>
            %dma_wait3A_237 = arith.constant 0 : i32
            %dma_wait3A_238 = tpu.memref_slice %arg7[%sub3A_231, %dma_wait3A_237] : memref<158x128xi32, #tpu.memory_space<vmem>> -> memref<1x128xi32, #tpu.memory_space<vmem>>
            %dma_wait3A_239 = tpu.memref_squeeze %dma_wait3A_238 : memref<1x128xi32, #tpu.memory_space<vmem>> -> memref<128xi32, #tpu.memory_space<vmem>>
            %dma_wait3A_240 = arith.constant 0 : i32
            %dma_wait3A_241 = arith.constant 0 : i32
            %dma_wait3A_242 = tpu.memref_slice %arg9[%dma_wait3A_240, %dma_wait3A_241] : memref<5120x128xf32, #tpu.memory_space<vmem_shared>> -> memref<5120x128xf32, #tpu.memory_space<vmem_shared>>
            tpu.wait_indirect_dma semaphore(%arg16 : memref<!tpu.dma_semaphore, #tpu.memory_space<semaphore_mem>>) src(%dma_wait3A_236 : memref<128x128xf32, #tpu.memory_space<vmem>>) dst(%dma_wait3A_242 : memref<5120x128xf32, #tpu.memory_space<vmem_shared>>)
          } else {
          }
          %add3A_207 = arith.constant 2 : i32
          %add3A_208 = arith.addi %scan3A_108, %add3A_207 : i32
          %dma_start3A_209 = arith.constant 0 : i32
          %dma_start3A_210 = arith.constant 0 : i32
          %dma_start3A_211 = arith.constant 0 : i32
          %dma_start3A_212 = tpu.memref_slice %arg8[%dma_start3A_209, %dma_start3A_210, %dma_start3A_211] : memref<3x128x128xf32, #tpu.memory_space<vmem>> -> memref<1x64x128xf32, #tpu.memory_space<vmem>>
          %dma_start3A_213 = tpu.memref_squeeze %dma_start3A_212 : memref<1x64x128xf32, #tpu.memory_space<vmem>> -> memref<64x128xf32, #tpu.memory_space<vmem>>
          %dma_start3A_214 = arith.constant 0 : i32
          %dma_start3A_215 = tpu.memref_slice %arg6[%add3A_208, %dma_start3A_214] : memref<158x128xi32, #tpu.memory_space<vmem>> -> memref<1x64xi32, #tpu.memory_space<vmem>>
          %dma_start3A_216 = tpu.memref_squeeze %dma_start3A_215 : memref<1x64xi32, #tpu.memory_space<vmem>> -> memref<64xi32, #tpu.memory_space<vmem>>
          %dma_start3A_217 = arith.constant 0 : i32
          %dma_start3A_218 = arith.constant 0 : i32
          %dma_start3A_219 = tpu.memref_slice %arg2[%dma_start3A_217, %dma_start3A_218] : memref<81920x128xf32, #tpu.memory_space<hbm>> -> memref<81920x128xf32, #tpu.memory_space<hbm>>
          tpu.enqueue_indirect_dma source(%dma_start3A_219 : memref<81920x128xf32, #tpu.memory_space<hbm>>) target(%dma_start3A_213 : memref<64x128xf32, #tpu.memory_space<vmem>>) offsets(%dma_start3A_216 : memref<64xi32, #tpu.memory_space<vmem>>) semaphore(%arg10 : memref<!tpu.dma_semaphore, #tpu.memory_space<semaphore_mem>>)
          %dma_start3A_220 = arith.constant 0 : i32
          %dma_start3A_221 = arith.constant 64 : i32
          %dma_start3A_222 = arith.constant 0 : i32
          %dma_start3A_223 = tpu.memref_slice %arg8[%dma_start3A_220, %dma_start3A_221, %dma_start3A_222] : memref<3x128x128xf32, #tpu.memory_space<vmem>> -> memref<1x64x128xf32, #tpu.memory_space<vmem>>
          %dma_start3A_224 = tpu.memref_squeeze %dma_start3A_223 : memref<1x64x128xf32, #tpu.memory_space<vmem>> -> memref<64x128xf32, #tpu.memory_space<vmem>>
          %dma_start3A_225 = arith.constant 64 : i32
          %dma_start3A_226 = tpu.memref_slice %arg6[%add3A_208, %dma_start3A_225] : memref<158x128xi32, #tpu.memory_space<vmem>> -> memref<1x64xi32, #tpu.memory_space<vmem>>
          %dma_start3A_227 = tpu.memref_squeeze %dma_start3A_226 : memref<1x64xi32, #tpu.memory_space<vmem>> -> memref<64xi32, #tpu.memory_space<vmem>>
          %dma_start3A_228 = arith.constant 0 : i32
          %dma_start3A_229 = arith.constant 0 : i32
          %dma_start3A_230 = tpu.memref_slice %arg2[%dma_start3A_228, %dma_start3A_229] : memref<81920x128xf32, #tpu.memory_space<hbm>> -> memref<81920x128xf32, #tpu.memory_space<hbm>>
          tpu.enqueue_indirect_dma source(%dma_start3A_230 : memref<81920x128xf32, #tpu.memory_space<hbm>>) target(%dma_start3A_224 : memref<64x128xf32, #tpu.memory_space<vmem>>) offsets(%dma_start3A_227 : memref<64xi32, #tpu.memory_space<vmem>>) semaphore(%arg11 : memref<!tpu.dma_semaphore, #tpu.memory_space<semaphore_mem>>)
        } else {
        }
        %dma_wait3A_170 = arith.constant 1 : i32
        %dma_wait3A_171 = arith.constant 0 : i32
        %dma_wait3A_172 = arith.constant 0 : i32
        %dma_wait3A_173 = tpu.memref_slice %arg8[%dma_wait3A_170, %dma_wait3A_171, %dma_wait3A_172] : memref<3x128x128xf32, #tpu.memory_space<vmem>> -> memref<1x64x128xf32, #tpu.memory_space<vmem>>
        %dma_wait3A_174 = tpu.memref_squeeze %dma_wait3A_173 : memref<1x64x128xf32, #tpu.memory_space<vmem>> -> memref<64x128xf32, #tpu.memory_space<vmem>>
        %dma_wait3A_175 = arith.constant 0 : i32
        %dma_wait3A_176 = tpu.memref_slice %arg6[%scan3A_108, %dma_wait3A_175] : memref<158x128xi32, #tpu.memory_space<vmem>> -> memref<1x64xi32, #tpu.memory_space<vmem>>
        %dma_wait3A_177 = tpu.memref_squeeze %dma_wait3A_176 : memref<1x64xi32, #tpu.memory_space<vmem>> -> memref<64xi32, #tpu.memory_space<vmem>>
        %dma_wait3A_178 = arith.constant 0 : i32
        %dma_wait3A_179 = arith.constant 0 : i32
        %dma_wait3A_180 = tpu.memref_slice %arg2[%dma_wait3A_178, %dma_wait3A_179] : memref<81920x128xf32, #tpu.memory_space<hbm>> -> memref<81920x128xf32, #tpu.memory_space<hbm>>
        tpu.wait_indirect_dma semaphore(%arg12 : memref<!tpu.dma_semaphore, #tpu.memory_space<semaphore_mem>>) src(%dma_wait3A_180 : memref<81920x128xf32, #tpu.memory_space<hbm>>) dst(%dma_wait3A_174 : memref<64x128xf32, #tpu.memory_space<vmem>>)
        %dma_wait3A_181 = arith.constant 1 : i32
        %dma_wait3A_182 = arith.constant 64 : i32
        %dma_wait3A_183 = arith.constant 0 : i32
        %dma_wait3A_184 = tpu.memref_slice %arg8[%dma_wait3A_181, %dma_wait3A_182, %dma_wait3A_183] : memref<3x128x128xf32, #tpu.memory_space<vmem>> -> memref<1x64x128xf32, #tpu.memory_space<vmem>>
        %dma_wait3A_185 = tpu.memref_squeeze %dma_wait3A_184 : memref<1x64x128xf32, #tpu.memory_space<vmem>> -> memref<64x128xf32, #tpu.memory_space<vmem>>
        %dma_wait3A_186 = arith.constant 64 : i32
        %dma_wait3A_187 = tpu.memref_slice %arg6[%scan3A_108, %dma_wait3A_186] : memref<158x128xi32, #tpu.memory_space<vmem>> -> memref<1x64xi32, #tpu.memory_space<vmem>>
        %dma_wait3A_188 = tpu.memref_squeeze %dma_wait3A_187 : memref<1x64xi32, #tpu.memory_space<vmem>> -> memref<64xi32, #tpu.memory_space<vmem>>
        %dma_wait3A_189 = arith.constant 0 : i32
        %dma_wait3A_190 = arith.constant 0 : i32
        %dma_wait3A_191 = tpu.memref_slice %arg2[%dma_wait3A_189, %dma_wait3A_190] : memref<81920x128xf32, #tpu.memory_space<hbm>> -> memref<81920x128xf32, #tpu.memory_space<hbm>>
        tpu.wait_indirect_dma semaphore(%arg13 : memref<!tpu.dma_semaphore, #tpu.memory_space<semaphore_mem>>) src(%dma_wait3A_191 : memref<81920x128xf32, #tpu.memory_space<hbm>>) dst(%dma_wait3A_185 : memref<64x128xf32, #tpu.memory_space<vmem>>)
        %dma_start3A_192 = arith.constant 1 : i32
        %dma_start3A_193 = arith.constant 0 : i32
        %dma_start3A_194 = arith.constant 0 : i32
        %dma_start3A_195 = tpu.memref_slice %arg8[%dma_start3A_192, %dma_start3A_193, %dma_start3A_194] : memref<3x128x128xf32, #tpu.memory_space<vmem>> -> memref<1x128x128xf32, #tpu.memory_space<vmem>>
        %dma_start3A_196 = tpu.memref_squeeze %dma_start3A_195 : memref<1x128x128xf32, #tpu.memory_space<vmem>> -> memref<128x128xf32, #tpu.memory_space<vmem>>
        %dma_start3A_197 = arith.constant 0 : i32
        %dma_start3A_198 = tpu.memref_slice %arg7[%scan3A_108, %dma_start3A_197] : memref<158x128xi32, #tpu.memory_space<vmem>> -> memref<1x128xi32, #tpu.memory_space<vmem>>
        %dma_start3A_199 = tpu.memref_squeeze %dma_start3A_198 : memref<1x128xi32, #tpu.memory_space<vmem>> -> memref<128xi32, #tpu.memory_space<vmem>>
        %dma_start3A_200 = arith.constant 0 : i32
        %dma_start3A_201 = arith.constant 0 : i32
        %dma_start3A_202 = tpu.memref_slice %arg9[%dma_start3A_200, %dma_start3A_201] : memref<5120x128xf32, #tpu.memory_space<vmem_shared>> -> memref<5120x128xf32, #tpu.memory_space<vmem_shared>>
        tpu.enqueue_indirect_dma source(%dma_start3A_196 : memref<128x128xf32, #tpu.memory_space<vmem>>) target(%dma_start3A_202 : memref<5120x128xf32, #tpu.memory_space<vmem_shared>>) offsets(%dma_start3A_199 : memref<128xi32, #tpu.memory_space<vmem>>) semaphore(%arg17 : memref<!tpu.dma_semaphore, #tpu.memory_space<semaphore_mem>>) {add = true}
      } else {
      }
      %jit3A_142 = arith.constant 3 : i32
      %eq3A_143 = arith.constant 0 : i32
      %eq3A_144 = arith.cmpi eq, %jit3A_142, %eq3A_143 : i32
      %jit3A_145 = arith.constant 1 : i32
      %select_n3A_146 = arith.select %eq3A_144, %jit3A_145, %jit3A_142 : i32
      %rem3A_147 = arith.remsi %scan3A_108, %select_n3A_146 : i32
      %ne3A_148 = arith.constant 0 : i32
      %ne3A_149 = arith.cmpi ne, %rem3A_147, %ne3A_148 : i32
      %lt3A_150 = arith.constant 0 : i32
      %lt3A_151 = arith.cmpi slt, %rem3A_147, %lt3A_150 : i32
      %lt3A_152 = arith.constant 0 : i32
      %lt3A_153 = arith.cmpi slt, %select_n3A_146, %lt3A_152 : i32
      %ne3A_154 = arith.xori %lt3A_151, %lt3A_153 : i1
      %and3A_155 = arith.andi %ne3A_154, %ne3A_149 : i1
      %add3A_156 = arith.addi %rem3A_147, %select_n3A_146 : i32
      %select_n3A_157 = arith.select %and3A_155, %add3A_156, %rem3A_147 : i32
      %eq3A_158 = arith.constant 2 : i32
      %eq3A_159 = arith.cmpi eq, %select_n3A_157, %eq3A_158 : i32
      %convert_element_type3A_160 = arith.extui %eq3A_159 : i1 to i32
      %cond3A_161 = arith.constant 0 : i32
      %cond3A_162 = arith.cmpi ne, %convert_element_type3A_160, %cond3A_161 : i32
      scf.if %cond3A_162 {
        %add3A_163 = arith.constant 2 : i32
        %add3A_164 = arith.addi %scan3A_108, %add3A_163 : i32
        %lt3A_165 = arith.constant 158 : i32
        %lt3A_166 = arith.cmpi slt, %add3A_164, %lt3A_165 : i32
        %convert_element_type3A_167 = arith.extui %lt3A_166 : i1 to i32
        %cond3A_168 = arith.constant 0 : i32
        %cond3A_169 = arith.cmpi ne, %convert_element_type3A_167, %cond3A_168 : i32
        scf.if %cond3A_169 {
          %ge3A = arith.constant 1 : i32
          %ge3A_203 = arith.cmpi sge, %scan3A_108, %ge3A : i32
          %convert_element_type3A_204 = arith.extui %ge3A_203 : i1 to i32
          %cond3A_205 = arith.constant 0 : i32
          %cond3A_206 = arith.cmpi ne, %convert_element_type3A_204, %cond3A_205 : i32
          scf.if %cond3A_206 {
            %sub3A = arith.constant 1 : i32
            %sub3A_231 = arith.subi %scan3A_108, %sub3A : i32
            %dma_wait3A_232 = arith.constant 1 : i32
            %dma_wait3A_233 = arith.constant 0 : i32
            %dma_wait3A_234 = arith.constant 0 : i32
            %dma_wait3A_235 = tpu.memref_slice %arg8[%dma_wait3A_232, %dma_wait3A_233, %dma_wait3A_234] : memref<3x128x128xf32, #tpu.memory_space<vmem>> -> memref<1x128x128xf32, #tpu.memory_space<vmem>>
            %dma_wait3A_236 = tpu.memref_squeeze %dma_wait3A_235 : memref<1x128x128xf32, #tpu.memory_space<vmem>> -> memref<128x128xf32, #tpu.memory_space<vmem>>
            %dma_wait3A_237 = arith.constant 0 : i32
            %dma_wait3A_238 = tpu.memref_slice %arg7[%sub3A_231, %dma_wait3A_237] : memref<158x128xi32, #tpu.memory_space<vmem>> -> memref<1x128xi32, #tpu.memory_space<vmem>>
            %dma_wait3A_239 = tpu.memref_squeeze %dma_wait3A_238 : memref<1x128xi32, #tpu.memory_space<vmem>> -> memref<128xi32, #tpu.memory_space<vmem>>
            %dma_wait3A_240 = arith.constant 0 : i32
            %dma_wait3A_241 = arith.constant 0 : i32
            %dma_wait3A_242 = tpu.memref_slice %arg9[%dma_wait3A_240, %dma_wait3A_241] : memref<5120x128xf32, #tpu.memory_space<vmem_shared>> -> memref<5120x128xf32, #tpu.memory_space<vmem_shared>>
            tpu.wait_indirect_dma semaphore(%arg17 : memref<!tpu.dma_semaphore, #tpu.memory_space<semaphore_mem>>) src(%dma_wait3A_236 : memref<128x128xf32, #tpu.memory_space<vmem>>) dst(%dma_wait3A_242 : memref<5120x128xf32, #tpu.memory_space<vmem_shared>>)
          } else {
          }
          %add3A_207 = arith.constant 2 : i32
          %add3A_208 = arith.addi %scan3A_108, %add3A_207 : i32
          %dma_start3A_209 = arith.constant 1 : i32
          %dma_start3A_210 = arith.constant 0 : i32
          %dma_start3A_211 = arith.constant 0 : i32
          %dma_start3A_212 = tpu.memref_slice %arg8[%dma_start3A_209, %dma_start3A_210, %dma_start3A_211] : memref<3x128x128xf32, #tpu.memory_space<vmem>> -> memref<1x64x128xf32, #tpu.memory_space<vmem>>
          %dma_start3A_213 = tpu.memref_squeeze %dma_start3A_212 : memref<1x64x128xf32, #tpu.memory_space<vmem>> -> memref<64x128xf32, #tpu.memory_space<vmem>>
          %dma_start3A_214 = arith.constant 0 : i32
          %dma_start3A_215 = tpu.memref_slice %arg6[%add3A_208, %dma_start3A_214] : memref<158x128xi32, #tpu.memory_space<vmem>> -> memref<1x64xi32, #tpu.memory_space<vmem>>
          %dma_start3A_216 = tpu.memref_squeeze %dma_start3A_215 : memref<1x64xi32, #tpu.memory_space<vmem>> -> memref<64xi32, #tpu.memory_space<vmem>>
          %dma_start3A_217 = arith.constant 0 : i32
          %dma_start3A_218 = arith.constant 0 : i32
          %dma_start3A_219 = tpu.memref_slice %arg2[%dma_start3A_217, %dma_start3A_218] : memref<81920x128xf32, #tpu.memory_space<hbm>> -> memref<81920x128xf32, #tpu.memory_space<hbm>>
          tpu.enqueue_indirect_dma source(%dma_start3A_219 : memref<81920x128xf32, #tpu.memory_space<hbm>>) target(%dma_start3A_213 : memref<64x128xf32, #tpu.memory_space<vmem>>) offsets(%dma_start3A_216 : memref<64xi32, #tpu.memory_space<vmem>>) semaphore(%arg12 : memref<!tpu.dma_semaphore, #tpu.memory_space<semaphore_mem>>)
          %dma_start3A_220 = arith.constant 1 : i32
          %dma_start3A_221 = arith.constant 64 : i32
          %dma_start3A_222 = arith.constant 0 : i32
          %dma_start3A_223 = tpu.memref_slice %arg8[%dma_start3A_220, %dma_start3A_221, %dma_start3A_222] : memref<3x128x128xf32, #tpu.memory_space<vmem>> -> memref<1x64x128xf32, #tpu.memory_space<vmem>>
          %dma_start3A_224 = tpu.memref_squeeze %dma_start3A_223 : memref<1x64x128xf32, #tpu.memory_space<vmem>> -> memref<64x128xf32, #tpu.memory_space<vmem>>
          %dma_start3A_225 = arith.constant 64 : i32
          %dma_start3A_226 = tpu.memref_slice %arg6[%add3A_208, %dma_start3A_225] : memref<158x128xi32, #tpu.memory_space<vmem>> -> memref<1x64xi32, #tpu.memory_space<vmem>>
          %dma_start3A_227 = tpu.memref_squeeze %dma_start3A_226 : memref<1x64xi32, #tpu.memory_space<vmem>> -> memref<64xi32, #tpu.memory_space<vmem>>
          %dma_start3A_228 = arith.constant 0 : i32
          %dma_start3A_229 = arith.constant 0 : i32
          %dma_start3A_230 = tpu.memref_slice %arg2[%dma_start3A_228, %dma_start3A_229] : memref<81920x128xf32, #tpu.memory_space<hbm>> -> memref<81920x128xf32, #tpu.memory_space<hbm>>
          tpu.enqueue_indirect_dma source(%dma_start3A_230 : memref<81920x128xf32, #tpu.memory_space<hbm>>) target(%dma_start3A_224 : memref<64x128xf32, #tpu.memory_space<vmem>>) offsets(%dma_start3A_227 : memref<64xi32, #tpu.memory_space<vmem>>) semaphore(%arg13 : memref<!tpu.dma_semaphore, #tpu.memory_space<semaphore_mem>>)
        } else {
        }
        %dma_wait3A_170 = arith.constant 2 : i32
        %dma_wait3A_171 = arith.constant 0 : i32
        %dma_wait3A_172 = arith.constant 0 : i32
        %dma_wait3A_173 = tpu.memref_slice %arg8[%dma_wait3A_170, %dma_wait3A_171, %dma_wait3A_172] : memref<3x128x128xf32, #tpu.memory_space<vmem>> -> memref<1x64x128xf32, #tpu.memory_space<vmem>>
        %dma_wait3A_174 = tpu.memref_squeeze %dma_wait3A_173 : memref<1x64x128xf32, #tpu.memory_space<vmem>> -> memref<64x128xf32, #tpu.memory_space<vmem>>
        %dma_wait3A_175 = arith.constant 0 : i32
        %dma_wait3A_176 = tpu.memref_slice %arg6[%scan3A_108, %dma_wait3A_175] : memref<158x128xi32, #tpu.memory_space<vmem>> -> memref<1x64xi32, #tpu.memory_space<vmem>>
        %dma_wait3A_177 = tpu.memref_squeeze %dma_wait3A_176 : memref<1x64xi32, #tpu.memory_space<vmem>> -> memref<64xi32, #tpu.memory_space<vmem>>
        %dma_wait3A_178 = arith.constant 0 : i32
        %dma_wait3A_179 = arith.constant 0 : i32
        %dma_wait3A_180 = tpu.memref_slice %arg2[%dma_wait3A_178, %dma_wait3A_179] : memref<81920x128xf32, #tpu.memory_space<hbm>> -> memref<81920x128xf32, #tpu.memory_space<hbm>>
        tpu.wait_indirect_dma semaphore(%arg14 : memref<!tpu.dma_semaphore, #tpu.memory_space<semaphore_mem>>) src(%dma_wait3A_180 : memref<81920x128xf32, #tpu.memory_space<hbm>>) dst(%dma_wait3A_174 : memref<64x128xf32, #tpu.memory_space<vmem>>)
        %dma_wait3A_181 = arith.constant 2 : i32
        %dma_wait3A_182 = arith.constant 64 : i32
        %dma_wait3A_183 = arith.constant 0 : i32
        %dma_wait3A_184 = tpu.memref_slice %arg8[%dma_wait3A_181, %dma_wait3A_182, %dma_wait3A_183] : memref<3x128x128xf32, #tpu.memory_space<vmem>> -> memref<1x64x128xf32, #tpu.memory_space<vmem>>
        %dma_wait3A_185 = tpu.memref_squeeze %dma_wait3A_184 : memref<1x64x128xf32, #tpu.memory_space<vmem>> -> memref<64x128xf32, #tpu.memory_space<vmem>>
        %dma_wait3A_186 = arith.constant 64 : i32
        %dma_wait3A_187 = tpu.memref_slice %arg6[%scan3A_108, %dma_wait3A_186] : memref<158x128xi32, #tpu.memory_space<vmem>> -> memref<1x64xi32, #tpu.memory_space<vmem>>
        %dma_wait3A_188 = tpu.memref_squeeze %dma_wait3A_187 : memref<1x64xi32, #tpu.memory_space<vmem>> -> memref<64xi32, #tpu.memory_space<vmem>>
        %dma_wait3A_189 = arith.constant 0 : i32
        %dma_wait3A_190 = arith.constant 0 : i32
        %dma_wait3A_191 = tpu.memref_slice %arg2[%dma_wait3A_189, %dma_wait3A_190] : memref<81920x128xf32, #tpu.memory_space<hbm>> -> memref<81920x128xf32, #tpu.memory_space<hbm>>
        tpu.wait_indirect_dma semaphore(%arg15 : memref<!tpu.dma_semaphore, #tpu.memory_space<semaphore_mem>>) src(%dma_wait3A_191 : memref<81920x128xf32, #tpu.memory_space<hbm>>) dst(%dma_wait3A_185 : memref<64x128xf32, #tpu.memory_space<vmem>>)
        %dma_start3A_192 = arith.constant 2 : i32
        %dma_start3A_193 = arith.constant 0 : i32
        %dma_start3A_194 = arith.constant 0 : i32
        %dma_start3A_195 = tpu.memref_slice %arg8[%dma_start3A_192, %dma_start3A_193, %dma_start3A_194] : memref<3x128x128xf32, #tpu.memory_space<vmem>> -> memref<1x128x128xf32, #tpu.memory_space<vmem>>
        %dma_start3A_196 = tpu.memref_squeeze %dma_start3A_195 : memref<1x128x128xf32, #tpu.memory_space<vmem>> -> memref<128x128xf32, #tpu.memory_space<vmem>>
        %dma_start3A_197 = arith.constant 0 : i32
        %dma_start3A_198 = tpu.memref_slice %arg7[%scan3A_108, %dma_start3A_197] : memref<158x128xi32, #tpu.memory_space<vmem>> -> memref<1x128xi32, #tpu.memory_space<vmem>>
        %dma_start3A_199 = tpu.memref_squeeze %dma_start3A_198 : memref<1x128xi32, #tpu.memory_space<vmem>> -> memref<128xi32, #tpu.memory_space<vmem>>
        %dma_start3A_200 = arith.constant 0 : i32
        %dma_start3A_201 = arith.constant 0 : i32
        %dma_start3A_202 = tpu.memref_slice %arg9[%dma_start3A_200, %dma_start3A_201] : memref<5120x128xf32, #tpu.memory_space<vmem_shared>> -> memref<5120x128xf32, #tpu.memory_space<vmem_shared>>
        tpu.enqueue_indirect_dma source(%dma_start3A_196 : memref<128x128xf32, #tpu.memory_space<vmem>>) target(%dma_start3A_202 : memref<5120x128xf32, #tpu.memory_space<vmem_shared>>) offsets(%dma_start3A_199 : memref<128xi32, #tpu.memory_space<vmem>>) semaphore(%arg18 : memref<!tpu.dma_semaphore, #tpu.memory_space<semaphore_mem>>) {add = true}
      } else {
      }
    }
    %scan3A_69 = arith.constant 158 : i32
    %dma_wait3A = arith.constant 2 : i32
    %dma_wait3A_70 = arith.constant 155 : i32
    %dma_wait3A_71 = arith.constant 0 : i32
    %dma_wait3A_72 = arith.constant 0 : i32
    %dma_wait3A_73 = tpu.memref_slice %arg8[%dma_wait3A, %dma_wait3A_71, %dma_wait3A_72] : memref<3x128x128xf32, #tpu.memory_space<vmem>> -> memref<1x128x128xf32, #tpu.memory_space<vmem>>
    %dma_wait3A_74 = tpu.memref_squeeze %dma_wait3A_73 : memref<1x128x128xf32, #tpu.memory_space<vmem>> -> memref<128x128xf32, #tpu.memory_space<vmem>>
    %dma_wait3A_75 = arith.constant 0 : i32
    %dma_wait3A_76 = tpu.memref_slice %arg7[%dma_wait3A_70, %dma_wait3A_75] : memref<158x128xi32, #tpu.memory_space<vmem>> -> memref<1x128xi32, #tpu.memory_space<vmem>>
    %dma_wait3A_77 = tpu.memref_squeeze %dma_wait3A_76 : memref<1x128xi32, #tpu.memory_space<vmem>> -> memref<128xi32, #tpu.memory_space<vmem>>
    %dma_wait3A_78 = arith.constant 0 : i32
    %dma_wait3A_79 = arith.constant 0 : i32
    %dma_wait3A_80 = tpu.memref_slice %arg9[%dma_wait3A_78, %dma_wait3A_79] : memref<5120x128xf32, #tpu.memory_space<vmem_shared>> -> memref<5120x128xf32, #tpu.memory_space<vmem_shared>>
    tpu.wait_indirect_dma semaphore(%arg18 : memref<!tpu.dma_semaphore, #tpu.memory_space<semaphore_mem>>) src(%dma_wait3A_74 : memref<128x128xf32, #tpu.memory_space<vmem>>) dst(%dma_wait3A_80 : memref<5120x128xf32, #tpu.memory_space<vmem_shared>>)
    %dma_wait3A_81 = arith.constant 0 : i32
    %dma_wait3A_82 = arith.constant 156 : i32
    %dma_wait3A_83 = arith.constant 0 : i32
    %dma_wait3A_84 = arith.constant 0 : i32
    %dma_wait3A_85 = tpu.memref_slice %arg8[%dma_wait3A_81, %dma_wait3A_83, %dma_wait3A_84] : memref<3x128x128xf32, #tpu.memory_space<vmem>> -> memref<1x128x128xf32, #tpu.memory_space<vmem>>
    %dma_wait3A_86 = tpu.memref_squeeze %dma_wait3A_85 : memref<1x128x128xf32, #tpu.memory_space<vmem>> -> memref<128x128xf32, #tpu.memory_space<vmem>>
    %dma_wait3A_87 = arith.constant 0 : i32
    %dma_wait3A_88 = tpu.memref_slice %arg7[%dma_wait3A_82, %dma_wait3A_87] : memref<158x128xi32, #tpu.memory_space<vmem>> -> memref<1x128xi32, #tpu.memory_space<vmem>>
    %dma_wait3A_89 = tpu.memref_squeeze %dma_wait3A_88 : memref<1x128xi32, #tpu.memory_space<vmem>> -> memref<128xi32, #tpu.memory_space<vmem>>
    %dma_wait3A_90 = arith.constant 0 : i32
    %dma_wait3A_91 = arith.constant 0 : i32
    %dma_wait3A_92 = tpu.memref_slice %arg9[%dma_wait3A_90, %dma_wait3A_91] : memref<5120x128xf32, #tpu.memory_space<vmem_shared>> -> memref<5120x128xf32, #tpu.memory_space<vmem_shared>>
    tpu.wait_indirect_dma semaphore(%arg16 : memref<!tpu.dma_semaphore, #tpu.memory_space<semaphore_mem>>) src(%dma_wait3A_86 : memref<128x128xf32, #tpu.memory_space<vmem>>) dst(%dma_wait3A_92 : memref<5120x128xf32, #tpu.memory_space<vmem_shared>>)
    %dma_wait3A_93 = arith.constant 1 : i32
    %dma_wait3A_94 = arith.constant 157 : i32
    %dma_wait3A_95 = arith.constant 0 : i32
    %dma_wait3A_96 = arith.constant 0 : i32
    %dma_wait3A_97 = tpu.memref_slice %arg8[%dma_wait3A_93, %dma_wait3A_95, %dma_wait3A_96] : memref<3x128x128xf32, #tpu.memory_space<vmem>> -> memref<1x128x128xf32, #tpu.memory_space<vmem>>
    %dma_wait3A_98 = tpu.memref_squeeze %dma_wait3A_97 : memref<1x128x128xf32, #tpu.memory_space<vmem>> -> memref<128x128xf32, #tpu.memory_space<vmem>>
    %dma_wait3A_99 = arith.constant 0 : i32
    %dma_wait3A_100 = tpu.memref_slice %arg7[%dma_wait3A_94, %dma_wait3A_99] : memref<158x128xi32, #tpu.memory_space<vmem>> -> memref<1x128xi32, #tpu.memory_space<vmem>>
    %dma_wait3A_101 = tpu.memref_squeeze %dma_wait3A_100 : memref<1x128xi32, #tpu.memory_space<vmem>> -> memref<128xi32, #tpu.memory_space<vmem>>
    %dma_wait3A_102 = arith.constant 0 : i32
    %dma_wait3A_103 = arith.constant 0 : i32
    %dma_wait3A_104 = tpu.memref_slice %arg9[%dma_wait3A_102, %dma_wait3A_103] : memref<5120x128xf32, #tpu.memory_space<vmem_shared>> -> memref<5120x128xf32, #tpu.memory_space<vmem_shared>>
    tpu.wait_indirect_dma semaphore(%arg17 : memref<!tpu.dma_semaphore, #tpu.memory_space<semaphore_mem>>) src(%dma_wait3A_98 : memref<128x128xf32, #tpu.memory_space<vmem>>) dst(%dma_wait3A_104 : memref<5120x128xf32, #tpu.memory_space<vmem_shared>>)
    %barrier3A_105 = arith.constant 0 : index
    tpu.barrier barrier_id(%barrier3A_105)
    %mul3A_106 = arith.constant 320 : i32
    %mul3A_107 = arith.muli %arg1, %mul3A_106 : i32
    "tpu.region"() ({
      %run_scoped3A_108 = tpu.sem_alloc : memref<!tpu.dma_semaphore, #tpu.memory_space<semaphore_mem>>
      %dma_start3A_109 = arith.constant 0 : i32
      %dma_start3A_110 = arith.constant 0 : i32
      %dma_start3A_111 = tpu.memref_slice %arg5[%arg0, %arg1, %dma_start3A_109, %dma_start3A_110] : memref<2x16x320x128xf32, #tpu.memory_space<hbm>> -> memref<1x1x320x128xf32, #tpu.memory_space<hbm>>
      %dma_start3A_112 = tpu.memref_squeeze %dma_start3A_111 : memref<1x1x320x128xf32, #tpu.memory_space<hbm>> -> memref<320x128xf32, #tpu.memory_space<hbm>>
      %dma_start3A_113 = arith.constant 0 : i32
      %dma_start3A_114 = tpu.memref_slice %arg9[%mul3A_107, %dma_start3A_113] : memref<5120x128xf32, #tpu.memory_space<vmem_shared>> -> memref<320x128xf32, #tpu.memory_space<vmem_shared>>
      tpu.enqueue_dma source(%dma_start3A_114 : memref<320x128xf32, #tpu.memory_space<vmem_shared>>) target(%dma_start3A_112 : memref<320x128xf32, #tpu.memory_space<hbm>>) target_semaphore(%run_scoped3A_108 : memref<!tpu.dma_semaphore, #tpu.memory_space<semaphore_mem>>)
      %dma_wait3A_115 = arith.constant 0 : i32
      %dma_wait3A_116 = arith.constant 0 : i32
      %dma_wait3A_117 = tpu.memref_slice %arg5[%arg0, %arg1, %dma_wait3A_115, %dma_wait3A_116] : memref<2x16x320x128xf32, #tpu.memory_space<hbm>> -> memref<1x1x320x128xf32, #tpu.memory_space<hbm>>
      %dma_wait3A_118 = tpu.memref_squeeze %dma_wait3A_117 : memref<1x1x320x128xf32, #tpu.memory_space<hbm>> -> memref<320x128xf32, #tpu.memory_space<hbm>>
      %dma_wait3A_119 = arith.constant 0 : i32
      %dma_wait3A_120 = tpu.memref_slice %arg9[%mul3A_107, %dma_wait3A_119] : memref<5120x128xf32, #tpu.memory_space<vmem_shared>> -> memref<320x128xf32, #tpu.memory_space<vmem_shared>>
      tpu.wait_dma2 semaphore(%run_scoped3A_108 : memref<!tpu.dma_semaphore, #tpu.memory_space<semaphore_mem>>) src(%dma_wait3A_120 : memref<320x128xf32, #tpu.memory_space<vmem_shared>>) dst(%dma_wait3A_118 : memref<320x128xf32, #tpu.memory_space<hbm>>)
      tpu.yield
    }) : () -> ()
    return
  }
}

#map = affine_map<(d0, d1) -> (0, 0, 0, 0)>
module attributes {stable_mosaic.version = 14 : i64} {
  func.func @_deg_body(%arg0: i32, %arg1: i32, %arg2: memref<2x16x158x128xi32, #tpu.memory_space<hbm>>, %arg3: memref<2x16x320x128xf32, #tpu.memory_space<hbm>>, %arg4: memref<128x128xf32, #tpu.memory_space<vmem>>, %arg5: memref<80x128xf32, #tpu.memory_space<vmem>>, %arg6: memref<158x128xi32, #tpu.memory_space<vmem>>, %arg7: memref<5120x128xf32, #tpu.memory_space<vmem_shared>>, %arg8: memref<!tpu.dma_semaphore, #tpu.memory_space<semaphore_mem>>, %arg9: memref<!tpu.dma_semaphore, #tpu.memory_space<semaphore_mem>>, %arg10: memref<!tpu.dma_semaphore, #tpu.memory_space<semaphore_mem>>, %arg11: memref<!tpu.dma_semaphore, #tpu.memory_space<semaphore_mem>>) attributes {dimension_semantics = [#tpu.dimension_semantics<core_parallel>, #tpu.dimension_semantics<subcore_parallel>], iteration_bounds = array<i64: 2, 16>, scalar_prefetch = 0 : i64, scratch_operands = 8 : i64, tpu.core_type = #tpu.core_type<sc_vector_subcore>, window_params = [{transform_indices = #map}, {transform_indices = #map}]} {
    %scan3A = arith.constant 0 : i32
    %scan3A_0 = arith.constant 0 : i32
    %scan3A_1 = arith.constant 80 : i32
    %scan3A_2 = arith.addi %scan3A_0, %scan3A_1 : i32
    %scan3A_3 = arith.constant 1 : i32
    scf.for %scan3A_61 = %scan3A_0 to %scan3A_2 step %scan3A_3  : i32 {
      %broadcast_in_dim3A = arith.constant 0.000000e+00 : f32
      %broadcast_in_dim3A_62 = vector.broadcast %broadcast_in_dim3A : f32 to vector<16xf32>
      %swap3A = arith.index_cast %scan3A_61 : i32 to index
      %swap3A_63 = arith.constant 0 : index
      %swap3A_64 = tpu.vector_load %arg5[%swap3A, %swap3A_63] {strides = array<i32>} : memref<80x128xf32, #tpu.memory_space<vmem>>, vector<1x16xf32>,
      %swap3A_65 = vector.shape_cast %swap3A_64 : vector<1x16xf32> to vector<16xf32>
      %swap3A_66 = vector.shape_cast %broadcast_in_dim3A_62 : vector<16xf32> to vector<1x16xf32>
      tpu.vector_store %arg5[%swap3A, %swap3A_63], %swap3A_66 {strides = array<i32>} : memref<80x128xf32, #tpu.memory_space<vmem>>, vector<1x16xf32>,
      %broadcast_in_dim3A_67 = arith.constant 0.000000e+00 : f32
      %broadcast_in_dim3A_68 = vector.broadcast %broadcast_in_dim3A_67 : f32 to vector<16xf32>
      %swap3A_69 = arith.index_cast %scan3A_61 : i32 to index
      %swap3A_70 = arith.constant 16 : index
      %swap3A_71 = tpu.vector_load %arg5[%swap3A_69, %swap3A_70] {strides = array<i32>} : memref<80x128xf32, #tpu.memory_space<vmem>>, vector<1x16xf32>,
      %swap3A_72 = vector.shape_cast %swap3A_71 : vector<1x16xf32> to vector<16xf32>
      %swap3A_73 = vector.shape_cast %broadcast_in_dim3A_68 : vector<16xf32> to vector<1x16xf32>
      tpu.vector_store %arg5[%swap3A_69, %swap3A_70], %swap3A_73 {strides = array<i32>} : memref<80x128xf32, #tpu.memory_space<vmem>>, vector<1x16xf32>,
      %broadcast_in_dim3A_74 = arith.constant 0.000000e+00 : f32
      %broadcast_in_dim3A_75 = vector.broadcast %broadcast_in_dim3A_74 : f32 to vector<16xf32>
      %swap3A_76 = arith.index_cast %scan3A_61 : i32 to index
      %swap3A_77 = arith.constant 32 : index
      %swap3A_78 = tpu.vector_load %arg5[%swap3A_76, %swap3A_77] {strides = array<i32>} : memref<80x128xf32, #tpu.memory_space<vmem>>, vector<1x16xf32>,
      %swap3A_79 = vector.shape_cast %swap3A_78 : vector<1x16xf32> to vector<16xf32>
      %swap3A_80 = vector.shape_cast %broadcast_in_dim3A_75 : vector<16xf32> to vector<1x16xf32>
      tpu.vector_store %arg5[%swap3A_76, %swap3A_77], %swap3A_80 {strides = array<i32>} : memref<80x128xf32, #tpu.memory_space<vmem>>, vector<1x16xf32>,
      %broadcast_in_dim3A_81 = arith.constant 0.000000e+00 : f32
      %broadcast_in_dim3A_82 = vector.broadcast %broadcast_in_dim3A_81 : f32 to vector<16xf32>
      %swap3A_83 = arith.index_cast %scan3A_61 : i32 to index
      %swap3A_84 = arith.constant 48 : index
      %swap3A_85 = tpu.vector_load %arg5[%swap3A_83, %swap3A_84] {strides = array<i32>} : memref<80x128xf32, #tpu.memory_space<vmem>>, vector<1x16xf32>,
      %swap3A_86 = vector.shape_cast %swap3A_85 : vector<1x16xf32> to vector<16xf32>
      %swap3A_87 = vector.shape_cast %broadcast_in_dim3A_82 : vector<16xf32> to vector<1x16xf32>
      tpu.vector_store %arg5[%swap3A_83, %swap3A_84], %swap3A_87 {strides = array<i32>} : memref<80x128xf32, #tpu.memory_space<vmem>>, vector<1x16xf32>,
      %broadcast_in_dim3A_88 = arith.constant 0.000000e+00 : f32
      %broadcast_in_dim3A_89 = vector.broadcast %broadcast_in_dim3A_88 : f32 to vector<16xf32>
      %swap3A_90 = arith.index_cast %scan3A_61 : i32 to index
      %swap3A_91 = arith.constant 64 : index
      %swap3A_92 = tpu.vector_load %arg5[%swap3A_90, %swap3A_91] {strides = array<i32>} : memref<80x128xf32, #tpu.memory_space<vmem>>, vector<1x16xf32>,
      %swap3A_93 = vector.shape_cast %swap3A_92 : vector<1x16xf32> to vector<16xf32>
      %swap3A_94 = vector.shape_cast %broadcast_in_dim3A_89 : vector<16xf32> to vector<1x16xf32>
      tpu.vector_store %arg5[%swap3A_90, %swap3A_91], %swap3A_94 {strides = array<i32>} : memref<80x128xf32, #tpu.memory_space<vmem>>, vector<1x16xf32>,
      %broadcast_in_dim3A_95 = arith.constant 0.000000e+00 : f32
      %broadcast_in_dim3A_96 = vector.broadcast %broadcast_in_dim3A_95 : f32 to vector<16xf32>
      %swap3A_97 = arith.index_cast %scan3A_61 : i32 to index
      %swap3A_98 = arith.constant 80 : index
      %swap3A_99 = tpu.vector_load %arg5[%swap3A_97, %swap3A_98] {strides = array<i32>} : memref<80x128xf32, #tpu.memory_space<vmem>>, vector<1x16xf32>,
      %swap3A_100 = vector.shape_cast %swap3A_99 : vector<1x16xf32> to vector<16xf32>
      %swap3A_101 = vector.shape_cast %broadcast_in_dim3A_96 : vector<16xf32> to vector<1x16xf32>
      tpu.vector_store %arg5[%swap3A_97, %swap3A_98], %swap3A_101 {strides = array<i32>} : memref<80x128xf32, #tpu.memory_space<vmem>>, vector<1x16xf32>,
      %broadcast_in_dim3A_102 = arith.constant 0.000000e+00 : f32
      %broadcast_in_dim3A_103 = vector.broadcast %broadcast_in_dim3A_102 : f32 to vector<16xf32>
      %swap3A_104 = arith.index_cast %scan3A_61 : i32 to index
      %swap3A_105 = arith.constant 96 : index
      %swap3A_106 = tpu.vector_load %arg5[%swap3A_104, %swap3A_105] {strides = array<i32>} : memref<80x128xf32, #tpu.memory_space<vmem>>, vector<1x16xf32>,
      %swap3A_107 = vector.shape_cast %swap3A_106 : vector<1x16xf32> to vector<16xf32>
      %swap3A_108 = vector.shape_cast %broadcast_in_dim3A_103 : vector<16xf32> to vector<1x16xf32>
      tpu.vector_store %arg5[%swap3A_104, %swap3A_105], %swap3A_108 {strides = array<i32>} : memref<80x128xf32, #tpu.memory_space<vmem>>, vector<1x16xf32>,
      %broadcast_in_dim3A_109 = arith.constant 0.000000e+00 : f32
      %broadcast_in_dim3A_110 = vector.broadcast %broadcast_in_dim3A_109 : f32 to vector<16xf32>
      %swap3A_111 = arith.index_cast %scan3A_61 : i32 to index
      %swap3A_112 = arith.constant 112 : index
      %swap3A_113 = tpu.vector_load %arg5[%swap3A_111, %swap3A_112] {strides = array<i32>} : memref<80x128xf32, #tpu.memory_space<vmem>>, vector<1x16xf32>,
      %swap3A_114 = vector.shape_cast %swap3A_113 : vector<1x16xf32> to vector<16xf32>
      %swap3A_115 = vector.shape_cast %broadcast_in_dim3A_110 : vector<16xf32> to vector<1x16xf32>
      tpu.vector_store %arg5[%swap3A_111, %swap3A_112], %swap3A_115 {strides = array<i32>} : memref<80x128xf32, #tpu.memory_space<vmem>>, vector<1x16xf32>,
    }
    %scan3A_4 = arith.constant 80 : i32
    %scan3A_5 = arith.constant 0 : i32
    %scan3A_6 = arith.constant 0 : i32
    %scan3A_7 = arith.constant 128 : i32
    %scan3A_8 = arith.addi %scan3A_6, %scan3A_7 : i32
    %scan3A_9 = arith.constant 1 : i32
    scf.for %scan3A_61 = %scan3A_6 to %scan3A_8 step %scan3A_9  : i32 {
      %broadcast_in_dim3A = arith.constant 1.000000e+00 : f32
      %broadcast_in_dim3A_62 = vector.broadcast %broadcast_in_dim3A : f32 to vector<16xf32>
      %swap3A = arith.index_cast %scan3A_61 : i32 to index
      %swap3A_63 = arith.constant 0 : index
      %swap3A_64 = tpu.vector_load %arg4[%swap3A, %swap3A_63] {strides = array<i32>} : memref<128x128xf32, #tpu.memory_space<vmem>>, vector<1x16xf32>,
      %swap3A_65 = vector.shape_cast %swap3A_64 : vector<1x16xf32> to vector<16xf32>
      %swap3A_66 = vector.shape_cast %broadcast_in_dim3A_62 : vector<16xf32> to vector<1x16xf32>
      tpu.vector_store %arg4[%swap3A, %swap3A_63], %swap3A_66 {strides = array<i32>} : memref<128x128xf32, #tpu.memory_space<vmem>>, vector<1x16xf32>,
      %broadcast_in_dim3A_67 = arith.constant 1.000000e+00 : f32
      %broadcast_in_dim3A_68 = vector.broadcast %broadcast_in_dim3A_67 : f32 to vector<16xf32>
      %swap3A_69 = arith.index_cast %scan3A_61 : i32 to index
      %swap3A_70 = arith.constant 16 : index
      %swap3A_71 = tpu.vector_load %arg4[%swap3A_69, %swap3A_70] {strides = array<i32>} : memref<128x128xf32, #tpu.memory_space<vmem>>, vector<1x16xf32>,
      %swap3A_72 = vector.shape_cast %swap3A_71 : vector<1x16xf32> to vector<16xf32>
      %swap3A_73 = vector.shape_cast %broadcast_in_dim3A_68 : vector<16xf32> to vector<1x16xf32>
      tpu.vector_store %arg4[%swap3A_69, %swap3A_70], %swap3A_73 {strides = array<i32>} : memref<128x128xf32, #tpu.memory_space<vmem>>, vector<1x16xf32>,
      %broadcast_in_dim3A_74 = arith.constant 1.000000e+00 : f32
      %broadcast_in_dim3A_75 = vector.broadcast %broadcast_in_dim3A_74 : f32 to vector<16xf32>
      %swap3A_76 = arith.index_cast %scan3A_61 : i32 to index
      %swap3A_77 = arith.constant 32 : index
      %swap3A_78 = tpu.vector_load %arg4[%swap3A_76, %swap3A_77] {strides = array<i32>} : memref<128x128xf32, #tpu.memory_space<vmem>>, vector<1x16xf32>,
      %swap3A_79 = vector.shape_cast %swap3A_78 : vector<1x16xf32> to vector<16xf32>
      %swap3A_80 = vector.shape_cast %broadcast_in_dim3A_75 : vector<16xf32> to vector<1x16xf32>
      tpu.vector_store %arg4[%swap3A_76, %swap3A_77], %swap3A_80 {strides = array<i32>} : memref<128x128xf32, #tpu.memory_space<vmem>>, vector<1x16xf32>,
      %broadcast_in_dim3A_81 = arith.constant 1.000000e+00 : f32
      %broadcast_in_dim3A_82 = vector.broadcast %broadcast_in_dim3A_81 : f32 to vector<16xf32>
      %swap3A_83 = arith.index_cast %scan3A_61 : i32 to index
      %swap3A_84 = arith.constant 48 : index
      %swap3A_85 = tpu.vector_load %arg4[%swap3A_83, %swap3A_84] {strides = array<i32>} : memref<128x128xf32, #tpu.memory_space<vmem>>, vector<1x16xf32>,
      %swap3A_86 = vector.shape_cast %swap3A_85 : vector<1x16xf32> to vector<16xf32>
      %swap3A_87 = vector.shape_cast %broadcast_in_dim3A_82 : vector<16xf32> to vector<1x16xf32>
      tpu.vector_store %arg4[%swap3A_83, %swap3A_84], %swap3A_87 {strides = array<i32>} : memref<128x128xf32, #tpu.memory_space<vmem>>, vector<1x16xf32>,
      %broadcast_in_dim3A_88 = arith.constant 1.000000e+00 : f32
      %broadcast_in_dim3A_89 = vector.broadcast %broadcast_in_dim3A_88 : f32 to vector<16xf32>
      %swap3A_90 = arith.index_cast %scan3A_61 : i32 to index
      %swap3A_91 = arith.constant 64 : index
      %swap3A_92 = tpu.vector_load %arg4[%swap3A_90, %swap3A_91] {strides = array<i32>} : memref<128x128xf32, #tpu.memory_space<vmem>>, vector<1x16xf32>,
      %swap3A_93 = vector.shape_cast %swap3A_92 : vector<1x16xf32> to vector<16xf32>
      %swap3A_94 = vector.shape_cast %broadcast_in_dim3A_89 : vector<16xf32> to vector<1x16xf32>
      tpu.vector_store %arg4[%swap3A_90, %swap3A_91], %swap3A_94 {strides = array<i32>} : memref<128x128xf32, #tpu.memory_space<vmem>>, vector<1x16xf32>,
      %broadcast_in_dim3A_95 = arith.constant 1.000000e+00 : f32
      %broadcast_in_dim3A_96 = vector.broadcast %broadcast_in_dim3A_95 : f32 to vector<16xf32>
      %swap3A_97 = arith.index_cast %scan3A_61 : i32 to index
      %swap3A_98 = arith.constant 80 : index
      %swap3A_99 = tpu.vector_load %arg4[%swap3A_97, %swap3A_98] {strides = array<i32>} : memref<128x128xf32, #tpu.memory_space<vmem>>, vector<1x16xf32>,
      %swap3A_100 = vector.shape_cast %swap3A_99 : vector<1x16xf32> to vector<16xf32>
      %swap3A_101 = vector.shape_cast %broadcast_in_dim3A_96 : vector<16xf32> to vector<1x16xf32>
      tpu.vector_store %arg4[%swap3A_97, %swap3A_98], %swap3A_101 {strides = array<i32>} : memref<128x128xf32, #tpu.memory_space<vmem>>, vector<1x16xf32>,
      %broadcast_in_dim3A_102 = arith.constant 1.000000e+00 : f32
      %broadcast_in_dim3A_103 = vector.broadcast %broadcast_in_dim3A_102 : f32 to vector<16xf32>
      %swap3A_104 = arith.index_cast %scan3A_61 : i32 to index
      %swap3A_105 = arith.constant 96 : index
      %swap3A_106 = tpu.vector_load %arg4[%swap3A_104, %swap3A_105] {strides = array<i32>} : memref<128x128xf32, #tpu.memory_space<vmem>>, vector<1x16xf32>,
      %swap3A_107 = vector.shape_cast %swap3A_106 : vector<1x16xf32> to vector<16xf32>
      %swap3A_108 = vector.shape_cast %broadcast_in_dim3A_103 : vector<16xf32> to vector<1x16xf32>
      tpu.vector_store %arg4[%swap3A_104, %swap3A_105], %swap3A_108 {strides = array<i32>} : memref<128x128xf32, #tpu.memory_space<vmem>>, vector<1x16xf32>,
      %broadcast_in_dim3A_109 = arith.constant 1.000000e+00 : f32
      %broadcast_in_dim3A_110 = vector.broadcast %broadcast_in_dim3A_109 : f32 to vector<16xf32>
      %swap3A_111 = arith.index_cast %scan3A_61 : i32 to index
      %swap3A_112 = arith.constant 112 : index
      %swap3A_113 = tpu.vector_load %arg4[%swap3A_111, %swap3A_112] {strides = array<i32>} : memref<128x128xf32, #tpu.memory_space<vmem>>, vector<1x16xf32>,
      %swap3A_114 = vector.shape_cast %swap3A_113 : vector<1x16xf32> to vector<16xf32>
      %swap3A_115 = vector.shape_cast %broadcast_in_dim3A_110 : vector<16xf32> to vector<1x16xf32>
      tpu.vector_store %arg4[%swap3A_111, %swap3A_112], %swap3A_115 {strides = array<i32>} : memref<128x128xf32, #tpu.memory_space<vmem>>, vector<1x16xf32>,
    }
    %scan3A_10 = arith.constant 128 : i32
    %mul3A = arith.constant 320 : i32
    %mul3A_11 = arith.muli %arg1, %mul3A : i32
    %add3A = arith.constant 0 : i32
    %add3A_12 = arith.addi %mul3A_11, %add3A : i32
    "tpu.region"() ({
      %run_scoped3A = tpu.sem_alloc : memref<!tpu.dma_semaphore, #tpu.memory_space<semaphore_mem>>
      %dma_start3A = arith.constant 0 : i32
      %dma_start3A_61 = tpu.memref_slice %arg7[%add3A_12, %dma_start3A] : memref<5120x128xf32, #tpu.memory_space<vmem_shared>> -> memref<80x128xf32, #tpu.memory_space<vmem_shared>>
      %dma_start3A_62 = arith.constant 0 : i32
      %dma_start3A_63 = tpu.memref_slice %arg7[%add3A_12, %dma_start3A_62] : memref<5120x128xf32, #tpu.memory_space<vmem_shared>> -> memref<80x128xf32, #tpu.memory_space<vmem_shared>>
      tpu.enqueue_dma source(%arg5 : memref<80x128xf32, #tpu.memory_space<vmem>>) target(%dma_start3A_63 : memref<80x128xf32, #tpu.memory_space<vmem_shared>>) target_semaphore(%run_scoped3A : memref<!tpu.dma_semaphore, #tpu.memory_space<semaphore_mem>>)
      %dma_wait3A_64 = arith.constant 0 : i32
      %dma_wait3A_65 = tpu.memref_slice %arg7[%add3A_12, %dma_wait3A_64] : memref<5120x128xf32, #tpu.memory_space<vmem_shared>> -> memref<80x128xf32, #tpu.memory_space<vmem_shared>>
      %dma_wait3A_66 = arith.constant 0 : i32
      %dma_wait3A_67 = tpu.memref_slice %arg7[%add3A_12, %dma_wait3A_66] : memref<5120x128xf32, #tpu.memory_space<vmem_shared>> -> memref<80x128xf32, #tpu.memory_space<vmem_shared>>
      tpu.wait_dma2 semaphore(%run_scoped3A : memref<!tpu.dma_semaphore, #tpu.memory_space<semaphore_mem>>) src(%arg5 : memref<80x128xf32, #tpu.memory_space<vmem>>) dst(%dma_wait3A_67 : memref<80x128xf32, #tpu.memory_space<vmem_shared>>)
      tpu.yield
    }) : () -> ()
    %mul3A_13 = arith.constant 320 : i32
    %mul3A_14 = arith.muli %arg1, %mul3A_13 : i32
    %add3A_15 = arith.constant 80 : i32
    %add3A_16 = arith.addi %mul3A_14, %add3A_15 : i32
    "tpu.region"() ({
      %run_scoped3A = tpu.sem_alloc : memref<!tpu.dma_semaphore, #tpu.memory_space<semaphore_mem>>
      %dma_start3A = arith.constant 0 : i32
      %dma_start3A_61 = tpu.memref_slice %arg7[%add3A_16, %dma_start3A] : memref<5120x128xf32, #tpu.memory_space<vmem_shared>> -> memref<80x128xf32, #tpu.memory_space<vmem_shared>>
      %dma_start3A_62 = arith.constant 0 : i32
      %dma_start3A_63 = tpu.memref_slice %arg7[%add3A_16, %dma_start3A_62] : memref<5120x128xf32, #tpu.memory_space<vmem_shared>> -> memref<80x128xf32, #tpu.memory_space<vmem_shared>>
      tpu.enqueue_dma source(%arg5 : memref<80x128xf32, #tpu.memory_space<vmem>>) target(%dma_start3A_63 : memref<80x128xf32, #tpu.memory_space<vmem_shared>>) target_semaphore(%run_scoped3A : memref<!tpu.dma_semaphore, #tpu.memory_space<semaphore_mem>>)
      %dma_wait3A_64 = arith.constant 0 : i32
      %dma_wait3A_65 = tpu.memref_slice %arg7[%add3A_16, %dma_wait3A_64] : memref<5120x128xf32, #tpu.memory_space<vmem_shared>> -> memref<80x128xf32, #tpu.memory_space<vmem_shared>>
      %dma_wait3A_66 = arith.constant 0 : i32
      %dma_wait3A_67 = tpu.memref_slice %arg7[%add3A_16, %dma_wait3A_66] : memref<5120x128xf32, #tpu.memory_space<vmem_shared>> -> memref<80x128xf32, #tpu.memory_space<vmem_shared>>
      tpu.wait_dma2 semaphore(%run_scoped3A : memref<!tpu.dma_semaphore, #tpu.memory_space<semaphore_mem>>) src(%arg5 : memref<80x128xf32, #tpu.memory_space<vmem>>) dst(%dma_wait3A_67 : memref<80x128xf32, #tpu.memory_space<vmem_shared>>)
      tpu.yield
    }) : () -> ()
    %mul3A_17 = arith.constant 320 : i32
    %mul3A_18 = arith.muli %arg1, %mul3A_17 : i32
    %add3A_19 = arith.constant 160 : i32
    %add3A_20 = arith.addi %mul3A_18, %add3A_19 : i32
    "tpu.region"() ({
      %run_scoped3A = tpu.sem_alloc : memref<!tpu.dma_semaphore, #tpu.memory_space<semaphore_mem>>
      %dma_start3A = arith.constant 0 : i32
      %dma_start3A_61 = tpu.memref_slice %arg7[%add3A_20, %dma_start3A] : memref<5120x128xf32, #tpu.memory_space<vmem_shared>> -> memref<80x128xf32, #tpu.memory_space<vmem_shared>>
      %dma_start3A_62 = arith.constant 0 : i32
      %dma_start3A_63 = tpu.memref_slice %arg7[%add3A_20, %dma_start3A_62] : memref<5120x128xf32, #tpu.memory_space<vmem_shared>> -> memref<80x128xf32, #tpu.memory_space<vmem_shared>>
      tpu.enqueue_dma source(%arg5 : memref<80x128xf32, #tpu.memory_space<vmem>>) target(%dma_start3A_63 : memref<80x128xf32, #tpu.memory_space<vmem_shared>>) target_semaphore(%run_scoped3A : memref<!tpu.dma_semaphore, #tpu.memory_space<semaphore_mem>>)
      %dma_wait3A_64 = arith.constant 0 : i32
      %dma_wait3A_65 = tpu.memref_slice %arg7[%add3A_20, %dma_wait3A_64] : memref<5120x128xf32, #tpu.memory_space<vmem_shared>> -> memref<80x128xf32, #tpu.memory_space<vmem_shared>>
      %dma_wait3A_66 = arith.constant 0 : i32
      %dma_wait3A_67 = tpu.memref_slice %arg7[%add3A_20, %dma_wait3A_66] : memref<5120x128xf32, #tpu.memory_space<vmem_shared>> -> memref<80x128xf32, #tpu.memory_space<vmem_shared>>
      tpu.wait_dma2 semaphore(%run_scoped3A : memref<!tpu.dma_semaphore, #tpu.memory_space<semaphore_mem>>) src(%arg5 : memref<80x128xf32, #tpu.memory_space<vmem>>) dst(%dma_wait3A_67 : memref<80x128xf32, #tpu.memory_space<vmem_shared>>)
      tpu.yield
    }) : () -> ()
    %mul3A_21 = arith.constant 320 : i32
    %mul3A_22 = arith.muli %arg1, %mul3A_21 : i32
    %add3A_23 = arith.constant 240 : i32
    %add3A_24 = arith.addi %mul3A_22, %add3A_23 : i32
    "tpu.region"() ({
      %run_scoped3A = tpu.sem_alloc : memref<!tpu.dma_semaphore, #tpu.memory_space<semaphore_mem>>
      %dma_start3A = arith.constant 0 : i32
      %dma_start3A_61 = tpu.memref_slice %arg7[%add3A_24, %dma_start3A] : memref<5120x128xf32, #tpu.memory_space<vmem_shared>> -> memref<80x128xf32, #tpu.memory_space<vmem_shared>>
      %dma_start3A_62 = arith.constant 0 : i32
      %dma_start3A_63 = tpu.memref_slice %arg7[%add3A_24, %dma_start3A_62] : memref<5120x128xf32, #tpu.memory_space<vmem_shared>> -> memref<80x128xf32, #tpu.memory_space<vmem_shared>>
      tpu.enqueue_dma source(%arg5 : memref<80x128xf32, #tpu.memory_space<vmem>>) target(%dma_start3A_63 : memref<80x128xf32, #tpu.memory_space<vmem_shared>>) target_semaphore(%run_scoped3A : memref<!tpu.dma_semaphore, #tpu.memory_space<semaphore_mem>>)
      %dma_wait3A_64 = arith.constant 0 : i32
      %dma_wait3A_65 = tpu.memref_slice %arg7[%add3A_24, %dma_wait3A_64] : memref<5120x128xf32, #tpu.memory_space<vmem_shared>> -> memref<80x128xf32, #tpu.memory_space<vmem_shared>>
      %dma_wait3A_66 = arith.constant 0 : i32
      %dma_wait3A_67 = tpu.memref_slice %arg7[%add3A_24, %dma_wait3A_66] : memref<5120x128xf32, #tpu.memory_space<vmem_shared>> -> memref<80x128xf32, #tpu.memory_space<vmem_shared>>
      tpu.wait_dma2 semaphore(%run_scoped3A : memref<!tpu.dma_semaphore, #tpu.memory_space<semaphore_mem>>) src(%arg5 : memref<80x128xf32, #tpu.memory_space<vmem>>) dst(%dma_wait3A_67 : memref<80x128xf32, #tpu.memory_space<vmem_shared>>)
      tpu.yield
    }) : () -> ()
    %barrier3A = arith.constant 0 : index
    tpu.barrier barrier_id(%barrier3A)
    "tpu.region"() ({
      %run_scoped3A = tpu.sem_alloc : memref<!tpu.dma_semaphore, #tpu.memory_space<semaphore_mem>>
      %dma_start3A = arith.constant 0 : i32
      %dma_start3A_61 = arith.constant 0 : i32
      %dma_start3A_62 = tpu.memref_slice %arg2[%arg0, %arg1, %dma_start3A, %dma_start3A_61] : memref<2x16x158x128xi32, #tpu.memory_space<hbm>> -> memref<1x1x158x128xi32, #tpu.memory_space<hbm>>
      %dma_start3A_63 = tpu.memref_squeeze %dma_start3A_62 : memref<1x1x158x128xi32, #tpu.memory_space<hbm>> -> memref<158x128xi32, #tpu.memory_space<hbm>>
      %dma_start3A_64 = arith.constant 0 : i32
      %dma_start3A_65 = arith.constant 0 : i32
      %dma_start3A_66 = tpu.memref_slice %arg2[%arg0, %arg1, %dma_start3A_64, %dma_start3A_65] : memref<2x16x158x128xi32, #tpu.memory_space<hbm>> -> memref<1x1x158x128xi32, #tpu.memory_space<hbm>>
      %dma_start3A_67 = tpu.memref_squeeze %dma_start3A_66 : memref<1x1x158x128xi32, #tpu.memory_space<hbm>> -> memref<158x128xi32, #tpu.memory_space<hbm>>
      tpu.enqueue_dma source(%dma_start3A_67 : memref<158x128xi32, #tpu.memory_space<hbm>>) target(%arg6 : memref<158x128xi32, #tpu.memory_space<vmem>>) target_semaphore(%run_scoped3A : memref<!tpu.dma_semaphore, #tpu.memory_space<semaphore_mem>>)
      %dma_wait3A_68 = arith.constant 0 : i32
      %dma_wait3A_69 = arith.constant 0 : i32
      %dma_wait3A_70 = tpu.memref_slice %arg2[%arg0, %arg1, %dma_wait3A_68, %dma_wait3A_69] : memref<2x16x158x128xi32, #tpu.memory_space<hbm>> -> memref<1x1x158x128xi32, #tpu.memory_space<hbm>>
      %dma_wait3A_71 = tpu.memref_squeeze %dma_wait3A_70 : memref<1x1x158x128xi32, #tpu.memory_space<hbm>> -> memref<158x128xi32, #tpu.memory_space<hbm>>
      %dma_wait3A_72 = arith.constant 0 : i32
      %dma_wait3A_73 = arith.constant 0 : i32
      %dma_wait3A_74 = tpu.memref_slice %arg2[%arg0, %arg1, %dma_wait3A_72, %dma_wait3A_73] : memref<2x16x158x128xi32, #tpu.memory_space<hbm>> -> memref<1x1x158x128xi32, #tpu.memory_space<hbm>>
      %dma_wait3A_75 = tpu.memref_squeeze %dma_wait3A_74 : memref<1x1x158x128xi32, #tpu.memory_space<hbm>> -> memref<158x128xi32, #tpu.memory_space<hbm>>
      tpu.wait_dma2 semaphore(%run_scoped3A : memref<!tpu.dma_semaphore, #tpu.memory_space<semaphore_mem>>) src(%dma_wait3A_75 : memref<158x128xi32, #tpu.memory_space<hbm>>) dst(%arg6 : memref<158x128xi32, #tpu.memory_space<vmem>>)
      tpu.yield
    }) : () -> ()
    %scan3A_25 = arith.constant 0 : i32
    %scan3A_26 = arith.constant 0 : i32
    %scan3A_27 = arith.constant 158 : i32
    %scan3A_28 = arith.addi %scan3A_26, %scan3A_27 : i32
    %scan3A_29 = arith.constant 1 : i32
    scf.for %scan3A_61 = %scan3A_26 to %scan3A_28 step %scan3A_29  : i32 {
      %jit3A = arith.constant 4 : i32
      %eq3A = arith.constant 0 : i32
      %eq3A_62 = arith.cmpi eq, %jit3A, %eq3A : i32
      %jit3A_63 = arith.constant 1 : i32
      %select_n3A = arith.select %eq3A_62, %jit3A_63, %jit3A : i32
      %rem3A = arith.remsi %scan3A_61, %select_n3A : i32
      %ne3A = arith.constant 0 : i32
      %ne3A_64 = arith.cmpi ne, %rem3A, %ne3A : i32
      %lt3A = arith.constant 0 : i32
      %lt3A_65 = arith.cmpi slt, %rem3A, %lt3A : i32
      %lt3A_66 = arith.constant 0 : i32
      %lt3A_67 = arith.cmpi slt, %select_n3A, %lt3A_66 : i32
      %ne3A_68 = arith.xori %lt3A_65, %lt3A_67 : i1
      %and3A = arith.andi %ne3A_68, %ne3A_64 : i1
      %add3A_69 = arith.addi %rem3A, %select_n3A : i32
      %select_n3A_70 = arith.select %and3A, %add3A_69, %rem3A : i32
      %eq3A_71 = arith.constant 0 : i32
      %eq3A_72 = arith.cmpi eq, %select_n3A_70, %eq3A_71 : i32
      %convert_element_type3A = arith.extui %eq3A_72 : i1 to i32
      %cond3A = arith.constant 0 : i32
      %cond3A_73 = arith.cmpi ne, %convert_element_type3A, %cond3A : i32
      scf.if %cond3A_73 {
        %ge3A = arith.constant 4 : i32
        %ge3A_137 = arith.cmpi sge, %scan3A_61, %ge3A : i32
        %convert_element_type3A_138 = arith.extui %ge3A_137 : i1 to i32
        %cond3A_139 = arith.constant 0 : i32
        %cond3A_140 = arith.cmpi ne, %convert_element_type3A_138, %cond3A_139 : i32
        scf.if %cond3A_140 {
          %sub3A = arith.constant 4 : i32
          %sub3A_146 = arith.subi %scan3A_61, %sub3A : i32
          %dma_wait3A_147 = arith.constant 0 : i32
          %dma_wait3A_148 = tpu.memref_slice %arg6[%sub3A_146, %dma_wait3A_147] : memref<158x128xi32, #tpu.memory_space<vmem>> -> memref<1x128xi32, #tpu.memory_space<vmem>>
          %dma_wait3A_149 = tpu.memref_squeeze %dma_wait3A_148 : memref<1x128xi32, #tpu.memory_space<vmem>> -> memref<128xi32, #tpu.memory_space<vmem>>
          %dma_wait3A_150 = arith.constant 0 : i32
          %dma_wait3A_151 = arith.constant 0 : i32
          %dma_wait3A_152 = tpu.memref_slice %arg7[%dma_wait3A_150, %dma_wait3A_151] : memref<5120x128xf32, #tpu.memory_space<vmem_shared>> -> memref<5120x128xf32, #tpu.memory_space<vmem_shared>>
          tpu.wait_indirect_dma semaphore(%arg8 : memref<!tpu.dma_semaphore, #tpu.memory_space<semaphore_mem>>) src(%arg4 : memref<128x128xf32, #tpu.memory_space<vmem>>) dst(%dma_wait3A_152 : memref<5120x128xf32, #tpu.memory_space<vmem_shared>>)
        } else {
        }
        %dma_start3A = arith.constant 0 : i32
        %dma_start3A_141 = tpu.memref_slice %arg6[%scan3A_61, %dma_start3A] : memref<158x128xi32, #tpu.memory_space<vmem>> -> memref<1x128xi32, #tpu.memory_space<vmem>>
        %dma_start3A_142 = tpu.memref_squeeze %dma_start3A_141 : memref<1x128xi32, #tpu.memory_space<vmem>> -> memref<128xi32, #tpu.memory_space<vmem>>
        %dma_start3A_143 = arith.constant 0 : i32
        %dma_start3A_144 = arith.constant 0 : i32
        %dma_start3A_145 = tpu.memref_slice %arg7[%dma_start3A_143, %dma_start3A_144] : memref<5120x128xf32, #tpu.memory_space<vmem_shared>> -> memref<5120x128xf32, #tpu.memory_space<vmem_shared>>
        tpu.enqueue_indirect_dma source(%arg4 : memref<128x128xf32, #tpu.memory_space<vmem>>) target(%dma_start3A_145 : memref<5120x128xf32, #tpu.memory_space<vmem_shared>>) offsets(%dma_start3A_142 : memref<128xi32, #tpu.memory_space<vmem>>) semaphore(%arg8 : memref<!tpu.dma_semaphore, #tpu.memory_space<semaphore_mem>>) {add = true}
      } else {
      }
      %jit3A_74 = arith.constant 4 : i32
      %eq3A_75 = arith.constant 0 : i32
      %eq3A_76 = arith.cmpi eq, %jit3A_74, %eq3A_75 : i32
      %jit3A_77 = arith.constant 1 : i32
      %select_n3A_78 = arith.select %eq3A_76, %jit3A_77, %jit3A_74 : i32
      %rem3A_79 = arith.remsi %scan3A_61, %select_n3A_78 : i32
      %ne3A_80 = arith.constant 0 : i32
      %ne3A_81 = arith.cmpi ne, %rem3A_79, %ne3A_80 : i32
      %lt3A_82 = arith.constant 0 : i32
      %lt3A_83 = arith.cmpi slt, %rem3A_79, %lt3A_82 : i32
      %lt3A_84 = arith.constant 0 : i32
      %lt3A_85 = arith.cmpi slt, %select_n3A_78, %lt3A_84 : i32
      %ne3A_86 = arith.xori %lt3A_83, %lt3A_85 : i1
      %and3A_87 = arith.andi %ne3A_86, %ne3A_81 : i1
      %add3A_88 = arith.addi %rem3A_79, %select_n3A_78 : i32
      %select_n3A_89 = arith.select %and3A_87, %add3A_88, %rem3A_79 : i32
      %eq3A_90 = arith.constant 1 : i32
      %eq3A_91 = arith.cmpi eq, %select_n3A_89, %eq3A_90 : i32
      %convert_element_type3A_92 = arith.extui %eq3A_91 : i1 to i32
      %cond3A_93 = arith.constant 0 : i32
      %cond3A_94 = arith.cmpi ne, %convert_element_type3A_92, %cond3A_93 : i32
      scf.if %cond3A_94 {
        %ge3A = arith.constant 4 : i32
        %ge3A_137 = arith.cmpi sge, %scan3A_61, %ge3A : i32
        %convert_element_type3A_138 = arith.extui %ge3A_137 : i1 to i32
        %cond3A_139 = arith.constant 0 : i32
        %cond3A_140 = arith.cmpi ne, %convert_element_type3A_138, %cond3A_139 : i32
        scf.if %cond3A_140 {
          %sub3A = arith.constant 4 : i32
          %sub3A_146 = arith.subi %scan3A_61, %sub3A : i32
          %dma_wait3A_147 = arith.constant 0 : i32
          %dma_wait3A_148 = tpu.memref_slice %arg6[%sub3A_146, %dma_wait3A_147] : memref<158x128xi32, #tpu.memory_space<vmem>> -> memref<1x128xi32, #tpu.memory_space<vmem>>
          %dma_wait3A_149 = tpu.memref_squeeze %dma_wait3A_148 : memref<1x128xi32, #tpu.memory_space<vmem>> -> memref<128xi32, #tpu.memory_space<vmem>>
          %dma_wait3A_150 = arith.constant 0 : i32
          %dma_wait3A_151 = arith.constant 0 : i32
          %dma_wait3A_152 = tpu.memref_slice %arg7[%dma_wait3A_150, %dma_wait3A_151] : memref<5120x128xf32, #tpu.memory_space<vmem_shared>> -> memref<5120x128xf32, #tpu.memory_space<vmem_shared>>
          tpu.wait_indirect_dma semaphore(%arg9 : memref<!tpu.dma_semaphore, #tpu.memory_space<semaphore_mem>>) src(%arg4 : memref<128x128xf32, #tpu.memory_space<vmem>>) dst(%dma_wait3A_152 : memref<5120x128xf32, #tpu.memory_space<vmem_shared>>)
        } else {
        }
        %dma_start3A = arith.constant 0 : i32
        %dma_start3A_141 = tpu.memref_slice %arg6[%scan3A_61, %dma_start3A] : memref<158x128xi32, #tpu.memory_space<vmem>> -> memref<1x128xi32, #tpu.memory_space<vmem>>
        %dma_start3A_142 = tpu.memref_squeeze %dma_start3A_141 : memref<1x128xi32, #tpu.memory_space<vmem>> -> memref<128xi32, #tpu.memory_space<vmem>>
        %dma_start3A_143 = arith.constant 0 : i32
        %dma_start3A_144 = arith.constant 0 : i32
        %dma_start3A_145 = tpu.memref_slice %arg7[%dma_start3A_143, %dma_start3A_144] : memref<5120x128xf32, #tpu.memory_space<vmem_shared>> -> memref<5120x128xf32, #tpu.memory_space<vmem_shared>>
        tpu.enqueue_indirect_dma source(%arg4 : memref<128x128xf32, #tpu.memory_space<vmem>>) target(%dma_start3A_145 : memref<5120x128xf32, #tpu.memory_space<vmem_shared>>) offsets(%dma_start3A_142 : memref<128xi32, #tpu.memory_space<vmem>>) semaphore(%arg9 : memref<!tpu.dma_semaphore, #tpu.memory_space<semaphore_mem>>) {add = true}
      } else {
      }
      %jit3A_95 = arith.constant 4 : i32
      %eq3A_96 = arith.constant 0 : i32
      %eq3A_97 = arith.cmpi eq, %jit3A_95, %eq3A_96 : i32
      %jit3A_98 = arith.constant 1 : i32
      %select_n3A_99 = arith.select %eq3A_97, %jit3A_98, %jit3A_95 : i32
      %rem3A_100 = arith.remsi %scan3A_61, %select_n3A_99 : i32
      %ne3A_101 = arith.constant 0 : i32
      %ne3A_102 = arith.cmpi ne, %rem3A_100, %ne3A_101 : i32
      %lt3A_103 = arith.constant 0 : i32
      %lt3A_104 = arith.cmpi slt, %rem3A_100, %lt3A_103 : i32
      %lt3A_105 = arith.constant 0 : i32
      %lt3A_106 = arith.cmpi slt, %select_n3A_99, %lt3A_105 : i32
      %ne3A_107 = arith.xori %lt3A_104, %lt3A_106 : i1
      %and3A_108 = arith.andi %ne3A_107, %ne3A_102 : i1
      %add3A_109 = arith.addi %rem3A_100, %select_n3A_99 : i32
      %select_n3A_110 = arith.select %and3A_108, %add3A_109, %rem3A_100 : i32
      %eq3A_111 = arith.constant 2 : i32
      %eq3A_112 = arith.cmpi eq, %select_n3A_110, %eq3A_111 : i32
      %convert_element_type3A_113 = arith.extui %eq3A_112 : i1 to i32
      %cond3A_114 = arith.constant 0 : i32
      %cond3A_115 = arith.cmpi ne, %convert_element_type3A_113, %cond3A_114 : i32
      scf.if %cond3A_115 {
        %ge3A = arith.constant 4 : i32
        %ge3A_137 = arith.cmpi sge, %scan3A_61, %ge3A : i32
        %convert_element_type3A_138 = arith.extui %ge3A_137 : i1 to i32
        %cond3A_139 = arith.constant 0 : i32
        %cond3A_140 = arith.cmpi ne, %convert_element_type3A_138, %cond3A_139 : i32
        scf.if %cond3A_140 {
          %sub3A = arith.constant 4 : i32
          %sub3A_146 = arith.subi %scan3A_61, %sub3A : i32
          %dma_wait3A_147 = arith.constant 0 : i32
          %dma_wait3A_148 = tpu.memref_slice %arg6[%sub3A_146, %dma_wait3A_147] : memref<158x128xi32, #tpu.memory_space<vmem>> -> memref<1x128xi32, #tpu.memory_space<vmem>>
          %dma_wait3A_149 = tpu.memref_squeeze %dma_wait3A_148 : memref<1x128xi32, #tpu.memory_space<vmem>> -> memref<128xi32, #tpu.memory_space<vmem>>
          %dma_wait3A_150 = arith.constant 0 : i32
          %dma_wait3A_151 = arith.constant 0 : i32
          %dma_wait3A_152 = tpu.memref_slice %arg7[%dma_wait3A_150, %dma_wait3A_151] : memref<5120x128xf32, #tpu.memory_space<vmem_shared>> -> memref<5120x128xf32, #tpu.memory_space<vmem_shared>>
          tpu.wait_indirect_dma semaphore(%arg10 : memref<!tpu.dma_semaphore, #tpu.memory_space<semaphore_mem>>) src(%arg4 : memref<128x128xf32, #tpu.memory_space<vmem>>) dst(%dma_wait3A_152 : memref<5120x128xf32, #tpu.memory_space<vmem_shared>>)
        } else {
        }
        %dma_start3A = arith.constant 0 : i32
        %dma_start3A_141 = tpu.memref_slice %arg6[%scan3A_61, %dma_start3A] : memref<158x128xi32, #tpu.memory_space<vmem>> -> memref<1x128xi32, #tpu.memory_space<vmem>>
        %dma_start3A_142 = tpu.memref_squeeze %dma_start3A_141 : memref<1x128xi32, #tpu.memory_space<vmem>> -> memref<128xi32, #tpu.memory_space<vmem>>
        %dma_start3A_143 = arith.constant 0 : i32
        %dma_start3A_144 = arith.constant 0 : i32
        %dma_start3A_145 = tpu.memref_slice %arg7[%dma_start3A_143, %dma_start3A_144] : memref<5120x128xf32, #tpu.memory_space<vmem_shared>> -> memref<5120x128xf32, #tpu.memory_space<vmem_shared>>
        tpu.enqueue_indirect_dma source(%arg4 : memref<128x128xf32, #tpu.memory_space<vmem>>) target(%dma_start3A_145 : memref<5120x128xf32, #tpu.memory_space<vmem_shared>>) offsets(%dma_start3A_142 : memref<128xi32, #tpu.memory_space<vmem>>) semaphore(%arg10 : memref<!tpu.dma_semaphore, #tpu.memory_space<semaphore_mem>>) {add = true}
      } else {
      }
      %jit3A_116 = arith.constant 4 : i32
      %eq3A_117 = arith.constant 0 : i32
      %eq3A_118 = arith.cmpi eq, %jit3A_116, %eq3A_117 : i32
      %jit3A_119 = arith.constant 1 : i32
      %select_n3A_120 = arith.select %eq3A_118, %jit3A_119, %jit3A_116 : i32
      %rem3A_121 = arith.remsi %scan3A_61, %select_n3A_120 : i32
      %ne3A_122 = arith.constant 0 : i32
      %ne3A_123 = arith.cmpi ne, %rem3A_121, %ne3A_122 : i32
      %lt3A_124 = arith.constant 0 : i32
      %lt3A_125 = arith.cmpi slt, %rem3A_121, %lt3A_124 : i32
      %lt3A_126 = arith.constant 0 : i32
      %lt3A_127 = arith.cmpi slt, %select_n3A_120, %lt3A_126 : i32
      %ne3A_128 = arith.xori %lt3A_125, %lt3A_127 : i1
      %and3A_129 = arith.andi %ne3A_128, %ne3A_123 : i1
      %add3A_130 = arith.addi %rem3A_121, %select_n3A_120 : i32
      %select_n3A_131 = arith.select %and3A_129, %add3A_130, %rem3A_121 : i32
      %eq3A_132 = arith.constant 3 : i32
      %eq3A_133 = arith.cmpi eq, %select_n3A_131, %eq3A_132 : i32
      %convert_element_type3A_134 = arith.extui %eq3A_133 : i1 to i32
      %cond3A_135 = arith.constant 0 : i32
      %cond3A_136 = arith.cmpi ne, %convert_element_type3A_134, %cond3A_135 : i32
      scf.if %cond3A_136 {
        %ge3A = arith.constant 4 : i32
        %ge3A_137 = arith.cmpi sge, %scan3A_61, %ge3A : i32
        %convert_element_type3A_138 = arith.extui %ge3A_137 : i1 to i32
        %cond3A_139 = arith.constant 0 : i32
        %cond3A_140 = arith.cmpi ne, %convert_element_type3A_138, %cond3A_139 : i32
        scf.if %cond3A_140 {
          %sub3A = arith.constant 4 : i32
          %sub3A_146 = arith.subi %scan3A_61, %sub3A : i32
          %dma_wait3A_147 = arith.constant 0 : i32
          %dma_wait3A_148 = tpu.memref_slice %arg6[%sub3A_146, %dma_wait3A_147] : memref<158x128xi32, #tpu.memory_space<vmem>> -> memref<1x128xi32, #tpu.memory_space<vmem>>
          %dma_wait3A_149 = tpu.memref_squeeze %dma_wait3A_148 : memref<1x128xi32, #tpu.memory_space<vmem>> -> memref<128xi32, #tpu.memory_space<vmem>>
          %dma_wait3A_150 = arith.constant 0 : i32
          %dma_wait3A_151 = arith.constant 0 : i32
          %dma_wait3A_152 = tpu.memref_slice %arg7[%dma_wait3A_150, %dma_wait3A_151] : memref<5120x128xf32, #tpu.memory_space<vmem_shared>> -> memref<5120x128xf32, #tpu.memory_space<vmem_shared>>
          tpu.wait_indirect_dma semaphore(%arg11 : memref<!tpu.dma_semaphore, #tpu.memory_space<semaphore_mem>>) src(%arg4 : memref<128x128xf32, #tpu.memory_space<vmem>>) dst(%dma_wait3A_152 : memref<5120x128xf32, #tpu.memory_space<vmem_shared>>)
        } else {
        }
        %dma_start3A = arith.constant 0 : i32
        %dma_start3A_141 = tpu.memref_slice %arg6[%scan3A_61, %dma_start3A] : memref<158x128xi32, #tpu.memory_space<vmem>> -> memref<1x128xi32, #tpu.memory_space<vmem>>
        %dma_start3A_142 = tpu.memref_squeeze %dma_start3A_141 : memref<1x128xi32, #tpu.memory_space<vmem>> -> memref<128xi32, #tpu.memory_space<vmem>>
        %dma_start3A_143 = arith.constant 0 : i32
        %dma_start3A_144 = arith.constant 0 : i32
        %dma_start3A_145 = tpu.memref_slice %arg7[%dma_start3A_143, %dma_start3A_144] : memref<5120x128xf32, #tpu.memory_space<vmem_shared>> -> memref<5120x128xf32, #tpu.memory_space<vmem_shared>>
        tpu.enqueue_indirect_dma source(%arg4 : memref<128x128xf32, #tpu.memory_space<vmem>>) target(%dma_start3A_145 : memref<5120x128xf32, #tpu.memory_space<vmem_shared>>) offsets(%dma_start3A_142 : memref<128xi32, #tpu.memory_space<vmem>>) semaphore(%arg11 : memref<!tpu.dma_semaphore, #tpu.memory_space<semaphore_mem>>) {add = true}
      } else {
      }
    }
    %scan3A_30 = arith.constant 158 : i32
    %dma_wait3A = arith.constant 154 : i32
    %dma_wait3A_31 = arith.constant 0 : i32
    %dma_wait3A_32 = tpu.memref_slice %arg6[%dma_wait3A, %dma_wait3A_31] : memref<158x128xi32, #tpu.memory_space<vmem>> -> memref<1x128xi32, #tpu.memory_space<vmem>>
    %dma_wait3A_33 = tpu.memref_squeeze %dma_wait3A_32 : memref<1x128xi32, #tpu.memory_space<vmem>> -> memref<128xi32, #tpu.memory_space<vmem>>
    %dma_wait3A_34 = arith.constant 0 : i32
    %dma_wait3A_35 = arith.constant 0 : i32
    %dma_wait3A_36 = tpu.memref_slice %arg7[%dma_wait3A_34, %dma_wait3A_35] : memref<5120x128xf32, #tpu.memory_space<vmem_shared>> -> memref<5120x128xf32, #tpu.memory_space<vmem_shared>>
    tpu.wait_indirect_dma semaphore(%arg10 : memref<!tpu.dma_semaphore, #tpu.memory_space<semaphore_mem>>) src(%arg4 : memref<128x128xf32, #tpu.memory_space<vmem>>) dst(%dma_wait3A_36 : memref<5120x128xf32, #tpu.memory_space<vmem_shared>>)
    %dma_wait3A_37 = arith.constant 155 : i32
    %dma_wait3A_38 = arith.constant 0 : i32
    %dma_wait3A_39 = tpu.memref_slice %arg6[%dma_wait3A_37, %dma_wait3A_38] : memref<158x128xi32, #tpu.memory_space<vmem>> -> memref<1x128xi32, #tpu.memory_space<vmem>>
    %dma_wait3A_40 = tpu.memref_squeeze %dma_wait3A_39 : memref<1x128xi32, #tpu.memory_space<vmem>> -> memref<128xi32, #tpu.memory_space<vmem>>
    %dma_wait3A_41 = arith.constant 0 : i32
    %dma_wait3A_42 = arith.constant 0 : i32
    %dma_wait3A_43 = tpu.memref_slice %arg7[%dma_wait3A_41, %dma_wait3A_42] : memref<5120x128xf32, #tpu.memory_space<vmem_shared>> -> memref<5120x128xf32, #tpu.memory_space<vmem_shared>>
    tpu.wait_indirect_dma semaphore(%arg11 : memref<!tpu.dma_semaphore, #tpu.memory_space<semaphore_mem>>) src(%arg4 : memref<128x128xf32, #tpu.memory_space<vmem>>) dst(%dma_wait3A_43 : memref<5120x128xf32, #tpu.memory_space<vmem_shared>>)
    %dma_wait3A_44 = arith.constant 156 : i32
    %dma_wait3A_45 = arith.constant 0 : i32
    %dma_wait3A_46 = tpu.memref_slice %arg6[%dma_wait3A_44, %dma_wait3A_45] : memref<158x128xi32, #tpu.memory_space<vmem>> -> memref<1x128xi32, #tpu.memory_space<vmem>>
    %dma_wait3A_47 = tpu.memref_squeeze %dma_wait3A_46 : memref<1x128xi32, #tpu.memory_space<vmem>> -> memref<128xi32, #tpu.memory_space<vmem>>
    %dma_wait3A_48 = arith.constant 0 : i32
    %dma_wait3A_49 = arith.constant 0 : i32
    %dma_wait3A_50 = tpu.memref_slice %arg7[%dma_wait3A_48, %dma_wait3A_49] : memref<5120x128xf32, #tpu.memory_space<vmem_shared>> -> memref<5120x128xf32, #tpu.memory_space<vmem_shared>>
    tpu.wait_indirect_dma semaphore(%arg8 : memref<!tpu.dma_semaphore, #tpu.memory_space<semaphore_mem>>) src(%arg4 : memref<128x128xf32, #tpu.memory_space<vmem>>) dst(%dma_wait3A_50 : memref<5120x128xf32, #tpu.memory_space<vmem_shared>>)
    %dma_wait3A_51 = arith.constant 157 : i32
    %dma_wait3A_52 = arith.constant 0 : i32
    %dma_wait3A_53 = tpu.memref_slice %arg6[%dma_wait3A_51, %dma_wait3A_52] : memref<158x128xi32, #tpu.memory_space<vmem>> -> memref<1x128xi32, #tpu.memory_space<vmem>>
    %dma_wait3A_54 = tpu.memref_squeeze %dma_wait3A_53 : memref<1x128xi32, #tpu.memory_space<vmem>> -> memref<128xi32, #tpu.memory_space<vmem>>
    %dma_wait3A_55 = arith.constant 0 : i32
    %dma_wait3A_56 = arith.constant 0 : i32
    %dma_wait3A_57 = tpu.memref_slice %arg7[%dma_wait3A_55, %dma_wait3A_56] : memref<5120x128xf32, #tpu.memory_space<vmem_shared>> -> memref<5120x128xf32, #tpu.memory_space<vmem_shared>>
    tpu.wait_indirect_dma semaphore(%arg9 : memref<!tpu.dma_semaphore, #tpu.memory_space<semaphore_mem>>) src(%arg4 : memref<128x128xf32, #tpu.memory_space<vmem>>) dst(%dma_wait3A_57 : memref<5120x128xf32, #tpu.memory_space<vmem_shared>>)
    %barrier3A_58 = arith.constant 0 : index
    tpu.barrier barrier_id(%barrier3A_58)
    %mul3A_59 = arith.constant 320 : i32
    %mul3A_60 = arith.muli %arg1, %mul3A_59 : i32
    "tpu.region"() ({
      %run_scoped3A = tpu.sem_alloc : memref<!tpu.dma_semaphore, #tpu.memory_space<semaphore_mem>>
      %dma_start3A = arith.constant 0 : i32
      %dma_start3A_61 = arith.constant 0 : i32
      %dma_start3A_62 = tpu.memref_slice %arg3[%arg0, %arg1, %dma_start3A, %dma_start3A_61] : memref<2x16x320x128xf32, #tpu.memory_space<hbm>> -> memref<1x1x320x128xf32, #tpu.memory_space<hbm>>
      %dma_start3A_63 = tpu.memref_squeeze %dma_start3A_62 : memref<1x1x320x128xf32, #tpu.memory_space<hbm>> -> memref<320x128xf32, #tpu.memory_space<hbm>>
      %dma_start3A_64 = arith.constant 0 : i32
      %dma_start3A_65 = tpu.memref_slice %arg7[%mul3A_60, %dma_start3A_64] : memref<5120x128xf32, #tpu.memory_space<vmem_shared>> -> memref<320x128xf32, #tpu.memory_space<vmem_shared>>
      tpu.enqueue_dma source(%dma_start3A_65 : memref<320x128xf32, #tpu.memory_space<vmem_shared>>) target(%dma_start3A_63 : memref<320x128xf32, #tpu.memory_space<hbm>>) target_semaphore(%run_scoped3A : memref<!tpu.dma_semaphore, #tpu.memory_space<semaphore_mem>>)
      %dma_wait3A_66 = arith.constant 0 : i32
      %dma_wait3A_67 = arith.constant 0 : i32
      %dma_wait3A_68 = tpu.memref_slice %arg3[%arg0, %arg1, %dma_wait3A_66, %dma_wait3A_67] : memref<2x16x320x128xf32, #tpu.memory_space<hbm>> -> memref<1x1x320x128xf32, #tpu.memory_space<hbm>>
      %dma_wait3A_69 = tpu.memref_squeeze %dma_wait3A_68 : memref<1x1x320x128xf32, #tpu.memory_space<hbm>> -> memref<320x128xf32, #tpu.memory_space<hbm>>
      %dma_wait3A_70 = arith.constant 0 : i32
      %dma_wait3A_71 = tpu.memref_slice %arg7[%mul3A_60, %dma_wait3A_70] : memref<5120x128xf32, #tpu.memory_space<vmem_shared>> -> memref<320x128xf32, #tpu.memory_space<vmem_shared>>
      tpu.wait_dma2 semaphore(%run_scoped3A : memref<!tpu.dma_semaphore, #tpu.memory_space<semaphore_mem>>) src(%dma_wait3A_71 : memref<320x128xf32, #tpu.memory_space<vmem_shared>>) dst(%dma_wait3A_69 : memref<320x128xf32, #tpu.memory_space<hbm>>)
      tpu.yield
    }) : () -> ()
    return
  }
}

#map = affine_map<(d0, d1) -> (0, 0)>
#map1 = affine_map<(d0, d1) -> (0, 0, 0)>
#map2 = affine_map<(d0, d1) -> (0, 0, 0, 0)>
module attributes {stable_mosaic.version = 14 : i64} {
  func.func @_msg_body(%arg0: i32, %arg1: i32, %arg2: memref<81920x128xf32, #tpu.memory_space<hbm>>, %arg3: memref<16x158x128xi32, #tpu.memory_space<hbm>>, %arg4: memref<2x16x158x128xi32, #tpu.memory_space<hbm>>, %arg5: memref<2x16x320x128xf32, #tpu.memory_space<hbm>>, %arg6: memref<158x128xi32, #tpu.memory_space<vmem>>, %arg7: memref<158x128xi32, #tpu.memory_space<vmem>>, %arg8: memref<3x128x128xf32, #tpu.memory_space<vmem>>, %arg9: memref<5120x128xf32, #tpu.memory_space<vmem_shared>>, %arg10: memref<!tpu.dma_semaphore, #tpu.memory_space<semaphore_mem>>, %arg11: memref<!tpu.dma_semaphore, #tpu.memory_space<semaphore_mem>>, %arg12: memref<!tpu.dma_semaphore, #tpu.memory_space<semaphore_mem>>, %arg13: memref<!tpu.dma_semaphore, #tpu.memory_space<semaphore_mem>>, %arg14: memref<!tpu.dma_semaphore, #tpu.memory_space<semaphore_mem>>, %arg15: memref<!tpu.dma_semaphore, #tpu.memory_space<semaphore_mem>>, %arg16: memref<!tpu.dma_semaphore, #tpu.memory_space<semaphore_mem>>, %arg17: memref<!tpu.dma_semaphore, #tpu.memory_space<semaphore_mem>>, %arg18: memref<!tpu.dma_semaphore, #tpu.memory_space<semaphore_mem>>) attributes {dimension_semantics = [#tpu.dimension_semantics<core_parallel>, #tpu.dimension_semantics<subcore_parallel>], iteration_bounds = array<i64: 2, 16>, scalar_prefetch = 0 : i64, scratch_operands = 13 : i64, tpu.core_type = #tpu.core_type<sc_vector_subcore>, window_params = [{transform_indices = #map}, {transform_indices = #map1}, {transform_indices = #map2}, {transform_indices = #map2}]} {
    %scan3A = arith.constant 0 : i32
    %scan3A_0 = arith.constant 0 : i32
    %scan3A_1 = arith.constant 128 : i32
    %scan3A_2 = arith.addi %scan3A_0, %scan3A_1 : i32
    %scan3A_3 = arith.constant 1 : i32
    scf.for %scan3A_108 = %scan3A_0 to %scan3A_2 step %scan3A_3  : i32 {
      %broadcast_in_dim3A = arith.constant 0.000000e+00 : f32
      %broadcast_in_dim3A_109 = vector.broadcast %broadcast_in_dim3A : f32 to vector<16xf32>
      %swap3A = arith.constant 0 : i32
      %swap3A_110 = arith.index_cast %swap3A : i32 to index
      %swap3A_111 = arith.index_cast %scan3A_108 : i32 to index
      %swap3A_112 = arith.constant 0 : index
      %swap3A_113 = tpu.vector_load %arg8[%swap3A_110, %swap3A_111, %swap3A_112] {strides = array<i32>} : memref<3x128x128xf32, #tpu.memory_space<vmem>>, vector<1x1x16xf32>,
      %swap3A_114 = vector.shape_cast %swap3A_113 : vector<1x1x16xf32> to vector<16xf32>
      %swap3A_115 = vector.shape_cast %broadcast_in_dim3A_109 : vector<16xf32> to vector<1x1x16xf32>
      tpu.vector_store %arg8[%swap3A_110, %swap3A_111, %swap3A_112], %swap3A_115 {strides = array<i32>} : memref<3x128x128xf32, #tpu.memory_space<vmem>>, vector<1x1x16xf32>,
      %broadcast_in_dim3A_116 = arith.constant 0.000000e+00 : f32
      %broadcast_in_dim3A_117 = vector.broadcast %broadcast_in_dim3A_116 : f32 to vector<16xf32>
      %swap3A_118 = arith.constant 0 : i32
      %swap3A_119 = arith.index_cast %swap3A_118 : i32 to index
      %swap3A_120 = arith.index_cast %scan3A_108 : i32 to index
      %swap3A_121 = arith.constant 16 : index
      %swap3A_122 = tpu.vector_load %arg8[%swap3A_119, %swap3A_120, %swap3A_121] {strides = array<i32>} : memref<3x128x128xf32, #tpu.memory_space<vmem>>, vector<1x1x16xf32>,
      %swap3A_123 = vector.shape_cast %swap3A_122 : vector<1x1x16xf32> to vector<16xf32>
      %swap3A_124 = vector.shape_cast %broadcast_in_dim3A_117 : vector<16xf32> to vector<1x1x16xf32>
      tpu.vector_store %arg8[%swap3A_119, %swap3A_120, %swap3A_121], %swap3A_124 {strides = array<i32>} : memref<3x128x128xf32, #tpu.memory_space<vmem>>, vector<1x1x16xf32>,
      %broadcast_in_dim3A_125 = arith.constant 0.000000e+00 : f32
      %broadcast_in_dim3A_126 = vector.broadcast %broadcast_in_dim3A_125 : f32 to vector<16xf32>
      %swap3A_127 = arith.constant 0 : i32
      %swap3A_128 = arith.index_cast %swap3A_127 : i32 to index
      %swap3A_129 = arith.index_cast %scan3A_108 : i32 to index
      %swap3A_130 = arith.constant 32 : index
      %swap3A_131 = tpu.vector_load %arg8[%swap3A_128, %swap3A_129, %swap3A_130] {strides = array<i32>} : memref<3x128x128xf32, #tpu.memory_space<vmem>>, vector<1x1x16xf32>,
      %swap3A_132 = vector.shape_cast %swap3A_131 : vector<1x1x16xf32> to vector<16xf32>
      %swap3A_133 = vector.shape_cast %broadcast_in_dim3A_126 : vector<16xf32> to vector<1x1x16xf32>
      tpu.vector_store %arg8[%swap3A_128, %swap3A_129, %swap3A_130], %swap3A_133 {strides = array<i32>} : memref<3x128x128xf32, #tpu.memory_space<vmem>>, vector<1x1x16xf32>,
      %broadcast_in_dim3A_134 = arith.constant 0.000000e+00 : f32
      %broadcast_in_dim3A_135 = vector.broadcast %broadcast_in_dim3A_134 : f32 to vector<16xf32>
      %swap3A_136 = arith.constant 0 : i32
      %swap3A_137 = arith.index_cast %swap3A_136 : i32 to index
      %swap3A_138 = arith.index_cast %scan3A_108 : i32 to index
      %swap3A_139 = arith.constant 48 : index
      %swap3A_140 = tpu.vector_load %arg8[%swap3A_137, %swap3A_138, %swap3A_139] {strides = array<i32>} : memref<3x128x128xf32, #tpu.memory_space<vmem>>, vector<1x1x16xf32>,
      %swap3A_141 = vector.shape_cast %swap3A_140 : vector<1x1x16xf32> to vector<16xf32>
      %swap3A_142 = vector.shape_cast %broadcast_in_dim3A_135 : vector<16xf32> to vector<1x1x16xf32>
      tpu.vector_store %arg8[%swap3A_137, %swap3A_138, %swap3A_139], %swap3A_142 {strides = array<i32>} : memref<3x128x128xf32, #tpu.memory_space<vmem>>, vector<1x1x16xf32>,
      %broadcast_in_dim3A_143 = arith.constant 0.000000e+00 : f32
      %broadcast_in_dim3A_144 = vector.broadcast %broadcast_in_dim3A_143 : f32 to vector<16xf32>
      %swap3A_145 = arith.constant 0 : i32
      %swap3A_146 = arith.index_cast %swap3A_145 : i32 to index
      %swap3A_147 = arith.index_cast %scan3A_108 : i32 to index
      %swap3A_148 = arith.constant 64 : index
      %swap3A_149 = tpu.vector_load %arg8[%swap3A_146, %swap3A_147, %swap3A_148] {strides = array<i32>} : memref<3x128x128xf32, #tpu.memory_space<vmem>>, vector<1x1x16xf32>,
      %swap3A_150 = vector.shape_cast %swap3A_149 : vector<1x1x16xf32> to vector<16xf32>
      %swap3A_151 = vector.shape_cast %broadcast_in_dim3A_144 : vector<16xf32> to vector<1x1x16xf32>
      tpu.vector_store %arg8[%swap3A_146, %swap3A_147, %swap3A_148], %swap3A_151 {strides = array<i32>} : memref<3x128x128xf32, #tpu.memory_space<vmem>>, vector<1x1x16xf32>,
      %broadcast_in_dim3A_152 = arith.constant 0.000000e+00 : f32
      %broadcast_in_dim3A_153 = vector.broadcast %broadcast_in_dim3A_152 : f32 to vector<16xf32>
      %swap3A_154 = arith.constant 0 : i32
      %swap3A_155 = arith.index_cast %swap3A_154 : i32 to index
      %swap3A_156 = arith.index_cast %scan3A_108 : i32 to index
      %swap3A_157 = arith.constant 80 : index
      %swap3A_158 = tpu.vector_load %arg8[%swap3A_155, %swap3A_156, %swap3A_157] {strides = array<i32>} : memref<3x128x128xf32, #tpu.memory_space<vmem>>, vector<1x1x16xf32>,
      %swap3A_159 = vector.shape_cast %swap3A_158 : vector<1x1x16xf32> to vector<16xf32>
      %swap3A_160 = vector.shape_cast %broadcast_in_dim3A_153 : vector<16xf32> to vector<1x1x16xf32>
      tpu.vector_store %arg8[%swap3A_155, %swap3A_156, %swap3A_157], %swap3A_160 {strides = array<i32>} : memref<3x128x128xf32, #tpu.memory_space<vmem>>, vector<1x1x16xf32>,
      %broadcast_in_dim3A_161 = arith.constant 0.000000e+00 : f32
      %broadcast_in_dim3A_162 = vector.broadcast %broadcast_in_dim3A_161 : f32 to vector<16xf32>
      %swap3A_163 = arith.constant 0 : i32
      %swap3A_164 = arith.index_cast %swap3A_163 : i32 to index
      %swap3A_165 = arith.index_cast %scan3A_108 : i32 to index
      %swap3A_166 = arith.constant 96 : index
      %swap3A_167 = tpu.vector_load %arg8[%swap3A_164, %swap3A_165, %swap3A_166] {strides = array<i32>} : memref<3x128x128xf32, #tpu.memory_space<vmem>>, vector<1x1x16xf32>,
      %swap3A_168 = vector.shape_cast %swap3A_167 : vector<1x1x16xf32> to vector<16xf32>
      %swap3A_169 = vector.shape_cast %broadcast_in_dim3A_162 : vector<16xf32> to vector<1x1x16xf32>
      tpu.vector_store %arg8[%swap3A_164, %swap3A_165, %swap3A_166], %swap3A_169 {strides = array<i32>} : memref<3x128x128xf32, #tpu.memory_space<vmem>>, vector<1x1x16xf32>,
      %broadcast_in_dim3A_170 = arith.constant 0.000000e+00 : f32
      %broadcast_in_dim3A_171 = vector.broadcast %broadcast_in_dim3A_170 : f32 to vector<16xf32>
      %swap3A_172 = arith.constant 0 : i32
      %swap3A_173 = arith.index_cast %swap3A_172 : i32 to index
      %swap3A_174 = arith.index_cast %scan3A_108 : i32 to index
      %swap3A_175 = arith.constant 112 : index
      %swap3A_176 = tpu.vector_load %arg8[%swap3A_173, %swap3A_174, %swap3A_175] {strides = array<i32>} : memref<3x128x128xf32, #tpu.memory_space<vmem>>, vector<1x1x16xf32>,
      %swap3A_177 = vector.shape_cast %swap3A_176 : vector<1x1x16xf32> to vector<16xf32>
      %swap3A_178 = vector.shape_cast %broadcast_in_dim3A_171 : vector<16xf32> to vector<1x1x16xf32>
      tpu.vector_store %arg8[%swap3A_173, %swap3A_174, %swap3A_175], %swap3A_178 {strides = array<i32>} : memref<3x128x128xf32, #tpu.memory_space<vmem>>, vector<1x1x16xf32>,
    }
    %scan3A_4 = arith.constant 128 : i32
    %mul3A = arith.constant 320 : i32
    %mul3A_5 = arith.muli %arg1, %mul3A : i32
    %add3A = arith.constant 0 : i32
    %add3A_6 = arith.addi %mul3A_5, %add3A : i32
    %run_scoped3A = arith.constant 0 : i32
    "tpu.region"() ({
      %run_scoped3A_108 = tpu.sem_alloc : memref<!tpu.dma_semaphore, #tpu.memory_space<semaphore_mem>>
      %dma_start3A_109 = arith.constant 0 : i32
      %dma_start3A_110 = arith.constant 0 : i32
      %dma_start3A_111 = tpu.memref_slice %arg8[%run_scoped3A, %dma_start3A_109, %dma_start3A_110] : memref<3x128x128xf32, #tpu.memory_space<vmem>> -> memref<1x128x128xf32, #tpu.memory_space<vmem>>
      %dma_start3A_112 = tpu.memref_squeeze %dma_start3A_111 : memref<1x128x128xf32, #tpu.memory_space<vmem>> -> memref<128x128xf32, #tpu.memory_space<vmem>>
      %dma_start3A_113 = arith.constant 0 : i32
      %dma_start3A_114 = tpu.memref_slice %arg9[%add3A_6, %dma_start3A_113] : memref<5120x128xf32, #tpu.memory_space<vmem_shared>> -> memref<128x128xf32, #tpu.memory_space<vmem_shared>>
      %dma_start3A_115 = arith.constant 0 : i32
      %dma_start3A_116 = tpu.memref_slice %arg9[%add3A_6, %dma_start3A_115] : memref<5120x128xf32, #tpu.memory_space<vmem_shared>> -> memref<128x128xf32, #tpu.memory_space<vmem_shared>>
      %dma_start3A_117 = arith.constant 0 : i32
      %dma_start3A_118 = arith.constant 0 : i32
      %dma_start3A_119 = tpu.memref_slice %arg8[%run_scoped3A, %dma_start3A_117, %dma_start3A_118] : memref<3x128x128xf32, #tpu.memory_space<vmem>> -> memref<1x128x128xf32, #tpu.memory_space<vmem>>
      %dma_start3A_120 = tpu.memref_squeeze %dma_start3A_119 : memref<1x128x128xf32, #tpu.memory_space<vmem>> -> memref<128x128xf32, #tpu.memory_space<vmem>>
      tpu.enqueue_dma source(%dma_start3A_120 : memref<128x128xf32, #tpu.memory_space<vmem>>) target(%dma_start3A_116 : memref<128x128xf32, #tpu.memory_space<vmem_shared>>) target_semaphore(%run_scoped3A_108 : memref<!tpu.dma_semaphore, #tpu.memory_space<semaphore_mem>>)
      %dma_wait3A_121 = arith.constant 0 : i32
      %dma_wait3A_122 = arith.constant 0 : i32
      %dma_wait3A_123 = tpu.memref_slice %arg8[%run_scoped3A, %dma_wait3A_121, %dma_wait3A_122] : memref<3x128x128xf32, #tpu.memory_space<vmem>> -> memref<1x128x128xf32, #tpu.memory_space<vmem>>
      %dma_wait3A_124 = tpu.memref_squeeze %dma_wait3A_123 : memref<1x128x128xf32, #tpu.memory_space<vmem>> -> memref<128x128xf32, #tpu.memory_space<vmem>>
      %dma_wait3A_125 = arith.constant 0 : i32
      %dma_wait3A_126 = tpu.memref_slice %arg9[%add3A_6, %dma_wait3A_125] : memref<5120x128xf32, #tpu.memory_space<vmem_shared>> -> memref<128x128xf32, #tpu.memory_space<vmem_shared>>
      %dma_wait3A_127 = arith.constant 0 : i32
      %dma_wait3A_128 = tpu.memref_slice %arg9[%add3A_6, %dma_wait3A_127] : memref<5120x128xf32, #tpu.memory_space<vmem_shared>> -> memref<128x128xf32, #tpu.memory_space<vmem_shared>>
      %dma_wait3A_129 = arith.constant 0 : i32
      %dma_wait3A_130 = arith.constant 0 : i32
      %dma_wait3A_131 = tpu.memref_slice %arg8[%run_scoped3A, %dma_wait3A_129, %dma_wait3A_130] : memref<3x128x128xf32, #tpu.memory_space<vmem>> -> memref<1x128x128xf32, #tpu.memory_space<vmem>>
      %dma_wait3A_132 = tpu.memref_squeeze %dma_wait3A_131 : memref<1x128x128xf32, #tpu.memory_space<vmem>> -> memref<128x128xf32, #tpu.memory_space<vmem>>
      tpu.wait_dma2 semaphore(%run_scoped3A_108 : memref<!tpu.dma_semaphore, #tpu.memory_space<semaphore_mem>>) src(%dma_wait3A_132 : memref<128x128xf32, #tpu.memory_space<vmem>>) dst(%dma_wait3A_128 : memref<128x128xf32, #tpu.memory_space<vmem_shared>>)
      tpu.yield
    }) : () -> ()
    %mul3A_7 = arith.constant 320 : i32
    %mul3A_8 = arith.muli %arg1, %mul3A_7 : i32
    %add3A_9 = arith.constant 128 : i32
    %add3A_10 = arith.addi %mul3A_8, %add3A_9 : i32
    %run_scoped3A_11 = arith.constant 0 : i32
    "tpu.region"() ({
      %run_scoped3A_108 = tpu.sem_alloc : memref<!tpu.dma_semaphore, #tpu.memory_space<semaphore_mem>>
      %dma_start3A_109 = arith.constant 0 : i32
      %dma_start3A_110 = arith.constant 0 : i32
      %dma_start3A_111 = tpu.memref_slice %arg8[%run_scoped3A_11, %dma_start3A_109, %dma_start3A_110] : memref<3x128x128xf32, #tpu.memory_space<vmem>> -> memref<1x128x128xf32, #tpu.memory_space<vmem>>
      %dma_start3A_112 = tpu.memref_squeeze %dma_start3A_111 : memref<1x128x128xf32, #tpu.memory_space<vmem>> -> memref<128x128xf32, #tpu.memory_space<vmem>>
      %dma_start3A_113 = arith.constant 0 : i32
      %dma_start3A_114 = tpu.memref_slice %arg9[%add3A_10, %dma_start3A_113] : memref<5120x128xf32, #tpu.memory_space<vmem_shared>> -> memref<128x128xf32, #tpu.memory_space<vmem_shared>>
      %dma_start3A_115 = arith.constant 0 : i32
      %dma_start3A_116 = tpu.memref_slice %arg9[%add3A_10, %dma_start3A_115] : memref<5120x128xf32, #tpu.memory_space<vmem_shared>> -> memref<128x128xf32, #tpu.memory_space<vmem_shared>>
      %dma_start3A_117 = arith.constant 0 : i32
      %dma_start3A_118 = arith.constant 0 : i32
      %dma_start3A_119 = tpu.memref_slice %arg8[%run_scoped3A_11, %dma_start3A_117, %dma_start3A_118] : memref<3x128x128xf32, #tpu.memory_space<vmem>> -> memref<1x128x128xf32, #tpu.memory_space<vmem>>
      %dma_start3A_120 = tpu.memref_squeeze %dma_start3A_119 : memref<1x128x128xf32, #tpu.memory_space<vmem>> -> memref<128x128xf32, #tpu.memory_space<vmem>>
      tpu.enqueue_dma source(%dma_start3A_120 : memref<128x128xf32, #tpu.memory_space<vmem>>) target(%dma_start3A_116 : memref<128x128xf32, #tpu.memory_space<vmem_shared>>) target_semaphore(%run_scoped3A_108 : memref<!tpu.dma_semaphore, #tpu.memory_space<semaphore_mem>>)
      %dma_wait3A_121 = arith.constant 0 : i32
      %dma_wait3A_122 = arith.constant 0 : i32
      %dma_wait3A_123 = tpu.memref_slice %arg8[%run_scoped3A_11, %dma_wait3A_121, %dma_wait3A_122] : memref<3x128x128xf32, #tpu.memory_space<vmem>> -> memref<1x128x128xf32, #tpu.memory_space<vmem>>
      %dma_wait3A_124 = tpu.memref_squeeze %dma_wait3A_123 : memref<1x128x128xf32, #tpu.memory_space<vmem>> -> memref<128x128xf32, #tpu.memory_space<vmem>>
      %dma_wait3A_125 = arith.constant 0 : i32
      %dma_wait3A_126 = tpu.memref_slice %arg9[%add3A_10, %dma_wait3A_125] : memref<5120x128xf32, #tpu.memory_space<vmem_shared>> -> memref<128x128xf32, #tpu.memory_space<vmem_shared>>
      %dma_wait3A_127 = arith.constant 0 : i32
      %dma_wait3A_128 = tpu.memref_slice %arg9[%add3A_10, %dma_wait3A_127] : memref<5120x128xf32, #tpu.memory_space<vmem_shared>> -> memref<128x128xf32, #tpu.memory_space<vmem_shared>>
      %dma_wait3A_129 = arith.constant 0 : i32
      %dma_wait3A_130 = arith.constant 0 : i32
      %dma_wait3A_131 = tpu.memref_slice %arg8[%run_scoped3A_11, %dma_wait3A_129, %dma_wait3A_130] : memref<3x128x128xf32, #tpu.memory_space<vmem>> -> memref<1x128x128xf32, #tpu.memory_space<vmem>>
      %dma_wait3A_132 = tpu.memref_squeeze %dma_wait3A_131 : memref<1x128x128xf32, #tpu.memory_space<vmem>> -> memref<128x128xf32, #tpu.memory_space<vmem>>
      tpu.wait_dma2 semaphore(%run_scoped3A_108 : memref<!tpu.dma_semaphore, #tpu.memory_space<semaphore_mem>>) src(%dma_wait3A_132 : memref<128x128xf32, #tpu.memory_space<vmem>>) dst(%dma_wait3A_128 : memref<128x128xf32, #tpu.memory_space<vmem_shared>>)
      tpu.yield
    }) : () -> ()
    %mul3A_12 = arith.constant 320 : i32
    %mul3A_13 = arith.muli %arg1, %mul3A_12 : i32
    %add3A_14 = arith.constant 256 : i32
    %add3A_15 = arith.addi %mul3A_13, %add3A_14 : i32
    %run_scoped3A_16 = arith.constant 0 : i32
    "tpu.region"() ({
      %run_scoped3A_108 = tpu.sem_alloc : memref<!tpu.dma_semaphore, #tpu.memory_space<semaphore_mem>>
      %dma_start3A_109 = arith.constant 0 : i32
      %dma_start3A_110 = arith.constant 0 : i32
      %dma_start3A_111 = tpu.memref_slice %arg8[%run_scoped3A_16, %dma_start3A_109, %dma_start3A_110] : memref<3x128x128xf32, #tpu.memory_space<vmem>> -> memref<1x64x128xf32, #tpu.memory_space<vmem>>
      %dma_start3A_112 = tpu.memref_squeeze %dma_start3A_111 : memref<1x64x128xf32, #tpu.memory_space<vmem>> -> memref<64x128xf32, #tpu.memory_space<vmem>>
      %dma_start3A_113 = arith.constant 0 : i32
      %dma_start3A_114 = tpu.memref_slice %arg9[%add3A_15, %dma_start3A_113] : memref<5120x128xf32, #tpu.memory_space<vmem_shared>> -> memref<64x128xf32, #tpu.memory_space<vmem_shared>>
      %dma_start3A_115 = arith.constant 0 : i32
      %dma_start3A_116 = tpu.memref_slice %arg9[%add3A_15, %dma_start3A_115] : memref<5120x128xf32, #tpu.memory_space<vmem_shared>> -> memref<64x128xf32, #tpu.memory_space<vmem_shared>>
      %dma_start3A_117 = arith.constant 0 : i32
      %dma_start3A_118 = arith.constant 0 : i32
      %dma_start3A_119 = tpu.memref_slice %arg8[%run_scoped3A_16, %dma_start3A_117, %dma_start3A_118] : memref<3x128x128xf32, #tpu.memory_space<vmem>> -> memref<1x64x128xf32, #tpu.memory_space<vmem>>
      %dma_start3A_120 = tpu.memref_squeeze %dma_start3A_119 : memref<1x64x128xf32, #tpu.memory_space<vmem>> -> memref<64x128xf32, #tpu.memory_space<vmem>>
      tpu.enqueue_dma source(%dma_start3A_120 : memref<64x128xf32, #tpu.memory_space<vmem>>) target(%dma_start3A_116 : memref<64x128xf32, #tpu.memory_space<vmem_shared>>) target_semaphore(%run_scoped3A_108 : memref<!tpu.dma_semaphore, #tpu.memory_space<semaphore_mem>>)
      %dma_wait3A_121 = arith.constant 0 : i32
      %dma_wait3A_122 = arith.constant 0 : i32
      %dma_wait3A_123 = tpu.memref_slice %arg8[%run_scoped3A_16, %dma_wait3A_121, %dma_wait3A_122] : memref<3x128x128xf32, #tpu.memory_space<vmem>> -> memref<1x64x128xf32, #tpu.memory_space<vmem>>
      %dma_wait3A_124 = tpu.memref_squeeze %dma_wait3A_123 : memref<1x64x128xf32, #tpu.memory_space<vmem>> -> memref<64x128xf32, #tpu.memory_space<vmem>>
      %dma_wait3A_125 = arith.constant 0 : i32
      %dma_wait3A_126 = tpu.memref_slice %arg9[%add3A_15, %dma_wait3A_125] : memref<5120x128xf32, #tpu.memory_space<vmem_shared>> -> memref<64x128xf32, #tpu.memory_space<vmem_shared>>
      %dma_wait3A_127 = arith.constant 0 : i32
      %dma_wait3A_128 = tpu.memref_slice %arg9[%add3A_15, %dma_wait3A_127] : memref<5120x128xf32, #tpu.memory_space<vmem_shared>> -> memref<64x128xf32, #tpu.memory_space<vmem_shared>>
      %dma_wait3A_129 = arith.constant 0 : i32
      %dma_wait3A_130 = arith.constant 0 : i32
      %dma_wait3A_131 = tpu.memref_slice %arg8[%run_scoped3A_16, %dma_wait3A_129, %dma_wait3A_130] : memref<3x128x128xf32, #tpu.memory_space<vmem>> -> memref<1x64x128xf32, #tpu.memory_space<vmem>>
      %dma_wait3A_132 = tpu.memref_squeeze %dma_wait3A_131 : memref<1x64x128xf32, #tpu.memory_space<vmem>> -> memref<64x128xf32, #tpu.memory_space<vmem>>
      tpu.wait_dma2 semaphore(%run_scoped3A_108 : memref<!tpu.dma_semaphore, #tpu.memory_space<semaphore_mem>>) src(%dma_wait3A_132 : memref<64x128xf32, #tpu.memory_space<vmem>>) dst(%dma_wait3A_128 : memref<64x128xf32, #tpu.memory_space<vmem_shared>>)
      tpu.yield
    }) : () -> ()
    %barrier3A = arith.constant 0 : index
    tpu.barrier barrier_id(%barrier3A)
    "tpu.region"() ({
      %run_scoped3A_108 = tpu.sem_alloc : memref<!tpu.dma_semaphore, #tpu.memory_space<semaphore_mem>>
      %dma_start3A_109 = arith.constant 0 : i32
      %dma_start3A_110 = arith.constant 0 : i32
      %dma_start3A_111 = tpu.memref_slice %arg3[%arg1, %dma_start3A_109, %dma_start3A_110] : memref<16x158x128xi32, #tpu.memory_space<hbm>> -> memref<1x158x128xi32, #tpu.memory_space<hbm>>
      %dma_start3A_112 = tpu.memref_squeeze %dma_start3A_111 : memref<1x158x128xi32, #tpu.memory_space<hbm>> -> memref<158x128xi32, #tpu.memory_space<hbm>>
      %dma_start3A_113 = arith.constant 0 : i32
      %dma_start3A_114 = arith.constant 0 : i32
      %dma_start3A_115 = tpu.memref_slice %arg3[%arg1, %dma_start3A_113, %dma_start3A_114] : memref<16x158x128xi32, #tpu.memory_space<hbm>> -> memref<1x158x128xi32, #tpu.memory_space<hbm>>
      %dma_start3A_116 = tpu.memref_squeeze %dma_start3A_115 : memref<1x158x128xi32, #tpu.memory_space<hbm>> -> memref<158x128xi32, #tpu.memory_space<hbm>>
      tpu.enqueue_dma source(%dma_start3A_116 : memref<158x128xi32, #tpu.memory_space<hbm>>) target(%arg6 : memref<158x128xi32, #tpu.memory_space<vmem>>) target_semaphore(%run_scoped3A_108 : memref<!tpu.dma_semaphore, #tpu.memory_space<semaphore_mem>>)
      %dma_wait3A_117 = arith.constant 0 : i32
      %dma_wait3A_118 = arith.constant 0 : i32
      %dma_wait3A_119 = tpu.memref_slice %arg3[%arg1, %dma_wait3A_117, %dma_wait3A_118] : memref<16x158x128xi32, #tpu.memory_space<hbm>> -> memref<1x158x128xi32, #tpu.memory_space<hbm>>
      %dma_wait3A_120 = tpu.memref_squeeze %dma_wait3A_119 : memref<1x158x128xi32, #tpu.memory_space<hbm>> -> memref<158x128xi32, #tpu.memory_space<hbm>>
      %dma_wait3A_121 = arith.constant 0 : i32
      %dma_wait3A_122 = arith.constant 0 : i32
      %dma_wait3A_123 = tpu.memref_slice %arg3[%arg1, %dma_wait3A_121, %dma_wait3A_122] : memref<16x158x128xi32, #tpu.memory_space<hbm>> -> memref<1x158x128xi32, #tpu.memory_space<hbm>>
      %dma_wait3A_124 = tpu.memref_squeeze %dma_wait3A_123 : memref<1x158x128xi32, #tpu.memory_space<hbm>> -> memref<158x128xi32, #tpu.memory_space<hbm>>
      tpu.wait_dma2 semaphore(%run_scoped3A_108 : memref<!tpu.dma_semaphore, #tpu.memory_space<semaphore_mem>>) src(%dma_wait3A_124 : memref<158x128xi32, #tpu.memory_space<hbm>>) dst(%arg6 : memref<158x128xi32, #tpu.memory_space<vmem>>)
      tpu.yield
    }) : () -> ()
    "tpu.region"() ({
      %run_scoped3A_108 = tpu.sem_alloc : memref<!tpu.dma_semaphore, #tpu.memory_space<semaphore_mem>>
      %dma_start3A_109 = arith.constant 0 : i32
      %dma_start3A_110 = arith.constant 0 : i32
      %dma_start3A_111 = tpu.memref_slice %arg4[%arg0, %arg1, %dma_start3A_109, %dma_start3A_110] : memref<2x16x158x128xi32, #tpu.memory_space<hbm>> -> memref<1x1x158x128xi32, #tpu.memory_space<hbm>>
      %dma_start3A_112 = tpu.memref_squeeze %dma_start3A_111 : memref<1x1x158x128xi32, #tpu.memory_space<hbm>> -> memref<158x128xi32, #tpu.memory_space<hbm>>
      %dma_start3A_113 = arith.constant 0 : i32
      %dma_start3A_114 = arith.constant 0 : i32
      %dma_start3A_115 = tpu.memref_slice %arg4[%arg0, %arg1, %dma_start3A_113, %dma_start3A_114] : memref<2x16x158x128xi32, #tpu.memory_space<hbm>> -> memref<1x1x158x128xi32, #tpu.memory_space<hbm>>
      %dma_start3A_116 = tpu.memref_squeeze %dma_start3A_115 : memref<1x1x158x128xi32, #tpu.memory_space<hbm>> -> memref<158x128xi32, #tpu.memory_space<hbm>>
      tpu.enqueue_dma source(%dma_start3A_116 : memref<158x128xi32, #tpu.memory_space<hbm>>) target(%arg7 : memref<158x128xi32, #tpu.memory_space<vmem>>) target_semaphore(%run_scoped3A_108 : memref<!tpu.dma_semaphore, #tpu.memory_space<semaphore_mem>>)
      %dma_wait3A_117 = arith.constant 0 : i32
      %dma_wait3A_118 = arith.constant 0 : i32
      %dma_wait3A_119 = tpu.memref_slice %arg4[%arg0, %arg1, %dma_wait3A_117, %dma_wait3A_118] : memref<2x16x158x128xi32, #tpu.memory_space<hbm>> -> memref<1x1x158x128xi32, #tpu.memory_space<hbm>>
      %dma_wait3A_120 = tpu.memref_squeeze %dma_wait3A_119 : memref<1x1x158x128xi32, #tpu.memory_space<hbm>> -> memref<158x128xi32, #tpu.memory_space<hbm>>
      %dma_wait3A_121 = arith.constant 0 : i32
      %dma_wait3A_122 = arith.constant 0 : i32
      %dma_wait3A_123 = tpu.memref_slice %arg4[%arg0, %arg1, %dma_wait3A_121, %dma_wait3A_122] : memref<2x16x158x128xi32, #tpu.memory_space<hbm>> -> memref<1x1x158x128xi32, #tpu.memory_space<hbm>>
      %dma_wait3A_124 = tpu.memref_squeeze %dma_wait3A_123 : memref<1x1x158x128xi32, #tpu.memory_space<hbm>> -> memref<158x128xi32, #tpu.memory_space<hbm>>
      tpu.wait_dma2 semaphore(%run_scoped3A_108 : memref<!tpu.dma_semaphore, #tpu.memory_space<semaphore_mem>>) src(%dma_wait3A_124 : memref<158x128xi32, #tpu.memory_space<hbm>>) dst(%arg7 : memref<158x128xi32, #tpu.memory_space<vmem>>)
      tpu.yield
    }) : () -> ()
    %dma_start3A = arith.constant 0 : i32
    %dma_start3A_17 = arith.constant 0 : i32
    %dma_start3A_18 = arith.constant 0 : i32
    %dma_start3A_19 = arith.constant 0 : i32
    %dma_start3A_20 = tpu.memref_slice %arg8[%dma_start3A_17, %dma_start3A_18, %dma_start3A_19] : memref<3x128x128xf32, #tpu.memory_space<vmem>> -> memref<1x64x128xf32, #tpu.memory_space<vmem>>
    %dma_start3A_21 = tpu.memref_squeeze %dma_start3A_20 : memref<1x64x128xf32, #tpu.memory_space<vmem>> -> memref<64x128xf32, #tpu.memory_space<vmem>>
    %dma_start3A_22 = arith.constant 0 : i32
    %dma_start3A_23 = tpu.memref_slice %arg6[%dma_start3A, %dma_start3A_22] : memref<158x128xi32, #tpu.memory_space<vmem>> -> memref<1x64xi32, #tpu.memory_space<vmem>>
    %dma_start3A_24 = tpu.memref_squeeze %dma_start3A_23 : memref<1x64xi32, #tpu.memory_space<vmem>> -> memref<64xi32, #tpu.memory_space<vmem>>
    %dma_start3A_25 = arith.constant 0 : i32
    %dma_start3A_26 = arith.constant 0 : i32
    %dma_start3A_27 = tpu.memref_slice %arg2[%dma_start3A_25, %dma_start3A_26] : memref<81920x128xf32, #tpu.memory_space<hbm>> -> memref<81920x128xf32, #tpu.memory_space<hbm>>
    tpu.enqueue_indirect_dma source(%dma_start3A_27 : memref<81920x128xf32, #tpu.memory_space<hbm>>) target(%dma_start3A_21 : memref<64x128xf32, #tpu.memory_space<vmem>>) offsets(%dma_start3A_24 : memref<64xi32, #tpu.memory_space<vmem>>) semaphore(%arg10 : memref<!tpu.dma_semaphore, #tpu.memory_space<semaphore_mem>>)
    %dma_start3A_28 = arith.constant 0 : i32
    %dma_start3A_29 = arith.constant 0 : i32
    %dma_start3A_30 = arith.constant 64 : i32
    %dma_start3A_31 = arith.constant 0 : i32
    %dma_start3A_32 = tpu.memref_slice %arg8[%dma_start3A_29, %dma_start3A_30, %dma_start3A_31] : memref<3x128x128xf32, #tpu.memory_space<vmem>> -> memref<1x64x128xf32, #tpu.memory_space<vmem>>
    %dma_start3A_33 = tpu.memref_squeeze %dma_start3A_32 : memref<1x64x128xf32, #tpu.memory_space<vmem>> -> memref<64x128xf32, #tpu.memory_space<vmem>>
    %dma_start3A_34 = arith.constant 64 : i32
    %dma_start3A_35 = tpu.memref_slice %arg6[%dma_start3A_28, %dma_start3A_34] : memref<158x128xi32, #tpu.memory_space<vmem>> -> memref<1x64xi32, #tpu.memory_space<vmem>>
    %dma_start3A_36 = tpu.memref_squeeze %dma_start3A_35 : memref<1x64xi32, #tpu.memory_space<vmem>> -> memref<64xi32, #tpu.memory_space<vmem>>
    %dma_start3A_37 = arith.constant 0 : i32
    %dma_start3A_38 = arith.constant 0 : i32
    %dma_start3A_39 = tpu.memref_slice %arg2[%dma_start3A_37, %dma_start3A_38] : memref<81920x128xf32, #tpu.memory_space<hbm>> -> memref<81920x128xf32, #tpu.memory_space<hbm>>
    tpu.enqueue_indirect_dma source(%dma_start3A_39 : memref<81920x128xf32, #tpu.memory_space<hbm>>) target(%dma_start3A_33 : memref<64x128xf32, #tpu.memory_space<vmem>>) offsets(%dma_start3A_36 : memref<64xi32, #tpu.memory_space<vmem>>) semaphore(%arg11 : memref<!tpu.dma_semaphore, #tpu.memory_space<semaphore_mem>>)
    %dma_start3A_40 = arith.constant 1 : i32
    %dma_start3A_41 = arith.constant 1 : i32
    %dma_start3A_42 = arith.constant 0 : i32
    %dma_start3A_43 = arith.constant 0 : i32
    %dma_start3A_44 = tpu.memref_slice %arg8[%dma_start3A_41, %dma_start3A_42, %dma_start3A_43] : memref<3x128x128xf32, #tpu.memory_space<vmem>> -> memref<1x64x128xf32, #tpu.memory_space<vmem>>
    %dma_start3A_45 = tpu.memref_squeeze %dma_start3A_44 : memref<1x64x128xf32, #tpu.memory_space<vmem>> -> memref<64x128xf32, #tpu.memory_space<vmem>>
    %dma_start3A_46 = arith.constant 0 : i32
    %dma_start3A_47 = tpu.memref_slice %arg6[%dma_start3A_40, %dma_start3A_46] : memref<158x128xi32, #tpu.memory_space<vmem>> -> memref<1x64xi32, #tpu.memory_space<vmem>>
    %dma_start3A_48 = tpu.memref_squeeze %dma_start3A_47 : memref<1x64xi32, #tpu.memory_space<vmem>> -> memref<64xi32, #tpu.memory_space<vmem>>
    %dma_start3A_49 = arith.constant 0 : i32
    %dma_start3A_50 = arith.constant 0 : i32
    %dma_start3A_51 = tpu.memref_slice %arg2[%dma_start3A_49, %dma_start3A_50] : memref<81920x128xf32, #tpu.memory_space<hbm>> -> memref<81920x128xf32, #tpu.memory_space<hbm>>
    tpu.enqueue_indirect_dma source(%dma_start3A_51 : memref<81920x128xf32, #tpu.memory_space<hbm>>) target(%dma_start3A_45 : memref<64x128xf32, #tpu.memory_space<vmem>>) offsets(%dma_start3A_48 : memref<64xi32, #tpu.memory_space<vmem>>) semaphore(%arg12 : memref<!tpu.dma_semaphore, #tpu.memory_space<semaphore_mem>>)
    %dma_start3A_52 = arith.constant 1 : i32
    %dma_start3A_53 = arith.constant 1 : i32
    %dma_start3A_54 = arith.constant 64 : i32
    %dma_start3A_55 = arith.constant 0 : i32
    %dma_start3A_56 = tpu.memref_slice %arg8[%dma_start3A_53, %dma_start3A_54, %dma_start3A_55] : memref<3x128x128xf32, #tpu.memory_space<vmem>> -> memref<1x64x128xf32, #tpu.memory_space<vmem>>
    %dma_start3A_57 = tpu.memref_squeeze %dma_start3A_56 : memref<1x64x128xf32, #tpu.memory_space<vmem>> -> memref<64x128xf32, #tpu.memory_space<vmem>>
    %dma_start3A_58 = arith.constant 64 : i32
    %dma_start3A_59 = tpu.memref_slice %arg6[%dma_start3A_52, %dma_start3A_58] : memref<158x128xi32, #tpu.memory_space<vmem>> -> memref<1x64xi32, #tpu.memory_space<vmem>>
    %dma_start3A_60 = tpu.memref_squeeze %dma_start3A_59 : memref<1x64xi32, #tpu.memory_space<vmem>> -> memref<64xi32, #tpu.memory_space<vmem>>
    %dma_start3A_61 = arith.constant 0 : i32
    %dma_start3A_62 = arith.constant 0 : i32
    %dma_start3A_63 = tpu.memref_slice %arg2[%dma_start3A_61, %dma_start3A_62] : memref<81920x128xf32, #tpu.memory_space<hbm>> -> memref<81920x128xf32, #tpu.memory_space<hbm>>
    tpu.enqueue_indirect_dma source(%dma_start3A_63 : memref<81920x128xf32, #tpu.memory_space<hbm>>) target(%dma_start3A_57 : memref<64x128xf32, #tpu.memory_space<vmem>>) offsets(%dma_start3A_60 : memref<64xi32, #tpu.memory_space<vmem>>) semaphore(%arg13 : memref<!tpu.dma_semaphore, #tpu.memory_space<semaphore_mem>>)
    %scan3A_64 = arith.constant 0 : i32
    %scan3A_65 = arith.constant 0 : i32
    %scan3A_66 = arith.constant 158 : i32
    %scan3A_67 = arith.addi %scan3A_65, %scan3A_66 : i32
    %scan3A_68 = arith.constant 1 : i32
    scf.for %scan3A_108 = %scan3A_65 to %scan3A_67 step %scan3A_68  : i32 {
      %jit3A = arith.constant 3 : i32
      %eq3A = arith.constant 0 : i32
      %eq3A_109 = arith.cmpi eq, %jit3A, %eq3A : i32
      %jit3A_110 = arith.constant 1 : i32
      %select_n3A = arith.select %eq3A_109, %jit3A_110, %jit3A : i32
      %rem3A = arith.remsi %scan3A_108, %select_n3A : i32
      %ne3A = arith.constant 0 : i32
      %ne3A_111 = arith.cmpi ne, %rem3A, %ne3A : i32
      %lt3A = arith.constant 0 : i32
      %lt3A_112 = arith.cmpi slt, %rem3A, %lt3A : i32
      %lt3A_113 = arith.constant 0 : i32
      %lt3A_114 = arith.cmpi slt, %select_n3A, %lt3A_113 : i32
      %ne3A_115 = arith.xori %lt3A_112, %lt3A_114 : i1
      %and3A = arith.andi %ne3A_115, %ne3A_111 : i1
      %add3A_116 = arith.addi %rem3A, %select_n3A : i32
      %select_n3A_117 = arith.select %and3A, %add3A_116, %rem3A : i32
      %eq3A_118 = arith.constant 0 : i32
      %eq3A_119 = arith.cmpi eq, %select_n3A_117, %eq3A_118 : i32
      %convert_element_type3A = arith.extui %eq3A_119 : i1 to i32
      %cond3A = arith.constant 0 : i32
      %cond3A_120 = arith.cmpi ne, %convert_element_type3A, %cond3A : i32
      scf.if %cond3A_120 {
        %add3A_163 = arith.constant 2 : i32
        %add3A_164 = arith.addi %scan3A_108, %add3A_163 : i32
        %lt3A_165 = arith.constant 158 : i32
        %lt3A_166 = arith.cmpi slt, %add3A_164, %lt3A_165 : i32
        %convert_element_type3A_167 = arith.extui %lt3A_166 : i1 to i32
        %cond3A_168 = arith.constant 0 : i32
        %cond3A_169 = arith.cmpi ne, %convert_element_type3A_167, %cond3A_168 : i32
        scf.if %cond3A_169 {
          %ge3A = arith.constant 1 : i32
          %ge3A_203 = arith.cmpi sge, %scan3A_108, %ge3A : i32
          %convert_element_type3A_204 = arith.extui %ge3A_203 : i1 to i32
          %cond3A_205 = arith.constant 0 : i32
          %cond3A_206 = arith.cmpi ne, %convert_element_type3A_204, %cond3A_205 : i32
          scf.if %cond3A_206 {
            %sub3A = arith.constant 1 : i32
            %sub3A_231 = arith.subi %scan3A_108, %sub3A : i32
            %dma_wait3A_232 = arith.constant 2 : i32
            %dma_wait3A_233 = arith.constant 0 : i32
            %dma_wait3A_234 = arith.constant 0 : i32
            %dma_wait3A_235 = tpu.memref_slice %arg8[%dma_wait3A_232, %dma_wait3A_233, %dma_wait3A_234] : memref<3x128x128xf32, #tpu.memory_space<vmem>> -> memref<1x128x128xf32, #tpu.memory_space<vmem>>
            %dma_wait3A_236 = tpu.memref_squeeze %dma_wait3A_235 : memref<1x128x128xf32, #tpu.memory_space<vmem>> -> memref<128x128xf32, #tpu.memory_space<vmem>>
            %dma_wait3A_237 = arith.constant 0 : i32
            %dma_wait3A_238 = tpu.memref_slice %arg7[%sub3A_231, %dma_wait3A_237] : memref<158x128xi32, #tpu.memory_space<vmem>> -> memref<1x128xi32, #tpu.memory_space<vmem>>
            %dma_wait3A_239 = tpu.memref_squeeze %dma_wait3A_238 : memref<1x128xi32, #tpu.memory_space<vmem>> -> memref<128xi32, #tpu.memory_space<vmem>>
            %dma_wait3A_240 = arith.constant 0 : i32
            %dma_wait3A_241 = arith.constant 0 : i32
            %dma_wait3A_242 = tpu.memref_slice %arg9[%dma_wait3A_240, %dma_wait3A_241] : memref<5120x128xf32, #tpu.memory_space<vmem_shared>> -> memref<5120x128xf32, #tpu.memory_space<vmem_shared>>
            tpu.wait_indirect_dma semaphore(%arg18 : memref<!tpu.dma_semaphore, #tpu.memory_space<semaphore_mem>>) src(%dma_wait3A_236 : memref<128x128xf32, #tpu.memory_space<vmem>>) dst(%dma_wait3A_242 : memref<5120x128xf32, #tpu.memory_space<vmem_shared>>)
          } else {
          }
          %add3A_207 = arith.constant 2 : i32
          %add3A_208 = arith.addi %scan3A_108, %add3A_207 : i32
          %dma_start3A_209 = arith.constant 2 : i32
          %dma_start3A_210 = arith.constant 0 : i32
          %dma_start3A_211 = arith.constant 0 : i32
          %dma_start3A_212 = tpu.memref_slice %arg8[%dma_start3A_209, %dma_start3A_210, %dma_start3A_211] : memref<3x128x128xf32, #tpu.memory_space<vmem>> -> memref<1x64x128xf32, #tpu.memory_space<vmem>>
          %dma_start3A_213 = tpu.memref_squeeze %dma_start3A_212 : memref<1x64x128xf32, #tpu.memory_space<vmem>> -> memref<64x128xf32, #tpu.memory_space<vmem>>
          %dma_start3A_214 = arith.constant 0 : i32
          %dma_start3A_215 = tpu.memref_slice %arg6[%add3A_208, %dma_start3A_214] : memref<158x128xi32, #tpu.memory_space<vmem>> -> memref<1x64xi32, #tpu.memory_space<vmem>>
          %dma_start3A_216 = tpu.memref_squeeze %dma_start3A_215 : memref<1x64xi32, #tpu.memory_space<vmem>> -> memref<64xi32, #tpu.memory_space<vmem>>
          %dma_start3A_217 = arith.constant 0 : i32
          %dma_start3A_218 = arith.constant 0 : i32
          %dma_start3A_219 = tpu.memref_slice %arg2[%dma_start3A_217, %dma_start3A_218] : memref<81920x128xf32, #tpu.memory_space<hbm>> -> memref<81920x128xf32, #tpu.memory_space<hbm>>
          tpu.enqueue_indirect_dma source(%dma_start3A_219 : memref<81920x128xf32, #tpu.memory_space<hbm>>) target(%dma_start3A_213 : memref<64x128xf32, #tpu.memory_space<vmem>>) offsets(%dma_start3A_216 : memref<64xi32, #tpu.memory_space<vmem>>) semaphore(%arg14 : memref<!tpu.dma_semaphore, #tpu.memory_space<semaphore_mem>>)
          %dma_start3A_220 = arith.constant 2 : i32
          %dma_start3A_221 = arith.constant 64 : i32
          %dma_start3A_222 = arith.constant 0 : i32
          %dma_start3A_223 = tpu.memref_slice %arg8[%dma_start3A_220, %dma_start3A_221, %dma_start3A_222] : memref<3x128x128xf32, #tpu.memory_space<vmem>> -> memref<1x64x128xf32, #tpu.memory_space<vmem>>
          %dma_start3A_224 = tpu.memref_squeeze %dma_start3A_223 : memref<1x64x128xf32, #tpu.memory_space<vmem>> -> memref<64x128xf32, #tpu.memory_space<vmem>>
          %dma_start3A_225 = arith.constant 64 : i32
          %dma_start3A_226 = tpu.memref_slice %arg6[%add3A_208, %dma_start3A_225] : memref<158x128xi32, #tpu.memory_space<vmem>> -> memref<1x64xi32, #tpu.memory_space<vmem>>
          %dma_start3A_227 = tpu.memref_squeeze %dma_start3A_226 : memref<1x64xi32, #tpu.memory_space<vmem>> -> memref<64xi32, #tpu.memory_space<vmem>>
          %dma_start3A_228 = arith.constant 0 : i32
          %dma_start3A_229 = arith.constant 0 : i32
          %dma_start3A_230 = tpu.memref_slice %arg2[%dma_start3A_228, %dma_start3A_229] : memref<81920x128xf32, #tpu.memory_space<hbm>> -> memref<81920x128xf32, #tpu.memory_space<hbm>>
          tpu.enqueue_indirect_dma source(%dma_start3A_230 : memref<81920x128xf32, #tpu.memory_space<hbm>>) target(%dma_start3A_224 : memref<64x128xf32, #tpu.memory_space<vmem>>) offsets(%dma_start3A_227 : memref<64xi32, #tpu.memory_space<vmem>>) semaphore(%arg15 : memref<!tpu.dma_semaphore, #tpu.memory_space<semaphore_mem>>)
        } else {
        }
        %dma_wait3A_170 = arith.constant 0 : i32
        %dma_wait3A_171 = arith.constant 0 : i32
        %dma_wait3A_172 = arith.constant 0 : i32
        %dma_wait3A_173 = tpu.memref_slice %arg8[%dma_wait3A_170, %dma_wait3A_171, %dma_wait3A_172] : memref<3x128x128xf32, #tpu.memory_space<vmem>> -> memref<1x64x128xf32, #tpu.memory_space<vmem>>
        %dma_wait3A_174 = tpu.memref_squeeze %dma_wait3A_173 : memref<1x64x128xf32, #tpu.memory_space<vmem>> -> memref<64x128xf32, #tpu.memory_space<vmem>>
        %dma_wait3A_175 = arith.constant 0 : i32
        %dma_wait3A_176 = tpu.memref_slice %arg6[%scan3A_108, %dma_wait3A_175] : memref<158x128xi32, #tpu.memory_space<vmem>> -> memref<1x64xi32, #tpu.memory_space<vmem>>
        %dma_wait3A_177 = tpu.memref_squeeze %dma_wait3A_176 : memref<1x64xi32, #tpu.memory_space<vmem>> -> memref<64xi32, #tpu.memory_space<vmem>>
        %dma_wait3A_178 = arith.constant 0 : i32
        %dma_wait3A_179 = arith.constant 0 : i32
        %dma_wait3A_180 = tpu.memref_slice %arg2[%dma_wait3A_178, %dma_wait3A_179] : memref<81920x128xf32, #tpu.memory_space<hbm>> -> memref<81920x128xf32, #tpu.memory_space<hbm>>
        tpu.wait_indirect_dma semaphore(%arg10 : memref<!tpu.dma_semaphore, #tpu.memory_space<semaphore_mem>>) src(%dma_wait3A_180 : memref<81920x128xf32, #tpu.memory_space<hbm>>) dst(%dma_wait3A_174 : memref<64x128xf32, #tpu.memory_space<vmem>>)
        %dma_wait3A_181 = arith.constant 0 : i32
        %dma_wait3A_182 = arith.constant 64 : i32
        %dma_wait3A_183 = arith.constant 0 : i32
        %dma_wait3A_184 = tpu.memref_slice %arg8[%dma_wait3A_181, %dma_wait3A_182, %dma_wait3A_183] : memref<3x128x128xf32, #tpu.memory_space<vmem>> -> memref<1x64x128xf32, #tpu.memory_space<vmem>>
        %dma_wait3A_185 = tpu.memref_squeeze %dma_wait3A_184 : memref<1x64x128xf32, #tpu.memory_space<vmem>> -> memref<64x128xf32, #tpu.memory_space<vmem>>
        %dma_wait3A_186 = arith.constant 64 : i32
        %dma_wait3A_187 = tpu.memref_slice %arg6[%scan3A_108, %dma_wait3A_186] : memref<158x128xi32, #tpu.memory_space<vmem>> -> memref<1x64xi32, #tpu.memory_space<vmem>>
        %dma_wait3A_188 = tpu.memref_squeeze %dma_wait3A_187 : memref<1x64xi32, #tpu.memory_space<vmem>> -> memref<64xi32, #tpu.memory_space<vmem>>
        %dma_wait3A_189 = arith.constant 0 : i32
        %dma_wait3A_190 = arith.constant 0 : i32
        %dma_wait3A_191 = tpu.memref_slice %arg2[%dma_wait3A_189, %dma_wait3A_190] : memref<81920x128xf32, #tpu.memory_space<hbm>> -> memref<81920x128xf32, #tpu.memory_space<hbm>>
        tpu.wait_indirect_dma semaphore(%arg11 : memref<!tpu.dma_semaphore, #tpu.memory_space<semaphore_mem>>) src(%dma_wait3A_191 : memref<81920x128xf32, #tpu.memory_space<hbm>>) dst(%dma_wait3A_185 : memref<64x128xf32, #tpu.memory_space<vmem>>)
        %dma_start3A_192 = arith.constant 0 : i32
        %dma_start3A_193 = arith.constant 0 : i32
        %dma_start3A_194 = arith.constant 0 : i32
        %dma_start3A_195 = tpu.memref_slice %arg8[%dma_start3A_192, %dma_start3A_193, %dma_start3A_194] : memref<3x128x128xf32, #tpu.memory_space<vmem>> -> memref<1x128x128xf32, #tpu.memory_space<vmem>>
        %dma_start3A_196 = tpu.memref_squeeze %dma_start3A_195 : memref<1x128x128xf32, #tpu.memory_space<vmem>> -> memref<128x128xf32, #tpu.memory_space<vmem>>
        %dma_start3A_197 = arith.constant 0 : i32
        %dma_start3A_198 = tpu.memref_slice %arg7[%scan3A_108, %dma_start3A_197] : memref<158x128xi32, #tpu.memory_space<vmem>> -> memref<1x128xi32, #tpu.memory_space<vmem>>
        %dma_start3A_199 = tpu.memref_squeeze %dma_start3A_198 : memref<1x128xi32, #tpu.memory_space<vmem>> -> memref<128xi32, #tpu.memory_space<vmem>>
        %dma_start3A_200 = arith.constant 0 : i32
        %dma_start3A_201 = arith.constant 0 : i32
        %dma_start3A_202 = tpu.memref_slice %arg9[%dma_start3A_200, %dma_start3A_201] : memref<5120x128xf32, #tpu.memory_space<vmem_shared>> -> memref<5120x128xf32, #tpu.memory_space<vmem_shared>>
        tpu.enqueue_indirect_dma source(%dma_start3A_196 : memref<128x128xf32, #tpu.memory_space<vmem>>) target(%dma_start3A_202 : memref<5120x128xf32, #tpu.memory_space<vmem_shared>>) offsets(%dma_start3A_199 : memref<128xi32, #tpu.memory_space<vmem>>) semaphore(%arg16 : memref<!tpu.dma_semaphore, #tpu.memory_space<semaphore_mem>>) {add = true}
      } else {
      }
      %jit3A_121 = arith.constant 3 : i32
      %eq3A_122 = arith.constant 0 : i32
      %eq3A_123 = arith.cmpi eq, %jit3A_121, %eq3A_122 : i32
      %jit3A_124 = arith.constant 1 : i32
      %select_n3A_125 = arith.select %eq3A_123, %jit3A_124, %jit3A_121 : i32
      %rem3A_126 = arith.remsi %scan3A_108, %select_n3A_125 : i32
      %ne3A_127 = arith.constant 0 : i32
      %ne3A_128 = arith.cmpi ne, %rem3A_126, %ne3A_127 : i32
      %lt3A_129 = arith.constant 0 : i32
      %lt3A_130 = arith.cmpi slt, %rem3A_126, %lt3A_129 : i32
      %lt3A_131 = arith.constant 0 : i32
      %lt3A_132 = arith.cmpi slt, %select_n3A_125, %lt3A_131 : i32
      %ne3A_133 = arith.xori %lt3A_130, %lt3A_132 : i1
      %and3A_134 = arith.andi %ne3A_133, %ne3A_128 : i1
      %add3A_135 = arith.addi %rem3A_126, %select_n3A_125 : i32
      %select_n3A_136 = arith.select %and3A_134, %add3A_135, %rem3A_126 : i32
      %eq3A_137 = arith.constant 1 : i32
      %eq3A_138 = arith.cmpi eq, %select_n3A_136, %eq3A_137 : i32
      %convert_element_type3A_139 = arith.extui %eq3A_138 : i1 to i32
      %cond3A_140 = arith.constant 0 : i32
      %cond3A_141 = arith.cmpi ne, %convert_element_type3A_139, %cond3A_140 : i32
      scf.if %cond3A_141 {
        %add3A_163 = arith.constant 2 : i32
        %add3A_164 = arith.addi %scan3A_108, %add3A_163 : i32
        %lt3A_165 = arith.constant 158 : i32
        %lt3A_166 = arith.cmpi slt, %add3A_164, %lt3A_165 : i32
        %convert_element_type3A_167 = arith.extui %lt3A_166 : i1 to i32
        %cond3A_168 = arith.constant 0 : i32
        %cond3A_169 = arith.cmpi ne, %convert_element_type3A_167, %cond3A_168 : i32
        scf.if %cond3A_169 {
          %ge3A = arith.constant 1 : i32
          %ge3A_203 = arith.cmpi sge, %scan3A_108, %ge3A : i32
          %convert_element_type3A_204 = arith.extui %ge3A_203 : i1 to i32
          %cond3A_205 = arith.constant 0 : i32
          %cond3A_206 = arith.cmpi ne, %convert_element_type3A_204, %cond3A_205 : i32
          scf.if %cond3A_206 {
            %sub3A = arith.constant 1 : i32
            %sub3A_231 = arith.subi %scan3A_108, %sub3A : i32
            %dma_wait3A_232 = arith.constant 0 : i32
            %dma_wait3A_233 = arith.constant 0 : i32
            %dma_wait3A_234 = arith.constant 0 : i32
            %dma_wait3A_235 = tpu.memref_slice %arg8[%dma_wait3A_232, %dma_wait3A_233, %dma_wait3A_234] : memref<3x128x128xf32, #tpu.memory_space<vmem>> -> memref<1x128x128xf32, #tpu.memory_space<vmem>>
            %dma_wait3A_236 = tpu.memref_squeeze %dma_wait3A_235 : memref<1x128x128xf32, #tpu.memory_space<vmem>> -> memref<128x128xf32, #tpu.memory_space<vmem>>
            %dma_wait3A_237 = arith.constant 0 : i32
            %dma_wait3A_238 = tpu.memref_slice %arg7[%sub3A_231, %dma_wait3A_237] : memref<158x128xi32, #tpu.memory_space<vmem>> -> memref<1x128xi32, #tpu.memory_space<vmem>>
            %dma_wait3A_239 = tpu.memref_squeeze %dma_wait3A_238 : memref<1x128xi32, #tpu.memory_space<vmem>> -> memref<128xi32, #tpu.memory_space<vmem>>
            %dma_wait3A_240 = arith.constant 0 : i32
            %dma_wait3A_241 = arith.constant 0 : i32
            %dma_wait3A_242 = tpu.memref_slice %arg9[%dma_wait3A_240, %dma_wait3A_241] : memref<5120x128xf32, #tpu.memory_space<vmem_shared>> -> memref<5120x128xf32, #tpu.memory_space<vmem_shared>>
            tpu.wait_indirect_dma semaphore(%arg16 : memref<!tpu.dma_semaphore, #tpu.memory_space<semaphore_mem>>) src(%dma_wait3A_236 : memref<128x128xf32, #tpu.memory_space<vmem>>) dst(%dma_wait3A_242 : memref<5120x128xf32, #tpu.memory_space<vmem_shared>>)
          } else {
          }
          %add3A_207 = arith.constant 2 : i32
          %add3A_208 = arith.addi %scan3A_108, %add3A_207 : i32
          %dma_start3A_209 = arith.constant 0 : i32
          %dma_start3A_210 = arith.constant 0 : i32
          %dma_start3A_211 = arith.constant 0 : i32
          %dma_start3A_212 = tpu.memref_slice %arg8[%dma_start3A_209, %dma_start3A_210, %dma_start3A_211] : memref<3x128x128xf32, #tpu.memory_space<vmem>> -> memref<1x64x128xf32, #tpu.memory_space<vmem>>
          %dma_start3A_213 = tpu.memref_squeeze %dma_start3A_212 : memref<1x64x128xf32, #tpu.memory_space<vmem>> -> memref<64x128xf32, #tpu.memory_space<vmem>>
          %dma_start3A_214 = arith.constant 0 : i32
          %dma_start3A_215 = tpu.memref_slice %arg6[%add3A_208, %dma_start3A_214] : memref<158x128xi32, #tpu.memory_space<vmem>> -> memref<1x64xi32, #tpu.memory_space<vmem>>
          %dma_start3A_216 = tpu.memref_squeeze %dma_start3A_215 : memref<1x64xi32, #tpu.memory_space<vmem>> -> memref<64xi32, #tpu.memory_space<vmem>>
          %dma_start3A_217 = arith.constant 0 : i32
          %dma_start3A_218 = arith.constant 0 : i32
          %dma_start3A_219 = tpu.memref_slice %arg2[%dma_start3A_217, %dma_start3A_218] : memref<81920x128xf32, #tpu.memory_space<hbm>> -> memref<81920x128xf32, #tpu.memory_space<hbm>>
          tpu.enqueue_indirect_dma source(%dma_start3A_219 : memref<81920x128xf32, #tpu.memory_space<hbm>>) target(%dma_start3A_213 : memref<64x128xf32, #tpu.memory_space<vmem>>) offsets(%dma_start3A_216 : memref<64xi32, #tpu.memory_space<vmem>>) semaphore(%arg10 : memref<!tpu.dma_semaphore, #tpu.memory_space<semaphore_mem>>)
          %dma_start3A_220 = arith.constant 0 : i32
          %dma_start3A_221 = arith.constant 64 : i32
          %dma_start3A_222 = arith.constant 0 : i32
          %dma_start3A_223 = tpu.memref_slice %arg8[%dma_start3A_220, %dma_start3A_221, %dma_start3A_222] : memref<3x128x128xf32, #tpu.memory_space<vmem>> -> memref<1x64x128xf32, #tpu.memory_space<vmem>>
          %dma_start3A_224 = tpu.memref_squeeze %dma_start3A_223 : memref<1x64x128xf32, #tpu.memory_space<vmem>> -> memref<64x128xf32, #tpu.memory_space<vmem>>
          %dma_start3A_225 = arith.constant 64 : i32
          %dma_start3A_226 = tpu.memref_slice %arg6[%add3A_208, %dma_start3A_225] : memref<158x128xi32, #tpu.memory_space<vmem>> -> memref<1x64xi32, #tpu.memory_space<vmem>>
          %dma_start3A_227 = tpu.memref_squeeze %dma_start3A_226 : memref<1x64xi32, #tpu.memory_space<vmem>> -> memref<64xi32, #tpu.memory_space<vmem>>
          %dma_start3A_228 = arith.constant 0 : i32
          %dma_start3A_229 = arith.constant 0 : i32
          %dma_start3A_230 = tpu.memref_slice %arg2[%dma_start3A_228, %dma_start3A_229] : memref<81920x128xf32, #tpu.memory_space<hbm>> -> memref<81920x128xf32, #tpu.memory_space<hbm>>
          tpu.enqueue_indirect_dma source(%dma_start3A_230 : memref<81920x128xf32, #tpu.memory_space<hbm>>) target(%dma_start3A_224 : memref<64x128xf32, #tpu.memory_space<vmem>>) offsets(%dma_start3A_227 : memref<64xi32, #tpu.memory_space<vmem>>) semaphore(%arg11 : memref<!tpu.dma_semaphore, #tpu.memory_space<semaphore_mem>>)
        } else {
        }
        %dma_wait3A_170 = arith.constant 1 : i32
        %dma_wait3A_171 = arith.constant 0 : i32
        %dma_wait3A_172 = arith.constant 0 : i32
        %dma_wait3A_173 = tpu.memref_slice %arg8[%dma_wait3A_170, %dma_wait3A_171, %dma_wait3A_172] : memref<3x128x128xf32, #tpu.memory_space<vmem>> -> memref<1x64x128xf32, #tpu.memory_space<vmem>>
        %dma_wait3A_174 = tpu.memref_squeeze %dma_wait3A_173 : memref<1x64x128xf32, #tpu.memory_space<vmem>> -> memref<64x128xf32, #tpu.memory_space<vmem>>
        %dma_wait3A_175 = arith.constant 0 : i32
        %dma_wait3A_176 = tpu.memref_slice %arg6[%scan3A_108, %dma_wait3A_175] : memref<158x128xi32, #tpu.memory_space<vmem>> -> memref<1x64xi32, #tpu.memory_space<vmem>>
        %dma_wait3A_177 = tpu.memref_squeeze %dma_wait3A_176 : memref<1x64xi32, #tpu.memory_space<vmem>> -> memref<64xi32, #tpu.memory_space<vmem>>
        %dma_wait3A_178 = arith.constant 0 : i32
        %dma_wait3A_179 = arith.constant 0 : i32
        %dma_wait3A_180 = tpu.memref_slice %arg2[%dma_wait3A_178, %dma_wait3A_179] : memref<81920x128xf32, #tpu.memory_space<hbm>> -> memref<81920x128xf32, #tpu.memory_space<hbm>>
        tpu.wait_indirect_dma semaphore(%arg12 : memref<!tpu.dma_semaphore, #tpu.memory_space<semaphore_mem>>) src(%dma_wait3A_180 : memref<81920x128xf32, #tpu.memory_space<hbm>>) dst(%dma_wait3A_174 : memref<64x128xf32, #tpu.memory_space<vmem>>)
        %dma_wait3A_181 = arith.constant 1 : i32
        %dma_wait3A_182 = arith.constant 64 : i32
        %dma_wait3A_183 = arith.constant 0 : i32
        %dma_wait3A_184 = tpu.memref_slice %arg8[%dma_wait3A_181, %dma_wait3A_182, %dma_wait3A_183] : memref<3x128x128xf32, #tpu.memory_space<vmem>> -> memref<1x64x128xf32, #tpu.memory_space<vmem>>
        %dma_wait3A_185 = tpu.memref_squeeze %dma_wait3A_184 : memref<1x64x128xf32, #tpu.memory_space<vmem>> -> memref<64x128xf32, #tpu.memory_space<vmem>>
        %dma_wait3A_186 = arith.constant 64 : i32
        %dma_wait3A_187 = tpu.memref_slice %arg6[%scan3A_108, %dma_wait3A_186] : memref<158x128xi32, #tpu.memory_space<vmem>> -> memref<1x64xi32, #tpu.memory_space<vmem>>
        %dma_wait3A_188 = tpu.memref_squeeze %dma_wait3A_187 : memref<1x64xi32, #tpu.memory_space<vmem>> -> memref<64xi32, #tpu.memory_space<vmem>>
        %dma_wait3A_189 = arith.constant 0 : i32
        %dma_wait3A_190 = arith.constant 0 : i32
        %dma_wait3A_191 = tpu.memref_slice %arg2[%dma_wait3A_189, %dma_wait3A_190] : memref<81920x128xf32, #tpu.memory_space<hbm>> -> memref<81920x128xf32, #tpu.memory_space<hbm>>
        tpu.wait_indirect_dma semaphore(%arg13 : memref<!tpu.dma_semaphore, #tpu.memory_space<semaphore_mem>>) src(%dma_wait3A_191 : memref<81920x128xf32, #tpu.memory_space<hbm>>) dst(%dma_wait3A_185 : memref<64x128xf32, #tpu.memory_space<vmem>>)
        %dma_start3A_192 = arith.constant 1 : i32
        %dma_start3A_193 = arith.constant 0 : i32
        %dma_start3A_194 = arith.constant 0 : i32
        %dma_start3A_195 = tpu.memref_slice %arg8[%dma_start3A_192, %dma_start3A_193, %dma_start3A_194] : memref<3x128x128xf32, #tpu.memory_space<vmem>> -> memref<1x128x128xf32, #tpu.memory_space<vmem>>
        %dma_start3A_196 = tpu.memref_squeeze %dma_start3A_195 : memref<1x128x128xf32, #tpu.memory_space<vmem>> -> memref<128x128xf32, #tpu.memory_space<vmem>>
        %dma_start3A_197 = arith.constant 0 : i32
        %dma_start3A_198 = tpu.memref_slice %arg7[%scan3A_108, %dma_start3A_197] : memref<158x128xi32, #tpu.memory_space<vmem>> -> memref<1x128xi32, #tpu.memory_space<vmem>>
        %dma_start3A_199 = tpu.memref_squeeze %dma_start3A_198 : memref<1x128xi32, #tpu.memory_space<vmem>> -> memref<128xi32, #tpu.memory_space<vmem>>
        %dma_start3A_200 = arith.constant 0 : i32
        %dma_start3A_201 = arith.constant 0 : i32
        %dma_start3A_202 = tpu.memref_slice %arg9[%dma_start3A_200, %dma_start3A_201] : memref<5120x128xf32, #tpu.memory_space<vmem_shared>> -> memref<5120x128xf32, #tpu.memory_space<vmem_shared>>
        tpu.enqueue_indirect_dma source(%dma_start3A_196 : memref<128x128xf32, #tpu.memory_space<vmem>>) target(%dma_start3A_202 : memref<5120x128xf32, #tpu.memory_space<vmem_shared>>) offsets(%dma_start3A_199 : memref<128xi32, #tpu.memory_space<vmem>>) semaphore(%arg17 : memref<!tpu.dma_semaphore, #tpu.memory_space<semaphore_mem>>) {add = true}
      } else {
      }
      %jit3A_142 = arith.constant 3 : i32
      %eq3A_143 = arith.constant 0 : i32
      %eq3A_144 = arith.cmpi eq, %jit3A_142, %eq3A_143 : i32
      %jit3A_145 = arith.constant 1 : i32
      %select_n3A_146 = arith.select %eq3A_144, %jit3A_145, %jit3A_142 : i32
      %rem3A_147 = arith.remsi %scan3A_108, %select_n3A_146 : i32
      %ne3A_148 = arith.constant 0 : i32
      %ne3A_149 = arith.cmpi ne, %rem3A_147, %ne3A_148 : i32
      %lt3A_150 = arith.constant 0 : i32
      %lt3A_151 = arith.cmpi slt, %rem3A_147, %lt3A_150 : i32
      %lt3A_152 = arith.constant 0 : i32
      %lt3A_153 = arith.cmpi slt, %select_n3A_146, %lt3A_152 : i32
      %ne3A_154 = arith.xori %lt3A_151, %lt3A_153 : i1
      %and3A_155 = arith.andi %ne3A_154, %ne3A_149 : i1
      %add3A_156 = arith.addi %rem3A_147, %select_n3A_146 : i32
      %select_n3A_157 = arith.select %and3A_155, %add3A_156, %rem3A_147 : i32
      %eq3A_158 = arith.constant 2 : i32
      %eq3A_159 = arith.cmpi eq, %select_n3A_157, %eq3A_158 : i32
      %convert_element_type3A_160 = arith.extui %eq3A_159 : i1 to i32
      %cond3A_161 = arith.constant 0 : i32
      %cond3A_162 = arith.cmpi ne, %convert_element_type3A_160, %cond3A_161 : i32
      scf.if %cond3A_162 {
        %add3A_163 = arith.constant 2 : i32
        %add3A_164 = arith.addi %scan3A_108, %add3A_163 : i32
        %lt3A_165 = arith.constant 158 : i32
        %lt3A_166 = arith.cmpi slt, %add3A_164, %lt3A_165 : i32
        %convert_element_type3A_167 = arith.extui %lt3A_166 : i1 to i32
        %cond3A_168 = arith.constant 0 : i32
        %cond3A_169 = arith.cmpi ne, %convert_element_type3A_167, %cond3A_168 : i32
        scf.if %cond3A_169 {
          %ge3A = arith.constant 1 : i32
          %ge3A_203 = arith.cmpi sge, %scan3A_108, %ge3A : i32
          %convert_element_type3A_204 = arith.extui %ge3A_203 : i1 to i32
          %cond3A_205 = arith.constant 0 : i32
          %cond3A_206 = arith.cmpi ne, %convert_element_type3A_204, %cond3A_205 : i32
          scf.if %cond3A_206 {
            %sub3A = arith.constant 1 : i32
            %sub3A_231 = arith.subi %scan3A_108, %sub3A : i32
            %dma_wait3A_232 = arith.constant 1 : i32
            %dma_wait3A_233 = arith.constant 0 : i32
            %dma_wait3A_234 = arith.constant 0 : i32
            %dma_wait3A_235 = tpu.memref_slice %arg8[%dma_wait3A_232, %dma_wait3A_233, %dma_wait3A_234] : memref<3x128x128xf32, #tpu.memory_space<vmem>> -> memref<1x128x128xf32, #tpu.memory_space<vmem>>
            %dma_wait3A_236 = tpu.memref_squeeze %dma_wait3A_235 : memref<1x128x128xf32, #tpu.memory_space<vmem>> -> memref<128x128xf32, #tpu.memory_space<vmem>>
            %dma_wait3A_237 = arith.constant 0 : i32
            %dma_wait3A_238 = tpu.memref_slice %arg7[%sub3A_231, %dma_wait3A_237] : memref<158x128xi32, #tpu.memory_space<vmem>> -> memref<1x128xi32, #tpu.memory_space<vmem>>
            %dma_wait3A_239 = tpu.memref_squeeze %dma_wait3A_238 : memref<1x128xi32, #tpu.memory_space<vmem>> -> memref<128xi32, #tpu.memory_space<vmem>>
            %dma_wait3A_240 = arith.constant 0 : i32
            %dma_wait3A_241 = arith.constant 0 : i32
            %dma_wait3A_242 = tpu.memref_slice %arg9[%dma_wait3A_240, %dma_wait3A_241] : memref<5120x128xf32, #tpu.memory_space<vmem_shared>> -> memref<5120x128xf32, #tpu.memory_space<vmem_shared>>
            tpu.wait_indirect_dma semaphore(%arg17 : memref<!tpu.dma_semaphore, #tpu.memory_space<semaphore_mem>>) src(%dma_wait3A_236 : memref<128x128xf32, #tpu.memory_space<vmem>>) dst(%dma_wait3A_242 : memref<5120x128xf32, #tpu.memory_space<vmem_shared>>)
          } else {
          }
          %add3A_207 = arith.constant 2 : i32
          %add3A_208 = arith.addi %scan3A_108, %add3A_207 : i32
          %dma_start3A_209 = arith.constant 1 : i32
          %dma_start3A_210 = arith.constant 0 : i32
          %dma_start3A_211 = arith.constant 0 : i32
          %dma_start3A_212 = tpu.memref_slice %arg8[%dma_start3A_209, %dma_start3A_210, %dma_start3A_211] : memref<3x128x128xf32, #tpu.memory_space<vmem>> -> memref<1x64x128xf32, #tpu.memory_space<vmem>>
          %dma_start3A_213 = tpu.memref_squeeze %dma_start3A_212 : memref<1x64x128xf32, #tpu.memory_space<vmem>> -> memref<64x128xf32, #tpu.memory_space<vmem>>
          %dma_start3A_214 = arith.constant 0 : i32
          %dma_start3A_215 = tpu.memref_slice %arg6[%add3A_208, %dma_start3A_214] : memref<158x128xi32, #tpu.memory_space<vmem>> -> memref<1x64xi32, #tpu.memory_space<vmem>>
          %dma_start3A_216 = tpu.memref_squeeze %dma_start3A_215 : memref<1x64xi32, #tpu.memory_space<vmem>> -> memref<64xi32, #tpu.memory_space<vmem>>
          %dma_start3A_217 = arith.constant 0 : i32
          %dma_start3A_218 = arith.constant 0 : i32
          %dma_start3A_219 = tpu.memref_slice %arg2[%dma_start3A_217, %dma_start3A_218] : memref<81920x128xf32, #tpu.memory_space<hbm>> -> memref<81920x128xf32, #tpu.memory_space<hbm>>
          tpu.enqueue_indirect_dma source(%dma_start3A_219 : memref<81920x128xf32, #tpu.memory_space<hbm>>) target(%dma_start3A_213 : memref<64x128xf32, #tpu.memory_space<vmem>>) offsets(%dma_start3A_216 : memref<64xi32, #tpu.memory_space<vmem>>) semaphore(%arg12 : memref<!tpu.dma_semaphore, #tpu.memory_space<semaphore_mem>>)
          %dma_start3A_220 = arith.constant 1 : i32
          %dma_start3A_221 = arith.constant 64 : i32
          %dma_start3A_222 = arith.constant 0 : i32
          %dma_start3A_223 = tpu.memref_slice %arg8[%dma_start3A_220, %dma_start3A_221, %dma_start3A_222] : memref<3x128x128xf32, #tpu.memory_space<vmem>> -> memref<1x64x128xf32, #tpu.memory_space<vmem>>
          %dma_start3A_224 = tpu.memref_squeeze %dma_start3A_223 : memref<1x64x128xf32, #tpu.memory_space<vmem>> -> memref<64x128xf32, #tpu.memory_space<vmem>>
          %dma_start3A_225 = arith.constant 64 : i32
          %dma_start3A_226 = tpu.memref_slice %arg6[%add3A_208, %dma_start3A_225] : memref<158x128xi32, #tpu.memory_space<vmem>> -> memref<1x64xi32, #tpu.memory_space<vmem>>
          %dma_start3A_227 = tpu.memref_squeeze %dma_start3A_226 : memref<1x64xi32, #tpu.memory_space<vmem>> -> memref<64xi32, #tpu.memory_space<vmem>>
          %dma_start3A_228 = arith.constant 0 : i32
          %dma_start3A_229 = arith.constant 0 : i32
          %dma_start3A_230 = tpu.memref_slice %arg2[%dma_start3A_228, %dma_start3A_229] : memref<81920x128xf32, #tpu.memory_space<hbm>> -> memref<81920x128xf32, #tpu.memory_space<hbm>>
          tpu.enqueue_indirect_dma source(%dma_start3A_230 : memref<81920x128xf32, #tpu.memory_space<hbm>>) target(%dma_start3A_224 : memref<64x128xf32, #tpu.memory_space<vmem>>) offsets(%dma_start3A_227 : memref<64xi32, #tpu.memory_space<vmem>>) semaphore(%arg13 : memref<!tpu.dma_semaphore, #tpu.memory_space<semaphore_mem>>)
        } else {
        }
        %dma_wait3A_170 = arith.constant 2 : i32
        %dma_wait3A_171 = arith.constant 0 : i32
        %dma_wait3A_172 = arith.constant 0 : i32
        %dma_wait3A_173 = tpu.memref_slice %arg8[%dma_wait3A_170, %dma_wait3A_171, %dma_wait3A_172] : memref<3x128x128xf32, #tpu.memory_space<vmem>> -> memref<1x64x128xf32, #tpu.memory_space<vmem>>
        %dma_wait3A_174 = tpu.memref_squeeze %dma_wait3A_173 : memref<1x64x128xf32, #tpu.memory_space<vmem>> -> memref<64x128xf32, #tpu.memory_space<vmem>>
        %dma_wait3A_175 = arith.constant 0 : i32
        %dma_wait3A_176 = tpu.memref_slice %arg6[%scan3A_108, %dma_wait3A_175] : memref<158x128xi32, #tpu.memory_space<vmem>> -> memref<1x64xi32, #tpu.memory_space<vmem>>
        %dma_wait3A_177 = tpu.memref_squeeze %dma_wait3A_176 : memref<1x64xi32, #tpu.memory_space<vmem>> -> memref<64xi32, #tpu.memory_space<vmem>>
        %dma_wait3A_178 = arith.constant 0 : i32
        %dma_wait3A_179 = arith.constant 0 : i32
        %dma_wait3A_180 = tpu.memref_slice %arg2[%dma_wait3A_178, %dma_wait3A_179] : memref<81920x128xf32, #tpu.memory_space<hbm>> -> memref<81920x128xf32, #tpu.memory_space<hbm>>
        tpu.wait_indirect_dma semaphore(%arg14 : memref<!tpu.dma_semaphore, #tpu.memory_space<semaphore_mem>>) src(%dma_wait3A_180 : memref<81920x128xf32, #tpu.memory_space<hbm>>) dst(%dma_wait3A_174 : memref<64x128xf32, #tpu.memory_space<vmem>>)
        %dma_wait3A_181 = arith.constant 2 : i32
        %dma_wait3A_182 = arith.constant 64 : i32
        %dma_wait3A_183 = arith.constant 0 : i32
        %dma_wait3A_184 = tpu.memref_slice %arg8[%dma_wait3A_181, %dma_wait3A_182, %dma_wait3A_183] : memref<3x128x128xf32, #tpu.memory_space<vmem>> -> memref<1x64x128xf32, #tpu.memory_space<vmem>>
        %dma_wait3A_185 = tpu.memref_squeeze %dma_wait3A_184 : memref<1x64x128xf32, #tpu.memory_space<vmem>> -> memref<64x128xf32, #tpu.memory_space<vmem>>
        %dma_wait3A_186 = arith.constant 64 : i32
        %dma_wait3A_187 = tpu.memref_slice %arg6[%scan3A_108, %dma_wait3A_186] : memref<158x128xi32, #tpu.memory_space<vmem>> -> memref<1x64xi32, #tpu.memory_space<vmem>>
        %dma_wait3A_188 = tpu.memref_squeeze %dma_wait3A_187 : memref<1x64xi32, #tpu.memory_space<vmem>> -> memref<64xi32, #tpu.memory_space<vmem>>
        %dma_wait3A_189 = arith.constant 0 : i32
        %dma_wait3A_190 = arith.constant 0 : i32
        %dma_wait3A_191 = tpu.memref_slice %arg2[%dma_wait3A_189, %dma_wait3A_190] : memref<81920x128xf32, #tpu.memory_space<hbm>> -> memref<81920x128xf32, #tpu.memory_space<hbm>>
        tpu.wait_indirect_dma semaphore(%arg15 : memref<!tpu.dma_semaphore, #tpu.memory_space<semaphore_mem>>) src(%dma_wait3A_191 : memref<81920x128xf32, #tpu.memory_space<hbm>>) dst(%dma_wait3A_185 : memref<64x128xf32, #tpu.memory_space<vmem>>)
        %dma_start3A_192 = arith.constant 2 : i32
        %dma_start3A_193 = arith.constant 0 : i32
        %dma_start3A_194 = arith.constant 0 : i32
        %dma_start3A_195 = tpu.memref_slice %arg8[%dma_start3A_192, %dma_start3A_193, %dma_start3A_194] : memref<3x128x128xf32, #tpu.memory_space<vmem>> -> memref<1x128x128xf32, #tpu.memory_space<vmem>>
        %dma_start3A_196 = tpu.memref_squeeze %dma_start3A_195 : memref<1x128x128xf32, #tpu.memory_space<vmem>> -> memref<128x128xf32, #tpu.memory_space<vmem>>
        %dma_start3A_197 = arith.constant 0 : i32
        %dma_start3A_198 = tpu.memref_slice %arg7[%scan3A_108, %dma_start3A_197] : memref<158x128xi32, #tpu.memory_space<vmem>> -> memref<1x128xi32, #tpu.memory_space<vmem>>
        %dma_start3A_199 = tpu.memref_squeeze %dma_start3A_198 : memref<1x128xi32, #tpu.memory_space<vmem>> -> memref<128xi32, #tpu.memory_space<vmem>>
        %dma_start3A_200 = arith.constant 0 : i32
        %dma_start3A_201 = arith.constant 0 : i32
        %dma_start3A_202 = tpu.memref_slice %arg9[%dma_start3A_200, %dma_start3A_201] : memref<5120x128xf32, #tpu.memory_space<vmem_shared>> -> memref<5120x128xf32, #tpu.memory_space<vmem_shared>>
        tpu.enqueue_indirect_dma source(%dma_start3A_196 : memref<128x128xf32, #tpu.memory_space<vmem>>) target(%dma_start3A_202 : memref<5120x128xf32, #tpu.memory_space<vmem_shared>>) offsets(%dma_start3A_199 : memref<128xi32, #tpu.memory_space<vmem>>) semaphore(%arg18 : memref<!tpu.dma_semaphore, #tpu.memory_space<semaphore_mem>>) {add = true}
      } else {
      }
    }
    %scan3A_69 = arith.constant 158 : i32
    %dma_wait3A = arith.constant 2 : i32
    %dma_wait3A_70 = arith.constant 155 : i32
    %dma_wait3A_71 = arith.constant 0 : i32
    %dma_wait3A_72 = arith.constant 0 : i32
    %dma_wait3A_73 = tpu.memref_slice %arg8[%dma_wait3A, %dma_wait3A_71, %dma_wait3A_72] : memref<3x128x128xf32, #tpu.memory_space<vmem>> -> memref<1x128x128xf32, #tpu.memory_space<vmem>>
    %dma_wait3A_74 = tpu.memref_squeeze %dma_wait3A_73 : memref<1x128x128xf32, #tpu.memory_space<vmem>> -> memref<128x128xf32, #tpu.memory_space<vmem>>
    %dma_wait3A_75 = arith.constant 0 : i32
    %dma_wait3A_76 = tpu.memref_slice %arg7[%dma_wait3A_70, %dma_wait3A_75] : memref<158x128xi32, #tpu.memory_space<vmem>> -> memref<1x128xi32, #tpu.memory_space<vmem>>
    %dma_wait3A_77 = tpu.memref_squeeze %dma_wait3A_76 : memref<1x128xi32, #tpu.memory_space<vmem>> -> memref<128xi32, #tpu.memory_space<vmem>>
    %dma_wait3A_78 = arith.constant 0 : i32
    %dma_wait3A_79 = arith.constant 0 : i32
    %dma_wait3A_80 = tpu.memref_slice %arg9[%dma_wait3A_78, %dma_wait3A_79] : memref<5120x128xf32, #tpu.memory_space<vmem_shared>> -> memref<5120x128xf32, #tpu.memory_space<vmem_shared>>
    tpu.wait_indirect_dma semaphore(%arg18 : memref<!tpu.dma_semaphore, #tpu.memory_space<semaphore_mem>>) src(%dma_wait3A_74 : memref<128x128xf32, #tpu.memory_space<vmem>>) dst(%dma_wait3A_80 : memref<5120x128xf32, #tpu.memory_space<vmem_shared>>)
    %dma_wait3A_81 = arith.constant 0 : i32
    %dma_wait3A_82 = arith.constant 156 : i32
    %dma_wait3A_83 = arith.constant 0 : i32
    %dma_wait3A_84 = arith.constant 0 : i32
    %dma_wait3A_85 = tpu.memref_slice %arg8[%dma_wait3A_81, %dma_wait3A_83, %dma_wait3A_84] : memref<3x128x128xf32, #tpu.memory_space<vmem>> -> memref<1x128x128xf32, #tpu.memory_space<vmem>>
    %dma_wait3A_86 = tpu.memref_squeeze %dma_wait3A_85 : memref<1x128x128xf32, #tpu.memory_space<vmem>> -> memref<128x128xf32, #tpu.memory_space<vmem>>
    %dma_wait3A_87 = arith.constant 0 : i32
    %dma_wait3A_88 = tpu.memref_slice %arg7[%dma_wait3A_82, %dma_wait3A_87] : memref<158x128xi32, #tpu.memory_space<vmem>> -> memref<1x128xi32, #tpu.memory_space<vmem>>
    %dma_wait3A_89 = tpu.memref_squeeze %dma_wait3A_88 : memref<1x128xi32, #tpu.memory_space<vmem>> -> memref<128xi32, #tpu.memory_space<vmem>>
    %dma_wait3A_90 = arith.constant 0 : i32
    %dma_wait3A_91 = arith.constant 0 : i32
    %dma_wait3A_92 = tpu.memref_slice %arg9[%dma_wait3A_90, %dma_wait3A_91] : memref<5120x128xf32, #tpu.memory_space<vmem_shared>> -> memref<5120x128xf32, #tpu.memory_space<vmem_shared>>
    tpu.wait_indirect_dma semaphore(%arg16 : memref<!tpu.dma_semaphore, #tpu.memory_space<semaphore_mem>>) src(%dma_wait3A_86 : memref<128x128xf32, #tpu.memory_space<vmem>>) dst(%dma_wait3A_92 : memref<5120x128xf32, #tpu.memory_space<vmem_shared>>)
    %dma_wait3A_93 = arith.constant 1 : i32
    %dma_wait3A_94 = arith.constant 157 : i32
    %dma_wait3A_95 = arith.constant 0 : i32
    %dma_wait3A_96 = arith.constant 0 : i32
    %dma_wait3A_97 = tpu.memref_slice %arg8[%dma_wait3A_93, %dma_wait3A_95, %dma_wait3A_96] : memref<3x128x128xf32, #tpu.memory_space<vmem>> -> memref<1x128x128xf32, #tpu.memory_space<vmem>>
    %dma_wait3A_98 = tpu.memref_squeeze %dma_wait3A_97 : memref<1x128x128xf32, #tpu.memory_space<vmem>> -> memref<128x128xf32, #tpu.memory_space<vmem>>
    %dma_wait3A_99 = arith.constant 0 : i32
    %dma_wait3A_100 = tpu.memref_slice %arg7[%dma_wait3A_94, %dma_wait3A_99] : memref<158x128xi32, #tpu.memory_space<vmem>> -> memref<1x128xi32, #tpu.memory_space<vmem>>
    %dma_wait3A_101 = tpu.memref_squeeze %dma_wait3A_100 : memref<1x128xi32, #tpu.memory_space<vmem>> -> memref<128xi32, #tpu.memory_space<vmem>>
    %dma_wait3A_102 = arith.constant 0 : i32
    %dma_wait3A_103 = arith.constant 0 : i32
    %dma_wait3A_104 = tpu.memref_slice %arg9[%dma_wait3A_102, %dma_wait3A_103] : memref<5120x128xf32, #tpu.memory_space<vmem_shared>> -> memref<5120x128xf32, #tpu.memory_space<vmem_shared>>
    tpu.wait_indirect_dma semaphore(%arg17 : memref<!tpu.dma_semaphore, #tpu.memory_space<semaphore_mem>>) src(%dma_wait3A_98 : memref<128x128xf32, #tpu.memory_space<vmem>>) dst(%dma_wait3A_104 : memref<5120x128xf32, #tpu.memory_space<vmem_shared>>)
    %barrier3A_105 = arith.constant 0 : index
    tpu.barrier barrier_id(%barrier3A_105)
    %mul3A_106 = arith.constant 320 : i32
    %mul3A_107 = arith.muli %arg1, %mul3A_106 : i32
    "tpu.region"() ({
      %run_scoped3A_108 = tpu.sem_alloc : memref<!tpu.dma_semaphore, #tpu.memory_space<semaphore_mem>>
      %dma_start3A_109 = arith.constant 0 : i32
      %dma_start3A_110 = arith.constant 0 : i32
      %dma_start3A_111 = tpu.memref_slice %arg5[%arg0, %arg1, %dma_start3A_109, %dma_start3A_110] : memref<2x16x320x128xf32, #tpu.memory_space<hbm>> -> memref<1x1x320x128xf32, #tpu.memory_space<hbm>>
      %dma_start3A_112 = tpu.memref_squeeze %dma_start3A_111 : memref<1x1x320x128xf32, #tpu.memory_space<hbm>> -> memref<320x128xf32, #tpu.memory_space<hbm>>
      %dma_start3A_113 = arith.constant 0 : i32
      %dma_start3A_114 = tpu.memref_slice %arg9[%mul3A_107, %dma_start3A_113] : memref<5120x128xf32, #tpu.memory_space<vmem_shared>> -> memref<320x128xf32, #tpu.memory_space<vmem_shared>>
      tpu.enqueue_dma source(%dma_start3A_114 : memref<320x128xf32, #tpu.memory_space<vmem_shared>>) target(%dma_start3A_112 : memref<320x128xf32, #tpu.memory_space<hbm>>) target_semaphore(%run_scoped3A_108 : memref<!tpu.dma_semaphore, #tpu.memory_space<semaphore_mem>>)
      %dma_wait3A_115 = arith.constant 0 : i32
      %dma_wait3A_116 = arith.constant 0 : i32
      %dma_wait3A_117 = tpu.memref_slice %arg5[%arg0, %arg1, %dma_wait3A_115, %dma_wait3A_116] : memref<2x16x320x128xf32, #tpu.memory_space<hbm>> -> memref<1x1x320x128xf32, #tpu.memory_space<hbm>>
      %dma_wait3A_118 = tpu.memref_squeeze %dma_wait3A_117 : memref<1x1x320x128xf32, #tpu.memory_space<hbm>> -> memref<320x128xf32, #tpu.memory_space<hbm>>
      %dma_wait3A_119 = arith.constant 0 : i32
      %dma_wait3A_120 = tpu.memref_slice %arg9[%mul3A_107, %dma_wait3A_119] : memref<5120x128xf32, #tpu.memory_space<vmem_shared>> -> memref<320x128xf32, #tpu.memory_space<vmem_shared>>
      tpu.wait_dma2 semaphore(%run_scoped3A_108 : memref<!tpu.dma_semaphore, #tpu.memory_space<semaphore_mem>>) src(%dma_wait3A_120 : memref<320x128xf32, #tpu.memory_space<vmem_shared>>) dst(%dma_wait3A_118 : memref<320x128xf32, #tpu.memory_space<hbm>>)
      tpu.yield
    }) : () -> ()
    return
  }
}

module attributes {stable_mosaic.version = 14 : i64} {
  func.func @_tf_body(%arg0: i32, %arg1: memref<640x128xf32, #tpu.memory_space<vmem>>, %arg2: memref<8x128x128xf32, #tpu.memory_space<vmem>>, %arg3: memref<128x128xf32, #tpu.memory_space<vmem>>, %arg4: memref<1x128xf32, #tpu.memory_space<vmem>>, %arg5: memref<640x8x128xf32, #tpu.memory_space<vmem>>, %arg6: memref<640x128xf32, #tpu.memory_space<vmem>>) attributes {dimension_semantics = [#tpu.dimension_semantics<arbitrary>], iteration_bounds = array<i64: 16>, scalar_prefetch = 0 : i64, scratch_operands = 0 : i64, tpu.core_type = #tpu.core_type<tc>, window_params = [{transform_indices = @transform_0, window_bounds = array<i64: 640, 128>}, {pipeline_mode = #tpu.pipeline_mode<synchronous>, transform_indices = @transform_1, window_bounds = array<i64: 8, 128, 128>}, {pipeline_mode = #tpu.pipeline_mode<synchronous>, transform_indices = @transform_2, window_bounds = array<i64: 128, 128>}, {pipeline_mode = #tpu.pipeline_mode<synchronous>, transform_indices = @transform_3, window_bounds = array<i64: 1, 128>}, {transform_indices = @transform_4, window_bounds = array<i64: 640, 8, 128>}, {transform_indices = @transform_5, window_bounds = array<i64: 640, 128>}]} {
    %get3A = arith.constant 0 : index
    %get3A_0 = arith.constant 0 : index
    %get3A_1 = vector.load %arg1[%get3A, %get3A_0] : memref<640x128xf32, #tpu.memory_space<vmem>>, vector<640x128xf32>
    %get3A_2 = arith.constant 0 : index
    %get3A_3 = arith.constant 0 : index
    %get3A_4 = arith.constant 0 : index
    %get3A_5 = vector.load %arg2[%get3A_2, %get3A_3, %get3A_4] : memref<8x128x128xf32, #tpu.memory_space<vmem>>, vector<1x128x128xf32>
    %get3A_6 = vector.shape_cast %get3A_5 : vector<1x128x128xf32> to vector<128x128xf32>
    %dot_general3A = arith.constant dense<0.000000e+00> : vector<640x128xf32>
    %dot_general3A_7 = tpu.matmul %get3A_1, %get3A_6, %dot_general3A {dimension_numbers = #tpu.dot_dimension_numbers<[1], [0], [0], [1], [0, 0, 1, 1], [], []>, transpose_lhs_hint = false} : vector<640x128xf32>, vector<128x128xf32>, vector<640x128xf32> -> vector<640x128xf32>
    %swap3A = arith.constant 0 : index
    %swap3A_8 = arith.constant 0 : index
    %swap3A_9 = arith.constant 0 : index
    %swap3A_10 = vector.load %arg5[%swap3A, %swap3A_8, %swap3A_9] : memref<640x8x128xf32, #tpu.memory_space<vmem>>, vector<640x1x128xf32>
    %swap3A_11 = vector.shape_cast %swap3A_10 : vector<640x1x128xf32> to vector<640x128xf32>
    %swap3A_12 = vector.shape_cast %dot_general3A_7 : vector<640x128xf32> to vector<640x1x128xf32>
    tpu.vector_store %arg5[%swap3A, %swap3A_8, %swap3A_9], %swap3A_12 {strides = array<i32>} : memref<640x8x128xf32, #tpu.memory_space<vmem>>, vector<640x1x128xf32>,
    %get3A_13 = arith.constant 1 : index
    %get3A_14 = arith.constant 0 : index
    %get3A_15 = arith.constant 0 : index
    %get3A_16 = vector.load %arg2[%get3A_13, %get3A_14, %get3A_15] : memref<8x128x128xf32, #tpu.memory_space<vmem>>, vector<1x128x128xf32>
    %get3A_17 = vector.shape_cast %get3A_16 : vector<1x128x128xf32> to vector<128x128xf32>
    %dot_general3A_18 = arith.constant dense<0.000000e+00> : vector<640x128xf32>
    %dot_general3A_19 = tpu.matmul %get3A_1, %get3A_17, %dot_general3A_18 {dimension_numbers = #tpu.dot_dimension_numbers<[1], [0], [0], [1], [0, 0, 1, 1], [], []>, transpose_lhs_hint = false} : vector<640x128xf32>, vector<128x128xf32>, vector<640x128xf32> -> vector<640x128xf32>
    %swap3A_20 = arith.constant 0 : index
    %swap3A_21 = arith.constant 1 : index
    %swap3A_22 = arith.constant 0 : index
    %swap3A_23 = vector.load %arg5[%swap3A_20, %swap3A_21, %swap3A_22] : memref<640x8x128xf32, #tpu.memory_space<vmem>>, vector<640x1x128xf32>
    %swap3A_24 = vector.shape_cast %swap3A_23 : vector<640x1x128xf32> to vector<640x128xf32>
    %swap3A_25 = vector.shape_cast %dot_general3A_19 : vector<640x128xf32> to vector<640x1x128xf32>
    tpu.vector_store %arg5[%swap3A_20, %swap3A_21, %swap3A_22], %swap3A_25 {strides = array<i32>} : memref<640x8x128xf32, #tpu.memory_space<vmem>>, vector<640x1x128xf32>,
    %get3A_26 = arith.constant 2 : index
    %get3A_27 = arith.constant 0 : index
    %get3A_28 = arith.constant 0 : index
    %get3A_29 = vector.load %arg2[%get3A_26, %get3A_27, %get3A_28] : memref<8x128x128xf32, #tpu.memory_space<vmem>>, vector<1x128x128xf32>
    %get3A_30 = vector.shape_cast %get3A_29 : vector<1x128x128xf32> to vector<128x128xf32>
    %dot_general3A_31 = arith.constant dense<0.000000e+00> : vector<640x128xf32>
    %dot_general3A_32 = tpu.matmul %get3A_1, %get3A_30, %dot_general3A_31 {dimension_numbers = #tpu.dot_dimension_numbers<[1], [0], [0], [1], [0, 0, 1, 1], [], []>, transpose_lhs_hint = false} : vector<640x128xf32>, vector<128x128xf32>, vector<640x128xf32> -> vector<640x128xf32>
    %swap3A_33 = arith.constant 0 : index
    %swap3A_34 = arith.constant 2 : index
    %swap3A_35 = arith.constant 0 : index
    %swap3A_36 = vector.load %arg5[%swap3A_33, %swap3A_34, %swap3A_35] : memref<640x8x128xf32, #tpu.memory_space<vmem>>, vector<640x1x128xf32>
    %swap3A_37 = vector.shape_cast %swap3A_36 : vector<640x1x128xf32> to vector<640x128xf32>
    %swap3A_38 = vector.shape_cast %dot_general3A_32 : vector<640x128xf32> to vector<640x1x128xf32>
    tpu.vector_store %arg5[%swap3A_33, %swap3A_34, %swap3A_35], %swap3A_38 {strides = array<i32>} : memref<640x8x128xf32, #tpu.memory_space<vmem>>, vector<640x1x128xf32>,
    %get3A_39 = arith.constant 3 : index
    %get3A_40 = arith.constant 0 : index
    %get3A_41 = arith.constant 0 : index
    %get3A_42 = vector.load %arg2[%get3A_39, %get3A_40, %get3A_41] : memref<8x128x128xf32, #tpu.memory_space<vmem>>, vector<1x128x128xf32>
    %get3A_43 = vector.shape_cast %get3A_42 : vector<1x128x128xf32> to vector<128x128xf32>
    %dot_general3A_44 = arith.constant dense<0.000000e+00> : vector<640x128xf32>
    %dot_general3A_45 = tpu.matmul %get3A_1, %get3A_43, %dot_general3A_44 {dimension_numbers = #tpu.dot_dimension_numbers<[1], [0], [0], [1], [0, 0, 1, 1], [], []>, transpose_lhs_hint = false} : vector<640x128xf32>, vector<128x128xf32>, vector<640x128xf32> -> vector<640x128xf32>
    %swap3A_46 = arith.constant 0 : index
    %swap3A_47 = arith.constant 3 : index
    %swap3A_48 = arith.constant 0 : index
    %swap3A_49 = vector.load %arg5[%swap3A_46, %swap3A_47, %swap3A_48] : memref<640x8x128xf32, #tpu.memory_space<vmem>>, vector<640x1x128xf32>
    %swap3A_50 = vector.shape_cast %swap3A_49 : vector<640x1x128xf32> to vector<640x128xf32>
    %swap3A_51 = vector.shape_cast %dot_general3A_45 : vector<640x128xf32> to vector<640x1x128xf32>
    tpu.vector_store %arg5[%swap3A_46, %swap3A_47, %swap3A_48], %swap3A_51 {strides = array<i32>} : memref<640x8x128xf32, #tpu.memory_space<vmem>>, vector<640x1x128xf32>,
    %get3A_52 = arith.constant 4 : index
    %get3A_53 = arith.constant 0 : index
    %get3A_54 = arith.constant 0 : index
    %get3A_55 = vector.load %arg2[%get3A_52, %get3A_53, %get3A_54] : memref<8x128x128xf32, #tpu.memory_space<vmem>>, vector<1x128x128xf32>
    %get3A_56 = vector.shape_cast %get3A_55 : vector<1x128x128xf32> to vector<128x128xf32>
    %dot_general3A_57 = arith.constant dense<0.000000e+00> : vector<640x128xf32>
    %dot_general3A_58 = tpu.matmul %get3A_1, %get3A_56, %dot_general3A_57 {dimension_numbers = #tpu.dot_dimension_numbers<[1], [0], [0], [1], [0, 0, 1, 1], [], []>, transpose_lhs_hint = false} : vector<640x128xf32>, vector<128x128xf32>, vector<640x128xf32> -> vector<640x128xf32>
    %swap3A_59 = arith.constant 0 : index
    %swap3A_60 = arith.constant 4 : index
    %swap3A_61 = arith.constant 0 : index
    %swap3A_62 = vector.load %arg5[%swap3A_59, %swap3A_60, %swap3A_61] : memref<640x8x128xf32, #tpu.memory_space<vmem>>, vector<640x1x128xf32>
    %swap3A_63 = vector.shape_cast %swap3A_62 : vector<640x1x128xf32> to vector<640x128xf32>
    %swap3A_64 = vector.shape_cast %dot_general3A_58 : vector<640x128xf32> to vector<640x1x128xf32>
    tpu.vector_store %arg5[%swap3A_59, %swap3A_60, %swap3A_61], %swap3A_64 {strides = array<i32>} : memref<640x8x128xf32, #tpu.memory_space<vmem>>, vector<640x1x128xf32>,
    %get3A_65 = arith.constant 5 : index
    %get3A_66 = arith.constant 0 : index
    %get3A_67 = arith.constant 0 : index
    %get3A_68 = vector.load %arg2[%get3A_65, %get3A_66, %get3A_67] : memref<8x128x128xf32, #tpu.memory_space<vmem>>, vector<1x128x128xf32>
    %get3A_69 = vector.shape_cast %get3A_68 : vector<1x128x128xf32> to vector<128x128xf32>
    %dot_general3A_70 = arith.constant dense<0.000000e+00> : vector<640x128xf32>
    %dot_general3A_71 = tpu.matmul %get3A_1, %get3A_69, %dot_general3A_70 {dimension_numbers = #tpu.dot_dimension_numbers<[1], [0], [0], [1], [0, 0, 1, 1], [], []>, transpose_lhs_hint = false} : vector<640x128xf32>, vector<128x128xf32>, vector<640x128xf32> -> vector<640x128xf32>
    %swap3A_72 = arith.constant 0 : index
    %swap3A_73 = arith.constant 5 : index
    %swap3A_74 = arith.constant 0 : index
    %swap3A_75 = vector.load %arg5[%swap3A_72, %swap3A_73, %swap3A_74] : memref<640x8x128xf32, #tpu.memory_space<vmem>>, vector<640x1x128xf32>
    %swap3A_76 = vector.shape_cast %swap3A_75 : vector<640x1x128xf32> to vector<640x128xf32>
    %swap3A_77 = vector.shape_cast %dot_general3A_71 : vector<640x128xf32> to vector<640x1x128xf32>
    tpu.vector_store %arg5[%swap3A_72, %swap3A_73, %swap3A_74], %swap3A_77 {strides = array<i32>} : memref<640x8x128xf32, #tpu.memory_space<vmem>>, vector<640x1x128xf32>,
    %get3A_78 = arith.constant 6 : index
    %get3A_79 = arith.constant 0 : index
    %get3A_80 = arith.constant 0 : index
    %get3A_81 = vector.load %arg2[%get3A_78, %get3A_79, %get3A_80] : memref<8x128x128xf32, #tpu.memory_space<vmem>>, vector<1x128x128xf32>
    %get3A_82 = vector.shape_cast %get3A_81 : vector<1x128x128xf32> to vector<128x128xf32>
    %dot_general3A_83 = arith.constant dense<0.000000e+00> : vector<640x128xf32>
    %dot_general3A_84 = tpu.matmul %get3A_1, %get3A_82, %dot_general3A_83 {dimension_numbers = #tpu.dot_dimension_numbers<[1], [0], [0], [1], [0, 0, 1, 1], [], []>, transpose_lhs_hint = false} : vector<640x128xf32>, vector<128x128xf32>, vector<640x128xf32> -> vector<640x128xf32>
    %swap3A_85 = arith.constant 0 : index
    %swap3A_86 = arith.constant 6 : index
    %swap3A_87 = arith.constant 0 : index
    %swap3A_88 = vector.load %arg5[%swap3A_85, %swap3A_86, %swap3A_87] : memref<640x8x128xf32, #tpu.memory_space<vmem>>, vector<640x1x128xf32>
    %swap3A_89 = vector.shape_cast %swap3A_88 : vector<640x1x128xf32> to vector<640x128xf32>
    %swap3A_90 = vector.shape_cast %dot_general3A_84 : vector<640x128xf32> to vector<640x1x128xf32>
    tpu.vector_store %arg5[%swap3A_85, %swap3A_86, %swap3A_87], %swap3A_90 {strides = array<i32>} : memref<640x8x128xf32, #tpu.memory_space<vmem>>, vector<640x1x128xf32>,
    %get3A_91 = arith.constant 7 : index
    %get3A_92 = arith.constant 0 : index
    %get3A_93 = arith.constant 0 : index
    %get3A_94 = vector.load %arg2[%get3A_91, %get3A_92, %get3A_93] : memref<8x128x128xf32, #tpu.memory_space<vmem>>, vector<1x128x128xf32>
    %get3A_95 = vector.shape_cast %get3A_94 : vector<1x128x128xf32> to vector<128x128xf32>
    %dot_general3A_96 = arith.constant dense<0.000000e+00> : vector<640x128xf32>
    %dot_general3A_97 = tpu.matmul %get3A_1, %get3A_95, %dot_general3A_96 {dimension_numbers = #tpu.dot_dimension_numbers<[1], [0], [0], [1], [0, 0, 1, 1], [], []>, transpose_lhs_hint = false} : vector<640x128xf32>, vector<128x128xf32>, vector<640x128xf32> -> vector<640x128xf32>
    %swap3A_98 = arith.constant 0 : index
    %swap3A_99 = arith.constant 7 : index
    %swap3A_100 = arith.constant 0 : index
    %swap3A_101 = vector.load %arg5[%swap3A_98, %swap3A_99, %swap3A_100] : memref<640x8x128xf32, #tpu.memory_space<vmem>>, vector<640x1x128xf32>
    %swap3A_102 = vector.shape_cast %swap3A_101 : vector<640x1x128xf32> to vector<640x128xf32>
    %swap3A_103 = vector.shape_cast %dot_general3A_97 : vector<640x128xf32> to vector<640x1x128xf32>
    tpu.vector_store %arg5[%swap3A_98, %swap3A_99, %swap3A_100], %swap3A_103 {strides = array<i32>} : memref<640x8x128xf32, #tpu.memory_space<vmem>>, vector<640x1x128xf32>,
    %get3A_104 = arith.constant 0 : index
    %get3A_105 = arith.constant 0 : index
    %get3A_106 = vector.load %arg3[%get3A_104, %get3A_105] : memref<128x128xf32, #tpu.memory_space<vmem>>, vector<128x128xf32>
    %dot_general3A_107 = arith.constant dense<0.000000e+00> : vector<640x128xf32>
    %dot_general3A_108 = tpu.matmul %get3A_1, %get3A_106, %dot_general3A_107 {dimension_numbers = #tpu.dot_dimension_numbers<[1], [0], [0], [1], [0, 0, 1, 1], [], []>, transpose_lhs_hint = false} : vector<640x128xf32>, vector<128x128xf32>, vector<640x128xf32> -> vector<640x128xf32>
    %get3A_109 = arith.constant 0 : index
    %get3A_110 = arith.constant 0 : index
    %get3A_111 = vector.load %arg4[%get3A_109, %get3A_110] : memref<1x128xf32, #tpu.memory_space<vmem>>, vector<1x128xf32>
    %add3A = vector.broadcast %get3A_111 : vector<1x128xf32> to vector<640x128xf32>
    %add3A_112 = arith.addf %dot_general3A_108, %add3A : vector<640x128xf32>
    %swap3A_113 = arith.constant 0 : index
    %swap3A_114 = arith.constant 0 : index
    %swap3A_115 = vector.load %arg6[%swap3A_113, %swap3A_114] : memref<640x128xf32, #tpu.memory_space<vmem>>, vector<640x128xf32>
    tpu.vector_store %arg6[%swap3A_113, %swap3A_114], %add3A_112 {strides = array<i32>} : memref<640x128xf32, #tpu.memory_space<vmem>>, vector<640x128xf32>,
    return
  }
  func.func @transform_0(%arg0: i32) -> (i32, i32) {
    %c0_i32 = arith.constant 0 : i32
    %c0_i32_0 = arith.constant 0 : i32
    return %arg0, %c0_i32 : i32, i32
  }
  func.func @transform_1(%arg0: i32) -> (i32, i32, i32) {
    %c0_i32 = arith.constant 0 : i32
    %c0_i32_0 = arith.constant 0 : i32
    %c0_i32_1 = arith.constant 0 : i32
    %c0_i32_2 = arith.constant 0 : i32
    return %c0_i32, %c0_i32_0, %c0_i32_1 : i32, i32, i32
  }
  func.func @transform_2(%arg0: i32) -> (i32, i32) {
    %c0_i32 = arith.constant 0 : i32
    %c0_i32_0 = arith.constant 0 : i32
    %c0_i32_1 = arith.constant 0 : i32
    return %c0_i32, %c0_i32_0 : i32, i32
  }
  func.func @transform_3(%arg0: i32) -> (i32, i32) {
    %c0_i32 = arith.constant 0 : i32
    %c0_i32_0 = arith.constant 0 : i32
    %c0_i32_1 = arith.constant 0 : i32
    return %c0_i32, %c0_i32_0 : i32, i32
  }
  func.func @transform_4(%arg0: i32) -> (i32, i32, i32) {
    %c0_i32 = arith.constant 0 : i32
    %c0_i32_0 = arith.constant 0 : i32
    %c0_i32_1 = arith.constant 0 : i32
    return %arg0, %c0_i32, %c0_i32_0 : i32, i32, i32
  }
  func.func @transform_5(%arg0: i32) -> (i32, i32) {
    %c0_i32 = arith.constant 0 : i32
    %c0_i32_0 = arith.constant 0 : i32
    return %arg0, %c0_i32 : i32, i32
  }
}

module attributes {stable_mosaic.version = 14 : i64} {
  func.func @_comb_body(%arg0: i32, %arg1: memref<640x128xf32, #tpu.memory_space<vmem>>, %arg2: memref<640x128xf32, #tpu.memory_space<vmem>>, %arg3: memref<640x128xf32, #tpu.memory_space<vmem>>, %arg4: memref<640x128xf32, #tpu.memory_space<vmem>>, %arg5: memref<640x128xf32, #tpu.memory_space<vmem>>) attributes {dimension_semantics = [#tpu.dimension_semantics<arbitrary>], iteration_bounds = array<i64: 16>, scalar_prefetch = 0 : i64, scratch_operands = 0 : i64, tpu.core_type = #tpu.core_type<tc>, window_params = [{transform_indices = @transform_0, window_bounds = array<i64: 640, 128>}, {transform_indices = @transform_1, window_bounds = array<i64: 640, 128>}, {transform_indices = @transform_2, window_bounds = array<i64: 640, 128>}, {transform_indices = @transform_3, window_bounds = array<i64: 640, 128>}, {transform_indices = @transform_4, window_bounds = array<i64: 640, 128>}]} {
    %get3A = arith.constant 0 : index
    %get3A_0 = arith.constant 0 : index
    %get3A_1 = vector.load %arg3[%get3A, %get3A_0] : memref<640x128xf32, #tpu.memory_space<vmem>>, vector<640x1xf32>
    %max3A = arith.constant 1.000000e+00 : f32
    %max3A_2 = vector.broadcast %max3A : f32 to vector<640x1xf32>
    %max3A_3 = arith.maximumf %get3A_1, %max3A_2 : vector<640x1xf32>
    %div3A = arith.constant 1.000000e+00 : f32
    %div3A_4 = vector.broadcast %div3A : f32 to vector<640x1xf32>
    %div3A_5 = arith.divf %div3A_4, %max3A_3 : vector<640x1xf32>
    %get3A_6 = arith.constant 0 : index
    %get3A_7 = arith.constant 0 : index
    %get3A_8 = vector.load %arg1[%get3A_6, %get3A_7] : memref<640x128xf32, #tpu.memory_space<vmem>>, vector<640x128xf32>
    %mul3A = vector.broadcast %div3A_5 : vector<640x1xf32> to vector<640x128xf32>
    %mul3A_9 = arith.mulf %get3A_8, %mul3A : vector<640x128xf32>
    %get3A_10 = arith.constant 0 : index
    %get3A_11 = arith.constant 0 : index
    %get3A_12 = vector.load %arg2[%get3A_10, %get3A_11] : memref<640x128xf32, #tpu.memory_space<vmem>>, vector<640x128xf32>
    %add3A = arith.addf %mul3A_9, %get3A_12 : vector<640x128xf32>
    %ge3A = arith.constant 0.000000e+00 : f32
    %ge3A_13 = vector.broadcast %ge3A : f32 to vector<640x128xf32>
    %ge3A_14 = arith.cmpf oge, %add3A, %ge3A_13 : vector<640x128xf32>
    %mul3A_15 = arith.constant 2.000000e-01 : f32
    %mul3A_16 = vector.broadcast %mul3A_15 : f32 to vector<640x128xf32>
    %mul3A_17 = arith.mulf %mul3A_16, %add3A : vector<640x128xf32>
    %select_n3A = arith.select %ge3A_14, %add3A, %mul3A_17 : vector<640x128xi1>, vector<640x128xf32>
    %swap3A = arith.constant 0 : index
    %swap3A_18 = arith.constant 0 : index
    %swap3A_19 = vector.load %arg5[%swap3A, %swap3A_18] : memref<640x128xf32, #tpu.memory_space<vmem>>, vector<640x128xf32>
    tpu.vector_store %arg5[%swap3A, %swap3A_18], %select_n3A {strides = array<i32>} : memref<640x128xf32, #tpu.memory_space<vmem>>, vector<640x128xf32>,
    return
  }
  func.func @transform_0(%arg0: i32) -> (i32, i32) {
    %c0_i32 = arith.constant 0 : i32
    %c0_i32_0 = arith.constant 0 : i32
    return %arg0, %c0_i32 : i32, i32
  }
  func.func @transform_1(%arg0: i32) -> (i32, i32) {
    %c0_i32 = arith.constant 0 : i32
    %c0_i32_0 = arith.constant 0 : i32
    return %arg0, %c0_i32 : i32, i32
  }
  func.func @transform_2(%arg0: i32) -> (i32, i32) {
    %c0_i32 = arith.constant 0 : i32
    %c0_i32_0 = arith.constant 0 : i32
    return %arg0, %c0_i32 : i32, i32
  }
  func.func @transform_3(%arg0: i32) -> (i32, i32) {
    %c0_i32 = arith.constant 0 : i32
    %c0_i32_0 = arith.constant 0 : i32
    return %arg0, %c0_i32 : i32, i32
  }
  func.func @transform_4(%arg0: i32) -> (i32, i32) {
    %c0_i32 = arith.constant 0 : i32
    %c0_i32_0 = arith.constant 0 : i32
    return %arg0, %c0_i32 : i32, i32
  }
}

module attributes {stable_mosaic.version = 14 : i64} {
  func.func @_comb_body(%arg0: i32, %arg1: memref<640x128xf32, #tpu.memory_space<vmem>>, %arg2: memref<640x128xf32, #tpu.memory_space<vmem>>, %arg3: memref<640x128xf32, #tpu.memory_space<vmem>>, %arg4: memref<640x128xf32, #tpu.memory_space<vmem>>, %arg5: memref<640x128xf32, #tpu.memory_space<vmem>>) attributes {dimension_semantics = [#tpu.dimension_semantics<arbitrary>], iteration_bounds = array<i64: 16>, scalar_prefetch = 0 : i64, scratch_operands = 0 : i64, tpu.core_type = #tpu.core_type<tc>, window_params = [{transform_indices = @transform_0, window_bounds = array<i64: 640, 128>}, {transform_indices = @transform_1, window_bounds = array<i64: 640, 128>}, {transform_indices = @transform_2, window_bounds = array<i64: 640, 128>}, {transform_indices = @transform_3, window_bounds = array<i64: 640, 128>}, {transform_indices = @transform_4, window_bounds = array<i64: 640, 128>}]} {
    %get3A = arith.constant 0 : index
    %get3A_0 = arith.constant 0 : index
    %get3A_1 = vector.load %arg3[%get3A, %get3A_0] : memref<640x128xf32, #tpu.memory_space<vmem>>, vector<640x1xf32>
    %max3A = arith.constant 1.000000e+00 : f32
    %max3A_2 = vector.broadcast %max3A : f32 to vector<640x1xf32>
    %max3A_3 = arith.maximumf %get3A_1, %max3A_2 : vector<640x1xf32>
    %div3A = arith.constant 1.000000e+00 : f32
    %div3A_4 = vector.broadcast %div3A : f32 to vector<640x1xf32>
    %div3A_5 = arith.divf %div3A_4, %max3A_3 : vector<640x1xf32>
    %get3A_6 = arith.constant 0 : index
    %get3A_7 = arith.constant 0 : index
    %get3A_8 = vector.load %arg1[%get3A_6, %get3A_7] : memref<640x128xf32, #tpu.memory_space<vmem>>, vector<640x128xf32>
    %mul3A = vector.broadcast %div3A_5 : vector<640x1xf32> to vector<640x128xf32>
    %mul3A_9 = arith.mulf %get3A_8, %mul3A : vector<640x128xf32>
    %get3A_10 = arith.constant 0 : index
    %get3A_11 = arith.constant 0 : index
    %get3A_12 = vector.load %arg2[%get3A_10, %get3A_11] : memref<640x128xf32, #tpu.memory_space<vmem>>, vector<640x128xf32>
    %add3A = arith.addf %mul3A_9, %get3A_12 : vector<640x128xf32>
    %ge3A = arith.constant 0.000000e+00 : f32
    %ge3A_13 = vector.broadcast %ge3A : f32 to vector<640x128xf32>
    %ge3A_14 = arith.cmpf oge, %add3A, %ge3A_13 : vector<640x128xf32>
    %mul3A_15 = arith.constant 2.000000e-01 : f32
    %mul3A_16 = vector.broadcast %mul3A_15 : f32 to vector<640x128xf32>
    %mul3A_17 = arith.mulf %mul3A_16, %add3A : vector<640x128xf32>
    %select_n3A = arith.select %ge3A_14, %add3A, %mul3A_17 : vector<640x128xi1>, vector<640x128xf32>
    %get3A_18 = arith.constant 0 : index
    %get3A_19 = arith.constant 0 : index
    %get3A_20 = vector.load %arg4[%get3A_18, %get3A_19] : memref<640x128xf32, #tpu.memory_space<vmem>>, vector<640x128xf32>
    %add3A_21 = arith.addf %select_n3A, %get3A_20 : vector<640x128xf32>
    %swap3A = arith.constant 0 : index
    %swap3A_22 = arith.constant 0 : index
    %swap3A_23 = vector.load %arg5[%swap3A, %swap3A_22] : memref<640x128xf32, #tpu.memory_space<vmem>>, vector<640x128xf32>
    tpu.vector_store %arg5[%swap3A, %swap3A_22], %add3A_21 {strides = array<i32>} : memref<640x128xf32, #tpu.memory_space<vmem>>, vector<640x128xf32>,
    return
  }
  func.func @transform_0(%arg0: i32) -> (i32, i32) {
    %c0_i32 = arith.constant 0 : i32
    %c0_i32_0 = arith.constant 0 : i32
    return %arg0, %c0_i32 : i32, i32
  }
  func.func @transform_1(%arg0: i32) -> (i32, i32) {
    %c0_i32 = arith.constant 0 : i32
    %c0_i32_0 = arith.constant 0 : i32
    return %arg0, %c0_i32 : i32, i32
  }
  func.func @transform_2(%arg0: i32) -> (i32, i32) {
    %c0_i32 = arith.constant 0 : i32
    %c0_i32_0 = arith.constant 0 : i32
    return %arg0, %c0_i32 : i32, i32
  }
  func.func @transform_3(%arg0: i32) -> (i32, i32) {
    %c0_i32 = arith.constant 0 : i32
    %c0_i32_0 = arith.constant 0 : i32
    return %arg0, %c0_i32 : i32, i32
  }
  func.func @transform_4(%arg0: i32) -> (i32, i32) {
    %c0_i32 = arith.constant 0 : i32
    %c0_i32_0 = arith.constant 0 : i32
    return %arg0, %c0_i32 : i32, i32
  }
}

</mosaic_0001>

<sc_bundles>
// kernel: kernel.15.cloned.1.call-start
scs
__scs_entry_jumppad:
0x0: {  	(pc) =	sbr.rel $0x88, $3  }
0x1: {  	(tag) =	ssettag $0x0;
	lr =	simm.s32 $0x1  }
0x2: {  	[smem:$0x3F9B] =	sst lr;
	_ =	strace $0xD0000000  }
0x3: {  	_ = 	snop  }
0x4: {  	_ = 	snop  }
0x5: {  	_ = 	snop  }
0x6: {  	_ = 	snop  }
0x7: {  	_ = 	snop  }
__scs_overlays_trampoline_lowered:
0x8: {  	[smem:$0x3FAA] =	sst s0  }
0x9: {  	[smem:$0x3FAB] =	sst s1  }
0xa: {  	[smem:$0x3FAC] =	sst s2  }
0xb: {  	[smem:$0x3FAD] =	sst s3  }
0xc: {  	[smem:$0x3FAE] =	sst s4  }
0xd: {  	[smem:$0x3FAF] =	sst s5  }
0xe: {  	[smem:$0x3FB0] =	sst s6  }
0xf: {  	[smem:$0x3FB1] =	sst s7  }
0x10: {  	[smem:$0x3FB2] =	sst s8  }
0x11: {  	[smem:$0x3FB3] =	sst s9;
	s0 =	simm.s32 @!p0 $0x0  }
0x12: {  	s1 =	sld [smem:$0x3F99];
	s0 =	simm.s32 @p0 $0x1  }
0x13: {  	[smem:$0x3FB4] =	sst s0;
	s0 =	simm.s32 @!p1 $0x0  }
0x14: {  	s2 =	sld [smem:$0x3F98];
	s0 =	simm.s32 @p1 $0x1  }
0x15: {  	[smem:$0x3FB5] =	sst s0;
	s0 =	simm.s32 @!p2 $0x0  }
0x16: {  	s3 =	sld [smem:$0x3FDB];
	s0 =	simm.s32 @p2 $0x1  }
0x17: {  	s4 =	simm.s32 $0x1BF5;
	[smem:$0x3FB7] =	sst s0  }
0x18: {  	s0 =	sld [smem:$0x3F9A];
	_ =	swait.ge [sflag:s4], $0x0  }
0x19: {  	s7 =	sld [smem:$0x3F9B]  }
0x1a: {  	s8 =	sadd.s32 $0xFFFFE003, lr  }
0x1b: {  	s9 =	sadd.s32 $0xFFFFFEF7, lr;
	s5 =	simm.s32 $0xFFFFFFFF;
	p2 =	slt.u32 s8, $0xFFFFF086  }
0x1c: {  	p1 =	slt.u32 s9, $0xF7A;
	s5 =	simm.s32 @!p2 $0x0  }
0x1d: {  	s5 =	simm.s32 @p1 $0x1;
	p0 =	seq.s32 s7, s2  }
0x1e: {  	s7 =	smul.u32 @!p0 $0xF7A, s2;
	p2 =	seq.s32 @!p0 s5, $0x0  }
0x1f: {  	s9 =	smul.u32 $0xF7A, s1;
	s8 =	simm.s32 @!p0 $0x1BF5;
	p2 =	por !p2, p0  }
0x20: {  	[sflag:s8] =	ssyncset.s32 @!p0 $0xFFFFF086;
	s6 =	sadd.s32 @!p0 s3, s7;
	s7 =	simm.s32 @!p0 $0x108  }
0x21: {  	s3 =	sadd.s32 s3, s9;
	s6 =	sadd.s32 @!p0 $0x88, s6;
	s7 =	simm.s32 @p2 $0x1082  }
0x22: {  	[simem:s7], [sflag:s8] =	dma.local @!p0 [hbm:s6], $0xF7A  }
0x23: {  	s9 =	sor.u32 $0xD0000000, s2;
	s6 =	simm.s32 $0x108;
	_ =	swait.ge @!p0 [sflag:s8], $0x0  }
0x24: {  	s3 =	sadd.s32 $0x88, s3;
	s6 =	simm.s32 @!p1 $0x1082;
	[sflag:s4] =	ssyncset.s32 $0xFFFFF086  }
0x25: {  	[simem:s6], [sflag:s4] =	dma.local [hbm:s3], $0xF7A  }
0x26: {  	[smem:$0x3F9B] =	sst s1;
	(tag) =	ssettag s2;
	_ =	strace s9  }
0x27: {  	s1 =	sld [smem:$0x3FAB]  }
0x28: {  	s2 =	sld [smem:$0x3FAC]  }
0x29: {  	s4 =	sld [smem:$0x3FAE]  }
0x2a: {  	p0 =	seq.s32 s5, $0x0;
	s5 =	sld [smem:$0x3FAF]  }
0x2b: {  	s6 =	sld [smem:$0x3FB0]  }
0x2c: {  	s7 =	sld [smem:$0x3FB1]  }
0x2d: {  	s3 =	simm.s32 $0x108;
	s8 =	sld [smem:$0x3FB2]  }
0x2e: {  	s3 =	simm.s32 @!p0 $0x1082;
	s9 =	sld [smem:$0x3FB3]  }
0x2f: {  	lr =	sadd.s32 s0, s3;
	s0 =	sld [smem:$0x3FAA]  }
0x30: {  	s3 =	sld [smem:$0x3FAD]  }
0x31: {  	[smem:$0x3FB6] =	sst s10  }
0x32: {  	s10 =	sld [smem:$0x3FB4];
	_ =	sdelay $0x3  }
0x33: {  	p0 =	seq.s32 s10, $0x1;
	s10 =	sld [smem:$0x3FB6];
	_ =	sdelay $0x3  }
0x34: {  	[smem:$0x3FB6] =	sst s10  }
0x35: {  	s10 =	sld [smem:$0x3FB5];
	_ =	sdelay $0x3  }
0x36: {  	p1 =	seq.s32 s10, $0x1;
	s10 =	sld [smem:$0x3FB6];
	_ =	sdelay $0x3  }
0x37: {  	[smem:$0x3FB6] =	sst s10  }
0x38: {  	s10 =	sld [smem:$0x3FB7]  }
0x39: {  	_ = 	snop;
	(pc) =	sbr.ind lr, $3  }
0x3a: {  	_ = 	snop  }
0x3b: {  	_ = 	snop  }
0x3c: {  	p2 =	seq.s32 s10, $0x1;
	s10 =	sld [smem:$0x3FB6]  }
0x3d: {  	_ =	shalt  }
0x3e: {  	_ =	shalt  }
0x3f: {  	_ =	shalt  }
0x40: {  	_ =	shalt  }
0x41: {  	_ =	shalt  }
0x42: {  	_ =	shalt  }
0x43: {  	_ =	shalt  }
0x44: {  	_ =	shalt  }
0x45: {  	_ =	shalt  }
0x46: {  	_ =	shalt  }
0x47: {  	_ =	shalt  }
0x48: {  	_ =	shalt  }
0x49: {  	_ =	shalt  }
0x4a: {  	_ =	shalt  }
0x4b: {  	_ =	shalt  }
0x4c: {  	_ =	shalt  }
0x4d: {  	_ =	shalt  }
0x4e: {  	_ =	shalt  }
0x4f: {  	_ =	shalt  }
0x50: {  	_ =	shalt  }
0x51: {  	_ =	shalt  }
0x52: {  	_ =	shalt  }
0x53: {  	_ =	shalt  }
0x54: {  	_ =	shalt  }
0x55: {  	_ =	shalt  }
0x56: {  	_ =	shalt  }
0x57: {  	_ =	shalt  }
0x58: {  	_ =	shalt  }
0x59: {  	_ =	shalt  }
0x5a: {  	_ =	shalt  }
0x5b: {  	_ =	shalt  }
0x5c: {  	_ =	shalt  }
0x5d: {  	_ =	shalt  }
0x5e: {  	_ =	shalt  }
0x5f: {  	_ =	shalt  }
0x60: {  	_ =	shalt  }
0x61: {  	_ =	shalt  }
0x62: {  	_ =	shalt  }
0x63: {  	_ =	shalt  }
0x64: {  	_ =	shalt  }
0x65: {  	_ =	shalt  }
0x66: {  	_ =	shalt  }
0x67: {  	_ =	shalt  }
0x68: {  	_ =	shalt  }
0x69: {  	_ =	shalt  }
0x6a: {  	_ =	shalt  }
0x6b: {  	_ =	shalt  }
0x6c: {  	_ =	shalt  }
0x6d: {  	_ =	shalt  }
0x6e: {  	_ =	shalt  }
0x6f: {  	_ =	shalt  }
0x70: {  	_ =	shalt  }
0x71: {  	_ =	shalt  }
0x72: {  	_ =	shalt  }
0x73: {  	_ =	shalt  }
0x74: {  	_ =	shalt  }
0x75: {  	_ =	shalt  }
0x76: {  	_ =	shalt  }
0x77: {  	_ =	shalt  }
0x78: {  	_ =	shalt  }
0x79: {  	_ =	shalt  }
0x7a: {  	_ =	shalt  }
0x7b: {  	_ =	shalt  }
0x7c: {  	_ =	shalt  }
0x7d: {  	_ =	shalt  }
0x7e: {  	_ =	shalt  }
0x7f: {  	_ =	shalt  }
0x80: {  	_ =	shalt  }
0x81: {  	_ =	shalt  }
0x82: {  	_ =	shalt  }
0x83: {  	_ =	shalt  }
0x84: {  	_ =	shalt  }
0x85: {  	_ =	shalt  }
0x86: {  	_ =	shalt  }
0x87: {  	_ =	shalt  }
.Lfunc_end0:
.L_simem_size_0:
called_computation_lowered:
.L_overlay_start_0:
0x88: {  	s2 =	sld [smem:$0x3FD9]  }
0x89: {  	s3 =	sld [smem:$0x3FFE];
	_ =	sdelay $0x1  }
0x8a: {  	s1 =	srdreg.scid  }
0x8b: {  	s0 =	sand.u32 $0x1, s1  }
0x8c: {  	s17 =	sshll.u32 s0, $0xA;
	s2 =	sadd.s32 s3, s2  }
0x8d: {  	s2 =	sadd.s32 s2, s17  }
0x8e: {  	[smem:$0x3FC2] =	sst s2  }
0x8f: {  	_ = 	snop  }
0x90: {  	s18 =	sld [smem:$0x3FD0];
	(tm) =	ssettm $0x1  }
0x91: {  	s19 =	sld [smem:$0x3FFB];
	_ =	sdelay $0x3  }
0x92: {  	_ =	strace s19  }
0x93: {  	s2 =	sld [smem:$0x3FFC];
	_ =	sdelay $0x3  }
0x94: {  	_ =	strace s2  }
0x95: {  	s2 =	sld [smem:$0x3FFD];
	_ =	sdelay $0x3  }
0x96: {  	_ =	strace s2  }
0x97: {  	_ =	strace $0x8FFFFFFF  }
0x98: {  	s20 =	sld [smem:$0x3FDB];
	_ =	sdelay $0x1  }
0x99: {  	s4 =	simm.s32 $_scs_section_size  }
0x9a: {  	s5 =	simm.s32 $_size__tile_overlayer_lowered;
	s6 =	simm.s32 $_tile_overlayer_lowered  }
0x9b: {  	s7 =	simm.s32 $0x1BFF;
	s21 =	sshll.u32 s6, $0x1;
	s4 =	sadd.s32 s4, s20  }
0x9c: {  	s22 =	simm.s32 $0x0;
	s5 =	sshll.u32 s5, $0x1;
	s6 =	sadd.s32 s21, s4  }
0x9d: {  	[timem:s22], [sflag:s7] =	dma.local [hbm:s6], s5  }
0x9e: {  	_ =	swait.ge [sflag:s7], s5  }
0x9f: {  	s5 =	ssub.s32 $0x0, s5;
	[sflag:s7] =	ssyncset.done $0x0  }
0xa0: {  	[sflag:s7] =	ssyncadd.s32 s5;
	_ =	sdelay $0x1  }
0xa1: {  	s23 =	simm.s32 $0x1B8B  }
0xa2: {  	_ =	swait.ge [sflag:s23], $0x1  }
0xa3: {  	[sflag:s23] =	ssyncset.done $0x0  }
0xa4: {  	[sflag:s23] =	ssyncadd.s32 $0xFFFFFFFF  }
0xa5: {  	s5 =	sld [smem:$0x0]  }
0xa6: {  	s6 =	sand.u32 $0xFFFFFFFE, s1  }
0xa7: {  	p0 =	sne.s32 s1, s6  }
0xa8: {  	s6 =	sshll.u32 @p0 s6, $0xE  }
0xa9: {  	s6 =	sadd.s32 @p0 $0x11B8D, s6;
	s7 =	sshll.u32 @p0 s5, $0x11  }
0xaa: {  	s6 =	sor.u32 @p0 s7, s6  }
0xab: {  	[sflag:s6] =	ssyncadd.remote.s32 @p0 $0x1;
	_ =	sdelay $0x1  }
0xac: {  	s6 =	simm.s32 @p0 $0x1B8D  }
0xad: {  	_ =	swait.eq @p0 [sflag:s6], $0x1  }
0xae: {  	[sflag:s6] =	ssyncadd.s32 @p0 $0xFFFFFFFF  }
0xaf: {  	s7 =	sshll.u32 @!p0 s1, $0xE  }
0xb0: {  	s7 =	sor.u32 @!p0 $0x4000, s7;
	s6 =	simm.s32 @!p0 $0x1B8D  }
0xb1: {  	s5 =	sshll.u32 @!p0 s5, $0x11;
	s7 =	sadd.s32 @!p0 $0x11B8D, s7;
	_ =	swait.eq @!p0 [sflag:s6], $0x1  }
0xb2: {  	s5 =	sor.u32 @!p0 s5, s7;
	[sflag:s6] =	ssyncadd.s32 @!p0 $0xFFFFFFFF  }
0xb3: {  	s25 =	simm.s32 $0x1B8E;
	s24 =	sld [smem:$0x3FFE];
	[sflag:s5] =	ssyncadd.remote.s32 @!p0 $0x1  }
0xb4: {  	s26 =	simm.s32 $execute0_lowered;
	[smem:$0x3FD2] =	sst s25  }
0xb5: {  	s6 =	sshll.u32 s26, $0x1;
	_ =	strace $0x80000049;
	[dreg:$0x1] =	wrdreg $0xFFFFFFFF  }
0xb6: {  	s28 =	simm.s32 $_size_execute0_lowered;
	s4 =	sadd.s32 s4, s6;
	[dreg:$0x0] =	wrdreg $0x0  }
0xb7: {  	s6 =	sshll.u32 s28, $0x1;
	[dreg:$0x2] =	wrdreg s4  }
0xb8: {  	[dreg:$0x3] =	wrdreg s6  }
0xb9: {  	[dreg:$0x4] =	wrdreg $0xC0  }
0xba: {  	_ =	task [dreg:s22], $0x5FFFF  }
0xbb: {  	[dreg:$0x1] =	wrdreg $0xFFFFFFFF  }
0xbc: {  	[dreg:$0x0] =	wrdreg $0x60  }
0xbd: {  	[dreg:$0x2] =	wrdreg s18  }
0xbe: {  	[dreg:$0x3] =	wrdreg s24  }
0xbf: {  	[dreg:$0x4] =	wrdreg $0xB8000  }
0xc0: {  	[dreg:$0x5] =	wrdreg $0x9  }
0xc1: {  	_ =	task.clear_ibuf [dreg:s22], $0x6FFFF;
	_ =	strace $0x90000049  }
0xc2: {  	s29 =	simm.s32 $0x9;
	_ =	strace $0x8000004B  }
0xc3: {  	_ =	swait.ge [sflag:s29], $0x1  }
0xc4: {  	[sflag:s29] =	ssyncadd.s32 $0xFFFFFFFF  }
0xc5: {  	_ =	strace $0x9000004B  }
0xc6: {  	_ =	sfence  }
0xc7: {  	s30 =	sld [smem:$0x0];
	_ =	sdelay $0x2  }
0xc8: {  	s31 =	sshll.u32 s1, $0xD;
	s1 =	sshrl.u32 s1, $0x2  }
0xc9: {  	s4 =	sand.u32 $0x4000, s31;
	s1 =	sadd.s32 s1, s30  }
0xca: {  	s0 =	sor.u32 s4, s0;
	s1 =	sshll.u32 s1, $0x11  }
0xcb: {  	s0 =	sor.u32 s1, s0  }
0xcc: {  	s0 =	sadd.s32 $0x8F2B, s0  }
0xcd: {  	[sflag:s0] =	ssyncadd.remote.s32 $0x1  }
0xce: {  	_ =	sfence.sel $0xFFFF  }
0xcf: {  	[dreg:$0x0] =	wrdreg $0xFFFFFFFF;
	(pc) =	sbr.abs _section_cstart, $3  }
0xd0: {  	[dreg:$0x1] =	wrdreg $0xFFFFFFFF  }
0xd1: {  	_ =	task.clear_ibuf [dreg:s22], $0x2FFFF;
	_ =	strace $0x9FFFFFFF  }
0xd2: {  	(tm) =	ssettm $0x7FFFFFFF  }
0xd3: {  	_ =	shalt  }
tec
execute0_lowered:
.L_overlay_start_1:
0x0: {  	(tag) =	ssettag $0x1  }
0x1: {  	s8 =	rddreg [dreg:$0x0]  }
0x2: {  	s4 =	rddreg [dreg:$0x1]  }
0x3: {  	s0 =	srdreg.scid;
	s2 =	rddreg [dreg:$0x2]  }
0x4: {  	s1 =	rddreg [dreg:$0x3];
	s3 =	simm.s32 $0x0;
	s13 =	simm.s32 $0x6800  }
0x5: {  	s14 =	simm.s32 $0x80;
	s15 =	simm.s32 $0x6880;
	s5 =	sand.u32 $0x1, s0  }
0x6: {  	s16 =	simm.s32 $0x6900;
	s0 =	stileid.u32;
	s6 =	smul.u32 $0xA0000, s5  }
0x7: {  	s17 =	simm.s32 $0x6980;
	s18 =	simm.s32 $0x1;
	s7 =	smul.u32 $0xA000, s0  }
0x8: {  	s19 =	simm.s32 $0x3;
	s20 =	simm.s32 $0x4;
	s30 =	smul.u32 $0x28000, s0  }
0x9: {  	s21 =	simm.s32 $0x2;
	s22 =	simm.s32 $0x0;
	s9 =	smul.u32 $0x50000, s5  }
0xa: {  	[smem:$0x7FF] =	sst s3;
	s5 =	ssub.s32 $0x2, s5;
	s10 =	smul.u32 $0x5000, s0  }
0xb: {  	_ =	strace $0x8000004A;
	s31 =	sshrl.u32 s5, $0x1;
	s6 =	sadd.s32 s7, s6  }
0xc: {  	s7 =	sshrl.u32 s30, $0x2;
	s12 =	ssub.s32 s5, s31;
	s9 =	sadd.s32 s10, s9  }
0xd: {  	s6 =	sshrl.u32 s6, $0x3;
	s9 =	sshrl.u32 s9, $0x3;
	s10 =	smax.u32 s12, $0x1  }
0xe: {  	s12 =	simm.s32 $0x5;
	s11 =	sadd.s32 s6, s4;
	s4 =	sadd.s32 s7, s2  }
0xf: {  	s8 =	sadd.s32 s8, s9;
	s5 =	sadd.s32 $0x2800, s4;
	s6 =	sadd.s32 $0x5000, s4  }
0x10: {  	v0 =	vimm.f32 $0.0e+00;
	v1 =	vimm.f32 $1.000000000e+00;
	s7 =	sadd.s32 $0x7800, s4;
	s9 =	sadd.s32 $0x1A3000, s11;
	s11 =	simm.s32 $0x4000  }
.LBB2_1:
0x11: {  	s23 =	simm.s32 $0x0;
	s24 =	simm.s32 $0x200  }
.LBB2_2:
0x12: {  	p0 =	sne.s32 s24, $0x9E00;
	[tilespmem:s23+$0x4070] =	vst v0  }
0x13: {  	[tilespmem:s23+$0x4000] =	vst v0  }
0x14: {  	[tilespmem:s23+$0x4010] =	vst v0  }
.Ltmp0:
0x15: {  	[tilespmem:s23+$0x4020] =	vst v0;
	(pc) =	sbr.rel @p0 .LBB2_2-.Ltmp0, $4  }
0x16: {  	[tilespmem:s23+$0x4030] =	vst v0  }
0x17: {  	[tilespmem:s23+$0x4040] =	vst v0  }
0x18: {  	[tilespmem:s23+$0x4050] =	vst v0  }
0x19: {  	[tilespmem:s23+$0x4060] =	vst v0;
	s23 =	sshra.s32 s24, $0x2;
	s24 =	sadd.s32 $0x200, s24  }
0x1a: {  	[tilespmem:s23+$0x4070] =	vst v0  }
0x1b: {  	[tilespmem:s23+$0x4000] =	vst v0  }
0x1c: {  	[tilespmem:s23+$0x4010] =	vst v0  }
0x1d: {  	[tilespmem:s23+$0x4020] =	vst v0  }
0x1e: {  	[tilespmem:s23+$0x4030] =	vst v0  }
0x1f: {  	[tilespmem:s23+$0x4040] =	vst v0  }
0x20: {  	[tilespmem:s23+$0x4050] =	vst v0  }
0x21: {  	[tilespmem:s23+$0x4060] =	vst v0;
	s23 =	simm.s32 $0x0;
	s24 =	simm.s32 $0x200  }
.LBB2_4:
0x22: {  	p0 =	sne.s32 s24, $0xFE00;
	[tilespmem:s23+$0x70] =	vst v1  }
0x23: {  	[tilespmem:s23+$0x0] =	vst v1  }
0x24: {  	[tilespmem:s23+$0x10] =	vst v1  }
.Ltmp1:
0x25: {  	[tilespmem:s23+$0x20] =	vst v1;
	(pc) =	sbr.rel @p0 .LBB2_4-.Ltmp1, $4  }
0x26: {  	[tilespmem:s23+$0x30] =	vst v1  }
0x27: {  	[tilespmem:s23+$0x40] =	vst v1  }
0x28: {  	[tilespmem:s23+$0x50] =	vst v1  }
0x29: {  	[tilespmem:s23+$0x60] =	vst v1;
	s23 =	sshra.s32 s24, $0x2;
	s24 =	sadd.s32 $0x200, s24  }
0x2a: {  	[tilespmem:s23+$0x70] =	vst v1  }
0x2b: {  	[tilespmem:s23+$0x0] =	vst v1  }
0x2c: {  	[tilespmem:s23+$0x10] =	vst v1  }
0x2d: {  	[tilespmem:s23+$0x20] =	vst v1  }
0x2e: {  	[tilespmem:s23+$0x30] =	vst v1  }
0x2f: {  	[tilespmem:s23+$0x40] =	vst v1  }
0x30: {  	[tilespmem:s23+$0x50] =	vst v1  }
0x31: {  	[tilespmem:s23+$0x60] =	vst v1  }
0x32: {  	[spmem:s4] =	stream.linear.scatter [tilespmem:s11], [sflag:$0x5], $0x2800, $0x38;
	[tilespmem:$0x15800] =	vst v63  }
0x33: {  	_ =	swait.ge [sflag:s12], $0x2800  }
0x34: {  	[sflag:s12] =	ssyncset.done $0x0  }
0x35: {  	[sflag:s12] =	ssyncadd.s32 $0xFFFFD800  }
0x36: {  	[spmem:s5] =	stream.linear.scatter [tilespmem:s11], [sflag:$0x5], $0x2800, $0x38;
	[tilespmem:$0x15800] =	vst v63  }
0x37: {  	_ =	swait.ge [sflag:s12], $0x2800  }
0x38: {  	[sflag:s12] =	ssyncset.done $0x0  }
0x39: {  	[sflag:s12] =	ssyncadd.s32 $0xFFFFD800  }
0x3a: {  	[spmem:s6] =	stream.linear.scatter [tilespmem:s11], [sflag:$0x5], $0x2800, $0x38;
	[tilespmem:$0x15800] =	vst v63  }
0x3b: {  	_ =	swait.ge [sflag:s12], $0x2800  }
0x3c: {  	[sflag:s12] =	ssyncset.done $0x0  }
0x3d: {  	[sflag:s12] =	ssyncadd.s32 $0xFFFFD800  }
0x3e: {  	[spmem:s7] =	stream.linear.scatter [tilespmem:s11], [sflag:$0x5], $0x2800, $0x38;
	[tilespmem:$0x15800] =	vst v63  }
0x3f: {  	_ =	swait.ge [sflag:s12], $0x2800  }
0x40: {  	[sflag:s12] =	ssyncset.done $0x0  }
0x41: {  	[sflag:s12] =	ssyncadd.s32 $0xFFFFD800  }
0x42: {  	[bflag:$0x0] =	sbarrier.arrive $0xFFFF  }
0x43: {  	[tilespmem:s13], [sflag:$0x5] =	stream.linear.gather [hbm4b:s8+s3], $0x4F00, $0x38;
	[tilespmem:$0x15800] =	vst v63  }
0x44: {  	_ =	swait.ge [sflag:s12], $0x4F00  }
0x45: {  	[sflag:s12] =	ssyncset.done $0x0  }
0x46: {  	[sflag:s12] =	ssyncadd.s32 $0xFFFFB100  }
0x47: {  	[spmem:s2] =	stream.indirect.scatter.add.f32 [tilespmem:s3], [sflag:$0x1], $0x80, s13, s14, $0xb8;
	[tilespmem:$0x15800] =	vst v63  }
0x48: {  	_ = 	snop  }
0x49: {  	[spmem:s2] =	stream.indirect.scatter.add.f32 [tilespmem:s3], [sflag:$0x2], $0x80, s15, s14, $0xb8;
	[tilespmem:$0x15800] =	vst v63  }
0x4a: {  	_ = 	snop  }
0x4b: {  	[spmem:s2] =	stream.indirect.scatter.add.f32 [tilespmem:s3], [sflag:$0x3], $0x80, s16, s14, $0xb8;
	[tilespmem:$0x15800] =	vst v63  }
0x4c: {  	s23 =	simm.s32 $0x4;
	s24 =	simm.s32 $0x6A00  }
0x4d: {  	[spmem:s2] =	stream.indirect.scatter.add.f32 [tilespmem:s3], [sflag:$0x4], $0x80, s17, s14, $0xb8;
	[tilespmem:$0x15800] =	vst v63  }
.LBB2_6:
0x4e: {  	s25 =	sand.u32 $0x3, s23  }
0x4f: {  	p0 =	sgt.s32 s25, $0x1  }
0x50: {  	p1 =	seq.s32 @p0 s25, $0x2  }
0x51: {  	p2 =	seq.s32 @!p0 s25, $0x0;
	p1 =	por !p1, !p0  }
0x52: {  	s25 =	simm.s32 $0x1;
	p2 =	por !p2, p0;
	s26 =	simm.s32 @!p1 $0x3  }
0x53: {  	s23 =	sadd.s32 $0x1, s23;
	s25 =	simm.s32 @p2 $0x2;
	s26 =	simm.s32 @p1 $0x4  }
0x54: {  	s25 =	smov.u32 @p0 s26;
	p0 =	sne.s32 s23, $0x9E  }
.Ltmp2:
0x55: {  	_ =	swait.ge [sflag:s25], $0x4000;
	(pc) =	sbr.rel @p0 .LBB2_6-.Ltmp2, $4  }
0x56: {  	[sflag:s25] =	ssyncset.done $0x0  }
0x57: {  	[sflag:s25] =	ssyncadd.s32 $0xFFFFC000  }
0x58: {  	[spmem:s2] =	stream.indirect.scatter.add.f32 [tilespmem:s3], [sflag:s25], $0x80, s24, s14, $0xb8;
	[tilespmem:$0x15800] =	vst v63  }
0x59: {  	s24 =	sadd.s32 $0x80, s24  }
0x5a: {  	_ =	swait.ge [sflag:s19], $0x4000  }
0x5b: {  	[sflag:s19] =	ssyncset.done $0x0  }
0x5c: {  	[sflag:s19] =	ssyncadd.s32 $0xFFFFC000  }
0x5d: {  	_ =	swait.ge [sflag:s20], $0x4000  }
0x5e: {  	[sflag:s20] =	ssyncset.done $0x0  }
0x5f: {  	[sflag:s20] =	ssyncadd.s32 $0xFFFFC000  }
0x60: {  	_ =	swait.ge [sflag:s18], $0x4000  }
0x61: {  	[sflag:s18] =	ssyncset.done $0x0  }
0x62: {  	[sflag:s18] =	ssyncadd.s32 $0xFFFFC000  }
0x63: {  	_ =	swait.ge [sflag:s21], $0x4000  }
0x64: {  	s23 =	sshll.u32 s0, $0x6;
	s22 =	sadd.s32 $0x1, s22;
	[sflag:s21] =	ssyncset.done $0x0  }
0x65: {  	s24 =	sshrl.u32 s4, $0x3;
	p0 =	sne.s32 s22, s10;
	[sflag:s21] =	ssyncadd.s32 $0xFFFFC000  }
.Ltmp3:
0x66: {  	s23 =	sor.u32 $0x1C05, s23;
	[bflag:$0x0] =	sbarrier.arrive $0xFFFF;
	(pc) =	sbr.rel @p0 .LBB2_1-.Ltmp3, $4  }
0x67: {  	[hbm:s9], [sflag:s23] =	dma.local [spmem:s24], $0x1400  }
0x68: {  	_ =	swait.ge [sflag:s12], $0x1400  }
0x69: {  	[sflag:s12] =	ssyncset.done $0x0  }
0x6a: {  	[sflag:s12] =	ssyncadd.s32 $0xFFFFEC00  }
0x6b: {  	_ =	sfence.sel $0x180000  }
0x6c: {  	[bflag:$0x0] =	sbarrier.arrive $0xFFFF  }
0x6d: {  	p0 =	sne.s32 s0, $0x0;
	_ =	strace $0x9000004A  }
0x6e: {  	s0 =	sadd.s32 @!p0 $0x100000, s1;
	[bflag:$0x2] =	sbarrier.arrive $0xFFFF  }
0x6f: {  	[sflag:s0] =	ssyncadd.tile.s32 @!p0 $0x1;
	_ =	shalt  }
.Lfunc_end2:
_tile_overlayer_lowered:
.L_overlay_start_2:
0x70: {  	(tag) =	ssettag $0x2  }
0x71: {  	s0 =	rddreg [dreg:$0x0];
	s2 =	stileid.u32  }
0x72: {  	s1 =	rddreg [dreg:$0x1];
	p0 =	sne.s32 s2, $0x0  }
0x73: {  	s3 =	rddreg [dreg:$0x2];
	[bflag:$0x3] =	sbarrier.arrive $0xFFFF;
	s2 =	simm.s32 @!p0 $0x1C05  }
0x74: {  	[timem:s3], [sflag:s2] =	dma.local @!p0 [hbm:s0], s1  }
0x75: {  	s0 =	simm.s32 @!p0 $0x5  }
0x76: {  	_ =	swait.ge @!p0 [sflag:s0], s1  }
0x77: {  	s1 =	ssub.s32 @!p0 $0x0, s1;
	[sflag:s0] =	ssyncset.done @!p0 $0x0  }
0x78: {  	[sflag:s0] =	ssyncadd.s32 @!p0 s1  }
0x79: {  	[bflag:$0x3] =	sbarrier.arrive $0xFFFF  }
0x7a: {  	_ =	shalt  }

// kernel: kernel.18.cloned.1.call-start
scs
__scs_entry_jumppad:
0x0: {  	(pc) =	sbr.rel $0x88, $3  }
0x1: {  	(tag) =	ssettag $0x0;
	lr =	simm.s32 $0x1  }
0x2: {  	[smem:$0x3F9B] =	sst lr;
	_ =	strace $0xD0000000  }
0x3: {  	_ = 	snop  }
0x4: {  	_ = 	snop  }
0x5: {  	_ = 	snop  }
0x6: {  	_ = 	snop  }
0x7: {  	_ = 	snop  }
__scs_overlays_trampoline_lowered:
0x8: {  	[smem:$0x3FAA] =	sst s0  }
0x9: {  	[smem:$0x3FAB] =	sst s1  }
0xa: {  	[smem:$0x3FAC] =	sst s2  }
0xb: {  	[smem:$0x3FAD] =	sst s3  }
0xc: {  	[smem:$0x3FAE] =	sst s4  }
0xd: {  	[smem:$0x3FAF] =	sst s5  }
0xe: {  	[smem:$0x3FB0] =	sst s6  }
0xf: {  	[smem:$0x3FB1] =	sst s7  }
0x10: {  	[smem:$0x3FB2] =	sst s8  }
0x11: {  	[smem:$0x3FB3] =	sst s9;
	s0 =	simm.s32 @!p0 $0x0  }
0x12: {  	s1 =	sld [smem:$0x3F99];
	s0 =	simm.s32 @p0 $0x1  }
0x13: {  	[smem:$0x3FB4] =	sst s0;
	s0 =	simm.s32 @!p1 $0x0  }
0x14: {  	s2 =	sld [smem:$0x3F98];
	s0 =	simm.s32 @p1 $0x1  }
0x15: {  	[smem:$0x3FB5] =	sst s0;
	s0 =	simm.s32 @!p2 $0x0  }
0x16: {  	s3 =	sld [smem:$0x3FDB];
	s0 =	simm.s32 @p2 $0x1  }
0x17: {  	s4 =	simm.s32 $0x1BF5;
	[smem:$0x3FB7] =	sst s0  }
0x18: {  	s0 =	sld [smem:$0x3F9A];
	_ =	swait.ge [sflag:s4], $0x0  }
0x19: {  	s7 =	sld [smem:$0x3F9B]  }
0x1a: {  	s8 =	sadd.s32 $0xFFFFE003, lr  }
0x1b: {  	s9 =	sadd.s32 $0xFFFFFEF7, lr;
	s5 =	simm.s32 $0xFFFFFFFF;
	p2 =	slt.u32 s8, $0xFFFFF086  }
0x1c: {  	p1 =	slt.u32 s9, $0xF7A;
	s5 =	simm.s32 @!p2 $0x0  }
0x1d: {  	s5 =	simm.s32 @p1 $0x1;
	p0 =	seq.s32 s7, s2  }
0x1e: {  	s7 =	smul.u32 @!p0 $0xF7A, s2;
	p2 =	seq.s32 @!p0 s5, $0x0  }
0x1f: {  	s9 =	smul.u32 $0xF7A, s1;
	s8 =	simm.s32 @!p0 $0x1BF5;
	p2 =	por !p2, p0  }
0x20: {  	[sflag:s8] =	ssyncset.s32 @!p0 $0xFFFFF086;
	s6 =	sadd.s32 @!p0 s3, s7;
	s7 =	simm.s32 @!p0 $0x108  }
0x21: {  	s3 =	sadd.s32 s3, s9;
	s6 =	sadd.s32 @!p0 $0x88, s6;
	s7 =	simm.s32 @p2 $0x1082  }
0x22: {  	[simem:s7], [sflag:s8] =	dma.local @!p0 [hbm:s6], $0xF7A  }
0x23: {  	s9 =	sor.u32 $0xD0000000, s2;
	s6 =	simm.s32 $0x108;
	_ =	swait.ge @!p0 [sflag:s8], $0x0  }
0x24: {  	s3 =	sadd.s32 $0x88, s3;
	s6 =	simm.s32 @!p1 $0x1082;
	[sflag:s4] =	ssyncset.s32 $0xFFFFF086  }
0x25: {  	[simem:s6], [sflag:s4] =	dma.local [hbm:s3], $0xF7A  }
0x26: {  	[smem:$0x3F9B] =	sst s1;
	(tag) =	ssettag s2;
	_ =	strace s9  }
0x27: {  	s1 =	sld [smem:$0x3FAB]  }
0x28: {  	s2 =	sld [smem:$0x3FAC]  }
0x29: {  	s4 =	sld [smem:$0x3FAE]  }
0x2a: {  	p0 =	seq.s32 s5, $0x0;
	s5 =	sld [smem:$0x3FAF]  }
0x2b: {  	s6 =	sld [smem:$0x3FB0]  }
0x2c: {  	s7 =	sld [smem:$0x3FB1]  }
0x2d: {  	s3 =	simm.s32 $0x108;
	s8 =	sld [smem:$0x3FB2]  }
0x2e: {  	s3 =	simm.s32 @!p0 $0x1082;
	s9 =	sld [smem:$0x3FB3]  }
0x2f: {  	lr =	sadd.s32 s0, s3;
	s0 =	sld [smem:$0x3FAA]  }
0x30: {  	s3 =	sld [smem:$0x3FAD]  }
0x31: {  	[smem:$0x3FB6] =	sst s10  }
0x32: {  	s10 =	sld [smem:$0x3FB4];
	_ =	sdelay $0x3  }
0x33: {  	p0 =	seq.s32 s10, $0x1;
	s10 =	sld [smem:$0x3FB6];
	_ =	sdelay $0x3  }
0x34: {  	[smem:$0x3FB6] =	sst s10  }
0x35: {  	s10 =	sld [smem:$0x3FB5];
	_ =	sdelay $0x3  }
0x36: {  	p1 =	seq.s32 s10, $0x1;
	s10 =	sld [smem:$0x3FB6];
	_ =	sdelay $0x3  }
0x37: {  	[smem:$0x3FB6] =	sst s10  }
0x38: {  	s10 =	sld [smem:$0x3FB7]  }
0x39: {  	_ = 	snop;
	(pc) =	sbr.ind lr, $3  }
0x3a: {  	_ = 	snop  }
0x3b: {  	_ = 	snop  }
0x3c: {  	p2 =	seq.s32 s10, $0x1;
	s10 =	sld [smem:$0x3FB6]  }
0x3d: {  	_ =	shalt  }
0x3e: {  	_ =	shalt  }
0x3f: {  	_ =	shalt  }
0x40: {  	_ =	shalt  }
0x41: {  	_ =	shalt  }
0x42: {  	_ =	shalt  }
0x43: {  	_ =	shalt  }
0x44: {  	_ =	shalt  }
0x45: {  	_ =	shalt  }
0x46: {  	_ =	shalt  }
0x47: {  	_ =	shalt  }
0x48: {  	_ =	shalt  }
0x49: {  	_ =	shalt  }
0x4a: {  	_ =	shalt  }
0x4b: {  	_ =	shalt  }
0x4c: {  	_ =	shalt  }
0x4d: {  	_ =	shalt  }
0x4e: {  	_ =	shalt  }
0x4f: {  	_ =	shalt  }
0x50: {  	_ =	shalt  }
0x51: {  	_ =	shalt  }
0x52: {  	_ =	shalt  }
0x53: {  	_ =	shalt  }
0x54: {  	_ =	shalt  }
0x55: {  	_ =	shalt  }
0x56: {  	_ =	shalt  }
0x57: {  	_ =	shalt  }
0x58: {  	_ =	shalt  }
0x59: {  	_ =	shalt  }
0x5a: {  	_ =	shalt  }
0x5b: {  	_ =	shalt  }
0x5c: {  	_ =	shalt  }
0x5d: {  	_ =	shalt  }
0x5e: {  	_ =	shalt  }
0x5f: {  	_ =	shalt  }
0x60: {  	_ =	shalt  }
0x61: {  	_ =	shalt  }
0x62: {  	_ =	shalt  }
0x63: {  	_ =	shalt  }
0x64: {  	_ =	shalt  }
0x65: {  	_ =	shalt  }
0x66: {  	_ =	shalt  }
0x67: {  	_ =	shalt  }
0x68: {  	_ =	shalt  }
0x69: {  	_ =	shalt  }
0x6a: {  	_ =	shalt  }
0x6b: {  	_ =	shalt  }
0x6c: {  	_ =	shalt  }
0x6d: {  	_ =	shalt  }
0x6e: {  	_ =	shalt  }
0x6f: {  	_ =	shalt  }
0x70: {  	_ =	shalt  }
0x71: {  	_ =	shalt  }
0x72: {  	_ =	shalt  }
0x73: {  	_ =	shalt  }
0x74: {  	_ =	shalt  }
0x75: {  	_ =	shalt  }
0x76: {  	_ =	shalt  }
0x77: {  	_ =	shalt  }
0x78: {  	_ =	shalt  }
0x79: {  	_ =	shalt  }
0x7a: {  	_ =	shalt  }
0x7b: {  	_ =	shalt  }
0x7c: {  	_ =	shalt  }
0x7d: {  	_ =	shalt  }
0x7e: {  	_ =	shalt  }
0x7f: {  	_ =	shalt  }
0x80: {  	_ =	shalt  }
0x81: {  	_ =	shalt  }
0x82: {  	_ =	shalt  }
0x83: {  	_ =	shalt  }
0x84: {  	_ =	shalt  }
0x85: {  	_ =	shalt  }
0x86: {  	_ =	shalt  }
0x87: {  	_ =	shalt  }
.Lfunc_end0:
.L_simem_size_0:
called_computation.1_lowered:
.L_overlay_start_0:
0x88: {  	s2 =	sld [smem:$0x3FD9]  }
0x89: {  	s3 =	sld [smem:$0x3FFE];
	_ =	sdelay $0x1  }
0x8a: {  	s1 =	srdreg.scid  }
0x8b: {  	s0 =	sand.u32 $0x1, s1  }
0x8c: {  	s17 =	sshll.u32 s0, $0xA;
	s2 =	sadd.s32 s3, s2  }
0x8d: {  	s2 =	sadd.s32 s2, s17  }
0x8e: {  	[smem:$0x3FC2] =	sst s2  }
0x8f: {  	_ = 	snop  }
0x90: {  	s2 =	sld [smem:$0x3FD0];
	(tm) =	ssettm $0x1  }
0x91: {  	s18 =	sld [smem:$0x3FFB];
	_ =	sdelay $0x3  }
0x92: {  	_ =	strace s18  }
0x93: {  	s3 =	sld [smem:$0x3FFC];
	_ =	sdelay $0x3  }
0x94: {  	_ =	strace s3  }
0x95: {  	s3 =	sld [smem:$0x3FFD];
	_ =	sdelay $0x3  }
0x96: {  	_ =	strace s3  }
0x97: {  	_ =	strace $0x8FFFFFFF  }
0x98: {  	s19 =	sld [smem:$0x3FDB];
	_ =	sdelay $0x1  }
0x99: {  	s4 =	simm.s32 $_scs_section_size  }
0x9a: {  	s5 =	simm.s32 $_size__tile_overlayer_lowered;
	s6 =	simm.s32 $_tile_overlayer_lowered  }
0x9b: {  	s22 =	simm.s32 $0x1BFF;
	s21 =	sshll.u32 s6, $0x1;
	s3 =	sadd.s32 s4, s19  }
0x9c: {  	s7 =	simm.s32 $0x0;
	s20 =	sshll.u32 s5, $0x1;
	s5 =	sadd.s32 s21, s3  }
0x9d: {  	[timem:s7], [sflag:s22] =	dma.local [hbm:s5], s20  }
0x9e: {  	_ =	swait.ge [sflag:s22], s20  }
0x9f: {  	s4 =	ssub.s32 $0x0, s20;
	[sflag:s22] =	ssyncset.done $0x0  }
0xa0: {  	[sflag:s22] =	ssyncadd.s32 s4;
	_ =	sdelay $0x1  }
0xa1: {  	s23 =	simm.s32 $0x1B8B  }
0xa2: {  	_ =	swait.ge [sflag:s23], $0x1  }
0xa3: {  	[sflag:s23] =	ssyncset.done $0x0  }
0xa4: {  	s25 =	simm.s32 $0x1B8E;
	s24 =	sld [smem:$0x3FFE];
	[sflag:s23] =	ssyncadd.s32 $0xFFFFFFFF  }
0xa5: {  	s26 =	simm.s32 $execute0_lowered;
	[smem:$0x3FD2] =	sst s25  }
0xa6: {  	s5 =	sshll.u32 s26, $0x1;
	_ =	strace $0x80000046;
	[dreg:$0x1] =	wrdreg $0xFFFFFFFF  }
0xa7: {  	s28 =	simm.s32 $_size_execute0_lowered;
	s3 =	sadd.s32 s3, s5;
	[dreg:$0x0] =	wrdreg $0x0  }
0xa8: {  	s5 =	sshll.u32 s28, $0x1;
	[dreg:$0x2] =	wrdreg s3  }
0xa9: {  	[dreg:$0x3] =	wrdreg s5  }
0xaa: {  	[dreg:$0x4] =	wrdreg $0xC0  }
0xab: {  	_ =	task [dreg:s7], $0x5FFFF  }
0xac: {  	[dreg:$0x1] =	wrdreg $0xFFFFFFFF  }
0xad: {  	[dreg:$0x0] =	wrdreg $0x60  }
0xae: {  	[dreg:$0x2] =	wrdreg s24  }
0xaf: {  	[dreg:$0x3] =	wrdreg s2  }
0xb0: {  	[dreg:$0x4] =	wrdreg $0x160000  }
0xb1: {  	[dreg:$0x5] =	wrdreg $0xA  }
0xb2: {  	_ =	task.clear_ibuf [dreg:s7], $0x6FFFF;
	_ =	strace $0x90000046  }
0xb3: {  	s29 =	simm.s32 $0xA;
	_ =	strace $0x80000048  }
0xb4: {  	_ =	swait.ge [sflag:s29], $0x1  }
0xb5: {  	[sflag:s29] =	ssyncadd.s32 $0xFFFFFFFF  }
0xb6: {  	_ =	strace $0x90000048  }
0xb7: {  	_ =	sfence  }
0xb8: {  	s30 =	sld [smem:$0x0];
	_ =	sdelay $0x2  }
0xb9: {  	s31 =	sshll.u32 s1, $0xD;
	s1 =	sshrl.u32 s1, $0x2  }
0xba: {  	s3 =	sand.u32 $0x4000, s31;
	s1 =	sadd.s32 s1, s30  }
0xbb: {  	s0 =	sor.u32 s3, s0;
	s1 =	sshll.u32 s1, $0x11  }
0xbc: {  	s0 =	sor.u32 s1, s0  }
0xbd: {  	s0 =	sadd.s32 $0x8F2B, s0  }
0xbe: {  	[sflag:s0] =	ssyncadd.remote.s32 $0x1  }
0xbf: {  	_ =	sfence.sel $0xFFFF  }
0xc0: {  	[dreg:$0x0] =	wrdreg $0xFFFFFFFF;
	(pc) =	sbr.abs _section_cstart, $3  }
0xc1: {  	[dreg:$0x1] =	wrdreg $0xFFFFFFFF  }
0xc2: {  	_ =	task.clear_ibuf [dreg:s7], $0x2FFFF;
	_ =	strace $0x9FFFFFFF  }
0xc3: {  	(tm) =	ssettm $0x7FFFFFFF  }
tec
execute0_lowered:
.L_overlay_start_1:
0x0: {  	(tag) =	ssettag $0x1  }
0x1: {  	s0 =	rddreg [dreg:$0x0]  }
0x2: {  	s1 =	rddreg [dreg:$0x1]  }
0x3: {  	s9 =	stileid.u32;
	s3 =	srdreg.scid  }
0x4: {  	s2 =	rddreg [dreg:$0x2];
	s13 =	simm.s32 $0xA;
	s14 =	simm.s32 $0x40  }
0x5: {  	s16 =	simm.s32 $0x80;
	s17 =	simm.s32 $0xE000;
	s20 =	simm.s32 $0x5  }
0x6: {  	s21 =	simm.s32 $0x6;
	s22 =	simm.s32 $0x12000;
	s23 =	simm.s32 $0x9  }
0x7: {  	s24 =	simm.s32 $0x7;
	s25 =	simm.s32 $0x8;
	s7 =	smul.u32 $0x5000, s9  }
0x8: {  	s28 =	simm.s32 $0x4;
	s29 =	simm.s32 $0x1;
	s6 =	smul.u32 $0xA000, s9  }
0x9: {  	s5 =	sand.u32 $0x1, s3;
	s3 =	simm.s32 $0x0;
	s9 =	smul.u32 $0x28000, s9  }
0xa: {  	s30 =	simm.s32 $0x2;
	s4 =	smul.u32 $0xA0000, s5;
	[smem:$0x7FF] =	sst s3  }
0xb: {  	s10 =	ssub.s32 $0x2, s5;
	s11 =	smul.u32 $0x50000, s5;
	_ =	strace $0x80000047  }
0xc: {  	s8 =	sshrl.u32 s7, $0x3;
	s9 =	sshrl.u32 s9, $0x2;
	s26 =	sshrl.u32 s10, $0x1  }
0xd: {  	s6 =	sadd.s32 s6, s4;
	s4 =	sadd.s32 $0x3B000, s0;
	s8 =	sadd.s32 s8, s0  }
.Ltmp0:
0xe: {  	s5 =	sadd.s32 s9, s2;
	s12 =	ssub.s32 s10, s26;
	(pc) =	sbr.rel .LBB2_1-.Ltmp0, $4  }
0xf: {  	s31 =	sadd.s32 s7, s11;
	s26 =	simm.s32 $0x3;
	s6 =	sshrl.u32 s6, $0x3  }
0x10: {  	s7 =	sadd.s32 $0x8000, s5;
	s8 =	sadd.s32 $0x9000, s8;
	s9 =	sshrl.u32 s31, $0x3  }
0x11: {  	s11 =	smax.u32 s12, $0x1;
	s12 =	simm.s32 $0xA000;
	s0 =	sadd.s32 s6, s0  }
0x12: {  	v0 =	vimm.f32 $0.0e+00;
	s6 =	sadd.s32 $0x4000, s5;
	s9 =	sadd.s32 s1, s9;
	s10 =	sadd.s32 $0x17B000, s0  }
.LBB2_10:
0x13: {  	_ =	swait.ge [sflag:s23], $0x4000  }
0x14: {  	[sflag:s23] =	ssyncset.done $0x0  }
0x15: {  	[sflag:s23] =	ssyncadd.s32 $0xFFFFC000  }
0x16: {  	_ =	swait.ge [sflag:s24], $0x4000  }
0x17: {  	[sflag:s24] =	ssyncset.done $0x0  }
0x18: {  	[sflag:s24] =	ssyncadd.s32 $0xFFFFC000  }
0x19: {  	s0 =	stileid.u32;
	_ =	swait.ge [sflag:s25], $0x4000  }
0x1a: {  	s1 =	sshrl.u32 s5, $0x3;
	s3 =	sadd.s32 $0x1, s3;
	[sflag:s25] =	ssyncset.done $0x0  }
0x1b: {  	s0 =	sshll.u32 s0, $0x6;
	p0 =	sne.s32 s3, s11;
	[sflag:s25] =	ssyncadd.s32 $0xFFFFC000  }
.Ltmp1:
0x1c: {  	s0 =	sor.u32 $0x1C0A, s0;
	[bflag:$0x0] =	sbarrier.arrive $0xFFFF;
	(pc) =	sbr.rel @!p0 .LBB2_11-.Ltmp1, $4  }
0x1d: {  	[hbm:s10], [sflag:s0] =	dma.local [spmem:s1], $0x1400  }
0x1e: {  	_ =	swait.ge [sflag:s13], $0x1400  }
0x1f: {  	[sflag:s13] =	ssyncset.done $0x0  }
0x20: {  	[sflag:s13] =	ssyncadd.s32 $0xFFFFEC00  }
.LBB2_1:
0x21: {  	s0 =	simm.s32 $0x0;
	s1 =	simm.s32 $0x200  }
.LBB2_2:
0x22: {  	p0 =	sne.s32 s1, $0xFE00;
	[tilespmem:s0+$0xA070] =	vst v0  }
0x23: {  	[tilespmem:s0+$0xA000] =	vst v0  }
0x24: {  	[tilespmem:s0+$0xA010] =	vst v0  }
.Ltmp2:
0x25: {  	[tilespmem:s0+$0xA020] =	vst v0;
	(pc) =	sbr.rel @p0 .LBB2_2-.Ltmp2, $4  }
0x26: {  	[tilespmem:s0+$0xA030] =	vst v0  }
0x27: {  	[tilespmem:s0+$0xA040] =	vst v0  }
0x28: {  	[tilespmem:s0+$0xA050] =	vst v0  }
0x29: {  	[tilespmem:s0+$0xA060] =	vst v0;
	s0 =	sshra.s32 s1, $0x2;
	s1 =	sadd.s32 $0x200, s1  }
0x2a: {  	[tilespmem:s0+$0xA070] =	vst v0  }
0x2b: {  	[tilespmem:s0+$0xA000] =	vst v0  }
0x2c: {  	[tilespmem:s0+$0xA010] =	vst v0  }
0x2d: {  	[tilespmem:s0+$0xA020] =	vst v0  }
0x2e: {  	[tilespmem:s0+$0xA030] =	vst v0  }
0x2f: {  	[tilespmem:s0+$0xA040] =	vst v0  }
0x30: {  	[tilespmem:s0+$0xA050] =	vst v0  }
0x31: {  	[tilespmem:s0+$0xA060] =	vst v0  }
0x32: {  	[spmem:s5] =	stream.linear.scatter [tilespmem:s12], [sflag:$0xA], $0x4000, $0x38;
	v63 =	vld [tilespmem:$0x0]  }
0x33: {  	_ =	swait.ge [sflag:s13], $0x4000  }
0x34: {  	[sflag:s13] =	ssyncset.done $0x0  }
0x35: {  	[sflag:s13] =	ssyncadd.s32 $0xFFFFC000  }
0x36: {  	[spmem:s6] =	stream.linear.scatter [tilespmem:s12], [sflag:$0xA], $0x4000, $0x38;
	v63 =	vld [tilespmem:$0x0]  }
0x37: {  	_ =	swait.ge [sflag:s13], $0x4000  }
0x38: {  	[sflag:s13] =	ssyncset.done $0x0  }
0x39: {  	[sflag:s13] =	ssyncadd.s32 $0xFFFFC000  }
0x3a: {  	[spmem:s7] =	stream.linear.scatter [tilespmem:s12], [sflag:$0xA], $0x2000, $0x38;
	v63 =	vld [tilespmem:$0x0]  }
0x3b: {  	_ =	swait.ge [sflag:s13], $0x2000  }
0x3c: {  	[sflag:s13] =	ssyncset.done $0x0  }
0x3d: {  	[sflag:s13] =	ssyncadd.s32 $0xFFFFE000  }
0x3e: {  	s31 =	simm.s32 $0x0;
	[bflag:$0x0] =	sbarrier.arrive $0xFFFF  }
0x3f: {  	[tilespmem:s31], [sflag:$0xA] =	stream.linear.gather [hbm4b:s8+s31], $0x4F00, $0x38;
	v63 =	vld [tilespmem:$0x0]  }
0x40: {  	_ =	swait.ge [sflag:s13], $0x4F00  }
0x41: {  	[sflag:s13] =	ssyncset.done $0x0  }
0x42: {  	s1 =	simm.s32 $0x5000;
	[sflag:s13] =	ssyncadd.s32 $0xFFFFB100  }
0x43: {  	[tilespmem:s1], [sflag:$0xA] =	stream.linear.gather [hbm4b:s9+s31], $0x4F00, $0x38;
	v63 =	vld [tilespmem:$0x0]  }
0x44: {  	_ =	swait.ge [sflag:s13], $0x4F00  }
0x45: {  	[sflag:s13] =	ssyncset.done $0x0  }
0x46: {  	[sflag:s13] =	ssyncadd.s32 $0xFFFFB100  }
0x47: {  	[tilespmem:s12], [sflag:$0x1] =	stream.indirect.gather [hbm4b:s4+s14], $0x80, s31, s14, $0xb8;
	v63 =	vld [tilespmem:$0x0]  }
0x48: {  	s18 =	simm.s32 $0xC000  }
0x49: {  	[tilespmem:s18], [sflag:$0x2] =	stream.indirect.gather [hbm4b:s4+s14], $0x80, s14, s14, $0xb8;
	v63 =	vld [tilespmem:$0x0]  }
.Ltmp3:
0x4a: {  	_ = 	snop;
	(pc) =	sbr.rel .LBB2_4-.Ltmp3, $4  }
0x4b: {  	_ = 	snop  }
0x4c: {  	[tilespmem:s17], [sflag:$0x3] =	stream.indirect.gather [hbm4b:s4+s14], $0x80, s16, s14, $0xb8;
	v63 =	vld [tilespmem:$0x0]  }
0x4d: {  	s19 =	simm.s32 $0xC0;
	s15 =	simm.s32 $0x10000;
	s0 =	simm.s32 $0x140  }
0x4e: {  	[tilespmem:s15], [sflag:$0x4] =	stream.indirect.gather [hbm4b:s4+s14], $0x80, s19, s14, $0xb8;
	v63 =	vld [tilespmem:$0x0]  }
.LBB2_8:
0x4f: {  	p0 =	sgt.u32 s31, $0x9B  }
0x50: {  	s15 =	simm.s32 @!p0 $0x8  }
0x51: {  	_ =	swait.ge @!p0 [sflag:s15], $0x4000  }
0x52: {  	s18 =	simm.s32 @!p0 $0x40;
	[sflag:s15] =	ssyncset.done @!p0 $0x0  }
0x53: {  	s19 =	simm.s32 @!p0 $0xE000;
	[sflag:s15] =	ssyncadd.s32 @!p0 $0xFFFFC000;
	s15 =	sadd.s32 @!p0 $0xFFFFFFC0, s0  }
0x54: {  	[tilespmem:s19], [sflag:$0x3] =	stream.indirect.gather @!p0 [hbm4b:s4+s18], $0x80, s15, s18, $0xb8;
	v63 =	vld [tilespmem:$0x0]  }
0x55: {  	s15 =	simm.s32 @!p0 $0x10000  }
0x56: {  	[tilespmem:s15], [sflag:$0x4] =	stream.indirect.gather @!p0 [hbm4b:s4+s18], $0x80, s0, s18, $0xb8;
	v63 =	vld [tilespmem:$0x0]  }
0x57: {  	_ =	swait.ge [sflag:s20], $0x2000  }
0x58: {  	[sflag:s20] =	ssyncset.done $0x0  }
0x59: {  	[sflag:s20] =	ssyncadd.s32 $0xFFFFE000  }
0x5a: {  	_ =	swait.ge [sflag:s21], $0x2000  }
0x5b: {  	[sflag:s21] =	ssyncset.done $0x0  }
0x5c: {  	[sflag:s21] =	ssyncadd.s32 $0xFFFFE000  }
0x5d: {  	[spmem:s2] =	stream.indirect.scatter.add.f32 [tilespmem:s22], [sflag:$0x9], $0x80, s1, s16, $0xb8;
	v63 =	vld [tilespmem:$0x0]  }
.LBB2_9:
0x5e: {  	s31 =	sadd.s32 $0x1, s31  }
0x5f: {  	p0 =	sne.s32 s31, $0x9E  }
.Ltmp4:
0x60: {  	_ = 	snop;
	(pc) =	sbr.rel @!p0 .LBB2_10-.Ltmp4, $2  }
0x61: {  	_ =	sdelay $0x2  }
0x62: {  	s1 =	sadd.s32 $0x80, s1;
	s0 =	sadd.s32 $0x80, s0  }
.LBB2_4:
0x63: {  	s15 =	smul.u32 $0xAB, s31;
	_ =	sdelay $0x1  }
0x64: {  	s15 =	sshrl.u32 s15, $0x9  }
0x65: {  	s15 =	sand.u32 $0x7F, s15  }
0x66: {  	s15 =	smul.u32 $0x3, s15;
	_ =	sdelay $0x1  }
0x67: {  	s15 =	ssub.s32 s31, s15  }
0x68: {  	s15 =	sand.u32 $0xFF, s15  }
0x69: {  	p0 =	seq.s32 s15, $0x2  }
.Ltmp5:
0x6a: {  	_ = 	snop;
	(pc) =	sbr.rel @p0 .LBB2_8-.Ltmp5, $1  }
0x6b: {  	_ =	sdelay $0x3  }
0x6c: {  	p0 =	seq.s32 s15, $0x1  }
.Ltmp6:
0x6d: {  	_ = 	snop;
	(pc) =	sbr.rel @!p0 .LBB2_6-.Ltmp6, $1  }
0x6e: {  	_ =	sdelay $0x3  }
0x6f: {  	p0 =	sgt.u32 s31, $0x9B  }
0x70: {  	s15 =	simm.s32 @!p0 $0x7  }
0x71: {  	_ =	swait.ge @!p0 [sflag:s15], $0x4000  }
0x72: {  	s18 =	simm.s32 @!p0 $0x40;
	[sflag:s15] =	ssyncset.done @!p0 $0x0  }
0x73: {  	s19 =	simm.s32 @!p0 $0xA000;
	[sflag:s15] =	ssyncadd.s32 @!p0 $0xFFFFC000;
	s15 =	sadd.s32 @!p0 $0xFFFFFFC0, s0  }
0x74: {  	[tilespmem:s19], [sflag:$0x1] =	stream.indirect.gather @!p0 [hbm4b:s4+s18], $0x80, s15, s18, $0xb8;
	v63 =	vld [tilespmem:$0x0]  }
0x75: {  	s15 =	simm.s32 @!p0 $0xC000  }
0x76: {  	[tilespmem:s15], [sflag:$0x2] =	stream.indirect.gather @!p0 [hbm4b:s4+s18], $0x80, s0, s18, $0xb8;
	v63 =	vld [tilespmem:$0x0]  }
0x77: {  	_ =	swait.ge [sflag:s26], $0x2000  }
0x78: {  	[sflag:s26] =	ssyncset.done $0x0  }
.Ltmp7:
0x79: {  	[sflag:s26] =	ssyncadd.s32 $0xFFFFE000;
	(pc) =	sbr.rel .LBB2_9-.Ltmp7, $4  }
0x7a: {  	_ =	swait.ge [sflag:s28], $0x2000  }
0x7b: {  	[sflag:s28] =	ssyncset.done $0x0  }
0x7c: {  	[sflag:s28] =	ssyncadd.s32 $0xFFFFE000  }
0x7d: {  	[spmem:s2] =	stream.indirect.scatter.add.f32 [tilespmem:s17], [sflag:$0x8], $0x80, s1, s16, $0xb8;
	v63 =	vld [tilespmem:$0x0]  }
.LBB2_6:
0x7e: {  	p0 =	sgt.u32 s31, $0x9B  }
0x7f: {  	p1 =	seq.s32 @!p0 s31, $0x0  }
0x80: {  	p1 =	por p1, p0  }
0x81: {  	s15 =	simm.s32 @!p1 $0x9  }
0x82: {  	_ =	swait.ge @!p1 [sflag:s15], $0x4000  }
0x83: {  	s18 =	simm.s32 @!p0 $0x40;
	[sflag:s15] =	ssyncset.done @!p1 $0x0  }
0x84: {  	s19 =	simm.s32 @!p0 $0x12000;
	[sflag:s15] =	ssyncadd.s32 @!p1 $0xFFFFC000;
	s15 =	sadd.s32 @!p0 $0xFFFFFFC0, s0  }
0x85: {  	[tilespmem:s19], [sflag:$0x5] =	stream.indirect.gather @!p0 [hbm4b:s4+s18], $0x80, s15, s18, $0xb8;
	v63 =	vld [tilespmem:$0x0]  }
0x86: {  	s15 =	simm.s32 @!p0 $0x14000  }
0x87: {  	[tilespmem:s15], [sflag:$0x6] =	stream.indirect.gather @!p0 [hbm4b:s4+s18], $0x80, s0, s18, $0xb8;
	v63 =	vld [tilespmem:$0x0]  }
0x88: {  	_ =	swait.ge [sflag:s29], $0x2000  }
0x89: {  	[sflag:s29] =	ssyncset.done $0x0  }
.Ltmp8:
0x8a: {  	[sflag:s29] =	ssyncadd.s32 $0xFFFFE000;
	(pc) =	sbr.rel .LBB2_9-.Ltmp8, $4  }
0x8b: {  	_ =	swait.ge [sflag:s30], $0x2000  }
0x8c: {  	[sflag:s30] =	ssyncset.done $0x0  }
0x8d: {  	[sflag:s30] =	ssyncadd.s32 $0xFFFFE000  }
0x8e: {  	[spmem:s2] =	stream.indirect.scatter.add.f32 [tilespmem:s12], [sflag:$0x7], $0x80, s1, s16, $0xb8;
	v63 =	vld [tilespmem:$0x0]  }
.LBB2_11:
0x8f: {  	_ =	sfence.sel $0x180000  }
0x90: {  	[bflag:$0x0] =	sbarrier.arrive $0xFFFF  }
0x91: {  	_ =	strace $0x90000047  }
0x92: {  	s0 =	stileid.u32;
	[bflag:$0x2] =	sbarrier.arrive $0xFFFF  }
0x93: {  	p0 =	sne.s32 s0, $0x0;
	s0 =	rddreg [dreg:$0x3]  }
0x94: {  	s0 =	sadd.s32 @!p0 $0x100000, s0  }
0x95: {  	[sflag:s0] =	ssyncadd.tile.s32 @!p0 $0x1;
	_ =	shalt  }
.Lfunc_end2:
_tile_overlayer_lowered:
.L_overlay_start_2:
0x96: {  	(tag) =	ssettag $0x2  }
0x97: {  	s0 =	rddreg [dreg:$0x0];
	s2 =	stileid.u32  }
0x98: {  	s1 =	rddreg [dreg:$0x1];
	p0 =	sne.s32 s2, $0x0  }
0x99: {  	s3 =	rddreg [dreg:$0x2];
	[bflag:$0x3] =	sbarrier.arrive $0xFFFF;
	s2 =	simm.s32 @!p0 $0x1C0A  }
0x9a: {  	[timem:s3], [sflag:s2] =	dma.local @!p0 [hbm:s0], s1  }
0x9b: {  	s0 =	simm.s32 @!p0 $0xA  }
0x9c: {  	_ =	swait.ge @!p0 [sflag:s0], s1  }
0x9d: {  	s1 =	ssub.s32 @!p0 $0x0, s1;
	[sflag:s0] =	ssyncset.done @!p0 $0x0  }
0x9e: {  	[sflag:s0] =	ssyncadd.s32 @!p0 s1  }
0x9f: {  	[bflag:$0x3] =	sbarrier.arrive $0xFFFF  }
0xa0: {  	_ =	shalt  }

// kernel: kernel.21.cloned.1.call-start
scs
__scs_entry_jumppad:
0x0: {  	(pc) =	sbr.rel $0x88, $3  }
0x1: {  	(tag) =	ssettag $0x0;
	lr =	simm.s32 $0x1  }
0x2: {  	[smem:$0x3F9B] =	sst lr;
	_ =	strace $0xD0000000  }
0x3: {  	_ = 	snop  }
0x4: {  	_ = 	snop  }
0x5: {  	_ = 	snop  }
0x6: {  	_ = 	snop  }
0x7: {  	_ = 	snop  }
__scs_overlays_trampoline_lowered:
0x8: {  	[smem:$0x3FAA] =	sst s0  }
0x9: {  	[smem:$0x3FAB] =	sst s1  }
0xa: {  	[smem:$0x3FAC] =	sst s2  }
0xb: {  	[smem:$0x3FAD] =	sst s3  }
0xc: {  	[smem:$0x3FAE] =	sst s4  }
0xd: {  	[smem:$0x3FAF] =	sst s5  }
0xe: {  	[smem:$0x3FB0] =	sst s6  }
0xf: {  	[smem:$0x3FB1] =	sst s7  }
0x10: {  	[smem:$0x3FB2] =	sst s8  }
0x11: {  	[smem:$0x3FB3] =	sst s9;
	s0 =	simm.s32 @!p0 $0x0  }
0x12: {  	s1 =	sld [smem:$0x3F99];
	s0 =	simm.s32 @p0 $0x1  }
0x13: {  	[smem:$0x3FB4] =	sst s0;
	s0 =	simm.s32 @!p1 $0x0  }
0x14: {  	s2 =	sld [smem:$0x3F98];
	s0 =	simm.s32 @p1 $0x1  }
0x15: {  	[smem:$0x3FB5] =	sst s0;
	s0 =	simm.s32 @!p2 $0x0  }
0x16: {  	s3 =	sld [smem:$0x3FDB];
	s0 =	simm.s32 @p2 $0x1  }
0x17: {  	s4 =	simm.s32 $0x1BF5;
	[smem:$0x3FB7] =	sst s0  }
0x18: {  	s0 =	sld [smem:$0x3F9A];
	_ =	swait.ge [sflag:s4], $0x0  }
0x19: {  	s7 =	sld [smem:$0x3F9B]  }
0x1a: {  	s8 =	sadd.s32 $0xFFFFE003, lr  }
0x1b: {  	s9 =	sadd.s32 $0xFFFFFEF7, lr;
	s5 =	simm.s32 $0xFFFFFFFF;
	p2 =	slt.u32 s8, $0xFFFFF086  }
0x1c: {  	p1 =	slt.u32 s9, $0xF7A;
	s5 =	simm.s32 @!p2 $0x0  }
0x1d: {  	s5 =	simm.s32 @p1 $0x1;
	p0 =	seq.s32 s7, s2  }
0x1e: {  	s7 =	smul.u32 @!p0 $0xF7A, s2;
	p2 =	seq.s32 @!p0 s5, $0x0  }
0x1f: {  	s9 =	smul.u32 $0xF7A, s1;
	s8 =	simm.s32 @!p0 $0x1BF5;
	p2 =	por !p2, p0  }
0x20: {  	[sflag:s8] =	ssyncset.s32 @!p0 $0xFFFFF086;
	s6 =	sadd.s32 @!p0 s3, s7;
	s7 =	simm.s32 @!p0 $0x108  }
0x21: {  	s3 =	sadd.s32 s3, s9;
	s6 =	sadd.s32 @!p0 $0x88, s6;
	s7 =	simm.s32 @p2 $0x1082  }
0x22: {  	[simem:s7], [sflag:s8] =	dma.local @!p0 [hbm:s6], $0xF7A  }
0x23: {  	s9 =	sor.u32 $0xD0000000, s2;
	s6 =	simm.s32 $0x108;
	_ =	swait.ge @!p0 [sflag:s8], $0x0  }
0x24: {  	s3 =	sadd.s32 $0x88, s3;
	s6 =	simm.s32 @!p1 $0x1082;
	[sflag:s4] =	ssyncset.s32 $0xFFFFF086  }
0x25: {  	[simem:s6], [sflag:s4] =	dma.local [hbm:s3], $0xF7A  }
0x26: {  	[smem:$0x3F9B] =	sst s1;
	(tag) =	ssettag s2;
	_ =	strace s9  }
0x27: {  	s1 =	sld [smem:$0x3FAB]  }
0x28: {  	s2 =	sld [smem:$0x3FAC]  }
0x29: {  	s4 =	sld [smem:$0x3FAE]  }
0x2a: {  	p0 =	seq.s32 s5, $0x0;
	s5 =	sld [smem:$0x3FAF]  }
0x2b: {  	s6 =	sld [smem:$0x3FB0]  }
0x2c: {  	s7 =	sld [smem:$0x3FB1]  }
0x2d: {  	s3 =	simm.s32 $0x108;
	s8 =	sld [smem:$0x3FB2]  }
0x2e: {  	s3 =	simm.s32 @!p0 $0x1082;
	s9 =	sld [smem:$0x3FB3]  }
0x2f: {  	lr =	sadd.s32 s0, s3;
	s0 =	sld [smem:$0x3FAA]  }
0x30: {  	s3 =	sld [smem:$0x3FAD]  }
0x31: {  	[smem:$0x3FB6] =	sst s10  }
0x32: {  	s10 =	sld [smem:$0x3FB4];
	_ =	sdelay $0x3  }
0x33: {  	p0 =	seq.s32 s10, $0x1;
	s10 =	sld [smem:$0x3FB6];
	_ =	sdelay $0x3  }
0x34: {  	[smem:$0x3FB6] =	sst s10  }
0x35: {  	s10 =	sld [smem:$0x3FB5];
	_ =	sdelay $0x3  }
0x36: {  	p1 =	seq.s32 s10, $0x1;
	s10 =	sld [smem:$0x3FB6];
	_ =	sdelay $0x3  }
0x37: {  	[smem:$0x3FB6] =	sst s10  }
0x38: {  	s10 =	sld [smem:$0x3FB7]  }
0x39: {  	_ = 	snop;
	(pc) =	sbr.ind lr, $3  }
0x3a: {  	_ = 	snop  }
0x3b: {  	_ = 	snop  }
0x3c: {  	p2 =	seq.s32 s10, $0x1;
	s10 =	sld [smem:$0x3FB6]  }
0x3d: {  	_ =	shalt  }
0x3e: {  	_ =	shalt  }
0x3f: {  	_ =	shalt  }
0x40: {  	_ =	shalt  }
0x41: {  	_ =	shalt  }
0x42: {  	_ =	shalt  }
0x43: {  	_ =	shalt  }
0x44: {  	_ =	shalt  }
0x45: {  	_ =	shalt  }
0x46: {  	_ =	shalt  }
0x47: {  	_ =	shalt  }
0x48: {  	_ =	shalt  }
0x49: {  	_ =	shalt  }
0x4a: {  	_ =	shalt  }
0x4b: {  	_ =	shalt  }
0x4c: {  	_ =	shalt  }
0x4d: {  	_ =	shalt  }
0x4e: {  	_ =	shalt  }
0x4f: {  	_ =	shalt  }
0x50: {  	_ =	shalt  }
0x51: {  	_ =	shalt  }
0x52: {  	_ =	shalt  }
0x53: {  	_ =	shalt  }
0x54: {  	_ =	shalt  }
0x55: {  	_ =	shalt  }
0x56: {  	_ =	shalt  }
0x57: {  	_ =	shalt  }
0x58: {  	_ =	shalt  }
0x59: {  	_ =	shalt  }
0x5a: {  	_ =	shalt  }
0x5b: {  	_ =	shalt  }
0x5c: {  	_ =	shalt  }
0x5d: {  	_ =	shalt  }
0x5e: {  	_ =	shalt  }
0x5f: {  	_ =	shalt  }
0x60: {  	_ =	shalt  }
0x61: {  	_ =	shalt  }
0x62: {  	_ =	shalt  }
0x63: {  	_ =	shalt  }
0x64: {  	_ =	shalt  }
0x65: {  	_ =	shalt  }
0x66: {  	_ =	shalt  }
0x67: {  	_ =	shalt  }
0x68: {  	_ =	shalt  }
0x69: {  	_ =	shalt  }
0x6a: {  	_ =	shalt  }
0x6b: {  	_ =	shalt  }
0x6c: {  	_ =	shalt  }
0x6d: {  	_ =	shalt  }
0x6e: {  	_ =	shalt  }
0x6f: {  	_ =	shalt  }
0x70: {  	_ =	shalt  }
0x71: {  	_ =	shalt  }
0x72: {  	_ =	shalt  }
0x73: {  	_ =	shalt  }
0x74: {  	_ =	shalt  }
0x75: {  	_ =	shalt  }
0x76: {  	_ =	shalt  }
0x77: {  	_ =	shalt  }
0x78: {  	_ =	shalt  }
0x79: {  	_ =	shalt  }
0x7a: {  	_ =	shalt  }
0x7b: {  	_ =	shalt  }
0x7c: {  	_ =	shalt  }
0x7d: {  	_ =	shalt  }
0x7e: {  	_ =	shalt  }
0x7f: {  	_ =	shalt  }
0x80: {  	_ =	shalt  }
0x81: {  	_ =	shalt  }
0x82: {  	_ =	shalt  }
0x83: {  	_ =	shalt  }
0x84: {  	_ =	shalt  }
0x85: {  	_ =	shalt  }
0x86: {  	_ =	shalt  }
0x87: {  	_ =	shalt  }
.Lfunc_end0:
.L_simem_size_0:
called_computation.2_lowered:
.L_overlay_start_0:
0x88: {  	s2 =	sld [smem:$0x3FD9]  }
0x89: {  	s3 =	sld [smem:$0x3FFE];
	_ =	sdelay $0x1  }
0x8a: {  	s1 =	srdreg.scid  }
0x8b: {  	s0 =	sand.u32 $0x1, s1  }
0x8c: {  	s17 =	sshll.u32 s0, $0xA;
	s2 =	sadd.s32 s3, s2  }
0x8d: {  	s2 =	sadd.s32 s2, s17  }
0x8e: {  	[smem:$0x3FC2] =	sst s2  }
0x8f: {  	_ = 	snop  }
0x90: {  	s2 =	sld [smem:$0x3FD0];
	(tm) =	ssettm $0x1  }
0x91: {  	s18 =	sld [smem:$0x3FFB];
	_ =	sdelay $0x3  }
0x92: {  	_ =	strace s18  }
0x93: {  	s3 =	sld [smem:$0x3FFC];
	_ =	sdelay $0x3  }
0x94: {  	_ =	strace s3  }
0x95: {  	s3 =	sld [smem:$0x3FFD];
	_ =	sdelay $0x3  }
0x96: {  	_ =	strace s3  }
0x97: {  	_ =	strace $0x8FFFFFFF  }
0x98: {  	s19 =	sld [smem:$0x3FDB];
	_ =	sdelay $0x1  }
0x99: {  	s4 =	simm.s32 $_scs_section_size  }
0x9a: {  	s5 =	simm.s32 $_size__tile_overlayer_lowered;
	s6 =	simm.s32 $_tile_overlayer_lowered  }
0x9b: {  	s22 =	simm.s32 $0x1BFF;
	s21 =	sshll.u32 s6, $0x1;
	s3 =	sadd.s32 s4, s19  }
0x9c: {  	s7 =	simm.s32 $0x0;
	s20 =	sshll.u32 s5, $0x1;
	s5 =	sadd.s32 s21, s3  }
0x9d: {  	[timem:s7], [sflag:s22] =	dma.local [hbm:s5], s20  }
0x9e: {  	_ =	swait.ge [sflag:s22], s20  }
0x9f: {  	s4 =	ssub.s32 $0x0, s20;
	[sflag:s22] =	ssyncset.done $0x0  }
0xa0: {  	[sflag:s22] =	ssyncadd.s32 s4;
	_ =	sdelay $0x1  }
0xa1: {  	s23 =	simm.s32 $0x1B8B  }
0xa2: {  	_ =	swait.ge [sflag:s23], $0x1  }
0xa3: {  	[sflag:s23] =	ssyncset.done $0x0  }
0xa4: {  	s25 =	simm.s32 $0x1B8E;
	s24 =	sld [smem:$0x3FFE];
	[sflag:s23] =	ssyncadd.s32 $0xFFFFFFFF  }
0xa5: {  	s26 =	simm.s32 $execute0_lowered;
	[smem:$0x3FD2] =	sst s25  }
0xa6: {  	s5 =	sshll.u32 s26, $0x1;
	_ =	strace $0x8000004C;
	[dreg:$0x1] =	wrdreg $0xFFFFFFFF  }
0xa7: {  	s28 =	simm.s32 $_size_execute0_lowered;
	s3 =	sadd.s32 s3, s5;
	[dreg:$0x0] =	wrdreg $0x0  }
0xa8: {  	s5 =	sshll.u32 s28, $0x1;
	[dreg:$0x2] =	wrdreg s3  }
0xa9: {  	[dreg:$0x3] =	wrdreg s5  }
0xaa: {  	[dreg:$0x4] =	wrdreg $0xC0  }
0xab: {  	_ =	task [dreg:s7], $0x5FFFF  }
0xac: {  	[dreg:$0x1] =	wrdreg $0xFFFFFFFF  }
0xad: {  	[dreg:$0x0] =	wrdreg $0x60  }
0xae: {  	[dreg:$0x2] =	wrdreg s24  }
0xaf: {  	[dreg:$0x3] =	wrdreg s2  }
0xb0: {  	[dreg:$0x4] =	wrdreg $0x160000  }
0xb1: {  	[dreg:$0x5] =	wrdreg $0x9  }
0xb2: {  	_ =	task.clear_ibuf [dreg:s7], $0x6FFFF;
	_ =	strace $0x9000004C  }
0xb3: {  	s29 =	simm.s32 $0x9;
	_ =	strace $0x8000004E  }
0xb4: {  	_ =	swait.ge [sflag:s29], $0x1  }
0xb5: {  	[sflag:s29] =	ssyncadd.s32 $0xFFFFFFFF  }
0xb6: {  	_ =	strace $0x9000004E  }
0xb7: {  	_ =	sfence  }
0xb8: {  	s30 =	sld [smem:$0x0];
	_ =	sdelay $0x2  }
0xb9: {  	s31 =	sshll.u32 s1, $0xD;
	s1 =	sshrl.u32 s1, $0x2  }
0xba: {  	s3 =	sand.u32 $0x4000, s31;
	s1 =	sadd.s32 s1, s30  }
0xbb: {  	s0 =	sor.u32 s3, s0;
	s1 =	sshll.u32 s1, $0x11  }
0xbc: {  	s0 =	sor.u32 s1, s0  }
0xbd: {  	s0 =	sadd.s32 $0x8F2B, s0  }
0xbe: {  	[sflag:s0] =	ssyncadd.remote.s32 $0x1  }
0xbf: {  	_ =	sfence.sel $0xFFFF  }
0xc0: {  	[dreg:$0x0] =	wrdreg $0xFFFFFFFF;
	(pc) =	sbr.abs _section_cstart, $3  }
0xc1: {  	[dreg:$0x1] =	wrdreg $0xFFFFFFFF  }
0xc2: {  	_ =	task.clear_ibuf [dreg:s7], $0x2FFFF;
	_ =	strace $0x9FFFFFFF  }
0xc3: {  	(tm) =	ssettm $0x7FFFFFFF  }
tec
execute0_lowered:
.L_overlay_start_1:
0x0: {  	(tag) =	ssettag $0x1  }
0x1: {  	s0 =	rddreg [dreg:$0x0]  }
0x2: {  	s1 =	rddreg [dreg:$0x1]  }
0x3: {  	s9 =	stileid.u32;
	s3 =	srdreg.scid  }
0x4: {  	s2 =	rddreg [dreg:$0x2];
	s13 =	simm.s32 $0xA;
	s14 =	simm.s32 $0x40  }
0x5: {  	s16 =	simm.s32 $0x80;
	s17 =	simm.s32 $0xE000;
	s20 =	simm.s32 $0x5  }
0x6: {  	s21 =	simm.s32 $0x6;
	s22 =	simm.s32 $0x12000;
	s23 =	simm.s32 $0x9  }
0x7: {  	s24 =	simm.s32 $0x7;
	s25 =	simm.s32 $0x8;
	s7 =	smul.u32 $0x5000, s9  }
0x8: {  	s28 =	simm.s32 $0x4;
	s29 =	simm.s32 $0x1;
	s6 =	smul.u32 $0xA000, s9  }
0x9: {  	s5 =	sand.u32 $0x1, s3;
	s3 =	simm.s32 $0x0;
	s9 =	smul.u32 $0x28000, s9  }
0xa: {  	s30 =	simm.s32 $0x2;
	s4 =	smul.u32 $0xA0000, s5;
	[smem:$0x7FF] =	sst s3  }
0xb: {  	s10 =	ssub.s32 $0x2, s5;
	s11 =	smul.u32 $0x50000, s5;
	_ =	strace $0x8000004D  }
0xc: {  	s8 =	sshrl.u32 s7, $0x3;
	s9 =	sshrl.u32 s9, $0x2;
	s26 =	sshrl.u32 s10, $0x1  }
0xd: {  	s6 =	sadd.s32 s6, s4;
	s4 =	sadd.s32 $0x3B000, s0;
	s8 =	sadd.s32 s8, s0  }
.Ltmp0:
0xe: {  	s5 =	sadd.s32 s9, s2;
	s12 =	ssub.s32 s10, s26;
	(pc) =	sbr.rel .LBB2_1-.Ltmp0, $4  }
0xf: {  	s31 =	sadd.s32 s7, s11;
	s26 =	simm.s32 $0x3;
	s6 =	sshrl.u32 s6, $0x3  }
0x10: {  	s7 =	sadd.s32 $0x8000, s5;
	s8 =	sadd.s32 $0x9000, s8;
	s9 =	sshrl.u32 s31, $0x3  }
0x11: {  	s11 =	smax.u32 s12, $0x1;
	s12 =	simm.s32 $0xA000;
	s0 =	sadd.s32 s6, s0  }
0x12: {  	v0 =	vimm.f32 $0.0e+00;
	s6 =	sadd.s32 $0x4000, s5;
	s9 =	sadd.s32 s1, s9;
	s10 =	sadd.s32 $0x17B000, s0  }
.LBB2_10:
0x13: {  	_ =	swait.ge [sflag:s23], $0x4000  }
0x14: {  	[sflag:s23] =	ssyncset.done $0x0  }
0x15: {  	[sflag:s23] =	ssyncadd.s32 $0xFFFFC000  }
0x16: {  	_ =	swait.ge [sflag:s24], $0x4000  }
0x17: {  	[sflag:s24] =	ssyncset.done $0x0  }
0x18: {  	[sflag:s24] =	ssyncadd.s32 $0xFFFFC000  }
0x19: {  	s0 =	stileid.u32;
	_ =	swait.ge [sflag:s25], $0x4000  }
0x1a: {  	s1 =	sshrl.u32 s5, $0x3;
	s3 =	sadd.s32 $0x1, s3;
	[sflag:s25] =	ssyncset.done $0x0  }
0x1b: {  	s0 =	sshll.u32 s0, $0x6;
	p0 =	sne.s32 s3, s11;
	[sflag:s25] =	ssyncadd.s32 $0xFFFFC000  }
.Ltmp1:
0x1c: {  	s0 =	sor.u32 $0x1C0A, s0;
	[bflag:$0x0] =	sbarrier.arrive $0xFFFF;
	(pc) =	sbr.rel @!p0 .LBB2_11-.Ltmp1, $4  }
0x1d: {  	[hbm:s10], [sflag:s0] =	dma.local [spmem:s1], $0x1400  }
0x1e: {  	_ =	swait.ge [sflag:s13], $0x1400  }
0x1f: {  	[sflag:s13] =	ssyncset.done $0x0  }
0x20: {  	[sflag:s13] =	ssyncadd.s32 $0xFFFFEC00  }
.LBB2_1:
0x21: {  	s0 =	simm.s32 $0x0;
	s1 =	simm.s32 $0x200  }
.LBB2_2:
0x22: {  	p0 =	sne.s32 s1, $0xFE00;
	[tilespmem:s0+$0xA070] =	vst v0  }
0x23: {  	[tilespmem:s0+$0xA000] =	vst v0  }
0x24: {  	[tilespmem:s0+$0xA010] =	vst v0  }
.Ltmp2:
0x25: {  	[tilespmem:s0+$0xA020] =	vst v0;
	(pc) =	sbr.rel @p0 .LBB2_2-.Ltmp2, $4  }
0x26: {  	[tilespmem:s0+$0xA030] =	vst v0  }
0x27: {  	[tilespmem:s0+$0xA040] =	vst v0  }
0x28: {  	[tilespmem:s0+$0xA050] =	vst v0  }
0x29: {  	[tilespmem:s0+$0xA060] =	vst v0;
	s0 =	sshra.s32 s1, $0x2;
	s1 =	sadd.s32 $0x200, s1  }
0x2a: {  	[tilespmem:s0+$0xA070] =	vst v0  }
0x2b: {  	[tilespmem:s0+$0xA000] =	vst v0  }
0x2c: {  	[tilespmem:s0+$0xA010] =	vst v0  }
0x2d: {  	[tilespmem:s0+$0xA020] =	vst v0  }
0x2e: {  	[tilespmem:s0+$0xA030] =	vst v0  }
0x2f: {  	[tilespmem:s0+$0xA040] =	vst v0  }
0x30: {  	[tilespmem:s0+$0xA050] =	vst v0  }
0x31: {  	[tilespmem:s0+$0xA060] =	vst v0  }
0x32: {  	[spmem:s5] =	stream.linear.scatter [tilespmem:s12], [sflag:$0xA], $0x4000, $0x38;
	v63 =	vld [tilespmem:$0x0]  }
0x33: {  	_ =	swait.ge [sflag:s13], $0x4000  }
0x34: {  	[sflag:s13] =	ssyncset.done $0x0  }
0x35: {  	[sflag:s13] =	ssyncadd.s32 $0xFFFFC000  }
0x36: {  	[spmem:s6] =	stream.linear.scatter [tilespmem:s12], [sflag:$0xA], $0x4000, $0x38;
	v63 =	vld [tilespmem:$0x0]  }
0x37: {  	_ =	swait.ge [sflag:s13], $0x4000  }
0x38: {  	[sflag:s13] =	ssyncset.done $0x0  }
0x39: {  	[sflag:s13] =	ssyncadd.s32 $0xFFFFC000  }
0x3a: {  	[spmem:s7] =	stream.linear.scatter [tilespmem:s12], [sflag:$0xA], $0x2000, $0x38;
	v63 =	vld [tilespmem:$0x0]  }
0x3b: {  	_ =	swait.ge [sflag:s13], $0x2000  }
0x3c: {  	[sflag:s13] =	ssyncset.done $0x0  }
0x3d: {  	[sflag:s13] =	ssyncadd.s32 $0xFFFFE000  }
0x3e: {  	s31 =	simm.s32 $0x0;
	[bflag:$0x0] =	sbarrier.arrive $0xFFFF  }
0x3f: {  	[tilespmem:s31], [sflag:$0xA] =	stream.linear.gather [hbm4b:s8+s31], $0x4F00, $0x38;
	v63 =	vld [tilespmem:$0x0]  }
0x40: {  	_ =	swait.ge [sflag:s13], $0x4F00  }
0x41: {  	[sflag:s13] =	ssyncset.done $0x0  }
0x42: {  	s1 =	simm.s32 $0x5000;
	[sflag:s13] =	ssyncadd.s32 $0xFFFFB100  }
0x43: {  	[tilespmem:s1], [sflag:$0xA] =	stream.linear.gather [hbm4b:s9+s31], $0x4F00, $0x38;
	v63 =	vld [tilespmem:$0x0]  }
0x44: {  	_ =	swait.ge [sflag:s13], $0x4F00  }
0x45: {  	[sflag:s13] =	ssyncset.done $0x0  }
0x46: {  	[sflag:s13] =	ssyncadd.s32 $0xFFFFB100  }
0x47: {  	[tilespmem:s12], [sflag:$0x1] =	stream.indirect.gather [hbm4b:s4+s14], $0x80, s31, s14, $0xb8;
	v63 =	vld [tilespmem:$0x0]  }
0x48: {  	s18 =	simm.s32 $0xC000  }
0x49: {  	[tilespmem:s18], [sflag:$0x2] =	stream.indirect.gather [hbm4b:s4+s14], $0x80, s14, s14, $0xb8;
	v63 =	vld [tilespmem:$0x0]  }
.Ltmp3:
0x4a: {  	_ = 	snop;
	(pc) =	sbr.rel .LBB2_4-.Ltmp3, $4  }
0x4b: {  	_ = 	snop  }
0x4c: {  	[tilespmem:s17], [sflag:$0x3] =	stream.indirect.gather [hbm4b:s4+s14], $0x80, s16, s14, $0xb8;
	v63 =	vld [tilespmem:$0x0]  }
0x4d: {  	s19 =	simm.s32 $0xC0;
	s15 =	simm.s32 $0x10000;
	s0 =	simm.s32 $0x140  }
0x4e: {  	[tilespmem:s15], [sflag:$0x4] =	stream.indirect.gather [hbm4b:s4+s14], $0x80, s19, s14, $0xb8;
	v63 =	vld [tilespmem:$0x0]  }
.LBB2_8:
0x4f: {  	p0 =	sgt.u32 s31, $0x9B  }
0x50: {  	s15 =	simm.s32 @!p0 $0x8  }
0x51: {  	_ =	swait.ge @!p0 [sflag:s15], $0x4000  }
0x52: {  	s18 =	simm.s32 @!p0 $0x40;
	[sflag:s15] =	ssyncset.done @!p0 $0x0  }
0x53: {  	s19 =	simm.s32 @!p0 $0xE000;
	[sflag:s15] =	ssyncadd.s32 @!p0 $0xFFFFC000;
	s15 =	sadd.s32 @!p0 $0xFFFFFFC0, s0  }
0x54: {  	[tilespmem:s19], [sflag:$0x3] =	stream.indirect.gather @!p0 [hbm4b:s4+s18], $0x80, s15, s18, $0xb8;
	v63 =	vld [tilespmem:$0x0]  }
0x55: {  	s15 =	simm.s32 @!p0 $0x10000  }
0x56: {  	[tilespmem:s15], [sflag:$0x4] =	stream.indirect.gather @!p0 [hbm4b:s4+s18], $0x80, s0, s18, $0xb8;
	v63 =	vld [tilespmem:$0x0]  }
0x57: {  	_ =	swait.ge [sflag:s20], $0x2000  }
0x58: {  	[sflag:s20] =	ssyncset.done $0x0  }
0x59: {  	[sflag:s20] =	ssyncadd.s32 $0xFFFFE000  }
0x5a: {  	_ =	swait.ge [sflag:s21], $0x2000  }
0x5b: {  	[sflag:s21] =	ssyncset.done $0x0  }
0x5c: {  	[sflag:s21] =	ssyncadd.s32 $0xFFFFE000  }
0x5d: {  	[spmem:s2] =	stream.indirect.scatter.add.f32 [tilespmem:s22], [sflag:$0x9], $0x80, s1, s16, $0xb8;
	v63 =	vld [tilespmem:$0x0]  }
.LBB2_9:
0x5e: {  	s31 =	sadd.s32 $0x1, s31  }
0x5f: {  	p0 =	sne.s32 s31, $0x9E  }
.Ltmp4:
0x60: {  	_ = 	snop;
	(pc) =	sbr.rel @!p0 .LBB2_10-.Ltmp4, $2  }
0x61: {  	_ =	sdelay $0x2  }
0x62: {  	s1 =	sadd.s32 $0x80, s1;
	s0 =	sadd.s32 $0x80, s0  }
.LBB2_4:
0x63: {  	s15 =	smul.u32 $0xAB, s31;
	_ =	sdelay $0x1  }
0x64: {  	s15 =	sshrl.u32 s15, $0x9  }
0x65: {  	s15 =	sand.u32 $0x7F, s15  }
0x66: {  	s15 =	smul.u32 $0x3, s15;
	_ =	sdelay $0x1  }
0x67: {  	s15 =	ssub.s32 s31, s15  }
0x68: {  	s15 =	sand.u32 $0xFF, s15  }
0x69: {  	p0 =	seq.s32 s15, $0x2  }
.Ltmp5:
0x6a: {  	_ = 	snop;
	(pc) =	sbr.rel @p0 .LBB2_8-.Ltmp5, $1  }
0x6b: {  	_ =	sdelay $0x3  }
0x6c: {  	p0 =	seq.s32 s15, $0x1  }
.Ltmp6:
0x6d: {  	_ = 	snop;
	(pc) =	sbr.rel @!p0 .LBB2_6-.Ltmp6, $1  }
0x6e: {  	_ =	sdelay $0x3  }
0x6f: {  	p0 =	sgt.u32 s31, $0x9B  }
0x70: {  	s15 =	simm.s32 @!p0 $0x7  }
0x71: {  	_ =	swait.ge @!p0 [sflag:s15], $0x4000  }
0x72: {  	s18 =	simm.s32 @!p0 $0x40;
	[sflag:s15] =	ssyncset.done @!p0 $0x0  }
0x73: {  	s19 =	simm.s32 @!p0 $0xA000;
	[sflag:s15] =	ssyncadd.s32 @!p0 $0xFFFFC000;
	s15 =	sadd.s32 @!p0 $0xFFFFFFC0, s0  }
0x74: {  	[tilespmem:s19], [sflag:$0x1] =	stream.indirect.gather @!p0 [hbm4b:s4+s18], $0x80, s15, s18, $0xb8;
	v63 =	vld [tilespmem:$0x0]  }
0x75: {  	s15 =	simm.s32 @!p0 $0xC000  }
0x76: {  	[tilespmem:s15], [sflag:$0x2] =	stream.indirect.gather @!p0 [hbm4b:s4+s18], $0x80, s0, s18, $0xb8;
	v63 =	vld [tilespmem:$0x0]  }
0x77: {  	_ =	swait.ge [sflag:s26], $0x2000  }
0x78: {  	[sflag:s26] =	ssyncset.done $0x0  }
.Ltmp7:
0x79: {  	[sflag:s26] =	ssyncadd.s32 $0xFFFFE000;
	(pc) =	sbr.rel .LBB2_9-.Ltmp7, $4  }
0x7a: {  	_ =	swait.ge [sflag:s28], $0x2000  }
0x7b: {  	[sflag:s28] =	ssyncset.done $0x0  }
0x7c: {  	[sflag:s28] =	ssyncadd.s32 $0xFFFFE000  }
0x7d: {  	[spmem:s2] =	stream.indirect.scatter.add.f32 [tilespmem:s17], [sflag:$0x8], $0x80, s1, s16, $0xb8;
	v63 =	vld [tilespmem:$0x0]  }
.LBB2_6:
0x7e: {  	p0 =	sgt.u32 s31, $0x9B  }
0x7f: {  	p1 =	seq.s32 @!p0 s31, $0x0  }
0x80: {  	p1 =	por p1, p0  }
0x81: {  	s15 =	simm.s32 @!p1 $0x9  }
0x82: {  	_ =	swait.ge @!p1 [sflag:s15], $0x4000  }
0x83: {  	s18 =	simm.s32 @!p0 $0x40;
	[sflag:s15] =	ssyncset.done @!p1 $0x0  }
0x84: {  	s19 =	simm.s32 @!p0 $0x12000;
	[sflag:s15] =	ssyncadd.s32 @!p1 $0xFFFFC000;
	s15 =	sadd.s32 @!p0 $0xFFFFFFC0, s0  }
0x85: {  	[tilespmem:s19], [sflag:$0x5] =	stream.indirect.gather @!p0 [hbm4b:s4+s18], $0x80, s15, s18, $0xb8;
	v63 =	vld [tilespmem:$0x0]  }
0x86: {  	s15 =	simm.s32 @!p0 $0x14000  }
0x87: {  	[tilespmem:s15], [sflag:$0x6] =	stream.indirect.gather @!p0 [hbm4b:s4+s18], $0x80, s0, s18, $0xb8;
	v63 =	vld [tilespmem:$0x0]  }
0x88: {  	_ =	swait.ge [sflag:s29], $0x2000  }
0x89: {  	[sflag:s29] =	ssyncset.done $0x0  }
.Ltmp8:
0x8a: {  	[sflag:s29] =	ssyncadd.s32 $0xFFFFE000;
	(pc) =	sbr.rel .LBB2_9-.Ltmp8, $4  }
0x8b: {  	_ =	swait.ge [sflag:s30], $0x2000  }
0x8c: {  	[sflag:s30] =	ssyncset.done $0x0  }
0x8d: {  	[sflag:s30] =	ssyncadd.s32 $0xFFFFE000  }
0x8e: {  	[spmem:s2] =	stream.indirect.scatter.add.f32 [tilespmem:s12], [sflag:$0x7], $0x80, s1, s16, $0xb8;
	v63 =	vld [tilespmem:$0x0]  }
.LBB2_11:
0x8f: {  	_ =	sfence.sel $0x180000  }
0x90: {  	[bflag:$0x0] =	sbarrier.arrive $0xFFFF  }
0x91: {  	_ =	strace $0x9000004D  }
0x92: {  	s0 =	stileid.u32;
	[bflag:$0x2] =	sbarrier.arrive $0xFFFF  }
0x93: {  	p0 =	sne.s32 s0, $0x0;
	s0 =	rddreg [dreg:$0x3]  }
0x94: {  	s0 =	sadd.s32 @!p0 $0x100000, s0  }
0x95: {  	[sflag:s0] =	ssyncadd.tile.s32 @!p0 $0x1;
	_ =	shalt  }
.Lfunc_end2:
_tile_overlayer_lowered:
.L_overlay_start_2:
0x96: {  	(tag) =	ssettag $0x2  }
0x97: {  	s0 =	rddreg [dreg:$0x0];
	s2 =	stileid.u32  }
0x98: {  	s1 =	rddreg [dreg:$0x1];
	p0 =	sne.s32 s2, $0x0  }
0x99: {  	s3 =	rddreg [dreg:$0x2];
	[bflag:$0x3] =	sbarrier.arrive $0xFFFF;
	s2 =	simm.s32 @!p0 $0x1C0A  }
0x9a: {  	[timem:s3], [sflag:s2] =	dma.local @!p0 [hbm:s0], s1  }
0x9b: {  	s0 =	simm.s32 @!p0 $0xA  }
0x9c: {  	_ =	swait.ge @!p0 [sflag:s0], s1  }
0x9d: {  	s1 =	ssub.s32 @!p0 $0x0, s1;
	[sflag:s0] =	ssyncset.done @!p0 $0x0  }
0x9e: {  	[sflag:s0] =	ssyncadd.s32 @!p0 s1  }
0x9f: {  	[bflag:$0x3] =	sbarrier.arrive $0xFFFF  }
0xa0: {  	_ =	shalt  }

// kernel: kernel.24.cloned.1.call-start
scs
__scs_entry_jumppad:
0x0: {  	(pc) =	sbr.rel $0x88, $3  }
0x1: {  	(tag) =	ssettag $0x0;
	lr =	simm.s32 $0x1  }
0x2: {  	[smem:$0x3F9B] =	sst lr;
	_ =	strace $0xD0000000  }
0x3: {  	_ = 	snop  }
0x4: {  	_ = 	snop  }
0x5: {  	_ = 	snop  }
0x6: {  	_ = 	snop  }
0x7: {  	_ = 	snop  }
__scs_overlays_trampoline_lowered:
0x8: {  	[smem:$0x3FAA] =	sst s0  }
0x9: {  	[smem:$0x3FAB] =	sst s1  }
0xa: {  	[smem:$0x3FAC] =	sst s2  }
0xb: {  	[smem:$0x3FAD] =	sst s3  }
0xc: {  	[smem:$0x3FAE] =	sst s4  }
0xd: {  	[smem:$0x3FAF] =	sst s5  }
0xe: {  	[smem:$0x3FB0] =	sst s6  }
0xf: {  	[smem:$0x3FB1] =	sst s7  }
0x10: {  	[smem:$0x3FB2] =	sst s8  }
0x11: {  	[smem:$0x3FB3] =	sst s9;
	s0 =	simm.s32 @!p0 $0x0  }
0x12: {  	s1 =	sld [smem:$0x3F99];
	s0 =	simm.s32 @p0 $0x1  }
0x13: {  	[smem:$0x3FB4] =	sst s0;
	s0 =	simm.s32 @!p1 $0x0  }
0x14: {  	s2 =	sld [smem:$0x3F98];
	s0 =	simm.s32 @p1 $0x1  }
0x15: {  	[smem:$0x3FB5] =	sst s0;
	s0 =	simm.s32 @!p2 $0x0  }
0x16: {  	s3 =	sld [smem:$0x3FDB];
	s0 =	simm.s32 @p2 $0x1  }
0x17: {  	s4 =	simm.s32 $0x1BF5;
	[smem:$0x3FB7] =	sst s0  }
0x18: {  	s0 =	sld [smem:$0x3F9A];
	_ =	swait.ge [sflag:s4], $0x0  }
0x19: {  	s7 =	sld [smem:$0x3F9B]  }
0x1a: {  	s8 =	sadd.s32 $0xFFFFE003, lr  }
0x1b: {  	s9 =	sadd.s32 $0xFFFFFEF7, lr;
	s5 =	simm.s32 $0xFFFFFFFF;
	p2 =	slt.u32 s8, $0xFFFFF086  }
0x1c: {  	p1 =	slt.u32 s9, $0xF7A;
	s5 =	simm.s32 @!p2 $0x0  }
0x1d: {  	s5 =	simm.s32 @p1 $0x1;
	p0 =	seq.s32 s7, s2  }
0x1e: {  	s7 =	smul.u32 @!p0 $0xF7A, s2;
	p2 =	seq.s32 @!p0 s5, $0x0  }
0x1f: {  	s9 =	smul.u32 $0xF7A, s1;
	s8 =	simm.s32 @!p0 $0x1BF5;
	p2 =	por !p2, p0  }
0x20: {  	[sflag:s8] =	ssyncset.s32 @!p0 $0xFFFFF086;
	s6 =	sadd.s32 @!p0 s3, s7;
	s7 =	simm.s32 @!p0 $0x108  }
0x21: {  	s3 =	sadd.s32 s3, s9;
	s6 =	sadd.s32 @!p0 $0x88, s6;
	s7 =	simm.s32 @p2 $0x1082  }
0x22: {  	[simem:s7], [sflag:s8] =	dma.local @!p0 [hbm:s6], $0xF7A  }
0x23: {  	s9 =	sor.u32 $0xD0000000, s2;
	s6 =	simm.s32 $0x108;
	_ =	swait.ge @!p0 [sflag:s8], $0x0  }
0x24: {  	s3 =	sadd.s32 $0x88, s3;
	s6 =	simm.s32 @!p1 $0x1082;
	[sflag:s4] =	ssyncset.s32 $0xFFFFF086  }
0x25: {  	[simem:s6], [sflag:s4] =	dma.local [hbm:s3], $0xF7A  }
0x26: {  	[smem:$0x3F9B] =	sst s1;
	(tag) =	ssettag s2;
	_ =	strace s9  }
0x27: {  	s1 =	sld [smem:$0x3FAB]  }
0x28: {  	s2 =	sld [smem:$0x3FAC]  }
0x29: {  	s4 =	sld [smem:$0x3FAE]  }
0x2a: {  	p0 =	seq.s32 s5, $0x0;
	s5 =	sld [smem:$0x3FAF]  }
0x2b: {  	s6 =	sld [smem:$0x3FB0]  }
0x2c: {  	s7 =	sld [smem:$0x3FB1]  }
0x2d: {  	s3 =	simm.s32 $0x108;
	s8 =	sld [smem:$0x3FB2]  }
0x2e: {  	s3 =	simm.s32 @!p0 $0x1082;
	s9 =	sld [smem:$0x3FB3]  }
0x2f: {  	lr =	sadd.s32 s0, s3;
	s0 =	sld [smem:$0x3FAA]  }
0x30: {  	s3 =	sld [smem:$0x3FAD]  }
0x31: {  	[smem:$0x3FB6] =	sst s10  }
0x32: {  	s10 =	sld [smem:$0x3FB4];
	_ =	sdelay $0x3  }
0x33: {  	p0 =	seq.s32 s10, $0x1;
	s10 =	sld [smem:$0x3FB6];
	_ =	sdelay $0x3  }
0x34: {  	[smem:$0x3FB6] =	sst s10  }
0x35: {  	s10 =	sld [smem:$0x3FB5];
	_ =	sdelay $0x3  }
0x36: {  	p1 =	seq.s32 s10, $0x1;
	s10 =	sld [smem:$0x3FB6];
	_ =	sdelay $0x3  }
0x37: {  	[smem:$0x3FB6] =	sst s10  }
0x38: {  	s10 =	sld [smem:$0x3FB7]  }
0x39: {  	_ = 	snop;
	(pc) =	sbr.ind lr, $3  }
0x3a: {  	_ = 	snop  }
0x3b: {  	_ = 	snop  }
0x3c: {  	p2 =	seq.s32 s10, $0x1;
	s10 =	sld [smem:$0x3FB6]  }
0x3d: {  	_ =	shalt  }
0x3e: {  	_ =	shalt  }
0x3f: {  	_ =	shalt  }
0x40: {  	_ =	shalt  }
0x41: {  	_ =	shalt  }
0x42: {  	_ =	shalt  }
0x43: {  	_ =	shalt  }
0x44: {  	_ =	shalt  }
0x45: {  	_ =	shalt  }
0x46: {  	_ =	shalt  }
0x47: {  	_ =	shalt  }
0x48: {  	_ =	shalt  }
0x49: {  	_ =	shalt  }
0x4a: {  	_ =	shalt  }
0x4b: {  	_ =	shalt  }
0x4c: {  	_ =	shalt  }
0x4d: {  	_ =	shalt  }
0x4e: {  	_ =	shalt  }
0x4f: {  	_ =	shalt  }
0x50: {  	_ =	shalt  }
0x51: {  	_ =	shalt  }
0x52: {  	_ =	shalt  }
0x53: {  	_ =	shalt  }
0x54: {  	_ =	shalt  }
0x55: {  	_ =	shalt  }
0x56: {  	_ =	shalt  }
0x57: {  	_ =	shalt  }
0x58: {  	_ =	shalt  }
0x59: {  	_ =	shalt  }
0x5a: {  	_ =	shalt  }
0x5b: {  	_ =	shalt  }
0x5c: {  	_ =	shalt  }
0x5d: {  	_ =	shalt  }
0x5e: {  	_ =	shalt  }
0x5f: {  	_ =	shalt  }
0x60: {  	_ =	shalt  }
0x61: {  	_ =	shalt  }
0x62: {  	_ =	shalt  }
0x63: {  	_ =	shalt  }
0x64: {  	_ =	shalt  }
0x65: {  	_ =	shalt  }
0x66: {  	_ =	shalt  }
0x67: {  	_ =	shalt  }
0x68: {  	_ =	shalt  }
0x69: {  	_ =	shalt  }
0x6a: {  	_ =	shalt  }
0x6b: {  	_ =	shalt  }
0x6c: {  	_ =	shalt  }
0x6d: {  	_ =	shalt  }
0x6e: {  	_ =	shalt  }
0x6f: {  	_ =	shalt  }
0x70: {  	_ =	shalt  }
0x71: {  	_ =	shalt  }
0x72: {  	_ =	shalt  }
0x73: {  	_ =	shalt  }
0x74: {  	_ =	shalt  }
0x75: {  	_ =	shalt  }
0x76: {  	_ =	shalt  }
0x77: {  	_ =	shalt  }
0x78: {  	_ =	shalt  }
0x79: {  	_ =	shalt  }
0x7a: {  	_ =	shalt  }
0x7b: {  	_ =	shalt  }
0x7c: {  	_ =	shalt  }
0x7d: {  	_ =	shalt  }
0x7e: {  	_ =	shalt  }
0x7f: {  	_ =	shalt  }
0x80: {  	_ =	shalt  }
0x81: {  	_ =	shalt  }
0x82: {  	_ =	shalt  }
0x83: {  	_ =	shalt  }
0x84: {  	_ =	shalt  }
0x85: {  	_ =	shalt  }
0x86: {  	_ =	shalt  }
0x87: {  	_ =	shalt  }
.Lfunc_end0:
.L_simem_size_0:
called_computation.3_lowered:
.L_overlay_start_0:
0x88: {  	s2 =	sld [smem:$0x3FD9]  }
0x89: {  	s3 =	sld [smem:$0x3FFE];
	_ =	sdelay $0x1  }
0x8a: {  	s1 =	srdreg.scid  }
0x8b: {  	s0 =	sand.u32 $0x1, s1  }
0x8c: {  	s17 =	sshll.u32 s0, $0xA;
	s2 =	sadd.s32 s3, s2  }
0x8d: {  	s2 =	sadd.s32 s2, s17  }
0x8e: {  	[smem:$0x3FC2] =	sst s2  }
0x8f: {  	_ = 	snop  }
0x90: {  	s2 =	sld [smem:$0x3FD0];
	(tm) =	ssettm $0x1  }
0x91: {  	s18 =	sld [smem:$0x3FFB];
	_ =	sdelay $0x3  }
0x92: {  	_ =	strace s18  }
0x93: {  	s3 =	sld [smem:$0x3FFC];
	_ =	sdelay $0x3  }
0x94: {  	_ =	strace s3  }
0x95: {  	s3 =	sld [smem:$0x3FFD];
	_ =	sdelay $0x3  }
0x96: {  	_ =	strace s3  }
0x97: {  	_ =	strace $0x8FFFFFFF  }
0x98: {  	s19 =	sld [smem:$0x3FDB];
	_ =	sdelay $0x1  }
0x99: {  	s4 =	simm.s32 $_scs_section_size  }
0x9a: {  	s5 =	simm.s32 $_size__tile_overlayer_lowered;
	s6 =	simm.s32 $_tile_overlayer_lowered  }
0x9b: {  	s22 =	simm.s32 $0x1BFF;
	s21 =	sshll.u32 s6, $0x1;
	s3 =	sadd.s32 s4, s19  }
0x9c: {  	s7 =	simm.s32 $0x0;
	s20 =	sshll.u32 s5, $0x1;
	s5 =	sadd.s32 s21, s3  }
0x9d: {  	[timem:s7], [sflag:s22] =	dma.local [hbm:s5], s20  }
0x9e: {  	_ =	swait.ge [sflag:s22], s20  }
0x9f: {  	s4 =	ssub.s32 $0x0, s20;
	[sflag:s22] =	ssyncset.done $0x0  }
0xa0: {  	[sflag:s22] =	ssyncadd.s32 s4;
	_ =	sdelay $0x1  }
0xa1: {  	s23 =	simm.s32 $0x1B8B  }
0xa2: {  	_ =	swait.ge [sflag:s23], $0x1  }
0xa3: {  	[sflag:s23] =	ssyncset.done $0x0  }
0xa4: {  	s25 =	simm.s32 $0x1B8E;
	s24 =	sld [smem:$0x3FFE];
	[sflag:s23] =	ssyncadd.s32 $0xFFFFFFFF  }
0xa5: {  	s26 =	simm.s32 $execute0_lowered;
	[smem:$0x3FD2] =	sst s25  }
0xa6: {  	s5 =	sshll.u32 s26, $0x1;
	_ =	strace $0x8000004F;
	[dreg:$0x1] =	wrdreg $0xFFFFFFFF  }
0xa7: {  	s28 =	simm.s32 $_size_execute0_lowered;
	s3 =	sadd.s32 s3, s5;
	[dreg:$0x0] =	wrdreg $0x0  }
0xa8: {  	s5 =	sshll.u32 s28, $0x1;
	[dreg:$0x2] =	wrdreg s3  }
0xa9: {  	[dreg:$0x3] =	wrdreg s5  }
0xaa: {  	[dreg:$0x4] =	wrdreg $0xC0  }
0xab: {  	_ =	task [dreg:s7], $0x5FFFF  }
0xac: {  	[dreg:$0x1] =	wrdreg $0xFFFFFFFF  }
0xad: {  	[dreg:$0x0] =	wrdreg $0x60  }
0xae: {  	[dreg:$0x2] =	wrdreg s24  }
0xaf: {  	[dreg:$0x3] =	wrdreg s2  }
0xb0: {  	[dreg:$0x4] =	wrdreg $0x160000  }
0xb1: {  	[dreg:$0x5] =	wrdreg $0x9  }
0xb2: {  	_ =	task.clear_ibuf [dreg:s7], $0x6FFFF;
	_ =	strace $0x9000004F  }
0xb3: {  	s29 =	simm.s32 $0x9;
	_ =	strace $0x80000051  }
0xb4: {  	_ =	swait.ge [sflag:s29], $0x1  }
0xb5: {  	[sflag:s29] =	ssyncadd.s32 $0xFFFFFFFF  }
0xb6: {  	_ =	strace $0x90000051  }
0xb7: {  	_ =	sfence  }
0xb8: {  	s30 =	sld [smem:$0x0];
	_ =	sdelay $0x2  }
0xb9: {  	s31 =	sshll.u32 s1, $0xD;
	s1 =	sshrl.u32 s1, $0x2  }
0xba: {  	s3 =	sand.u32 $0x4000, s31;
	s1 =	sadd.s32 s1, s30  }
0xbb: {  	s0 =	sor.u32 s3, s0;
	s1 =	sshll.u32 s1, $0x11  }
0xbc: {  	s0 =	sor.u32 s1, s0  }
0xbd: {  	s0 =	sadd.s32 $0x8F2B, s0  }
0xbe: {  	[sflag:s0] =	ssyncadd.remote.s32 $0x1  }
0xbf: {  	_ =	sfence.sel $0xFFFF  }
0xc0: {  	[dreg:$0x0] =	wrdreg $0xFFFFFFFF;
	(pc) =	sbr.abs _section_cstart, $3  }
0xc1: {  	[dreg:$0x1] =	wrdreg $0xFFFFFFFF  }
0xc2: {  	_ =	task.clear_ibuf [dreg:s7], $0x2FFFF;
	_ =	strace $0x9FFFFFFF  }
0xc3: {  	(tm) =	ssettm $0x7FFFFFFF  }
tec
execute0_lowered:
.L_overlay_start_1:
0x0: {  	(tag) =	ssettag $0x1  }
0x1: {  	s0 =	rddreg [dreg:$0x0]  }
0x2: {  	s1 =	rddreg [dreg:$0x1]  }
0x3: {  	s9 =	stileid.u32;
	s3 =	srdreg.scid  }
0x4: {  	s2 =	rddreg [dreg:$0x2];
	s13 =	simm.s32 $0xA;
	s14 =	simm.s32 $0x40  }
0x5: {  	s16 =	simm.s32 $0x80;
	s17 =	simm.s32 $0xE000;
	s20 =	simm.s32 $0x5  }
0x6: {  	s21 =	simm.s32 $0x6;
	s22 =	simm.s32 $0x12000;
	s23 =	simm.s32 $0x9  }
0x7: {  	s24 =	simm.s32 $0x7;
	s25 =	simm.s32 $0x8;
	s7 =	smul.u32 $0x5000, s9  }
0x8: {  	s28 =	simm.s32 $0x4;
	s29 =	simm.s32 $0x1;
	s6 =	smul.u32 $0xA000, s9  }
0x9: {  	s5 =	sand.u32 $0x1, s3;
	s3 =	simm.s32 $0x0;
	s9 =	smul.u32 $0x28000, s9  }
0xa: {  	s30 =	simm.s32 $0x2;
	s4 =	smul.u32 $0xA0000, s5;
	[smem:$0x7FF] =	sst s3  }
0xb: {  	s10 =	ssub.s32 $0x2, s5;
	s11 =	smul.u32 $0x50000, s5;
	_ =	strace $0x80000050  }
0xc: {  	s8 =	sshrl.u32 s7, $0x3;
	s9 =	sshrl.u32 s9, $0x2;
	s26 =	sshrl.u32 s10, $0x1  }
0xd: {  	s6 =	sadd.s32 s6, s4;
	s4 =	sadd.s32 $0x3B000, s0;
	s8 =	sadd.s32 s8, s0  }
.Ltmp0:
0xe: {  	s5 =	sadd.s32 s9, s2;
	s12 =	ssub.s32 s10, s26;
	(pc) =	sbr.rel .LBB2_1-.Ltmp0, $4  }
0xf: {  	s31 =	sadd.s32 s7, s11;
	s26 =	simm.s32 $0x3;
	s6 =	sshrl.u32 s6, $0x3  }
0x10: {  	s7 =	sadd.s32 $0x8000, s5;
	s8 =	sadd.s32 $0x9000, s8;
	s9 =	sshrl.u32 s31, $0x3  }
0x11: {  	s11 =	smax.u32 s12, $0x1;
	s12 =	simm.s32 $0xA000;
	s0 =	sadd.s32 s6, s0  }
0x12: {  	v0 =	vimm.f32 $0.0e+00;
	s6 =	sadd.s32 $0x4000, s5;
	s9 =	sadd.s32 s1, s9;
	s10 =	sadd.s32 $0x17B000, s0  }
.LBB2_10:
0x13: {  	_ =	swait.ge [sflag:s23], $0x4000  }
0x14: {  	[sflag:s23] =	ssyncset.done $0x0  }
0x15: {  	[sflag:s23] =	ssyncadd.s32 $0xFFFFC000  }
0x16: {  	_ =	swait.ge [sflag:s24], $0x4000  }
0x17: {  	[sflag:s24] =	ssyncset.done $0x0  }
0x18: {  	[sflag:s24] =	ssyncadd.s32 $0xFFFFC000  }
0x19: {  	s0 =	stileid.u32;
	_ =	swait.ge [sflag:s25], $0x4000  }
0x1a: {  	s1 =	sshrl.u32 s5, $0x3;
	s3 =	sadd.s32 $0x1, s3;
	[sflag:s25] =	ssyncset.done $0x0  }
0x1b: {  	s0 =	sshll.u32 s0, $0x6;
	p0 =	sne.s32 s3, s11;
	[sflag:s25] =	ssyncadd.s32 $0xFFFFC000  }
.Ltmp1:
0x1c: {  	s0 =	sor.u32 $0x1C0A, s0;
	[bflag:$0x0] =	sbarrier.arrive $0xFFFF;
	(pc) =	sbr.rel @!p0 .LBB2_11-.Ltmp1, $4  }
0x1d: {  	[hbm:s10], [sflag:s0] =	dma.local [spmem:s1], $0x1400  }
0x1e: {  	_ =	swait.ge [sflag:s13], $0x1400  }
0x1f: {  	[sflag:s13] =	ssyncset.done $0x0  }
0x20: {  	[sflag:s13] =	ssyncadd.s32 $0xFFFFEC00  }
.LBB2_1:
0x21: {  	s0 =	simm.s32 $0x0;
	s1 =	simm.s32 $0x200  }
.LBB2_2:
0x22: {  	p0 =	sne.s32 s1, $0xFE00;
	[tilespmem:s0+$0xA070] =	vst v0  }
0x23: {  	[tilespmem:s0+$0xA000] =	vst v0  }
0x24: {  	[tilespmem:s0+$0xA010] =	vst v0  }
.Ltmp2:
0x25: {  	[tilespmem:s0+$0xA020] =	vst v0;
	(pc) =	sbr.rel @p0 .LBB2_2-.Ltmp2, $4  }
0x26: {  	[tilespmem:s0+$0xA030] =	vst v0  }
0x27: {  	[tilespmem:s0+$0xA040] =	vst v0  }
0x28: {  	[tilespmem:s0+$0xA050] =	vst v0  }
0x29: {  	[tilespmem:s0+$0xA060] =	vst v0;
	s0 =	sshra.s32 s1, $0x2;
	s1 =	sadd.s32 $0x200, s1  }
0x2a: {  	[tilespmem:s0+$0xA070] =	vst v0  }
0x2b: {  	[tilespmem:s0+$0xA000] =	vst v0  }
0x2c: {  	[tilespmem:s0+$0xA010] =	vst v0  }
0x2d: {  	[tilespmem:s0+$0xA020] =	vst v0  }
0x2e: {  	[tilespmem:s0+$0xA030] =	vst v0  }
0x2f: {  	[tilespmem:s0+$0xA040] =	vst v0  }
0x30: {  	[tilespmem:s0+$0xA050] =	vst v0  }
0x31: {  	[tilespmem:s0+$0xA060] =	vst v0  }
0x32: {  	[spmem:s5] =	stream.linear.scatter [tilespmem:s12], [sflag:$0xA], $0x4000, $0x38;
	v63 =	vld [tilespmem:$0x0]  }
0x33: {  	_ =	swait.ge [sflag:s13], $0x4000  }
0x34: {  	[sflag:s13] =	ssyncset.done $0x0  }
0x35: {  	[sflag:s13] =	ssyncadd.s32 $0xFFFFC000  }
0x36: {  	[spmem:s6] =	stream.linear.scatter [tilespmem:s12], [sflag:$0xA], $0x4000, $0x38;
	v63 =	vld [tilespmem:$0x0]  }
0x37: {  	_ =	swait.ge [sflag:s13], $0x4000  }
0x38: {  	[sflag:s13] =	ssyncset.done $0x0  }
0x39: {  	[sflag:s13] =	ssyncadd.s32 $0xFFFFC000  }
0x3a: {  	[spmem:s7] =	stream.linear.scatter [tilespmem:s12], [sflag:$0xA], $0x2000, $0x38;
	v63 =	vld [tilespmem:$0x0]  }
0x3b: {  	_ =	swait.ge [sflag:s13], $0x2000  }
0x3c: {  	[sflag:s13] =	ssyncset.done $0x0  }
0x3d: {  	[sflag:s13] =	ssyncadd.s32 $0xFFFFE000  }
0x3e: {  	s31 =	simm.s32 $0x0;
	[bflag:$0x0] =	sbarrier.arrive $0xFFFF  }
0x3f: {  	[tilespmem:s31], [sflag:$0xA] =	stream.linear.gather [hbm4b:s8+s31], $0x4F00, $0x38;
	v63 =	vld [tilespmem:$0x0]  }
0x40: {  	_ =	swait.ge [sflag:s13], $0x4F00  }
0x41: {  	[sflag:s13] =	ssyncset.done $0x0  }
0x42: {  	s1 =	simm.s32 $0x5000;
	[sflag:s13] =	ssyncadd.s32 $0xFFFFB100  }
0x43: {  	[tilespmem:s1], [sflag:$0xA] =	stream.linear.gather [hbm4b:s9+s31], $0x4F00, $0x38;
	v63 =	vld [tilespmem:$0x0]  }
0x44: {  	_ =	swait.ge [sflag:s13], $0x4F00  }
0x45: {  	[sflag:s13] =	ssyncset.done $0x0  }
0x46: {  	[sflag:s13] =	ssyncadd.s32 $0xFFFFB100  }
0x47: {  	[tilespmem:s12], [sflag:$0x1] =	stream.indirect.gather [hbm4b:s4+s14], $0x80, s31, s14, $0xb8;
	v63 =	vld [tilespmem:$0x0]  }
0x48: {  	s18 =	simm.s32 $0xC000  }
0x49: {  	[tilespmem:s18], [sflag:$0x2] =	stream.indirect.gather [hbm4b:s4+s14], $0x80, s14, s14, $0xb8;
	v63 =	vld [tilespmem:$0x0]  }
.Ltmp3:
0x4a: {  	_ = 	snop;
	(pc) =	sbr.rel .LBB2_4-.Ltmp3, $4  }
0x4b: {  	_ = 	snop  }
0x4c: {  	[tilespmem:s17], [sflag:$0x3] =	stream.indirect.gather [hbm4b:s4+s14], $0x80, s16, s14, $0xb8;
	v63 =	vld [tilespmem:$0x0]  }
0x4d: {  	s19 =	simm.s32 $0xC0;
	s15 =	simm.s32 $0x10000;
	s0 =	simm.s32 $0x140  }
0x4e: {  	[tilespmem:s15], [sflag:$0x4] =	stream.indirect.gather [hbm4b:s4+s14], $0x80, s19, s14, $0xb8;
	v63 =	vld [tilespmem:$0x0]  }
.LBB2_8:
0x4f: {  	p0 =	sgt.u32 s31, $0x9B  }
0x50: {  	s15 =	simm.s32 @!p0 $0x8  }
0x51: {  	_ =	swait.ge @!p0 [sflag:s15], $0x4000  }
0x52: {  	s18 =	simm.s32 @!p0 $0x40;
	[sflag:s15] =	ssyncset.done @!p0 $0x0  }
0x53: {  	s19 =	simm.s32 @!p0 $0xE000;
	[sflag:s15] =	ssyncadd.s32 @!p0 $0xFFFFC000;
	s15 =	sadd.s32 @!p0 $0xFFFFFFC0, s0  }
0x54: {  	[tilespmem:s19], [sflag:$0x3] =	stream.indirect.gather @!p0 [hbm4b:s4+s18], $0x80, s15, s18, $0xb8;
	v63 =	vld [tilespmem:$0x0]  }
0x55: {  	s15 =	simm.s32 @!p0 $0x10000  }
0x56: {  	[tilespmem:s15], [sflag:$0x4] =	stream.indirect.gather @!p0 [hbm4b:s4+s18], $0x80, s0, s18, $0xb8;
	v63 =	vld [tilespmem:$0x0]  }
0x57: {  	_ =	swait.ge [sflag:s20], $0x2000  }
0x58: {  	[sflag:s20] =	ssyncset.done $0x0  }
0x59: {  	[sflag:s20] =	ssyncadd.s32 $0xFFFFE000  }
0x5a: {  	_ =	swait.ge [sflag:s21], $0x2000  }
0x5b: {  	[sflag:s21] =	ssyncset.done $0x0  }
0x5c: {  	[sflag:s21] =	ssyncadd.s32 $0xFFFFE000  }
0x5d: {  	[spmem:s2] =	stream.indirect.scatter.add.f32 [tilespmem:s22], [sflag:$0x9], $0x80, s1, s16, $0xb8;
	v63 =	vld [tilespmem:$0x0]  }
.LBB2_9:
0x5e: {  	s31 =	sadd.s32 $0x1, s31  }
0x5f: {  	p0 =	sne.s32 s31, $0x9E  }
.Ltmp4:
0x60: {  	_ = 	snop;
	(pc) =	sbr.rel @!p0 .LBB2_10-.Ltmp4, $2  }
0x61: {  	_ =	sdelay $0x2  }
0x62: {  	s1 =	sadd.s32 $0x80, s1;
	s0 =	sadd.s32 $0x80, s0  }
.LBB2_4:
0x63: {  	s15 =	smul.u32 $0xAB, s31;
	_ =	sdelay $0x1  }
0x64: {  	s15 =	sshrl.u32 s15, $0x9  }
0x65: {  	s15 =	sand.u32 $0x7F, s15  }
0x66: {  	s15 =	smul.u32 $0x3, s15;
	_ =	sdelay $0x1  }
0x67: {  	s15 =	ssub.s32 s31, s15  }
0x68: {  	s15 =	sand.u32 $0xFF, s15  }
0x69: {  	p0 =	seq.s32 s15, $0x2  }
.Ltmp5:
0x6a: {  	_ = 	snop;
	(pc) =	sbr.rel @p0 .LBB2_8-.Ltmp5, $1  }
0x6b: {  	_ =	sdelay $0x3  }
0x6c: {  	p0 =	seq.s32 s15, $0x1  }
.Ltmp6:
0x6d: {  	_ = 	snop;
	(pc) =	sbr.rel @!p0 .LBB2_6-.Ltmp6, $1  }
0x6e: {  	_ =	sdelay $0x3  }
0x6f: {  	p0 =	sgt.u32 s31, $0x9B  }
0x70: {  	s15 =	simm.s32 @!p0 $0x7  }
0x71: {  	_ =	swait.ge @!p0 [sflag:s15], $0x4000  }
0x72: {  	s18 =	simm.s32 @!p0 $0x40;
	[sflag:s15] =	ssyncset.done @!p0 $0x0  }
0x73: {  	s19 =	simm.s32 @!p0 $0xA000;
	[sflag:s15] =	ssyncadd.s32 @!p0 $0xFFFFC000;
	s15 =	sadd.s32 @!p0 $0xFFFFFFC0, s0  }
0x74: {  	[tilespmem:s19], [sflag:$0x1] =	stream.indirect.gather @!p0 [hbm4b:s4+s18], $0x80, s15, s18, $0xb8;
	v63 =	vld [tilespmem:$0x0]  }
0x75: {  	s15 =	simm.s32 @!p0 $0xC000  }
0x76: {  	[tilespmem:s15], [sflag:$0x2] =	stream.indirect.gather @!p0 [hbm4b:s4+s18], $0x80, s0, s18, $0xb8;
	v63 =	vld [tilespmem:$0x0]  }
0x77: {  	_ =	swait.ge [sflag:s26], $0x2000  }
0x78: {  	[sflag:s26] =	ssyncset.done $0x0  }
.Ltmp7:
0x79: {  	[sflag:s26] =	ssyncadd.s32 $0xFFFFE000;
	(pc) =	sbr.rel .LBB2_9-.Ltmp7, $4  }
0x7a: {  	_ =	swait.ge [sflag:s28], $0x2000  }
0x7b: {  	[sflag:s28] =	ssyncset.done $0x0  }
0x7c: {  	[sflag:s28] =	ssyncadd.s32 $0xFFFFE000  }
0x7d: {  	[spmem:s2] =	stream.indirect.scatter.add.f32 [tilespmem:s17], [sflag:$0x8], $0x80, s1, s16, $0xb8;
	v63 =	vld [tilespmem:$0x0]  }
.LBB2_6:
0x7e: {  	p0 =	sgt.u32 s31, $0x9B  }
0x7f: {  	p1 =	seq.s32 @!p0 s31, $0x0  }
0x80: {  	p1 =	por p1, p0  }
0x81: {  	s15 =	simm.s32 @!p1 $0x9  }
0x82: {  	_ =	swait.ge @!p1 [sflag:s15], $0x4000  }
0x83: {  	s18 =	simm.s32 @!p0 $0x40;
	[sflag:s15] =	ssyncset.done @!p1 $0x0  }
0x84: {  	s19 =	simm.s32 @!p0 $0x12000;
	[sflag:s15] =	ssyncadd.s32 @!p1 $0xFFFFC000;
	s15 =	sadd.s32 @!p0 $0xFFFFFFC0, s0  }
0x85: {  	[tilespmem:s19], [sflag:$0x5] =	stream.indirect.gather @!p0 [hbm4b:s4+s18], $0x80, s15, s18, $0xb8;
	v63 =	vld [tilespmem:$0x0]  }
0x86: {  	s15 =	simm.s32 @!p0 $0x14000  }
0x87: {  	[tilespmem:s15], [sflag:$0x6] =	stream.indirect.gather @!p0 [hbm4b:s4+s18], $0x80, s0, s18, $0xb8;
	v63 =	vld [tilespmem:$0x0]  }
0x88: {  	_ =	swait.ge [sflag:s29], $0x2000  }
0x89: {  	[sflag:s29] =	ssyncset.done $0x0  }
.Ltmp8:
0x8a: {  	[sflag:s29] =	ssyncadd.s32 $0xFFFFE000;
	(pc) =	sbr.rel .LBB2_9-.Ltmp8, $4  }
0x8b: {  	_ =	swait.ge [sflag:s30], $0x2000  }
0x8c: {  	[sflag:s30] =	ssyncset.done $0x0  }
0x8d: {  	[sflag:s30] =	ssyncadd.s32 $0xFFFFE000  }
0x8e: {  	[spmem:s2] =	stream.indirect.scatter.add.f32 [tilespmem:s12], [sflag:$0x7], $0x80, s1, s16, $0xb8;
	v63 =	vld [tilespmem:$0x0]  }
.LBB2_11:
0x8f: {  	_ =	sfence.sel $0x180000  }
0x90: {  	[bflag:$0x0] =	sbarrier.arrive $0xFFFF  }
0x91: {  	_ =	strace $0x90000050  }
0x92: {  	s0 =	stileid.u32;
	[bflag:$0x2] =	sbarrier.arrive $0xFFFF  }
0x93: {  	p0 =	sne.s32 s0, $0x0;
	s0 =	rddreg [dreg:$0x3]  }
0x94: {  	s0 =	sadd.s32 @!p0 $0x100000, s0  }
0x95: {  	[sflag:s0] =	ssyncadd.tile.s32 @!p0 $0x1;
	_ =	shalt  }
.Lfunc_end2:
_tile_overlayer_lowered:
.L_overlay_start_2:
0x96: {  	(tag) =	ssettag $0x2  }
0x97: {  	s0 =	rddreg [dreg:$0x0];
	s2 =	stileid.u32  }
0x98: {  	s1 =	rddreg [dreg:$0x1];
	p0 =	sne.s32 s2, $0x0  }
0x99: {  	s3 =	rddreg [dreg:$0x2];
	[bflag:$0x3] =	sbarrier.arrive $0xFFFF;
	s2 =	simm.s32 @!p0 $0x1C0A  }
0x9a: {  	[timem:s3], [sflag:s2] =	dma.local @!p0 [hbm:s0], s1  }
0x9b: {  	s0 =	simm.s32 @!p0 $0xA  }
0x9c: {  	_ =	swait.ge @!p0 [sflag:s0], s1  }
0x9d: {  	s1 =	ssub.s32 @!p0 $0x0, s1;
	[sflag:s0] =	ssyncset.done @!p0 $0x0  }
0x9e: {  	[sflag:s0] =	ssyncadd.s32 @!p0 s1  }
0x9f: {  	[bflag:$0x3] =	sbarrier.arrive $0xFFFF  }
0xa0: {  	_ =	shalt  }

// kernel: kernel.27.cloned.1.call-start
scs
__scs_entry_jumppad:
0x0: {  	(pc) =	sbr.rel $0x88, $3  }
0x1: {  	(tag) =	ssettag $0x0;
	lr =	simm.s32 $0x1  }
0x2: {  	[smem:$0x3F9B] =	sst lr;
	_ =	strace $0xD0000000  }
0x3: {  	_ = 	snop  }
0x4: {  	_ = 	snop  }
0x5: {  	_ = 	snop  }
0x6: {  	_ = 	snop  }
0x7: {  	_ = 	snop  }
__scs_overlays_trampoline_lowered:
0x8: {  	[smem:$0x3FAA] =	sst s0  }
0x9: {  	[smem:$0x3FAB] =	sst s1  }
0xa: {  	[smem:$0x3FAC] =	sst s2  }
0xb: {  	[smem:$0x3FAD] =	sst s3  }
0xc: {  	[smem:$0x3FAE] =	sst s4  }
0xd: {  	[smem:$0x3FAF] =	sst s5  }
0xe: {  	[smem:$0x3FB0] =	sst s6  }
0xf: {  	[smem:$0x3FB1] =	sst s7  }
0x10: {  	[smem:$0x3FB2] =	sst s8  }
0x11: {  	[smem:$0x3FB3] =	sst s9;
	s0 =	simm.s32 @!p0 $0x0  }
0x12: {  	s1 =	sld [smem:$0x3F99];
	s0 =	simm.s32 @p0 $0x1  }
0x13: {  	[smem:$0x3FB4] =	sst s0;
	s0 =	simm.s32 @!p1 $0x0  }
0x14: {  	s2 =	sld [smem:$0x3F98];
	s0 =	simm.s32 @p1 $0x1  }
0x15: {  	[smem:$0x3FB5] =	sst s0;
	s0 =	simm.s32 @!p2 $0x0  }
0x16: {  	s3 =	sld [smem:$0x3FDB];
	s0 =	simm.s32 @p2 $0x1  }
0x17: {  	s4 =	simm.s32 $0x1BF5;
	[smem:$0x3FB7] =	sst s0  }
0x18: {  	s0 =	sld [smem:$0x3F9A];
	_ =	swait.ge [sflag:s4], $0x0  }
0x19: {  	s7 =	sld [smem:$0x3F9B]  }
0x1a: {  	s8 =	sadd.s32 $0xFFFFE003, lr  }
0x1b: {  	s9 =	sadd.s32 $0xFFFFFEF7, lr;
	s5 =	simm.s32 $0xFFFFFFFF;
	p2 =	slt.u32 s8, $0xFFFFF086  }
0x1c: {  	p1 =	slt.u32 s9, $0xF7A;
	s5 =	simm.s32 @!p2 $0x0  }
0x1d: {  	s5 =	simm.s32 @p1 $0x1;
	p0 =	seq.s32 s7, s2  }
0x1e: {  	s7 =	smul.u32 @!p0 $0xF7A, s2;
	p2 =	seq.s32 @!p0 s5, $0x0  }
0x1f: {  	s9 =	smul.u32 $0xF7A, s1;
	s8 =	simm.s32 @!p0 $0x1BF5;
	p2 =	por !p2, p0  }
0x20: {  	[sflag:s8] =	ssyncset.s32 @!p0 $0xFFFFF086;
	s6 =	sadd.s32 @!p0 s3, s7;
	s7 =	simm.s32 @!p0 $0x108  }
0x21: {  	s3 =	sadd.s32 s3, s9;
	s6 =	sadd.s32 @!p0 $0x88, s6;
	s7 =	simm.s32 @p2 $0x1082  }
0x22: {  	[simem:s7], [sflag:s8] =	dma.local @!p0 [hbm:s6], $0xF7A  }
0x23: {  	s9 =	sor.u32 $0xD0000000, s2;
	s6 =	simm.s32 $0x108;
	_ =	swait.ge @!p0 [sflag:s8], $0x0  }
0x24: {  	s3 =	sadd.s32 $0x88, s3;
	s6 =	simm.s32 @!p1 $0x1082;
	[sflag:s4] =	ssyncset.s32 $0xFFFFF086  }
0x25: {  	[simem:s6], [sflag:s4] =	dma.local [hbm:s3], $0xF7A  }
0x26: {  	[smem:$0x3F9B] =	sst s1;
	(tag) =	ssettag s2;
	_ =	strace s9  }
0x27: {  	s1 =	sld [smem:$0x3FAB]  }
0x28: {  	s2 =	sld [smem:$0x3FAC]  }
0x29: {  	s4 =	sld [smem:$0x3FAE]  }
0x2a: {  	p0 =	seq.s32 s5, $0x0;
	s5 =	sld [smem:$0x3FAF]  }
0x2b: {  	s6 =	sld [smem:$0x3FB0]  }
0x2c: {  	s7 =	sld [smem:$0x3FB1]  }
0x2d: {  	s3 =	simm.s32 $0x108;
	s8 =	sld [smem:$0x3FB2]  }
0x2e: {  	s3 =	simm.s32 @!p0 $0x1082;
	s9 =	sld [smem:$0x3FB3]  }
0x2f: {  	lr =	sadd.s32 s0, s3;
	s0 =	sld [smem:$0x3FAA]  }
0x30: {  	s3 =	sld [smem:$0x3FAD]  }
0x31: {  	[smem:$0x3FB6] =	sst s10  }
0x32: {  	s10 =	sld [smem:$0x3FB4];
	_ =	sdelay $0x3  }
0x33: {  	p0 =	seq.s32 s10, $0x1;
	s10 =	sld [smem:$0x3FB6];
	_ =	sdelay $0x3  }
0x34: {  	[smem:$0x3FB6] =	sst s10  }
0x35: {  	s10 =	sld [smem:$0x3FB5];
	_ =	sdelay $0x3  }
0x36: {  	p1 =	seq.s32 s10, $0x1;
	s10 =	sld [smem:$0x3FB6];
	_ =	sdelay $0x3  }
0x37: {  	[smem:$0x3FB6] =	sst s10  }
0x38: {  	s10 =	sld [smem:$0x3FB7]  }
0x39: {  	_ = 	snop;
	(pc) =	sbr.ind lr, $3  }
0x3a: {  	_ = 	snop  }
0x3b: {  	_ = 	snop  }
0x3c: {  	p2 =	seq.s32 s10, $0x1;
	s10 =	sld [smem:$0x3FB6]  }
0x3d: {  	_ =	shalt  }
0x3e: {  	_ =	shalt  }
0x3f: {  	_ =	shalt  }
0x40: {  	_ =	shalt  }
0x41: {  	_ =	shalt  }
0x42: {  	_ =	shalt  }
0x43: {  	_ =	shalt  }
0x44: {  	_ =	shalt  }
0x45: {  	_ =	shalt  }
0x46: {  	_ =	shalt  }
0x47: {  	_ =	shalt  }
0x48: {  	_ =	shalt  }
0x49: {  	_ =	shalt  }
0x4a: {  	_ =	shalt  }
0x4b: {  	_ =	shalt  }
0x4c: {  	_ =	shalt  }
0x4d: {  	_ =	shalt  }
0x4e: {  	_ =	shalt  }
0x4f: {  	_ =	shalt  }
0x50: {  	_ =	shalt  }
0x51: {  	_ =	shalt  }
0x52: {  	_ =	shalt  }
0x53: {  	_ =	shalt  }
0x54: {  	_ =	shalt  }
0x55: {  	_ =	shalt  }
0x56: {  	_ =	shalt  }
0x57: {  	_ =	shalt  }
0x58: {  	_ =	shalt  }
0x59: {  	_ =	shalt  }
0x5a: {  	_ =	shalt  }
0x5b: {  	_ =	shalt  }
0x5c: {  	_ =	shalt  }
0x5d: {  	_ =	shalt  }
0x5e: {  	_ =	shalt  }
0x5f: {  	_ =	shalt  }
0x60: {  	_ =	shalt  }
0x61: {  	_ =	shalt  }
0x62: {  	_ =	shalt  }
0x63: {  	_ =	shalt  }
0x64: {  	_ =	shalt  }
0x65: {  	_ =	shalt  }
0x66: {  	_ =	shalt  }
0x67: {  	_ =	shalt  }
0x68: {  	_ =	shalt  }
0x69: {  	_ =	shalt  }
0x6a: {  	_ =	shalt  }
0x6b: {  	_ =	shalt  }
0x6c: {  	_ =	shalt  }
0x6d: {  	_ =	shalt  }
0x6e: {  	_ =	shalt  }
0x6f: {  	_ =	shalt  }
0x70: {  	_ =	shalt  }
0x71: {  	_ =	shalt  }
0x72: {  	_ =	shalt  }
0x73: {  	_ =	shalt  }
0x74: {  	_ =	shalt  }
0x75: {  	_ =	shalt  }
0x76: {  	_ =	shalt  }
0x77: {  	_ =	shalt  }
0x78: {  	_ =	shalt  }
0x79: {  	_ =	shalt  }
0x7a: {  	_ =	shalt  }
0x7b: {  	_ =	shalt  }
0x7c: {  	_ =	shalt  }
0x7d: {  	_ =	shalt  }
0x7e: {  	_ =	shalt  }
0x7f: {  	_ =	shalt  }
0x80: {  	_ =	shalt  }
0x81: {  	_ =	shalt  }
0x82: {  	_ =	shalt  }
0x83: {  	_ =	shalt  }
0x84: {  	_ =	shalt  }
0x85: {  	_ =	shalt  }
0x86: {  	_ =	shalt  }
0x87: {  	_ =	shalt  }
.Lfunc_end0:
.L_simem_size_0:
called_computation.4_lowered:
.L_overlay_start_0:
0x88: {  	s2 =	sld [smem:$0x3FD9]  }
0x89: {  	s3 =	sld [smem:$0x3FFE];
	_ =	sdelay $0x1  }
0x8a: {  	s1 =	srdreg.scid  }
0x8b: {  	s0 =	sand.u32 $0x1, s1  }
0x8c: {  	s17 =	sshll.u32 s0, $0xA;
	s2 =	sadd.s32 s3, s2  }
0x8d: {  	s2 =	sadd.s32 s2, s17  }
0x8e: {  	[smem:$0x3FC2] =	sst s2  }
0x8f: {  	_ = 	snop  }
0x90: {  	s2 =	sld [smem:$0x3FD0];
	(tm) =	ssettm $0x1  }
0x91: {  	s18 =	sld [smem:$0x3FFB];
	_ =	sdelay $0x3  }
0x92: {  	_ =	strace s18  }
0x93: {  	s3 =	sld [smem:$0x3FFC];
	_ =	sdelay $0x3  }
0x94: {  	_ =	strace s3  }
0x95: {  	s3 =	sld [smem:$0x3FFD];
	_ =	sdelay $0x3  }
0x96: {  	_ =	strace s3  }
0x97: {  	_ =	strace $0x8FFFFFFF  }
0x98: {  	s19 =	sld [smem:$0x3FDB];
	_ =	sdelay $0x1  }
0x99: {  	s4 =	simm.s32 $_scs_section_size  }
0x9a: {  	s5 =	simm.s32 $_size__tile_overlayer_lowered;
	s6 =	simm.s32 $_tile_overlayer_lowered  }
0x9b: {  	s22 =	simm.s32 $0x1BFF;
	s21 =	sshll.u32 s6, $0x1;
	s3 =	sadd.s32 s4, s19  }
0x9c: {  	s7 =	simm.s32 $0x0;
	s20 =	sshll.u32 s5, $0x1;
	s5 =	sadd.s32 s21, s3  }
0x9d: {  	[timem:s7], [sflag:s22] =	dma.local [hbm:s5], s20  }
0x9e: {  	_ =	swait.ge [sflag:s22], s20  }
0x9f: {  	s4 =	ssub.s32 $0x0, s20;
	[sflag:s22] =	ssyncset.done $0x0  }
0xa0: {  	[sflag:s22] =	ssyncadd.s32 s4;
	_ =	sdelay $0x1  }
0xa1: {  	s23 =	simm.s32 $0x1B8B  }
0xa2: {  	_ =	swait.ge [sflag:s23], $0x1  }
0xa3: {  	[sflag:s23] =	ssyncset.done $0x0  }
0xa4: {  	s25 =	simm.s32 $0x1B8E;
	s24 =	sld [smem:$0x3FFE];
	[sflag:s23] =	ssyncadd.s32 $0xFFFFFFFF  }
0xa5: {  	s26 =	simm.s32 $execute0_lowered;
	[smem:$0x3FD2] =	sst s25  }
0xa6: {  	s5 =	sshll.u32 s26, $0x1;
	_ =	strace $0x80000052;
	[dreg:$0x1] =	wrdreg $0xFFFFFFFF  }
0xa7: {  	s28 =	simm.s32 $_size_execute0_lowered;
	s3 =	sadd.s32 s3, s5;
	[dreg:$0x0] =	wrdreg $0x0  }
0xa8: {  	s5 =	sshll.u32 s28, $0x1;
	[dreg:$0x2] =	wrdreg s3  }
0xa9: {  	[dreg:$0x3] =	wrdreg s5  }
0xaa: {  	[dreg:$0x4] =	wrdreg $0xC0  }
0xab: {  	_ =	task [dreg:s7], $0x5FFFF  }
0xac: {  	[dreg:$0x1] =	wrdreg $0xFFFFFFFF  }
0xad: {  	[dreg:$0x0] =	wrdreg $0x60  }
0xae: {  	[dreg:$0x2] =	wrdreg s24  }
0xaf: {  	[dreg:$0x3] =	wrdreg s2  }
0xb0: {  	[dreg:$0x4] =	wrdreg $0x160000  }
0xb1: {  	[dreg:$0x5] =	wrdreg $0x9  }
0xb2: {  	_ =	task.clear_ibuf [dreg:s7], $0x6FFFF;
	_ =	strace $0x90000052  }
0xb3: {  	s29 =	simm.s32 $0x9;
	_ =	strace $0x80000054  }
0xb4: {  	_ =	swait.ge [sflag:s29], $0x1  }
0xb5: {  	[sflag:s29] =	ssyncadd.s32 $0xFFFFFFFF  }
0xb6: {  	_ =	strace $0x90000054  }
0xb7: {  	_ =	sfence  }
0xb8: {  	s30 =	sld [smem:$0x0];
	_ =	sdelay $0x2  }
0xb9: {  	s31 =	sshll.u32 s1, $0xD;
	s1 =	sshrl.u32 s1, $0x2  }
0xba: {  	s3 =	sand.u32 $0x4000, s31;
	s1 =	sadd.s32 s1, s30  }
0xbb: {  	s0 =	sor.u32 s3, s0;
	s1 =	sshll.u32 s1, $0x11  }
0xbc: {  	s0 =	sor.u32 s1, s0  }
0xbd: {  	s0 =	sadd.s32 $0x8F2B, s0  }
0xbe: {  	[sflag:s0] =	ssyncadd.remote.s32 $0x1  }
0xbf: {  	_ =	sfence.sel $0xFFFF  }
0xc0: {  	[dreg:$0x0] =	wrdreg $0xFFFFFFFF;
	(pc) =	sbr.abs _section_cstart, $3  }
0xc1: {  	[dreg:$0x1] =	wrdreg $0xFFFFFFFF  }
0xc2: {  	_ =	task.clear_ibuf [dreg:s7], $0x2FFFF;
	_ =	strace $0x9FFFFFFF  }
0xc3: {  	(tm) =	ssettm $0x7FFFFFFF  }
tec
execute0_lowered:
.L_overlay_start_1:
0x0: {  	(tag) =	ssettag $0x1  }
0x1: {  	s0 =	rddreg [dreg:$0x0]  }
0x2: {  	s1 =	rddreg [dreg:$0x1]  }
0x3: {  	s9 =	stileid.u32;
	s3 =	srdreg.scid  }
0x4: {  	s2 =	rddreg [dreg:$0x2];
	s13 =	simm.s32 $0xA;
	s14 =	simm.s32 $0x40  }
0x5: {  	s16 =	simm.s32 $0x80;
	s17 =	simm.s32 $0xE000;
	s20 =	simm.s32 $0x5  }
0x6: {  	s21 =	simm.s32 $0x6;
	s22 =	simm.s32 $0x12000;
	s23 =	simm.s32 $0x9  }
0x7: {  	s24 =	simm.s32 $0x7;
	s25 =	simm.s32 $0x8;
	s7 =	smul.u32 $0x5000, s9  }
0x8: {  	s28 =	simm.s32 $0x4;
	s29 =	simm.s32 $0x1;
	s6 =	smul.u32 $0xA000, s9  }
0x9: {  	s5 =	sand.u32 $0x1, s3;
	s3 =	simm.s32 $0x0;
	s9 =	smul.u32 $0x28000, s9  }
0xa: {  	s30 =	simm.s32 $0x2;
	s4 =	smul.u32 $0xA0000, s5;
	[smem:$0x7FF] =	sst s3  }
0xb: {  	s10 =	ssub.s32 $0x2, s5;
	s11 =	smul.u32 $0x50000, s5;
	_ =	strace $0x80000053  }
0xc: {  	s8 =	sshrl.u32 s7, $0x3;
	s9 =	sshrl.u32 s9, $0x2;
	s26 =	sshrl.u32 s10, $0x1  }
0xd: {  	s6 =	sadd.s32 s6, s4;
	s4 =	sadd.s32 $0x3B000, s0;
	s8 =	sadd.s32 s8, s0  }
.Ltmp0:
0xe: {  	s5 =	sadd.s32 s9, s2;
	s12 =	ssub.s32 s10, s26;
	(pc) =	sbr.rel .LBB2_1-.Ltmp0, $4  }
0xf: {  	s31 =	sadd.s32 s7, s11;
	s26 =	simm.s32 $0x3;
	s6 =	sshrl.u32 s6, $0x3  }
0x10: {  	s7 =	sadd.s32 $0x8000, s5;
	s8 =	sadd.s32 $0x9000, s8;
	s9 =	sshrl.u32 s31, $0x3  }
0x11: {  	s11 =	smax.u32 s12, $0x1;
	s12 =	simm.s32 $0xA000;
	s0 =	sadd.s32 s6, s0  }
0x12: {  	v0 =	vimm.f32 $0.0e+00;
	s6 =	sadd.s32 $0x4000, s5;
	s9 =	sadd.s32 s1, s9;
	s10 =	sadd.s32 $0x17B000, s0  }
.LBB2_10:
0x13: {  	_ =	swait.ge [sflag:s23], $0x4000  }
0x14: {  	[sflag:s23] =	ssyncset.done $0x0  }
0x15: {  	[sflag:s23] =	ssyncadd.s32 $0xFFFFC000  }
0x16: {  	_ =	swait.ge [sflag:s24], $0x4000  }
0x17: {  	[sflag:s24] =	ssyncset.done $0x0  }
0x18: {  	[sflag:s24] =	ssyncadd.s32 $0xFFFFC000  }
0x19: {  	s0 =	stileid.u32;
	_ =	swait.ge [sflag:s25], $0x4000  }
0x1a: {  	s1 =	sshrl.u32 s5, $0x3;
	s3 =	sadd.s32 $0x1, s3;
	[sflag:s25] =	ssyncset.done $0x0  }
0x1b: {  	s0 =	sshll.u32 s0, $0x6;
	p0 =	sne.s32 s3, s11;
	[sflag:s25] =	ssyncadd.s32 $0xFFFFC000  }
.Ltmp1:
0x1c: {  	s0 =	sor.u32 $0x1C0A, s0;
	[bflag:$0x0] =	sbarrier.arrive $0xFFFF;
	(pc) =	sbr.rel @!p0 .LBB2_11-.Ltmp1, $4  }
0x1d: {  	[hbm:s10], [sflag:s0] =	dma.local [spmem:s1], $0x1400  }
0x1e: {  	_ =	swait.ge [sflag:s13], $0x1400  }
0x1f: {  	[sflag:s13] =	ssyncset.done $0x0  }
0x20: {  	[sflag:s13] =	ssyncadd.s32 $0xFFFFEC00  }
.LBB2_1:
0x21: {  	s0 =	simm.s32 $0x0;
	s1 =	simm.s32 $0x200  }
.LBB2_2:
0x22: {  	p0 =	sne.s32 s1, $0xFE00;
	[tilespmem:s0+$0xA070] =	vst v0  }
0x23: {  	[tilespmem:s0+$0xA000] =	vst v0  }
0x24: {  	[tilespmem:s0+$0xA010] =	vst v0  }
.Ltmp2:
0x25: {  	[tilespmem:s0+$0xA020] =	vst v0;
	(pc) =	sbr.rel @p0 .LBB2_2-.Ltmp2, $4  }
0x26: {  	[tilespmem:s0+$0xA030] =	vst v0  }
0x27: {  	[tilespmem:s0+$0xA040] =	vst v0  }
0x28: {  	[tilespmem:s0+$0xA050] =	vst v0  }
0x29: {  	[tilespmem:s0+$0xA060] =	vst v0;
	s0 =	sshra.s32 s1, $0x2;
	s1 =	sadd.s32 $0x200, s1  }
0x2a: {  	[tilespmem:s0+$0xA070] =	vst v0  }
0x2b: {  	[tilespmem:s0+$0xA000] =	vst v0  }
0x2c: {  	[tilespmem:s0+$0xA010] =	vst v0  }
0x2d: {  	[tilespmem:s0+$0xA020] =	vst v0  }
0x2e: {  	[tilespmem:s0+$0xA030] =	vst v0  }
0x2f: {  	[tilespmem:s0+$0xA040] =	vst v0  }
0x30: {  	[tilespmem:s0+$0xA050] =	vst v0  }
0x31: {  	[tilespmem:s0+$0xA060] =	vst v0  }
0x32: {  	[spmem:s5] =	stream.linear.scatter [tilespmem:s12], [sflag:$0xA], $0x4000, $0x38;
	v63 =	vld [tilespmem:$0x0]  }
0x33: {  	_ =	swait.ge [sflag:s13], $0x4000  }
0x34: {  	[sflag:s13] =	ssyncset.done $0x0  }
0x35: {  	[sflag:s13] =	ssyncadd.s32 $0xFFFFC000  }
0x36: {  	[spmem:s6] =	stream.linear.scatter [tilespmem:s12], [sflag:$0xA], $0x4000, $0x38;
	v63 =	vld [tilespmem:$0x0]  }
0x37: {  	_ =	swait.ge [sflag:s13], $0x4000  }
0x38: {  	[sflag:s13] =	ssyncset.done $0x0  }
0x39: {  	[sflag:s13] =	ssyncadd.s32 $0xFFFFC000  }
0x3a: {  	[spmem:s7] =	stream.linear.scatter [tilespmem:s12], [sflag:$0xA], $0x2000, $0x38;
	v63 =	vld [tilespmem:$0x0]  }
0x3b: {  	_ =	swait.ge [sflag:s13], $0x2000  }
0x3c: {  	[sflag:s13] =	ssyncset.done $0x0  }
0x3d: {  	[sflag:s13] =	ssyncadd.s32 $0xFFFFE000  }
0x3e: {  	s31 =	simm.s32 $0x0;
	[bflag:$0x0] =	sbarrier.arrive $0xFFFF  }
0x3f: {  	[tilespmem:s31], [sflag:$0xA] =	stream.linear.gather [hbm4b:s8+s31], $0x4F00, $0x38;
	v63 =	vld [tilespmem:$0x0]  }
0x40: {  	_ =	swait.ge [sflag:s13], $0x4F00  }
0x41: {  	[sflag:s13] =	ssyncset.done $0x0  }
0x42: {  	s1 =	simm.s32 $0x5000;
	[sflag:s13] =	ssyncadd.s32 $0xFFFFB100  }
0x43: {  	[tilespmem:s1], [sflag:$0xA] =	stream.linear.gather [hbm4b:s9+s31], $0x4F00, $0x38;
	v63 =	vld [tilespmem:$0x0]  }
0x44: {  	_ =	swait.ge [sflag:s13], $0x4F00  }
0x45: {  	[sflag:s13] =	ssyncset.done $0x0  }
0x46: {  	[sflag:s13] =	ssyncadd.s32 $0xFFFFB100  }
0x47: {  	[tilespmem:s12], [sflag:$0x1] =	stream.indirect.gather [hbm4b:s4+s14], $0x80, s31, s14, $0xb8;
	v63 =	vld [tilespmem:$0x0]  }
0x48: {  	s18 =	simm.s32 $0xC000  }
0x49: {  	[tilespmem:s18], [sflag:$0x2] =	stream.indirect.gather [hbm4b:s4+s14], $0x80, s14, s14, $0xb8;
	v63 =	vld [tilespmem:$0x0]  }
.Ltmp3:
0x4a: {  	_ = 	snop;
	(pc) =	sbr.rel .LBB2_4-.Ltmp3, $4  }
0x4b: {  	_ = 	snop  }
0x4c: {  	[tilespmem:s17], [sflag:$0x3] =	stream.indirect.gather [hbm4b:s4+s14], $0x80, s16, s14, $0xb8;
	v63 =	vld [tilespmem:$0x0]  }
0x4d: {  	s19 =	simm.s32 $0xC0;
	s15 =	simm.s32 $0x10000;
	s0 =	simm.s32 $0x140  }
0x4e: {  	[tilespmem:s15], [sflag:$0x4] =	stream.indirect.gather [hbm4b:s4+s14], $0x80, s19, s14, $0xb8;
	v63 =	vld [tilespmem:$0x0]  }
.LBB2_8:
0x4f: {  	p0 =	sgt.u32 s31, $0x9B  }
0x50: {  	s15 =	simm.s32 @!p0 $0x8  }
0x51: {  	_ =	swait.ge @!p0 [sflag:s15], $0x4000  }
0x52: {  	s18 =	simm.s32 @!p0 $0x40;
	[sflag:s15] =	ssyncset.done @!p0 $0x0  }
0x53: {  	s19 =	simm.s32 @!p0 $0xE000;
	[sflag:s15] =	ssyncadd.s32 @!p0 $0xFFFFC000;
	s15 =	sadd.s32 @!p0 $0xFFFFFFC0, s0  }
0x54: {  	[tilespmem:s19], [sflag:$0x3] =	stream.indirect.gather @!p0 [hbm4b:s4+s18], $0x80, s15, s18, $0xb8;
	v63 =	vld [tilespmem:$0x0]  }
0x55: {  	s15 =	simm.s32 @!p0 $0x10000  }
0x56: {  	[tilespmem:s15], [sflag:$0x4] =	stream.indirect.gather @!p0 [hbm4b:s4+s18], $0x80, s0, s18, $0xb8;
	v63 =	vld [tilespmem:$0x0]  }
0x57: {  	_ =	swait.ge [sflag:s20], $0x2000  }
0x58: {  	[sflag:s20] =	ssyncset.done $0x0  }
0x59: {  	[sflag:s20] =	ssyncadd.s32 $0xFFFFE000  }
0x5a: {  	_ =	swait.ge [sflag:s21], $0x2000  }
0x5b: {  	[sflag:s21] =	ssyncset.done $0x0  }
0x5c: {  	[sflag:s21] =	ssyncadd.s32 $0xFFFFE000  }
0x5d: {  	[spmem:s2] =	stream.indirect.scatter.add.f32 [tilespmem:s22], [sflag:$0x9], $0x80, s1, s16, $0xb8;
	v63 =	vld [tilespmem:$0x0]  }
.LBB2_9:
0x5e: {  	s31 =	sadd.s32 $0x1, s31  }
0x5f: {  	p0 =	sne.s32 s31, $0x9E  }
.Ltmp4:
0x60: {  	_ = 	snop;
	(pc) =	sbr.rel @!p0 .LBB2_10-.Ltmp4, $2  }
0x61: {  	_ =	sdelay $0x2  }
0x62: {  	s1 =	sadd.s32 $0x80, s1;
	s0 =	sadd.s32 $0x80, s0  }
.LBB2_4:
0x63: {  	s15 =	smul.u32 $0xAB, s31;
	_ =	sdelay $0x1  }
0x64: {  	s15 =	sshrl.u32 s15, $0x9  }
0x65: {  	s15 =	sand.u32 $0x7F, s15  }
0x66: {  	s15 =	smul.u32 $0x3, s15;
	_ =	sdelay $0x1  }
0x67: {  	s15 =	ssub.s32 s31, s15  }
0x68: {  	s15 =	sand.u32 $0xFF, s15  }
0x69: {  	p0 =	seq.s32 s15, $0x2  }
.Ltmp5:
0x6a: {  	_ = 	snop;
	(pc) =	sbr.rel @p0 .LBB2_8-.Ltmp5, $1  }
0x6b: {  	_ =	sdelay $0x3  }
0x6c: {  	p0 =	seq.s32 s15, $0x1  }
.Ltmp6:
0x6d: {  	_ = 	snop;
	(pc) =	sbr.rel @!p0 .LBB2_6-.Ltmp6, $1  }
0x6e: {  	_ =	sdelay $0x3  }
0x6f: {  	p0 =	sgt.u32 s31, $0x9B  }
0x70: {  	s15 =	simm.s32 @!p0 $0x7  }
0x71: {  	_ =	swait.ge @!p0 [sflag:s15], $0x4000  }
0x72: {  	s18 =	simm.s32 @!p0 $0x40;
	[sflag:s15] =	ssyncset.done @!p0 $0x0  }
0x73: {  	s19 =	simm.s32 @!p0 $0xA000;
	[sflag:s15] =	ssyncadd.s32 @!p0 $0xFFFFC000;
	s15 =	sadd.s32 @!p0 $0xFFFFFFC0, s0  }
0x74: {  	[tilespmem:s19], [sflag:$0x1] =	stream.indirect.gather @!p0 [hbm4b:s4+s18], $0x80, s15, s18, $0xb8;
	v63 =	vld [tilespmem:$0x0]  }
0x75: {  	s15 =	simm.s32 @!p0 $0xC000  }
0x76: {  	[tilespmem:s15], [sflag:$0x2] =	stream.indirect.gather @!p0 [hbm4b:s4+s18], $0x80, s0, s18, $0xb8;
	v63 =	vld [tilespmem:$0x0]  }
0x77: {  	_ =	swait.ge [sflag:s26], $0x2000  }
0x78: {  	[sflag:s26] =	ssyncset.done $0x0  }
.Ltmp7:
0x79: {  	[sflag:s26] =	ssyncadd.s32 $0xFFFFE000;
	(pc) =	sbr.rel .LBB2_9-.Ltmp7, $4  }
0x7a: {  	_ =	swait.ge [sflag:s28], $0x2000  }
0x7b: {  	[sflag:s28] =	ssyncset.done $0x0  }
0x7c: {  	[sflag:s28] =	ssyncadd.s32 $0xFFFFE000  }
0x7d: {  	[spmem:s2] =	stream.indirect.scatter.add.f32 [tilespmem:s17], [sflag:$0x8], $0x80, s1, s16, $0xb8;
	v63 =	vld [tilespmem:$0x0]  }
.LBB2_6:
0x7e: {  	p0 =	sgt.u32 s31, $0x9B  }
0x7f: {  	p1 =	seq.s32 @!p0 s31, $0x0  }
0x80: {  	p1 =	por p1, p0  }
0x81: {  	s15 =	simm.s32 @!p1 $0x9  }
0x82: {  	_ =	swait.ge @!p1 [sflag:s15], $0x4000  }
0x83: {  	s18 =	simm.s32 @!p0 $0x40;
	[sflag:s15] =	ssyncset.done @!p1 $0x0  }
0x84: {  	s19 =	simm.s32 @!p0 $0x12000;
	[sflag:s15] =	ssyncadd.s32 @!p1 $0xFFFFC000;
	s15 =	sadd.s32 @!p0 $0xFFFFFFC0, s0  }
0x85: {  	[tilespmem:s19], [sflag:$0x5] =	stream.indirect.gather @!p0 [hbm4b:s4+s18], $0x80, s15, s18, $0xb8;
	v63 =	vld [tilespmem:$0x0]  }
0x86: {  	s15 =	simm.s32 @!p0 $0x14000  }
0x87: {  	[tilespmem:s15], [sflag:$0x6] =	stream.indirect.gather @!p0 [hbm4b:s4+s18], $0x80, s0, s18, $0xb8;
	v63 =	vld [tilespmem:$0x0]  }
0x88: {  	_ =	swait.ge [sflag:s29], $0x2000  }
0x89: {  	[sflag:s29] =	ssyncset.done $0x0  }
.Ltmp8:
0x8a: {  	[sflag:s29] =	ssyncadd.s32 $0xFFFFE000;
	(pc) =	sbr.rel .LBB2_9-.Ltmp8, $4  }
0x8b: {  	_ =	swait.ge [sflag:s30], $0x2000  }
0x8c: {  	[sflag:s30] =	ssyncset.done $0x0  }
0x8d: {  	[sflag:s30] =	ssyncadd.s32 $0xFFFFE000  }
0x8e: {  	[spmem:s2] =	stream.indirect.scatter.add.f32 [tilespmem:s12], [sflag:$0x7], $0x80, s1, s16, $0xb8;
	v63 =	vld [tilespmem:$0x0]  }
.LBB2_11:
0x8f: {  	_ =	sfence.sel $0x180000  }
0x90: {  	[bflag:$0x0] =	sbarrier.arrive $0xFFFF  }
0x91: {  	_ =	strace $0x90000053  }
0x92: {  	s0 =	stileid.u32;
	[bflag:$0x2] =	sbarrier.arrive $0xFFFF  }
0x93: {  	p0 =	sne.s32 s0, $0x0;
	s0 =	rddreg [dreg:$0x3]  }
0x94: {  	s0 =	sadd.s32 @!p0 $0x100000, s0  }
0x95: {  	[sflag:s0] =	ssyncadd.tile.s32 @!p0 $0x1;
	_ =	shalt  }
.Lfunc_end2:
_tile_overlayer_lowered:
.L_overlay_start_2:
0x96: {  	(tag) =	ssettag $0x2  }
0x97: {  	s0 =	rddreg [dreg:$0x0];
	s2 =	stileid.u32  }
0x98: {  	s1 =	rddreg [dreg:$0x1];
	p0 =	sne.s32 s2, $0x0  }
0x99: {  	s3 =	rddreg [dreg:$0x2];
	[bflag:$0x3] =	sbarrier.arrive $0xFFFF;
	s2 =	simm.s32 @!p0 $0x1C0A  }
0x9a: {  	[timem:s3], [sflag:s2] =	dma.local @!p0 [hbm:s0], s1  }
0x9b: {  	s0 =	simm.s32 @!p0 $0xA  }
0x9c: {  	_ =	swait.ge @!p0 [sflag:s0], s1  }
0x9d: {  	s1 =	ssub.s32 @!p0 $0x0, s1;
	[sflag:s0] =	ssyncset.done @!p0 $0x0  }
0x9e: {  	[sflag:s0] =	ssyncadd.s32 @!p0 s1  }
0x9f: {  	[bflag:$0x3] =	sbarrier.arrive $0xFFFF  }
0xa0: {  	_ =	shalt  }

</sc_bundles>
